<compile_context>
chip_gen: v7x
topology: tpu7x:2x2x1
jax: 0.10.2.dev20260603
libtpu: 0.0.44.dev20260713+nightly
codegen_flags: <defaults>
</compile_context>

<pallas_src>
import functools

import jax
import jax.numpy as jnp
from jax import lax
from jax.experimental import pallas as pl
from jax.experimental.pallas import tpu as pltpu
from jax.experimental.pallas import tpu_sc as plsc

_N = 10000
_E = 320000
_T = 100000
_F = 128
_DE = 16
_H = 64

_NC, _NS, _L = 2, 16, 16
_NW = _NC * _NS

_NP = 10016
_ROWS_T = _NP // _NS
_CH = 128
_ECH = 80
_EPT = _CH * _ECH
_EP = _EPT * _NW
_TCH = 25
_TPT = _CH * _TCH
_TP = _TPT * _NW
_DCH = 2048

_f32 = jnp.float32
_i32 = jnp.int32


@functools.cache
def _sc_kernels():
  mesh = plsc.VectorSubcoreMesh(core_axis_name="c", subcore_axis_name="s",
                                num_cores=_NC, num_subcores=_NS)

  @functools.partial(
      pl.kernel,
      out_type=(
          jax.ShapeDtypeStruct((_NW, _NP), _f32),
          jax.ShapeDtypeStruct((_TP,), _i32),
          jax.ShapeDtypeStruct((_TP,), _i32),
          jax.ShapeDtypeStruct((_TP, _DE), _f32),
      ),
      mesh=mesh,
      compiler_params=pltpu.CompilerParams(needs_layout_passes=False, use_tc_tiling_on_sc=False),
      scratch_types=[
          pltpu.VMEM((_NP,), _f32),
          pltpu.VMEM((_DCH,), _i32),
          pltpu.VMEM((_TCH, _CH), _i32),
          pltpu.VMEM((_CH,), _i32),
          pltpu.VMEM((_CH,), _i32),
          pltpu.VMEM((_CH, _DE), _f32),
          pltpu.VMEM((_CH,), _i32),
          pltpu.VMEM((_CH,), _i32),
          pltpu.VMEM((_CH, _DE), _f32),
          pltpu.SemaphoreType.DMA,
          pltpu.SemaphoreType.DMA,
      ],
  )
  def sc_prep(dst_hbm, te2_hbm, ei0_hbm, ei1_hbm, ea_hbm,
              degp_hbm, sidx_hbm, didx_hbm, ag_hbm,
              degloc, idxbuf, te2, sv0, dv0, ar0, sv1, dv1, ar1,
              sem0, sem1):
    c = lax.axis_index("c")
    s = lax.axis_index("s")
    w = s * _NC + c
    ones16 = jnp.full((_L,), 1.0, _f32)
    zer16 = jnp.zeros((_L,), _f32)

    tchunk0 = w * _TCH
    pltpu.sync_copy(te2_hbm.at[pl.ds(tchunk0, _TCH)], te2)

    def tgt_start(j, sv, dv, ar, sem):
      pltpu.async_copy(ei0_hbm.at[te2.at[j]], sv, sem)
      pltpu.async_copy(ei1_hbm.at[te2.at[j]], dv, sem)
      pltpu.async_copy(ea_hbm.at[te2.at[j]], ar, sem)

    def tgt_finish(j, sv, dv, ar, sem):
      t0 = w * _TPT + j * _CH
      pltpu.make_async_copy(ei0_hbm.at[te2.at[0]], sv, sem).wait()
      pltpu.make_async_copy(ei1_hbm.at[te2.at[0]], dv, sem).wait()
      pltpu.make_async_copy(ea_hbm.at[te2.at[0]], ar, sem).wait()
      pltpu.sync_copy(sv, sidx_hbm.at[pl.ds(t0, _CH)])
      pltpu.sync_copy(dv, didx_hbm.at[pl.ds(t0, _CH)])
      pltpu.sync_copy(ar, ag_hbm.at[pl.ds(t0, _CH)])

    tgt_start(0, sv0, dv0, ar0, sem0)
    tgt_start(1, sv1, dv1, ar1, sem1)

    @pl.loop(0, _NP // _L)
    def _(i):
      degloc[pl.ds(i * _L, _L)] = zer16

    ebase = w * _EPT

    @pl.loop(0, _EPT // _DCH)
    def _(jc):
      pltpu.sync_copy(dst_hbm.at[pl.ds(ebase + jc * _DCH, _DCH)], idxbuf)

      @pl.loop(0, _DCH // _L)
      def _(i):
        plsc.addupdate_scatter(degloc, [idxbuf[pl.ds(i * _L, _L)]], ones16)

    pltpu.sync_copy(degloc, degp_hbm.at[w])

    @pl.loop(0, _TCH - 1, step=2)
    def _(j):
      tgt_finish(j, sv0, dv0, ar0, sem0)

      @pl.when(j + 2 < _TCH)
      def _():
        tgt_start(j + 2, sv0, dv0, ar0, sem0)

      tgt_finish(j + 1, sv1, dv1, ar1, sem1)

      @pl.when(j + 3 < _TCH)
      def _():
        tgt_start(j + 3, sv1, dv1, ar1, sem1)

    tgt_finish(_TCH - 1, sv0, dv0, ar0, sem0)

  @functools.partial(
      pl.kernel,
      out_type=jax.ShapeDtypeStruct((_NC, _NP, _H), _f32),
      mesh=mesh,
      compiler_params=pltpu.CompilerParams(needs_layout_passes=False, use_tc_tiling_on_sc=False),
      scratch_types=[
          pltpu.VMEM((_ECH, _CH), _i32),
          pltpu.VMEM((_ECH, _CH), _i32),
          pltpu.VMEM((_CH, _H), _f32),
          pltpu.VMEM((_CH, _H), _f32),
          pltpu.VMEM((_CH, _H), _f32),
          pltpu.VMEM((_CH, _H), _f32),
          pltpu.VMEM_SHARED((_NP, _H), _f32),
          pltpu.SemaphoreType.DMA,
          pltpu.SemaphoreType.DMA,
          pltpu.SemaphoreType.DMA,
          pltpu.SemaphoreType.DMA,
      ],
  )
  def sc_scatter(src2_hbm, dst2_hbm, g_hbm, z_hbm, out_hbm,
                 idxs2, idxd2, rows0, rows1, rows2, rows3, acc,
                 sem0, sem1, sem2, sem3):
    c = lax.axis_index("c")
    s = lax.axis_index("s")
    row0 = s * _ROWS_T

    chunk0 = (c * _NS + s) * _ECH
    pltpu.sync_copy(src2_hbm.at[pl.ds(chunk0, _ECH)], idxs2)
    pltpu.sync_copy(dst2_hbm.at[pl.ds(chunk0, _ECH)], idxd2)

    @pl.when(c == 0)
    def _():
      pltpu.sync_copy(g_hbm.at[pl.ds(row0, _ROWS_T)],
                      acc.at[pl.ds(row0, _ROWS_T)])

    @pl.when(c == 1)
    def _():
      pltpu.sync_copy(z_hbm.at[pl.ds(row0, _ROWS_T)],
                      acc.at[pl.ds(row0, _ROWS_T)])

    ring = ((rows0, sem0), (rows1, sem1), (rows2, sem2), (rows3, sem3))
    for k, (rows, sem) in enumerate(ring):
      pltpu.async_copy(g_hbm.at[idxs2.at[k]], rows, sem)
    plsc.subcore_barrier()

    @pl.loop(0, _ECH, step=4)
    def _(j):
      for k, (rows, sem) in enumerate(ring):
        pltpu.make_async_copy(g_hbm.at[idxs2.at[0]], rows, sem).wait()
        pltpu.sync_copy(rows, acc.at[idxd2.at[j + k]], add=True)

        @pl.when(j + 4 + k < _ECH)
        def _():
          pltpu.async_copy(g_hbm.at[idxs2.at[j + 4 + k]], rows, sem)

    plsc.subcore_barrier()
    pltpu.sync_copy(acc.at[pl.ds(row0, _ROWS_T)],
                    out_hbm.at[c, pl.ds(row0, _ROWS_T)])

  @functools.partial(
      pl.kernel,
      out_type=(
          jax.ShapeDtypeStruct((_TP, _H), _f32),
          jax.ShapeDtypeStruct((_TP, _H), _f32),
      ),
      mesh=mesh,
      compiler_params=pltpu.CompilerParams(needs_layout_passes=False, use_tc_tiling_on_sc=False),
      scratch_types=[
          pltpu.VMEM((_TCH, _CH), _i32),
          pltpu.VMEM((_TCH, _CH), _i32),
          pltpu.VMEM((_CH, _H), _f32),
          pltpu.VMEM((_CH, _H), _f32),
          pltpu.VMEM((_CH, _H), _f32),
          pltpu.VMEM((_CH, _H), _f32),
          pltpu.VMEM((_CH, _H), _f32),
          pltpu.VMEM((_CH, _H), _f32),
          pltpu.VMEM((_CH, _H), _f32),
          pltpu.VMEM((_CH, _H), _f32),
          pltpu.SemaphoreType.DMA,
          pltpu.SemaphoreType.DMA,
          pltpu.SemaphoreType.DMA,
          pltpu.SemaphoreType.DMA,
      ],
  )
  def sc_pq(sidx2_hbm, didx2_hbm, p_hbm, q_hbm, pg_hbm, qg_hbm,
            sv2, dv2, prow0, qrow0, prow1, qrow1, prow2, qrow2,
            prow3, qrow3, sem0, sem1, sem2, sem3):
    c = lax.axis_index("c")
    s = lax.axis_index("s")
    w = s * _NC + c
    tbase = w * _TPT
    tchunk0 = w * _TCH
    pltpu.sync_copy(sidx2_hbm.at[pl.ds(tchunk0, _TCH)], sv2)
    pltpu.sync_copy(didx2_hbm.at[pl.ds(tchunk0, _TCH)], dv2)

    def pq_start(j, prow, qrow, sem):
      pltpu.async_copy(p_hbm.at[sv2.at[j]], prow, sem)
      pltpu.async_copy(q_hbm.at[dv2.at[j]], qrow, sem)

    def pq_finish(j, prow, qrow, sem):
      t0 = tbase + j * _CH
      pltpu.make_async_copy(p_hbm.at[sv2.at[0]], prow, sem).wait()
      pltpu.make_async_copy(q_hbm.at[dv2.at[0]], qrow, sem).wait()
      pltpu.sync_copy(prow, pg_hbm.at[pl.ds(t0, _CH)])
      pltpu.sync_copy(qrow, qg_hbm.at[pl.ds(t0, _CH)])

    ring = ((prow0, qrow0, sem0), (prow1, qrow1, sem1),
            (prow2, qrow2, sem2), (prow3, qrow3, sem3))
    for k, (prow, qrow, sem) in enumerate(ring):
      pq_start(k, prow, qrow, sem)

    @pl.loop(0, _TCH - 1, step=4)
    def _(j):
      for k, (prow, qrow, sem) in enumerate(ring):
        pq_finish(j + k, prow, qrow, sem)

        @pl.when(j + 4 + k < _TCH)
        def _():
          pq_start(j + 4 + k, prow, qrow, sem)

    pq_finish(_TCH - 1, prow0, qrow0, sem0)

  return sc_prep, sc_scatter, sc_pq



def _tc1_body(degp_ref, x_ref, w_ref, dinv_ref, g_ref):
  deg = jnp.sum(degp_ref[...], axis=1, keepdims=True) + 1.0
  dinv = lax.rsqrt(deg)
  dinv_ref[...] = dinv
  pre = jnp.dot(x_ref[...], w_ref[...], preferred_element_type=_f32)
  g_ref[...] = pre * dinv


_tc1 = pl.pallas_call(
    _tc1_body,
    out_shape=(
        jax.ShapeDtypeStruct((_NP, 1), _f32),
        jax.ShapeDtypeStruct((_NP, _H), _f32),
    ),
)


def _comb_body(p_ref, dinv_ref, b_ref, w_ref, g_ref):
  dinv = dinv_ref[...]
  h = jnp.maximum((p_ref[0] + p_ref[1]) * dinv + b_ref[...], 0.0)
  pre = jnp.dot(h, w_ref[...], preferred_element_type=_f32)
  g_ref[...] = pre * dinv


_comb = pl.pallas_call(
    _comb_body,
    out_shape=jax.ShapeDtypeStruct((_NP, _H), _f32),
)


def _comb3_body(p_ref, dinv_ref, b_ref, wa_ref, wb_ref, pout_ref, qout_ref):
  dinv = dinv_ref[...]
  h = jnp.maximum((p_ref[0] + p_ref[1]) * dinv + b_ref[...], 0.0)
  pout_ref[...] = jnp.dot(h, wa_ref[...], preferred_element_type=_f32)
  qout_ref[...] = jnp.dot(h, wb_ref[...], preferred_element_type=_f32)


_comb3 = pl.pallas_call(
    _comb3_body,
    out_shape=(
        jax.ShapeDtypeStruct((_NP, _H), _f32),
        jax.ShapeDtypeStruct((_NP, _H), _f32),
    ),
)


def _mlp_body(pg_ref, qg_ref, ag_ref, m1c_ref, m1b_ref, m2w_ref, m2b_ref,
              m3w_ref, m3b_ref, o_ref):
  e1 = (pg_ref[...] + qg_ref[...]
        + jnp.dot(ag_ref[...], m1c_ref[...], preferred_element_type=_f32)
        + m1b_ref[...])
  e1 = jnp.maximum(e1, 0.0)
  e2 = jnp.maximum(
      jnp.dot(e1, m2w_ref[...], preferred_element_type=_f32) + m2b_ref[...],
      0.0)
  z = jnp.sum(e2 * m3w_ref[...], axis=1, keepdims=True) + m3b_ref[...]
  o_ref[...] = 1.0 / (1.0 + jnp.exp(-z))


_MLP_GRID = 16
_MR = _TP // _MLP_GRID

_mlp = pl.pallas_call(
    _mlp_body,
    grid=(_MLP_GRID,),
    in_specs=[
        pl.BlockSpec((_MR, _H), lambda i: (i, 0)),
        pl.BlockSpec((_MR, _H), lambda i: (i, 0)),
        pl.BlockSpec((_MR, _DE), lambda i: (i, 0)),
        pl.BlockSpec((_DE, _H), lambda i: (0, 0)),
        pl.BlockSpec((1, _H), lambda i: (0, 0)),
        pl.BlockSpec((_H, _H // 2), lambda i: (0, 0)),
        pl.BlockSpec((1, _H // 2), lambda i: (0, 0)),
        pl.BlockSpec((1, _H // 2), lambda i: (0, 0)),
        pl.BlockSpec((1, 1), lambda i: (0, 0)),
    ],
    out_specs=pl.BlockSpec((_MR, 1), lambda i: (i, 0)),
    out_shape=jax.ShapeDtypeStruct((_TP, 1), _f32),
)


def kernel(x, edge_index, edge_attr, target_edges,
           W1, b1, W2, b2, W3, b3, M1w, M1b, M2w, M2b, M3w, M3b):
  sc_prep, sc_scatter, sc_pq = _sc_kernels()
  src = edge_index[0]
  dst = edge_index[1]
  pad_e = _N + (jnp.arange(_EP - _E, dtype=_i32) % (_NP - _N))
  src_p = jnp.concatenate([src, pad_e])
  dst_p = jnp.concatenate([dst, pad_e])
  te_p = jnp.concatenate([target_edges, jnp.arange(_TP - _T, dtype=_i32)])
  x_p = jnp.pad(x, ((0, _NP - _N), (0, 0)))
  zeros_nh = jnp.zeros((_NP, _H), _f32)

  src2 = src_p.reshape(_EP // _CH, _CH)
  dst2 = dst_p.reshape(_EP // _CH, _CH)

  degp, sidx, didx, ag = sc_prep(dst_p, te_p.reshape(_TP // _CH, _CH),
                                 src, dst, edge_attr)
  dinv, g1 = _tc1(degp.T, x_p, W1)
  p = sc_scatter(src2, dst2, g1, zeros_nh)
  g2 = _comb(p, dinv, b1.reshape(1, _H), W2)
  p = sc_scatter(src2, dst2, g2, zeros_nh)
  g3 = _comb(p, dinv, b2.reshape(1, _H), W3)
  p = sc_scatter(src2, dst2, g3, zeros_nh)
  P, Q = _comb3(p, dinv, b3.reshape(1, _H), M1w[:_H], M1w[_H:2 * _H])
  pg, qg = sc_pq(sidx.reshape(_TP // _CH, _CH),
                 didx.reshape(_TP // _CH, _CH), P, Q)
  out = _mlp(pg, qg, ag, M1w[2 * _H:], M1b.reshape(1, _H),
             M2w, M2b.reshape(1, _H // 2), M3w.reshape(1, _H // 2),
             M3b.reshape(1, 1))
  return out[:_T, 0]

# --- scband reference (transcript-rebuilt; emitter-appended) ---
"""Pipeline reference for scband-transport-gnn-18219251270343 (READ-ONLY COPY).

The authoritative reference and input builder live on the scoring server;
editing this copy changes nothing except your own understanding.
"""

import jax, jax.numpy as jnp
import numpy as np

N = 10000
E = 320000
T = 100000
F = 128
DE = 16
H = 64


def setup_inputs(seed: int = 0) -> dict:
    key = jax.random.key(seed)
    ks = jax.random.split(key, 20)
    x = jax.random.normal(ks[0], (N, F), dtype=jnp.float32)
    edge_index = jax.random.randint(ks[1], (2, E), 0, N, dtype=jnp.int32)
    edge_attr = jax.random.normal(ks[2], (E, DE), dtype=jnp.float32)
    target_edges = jax.random.randint(ks[3], (T,), 0, E, dtype=jnp.int32)
    s = 0.05
    W1 = jax.random.normal(ks[4], (F, H), dtype=jnp.float32) * s
    b1 = jnp.zeros((H,), dtype=jnp.float32)
    W2 = jax.random.normal(ks[5], (H, H), dtype=jnp.float32) * s
    b2 = jnp.zeros((H,), dtype=jnp.float32)
    W3 = jax.random.normal(ks[6], (H, H), dtype=jnp.float32) * s
    b3 = jnp.zeros((H,), dtype=jnp.float32)
    M1w = jax.random.normal(ks[7], (2 * H + DE, H), dtype=jnp.float32) * s
    M1b = jnp.zeros((H,), dtype=jnp.float32)
    M2w = jax.random.normal(ks[8], (H, H // 2), dtype=jnp.float32) * s
    M2b = jnp.zeros((H // 2,), dtype=jnp.float32)
    M3w = jax.random.normal(ks[9], (H // 2, 1), dtype=jnp.float32) * s
    M3b = jnp.zeros((1,), dtype=jnp.float32)
    return {"x": x, "edge_index": edge_index, "edge_attr": edge_attr,
            "target_edges": target_edges,
            "W1": W1, "b1": b1, "W2": W2, "b2": b2, "W3": W3, "b3": b3,
            "M1w": M1w, "M1b": M1b, "M2w": M2w, "M2b": M2b,
            "M3w": M3w, "M3b": M3b}


def _gcn_conv(h_in, edge_index, W, b):
    # PyG GCNConv: lin (no bias) -> symmetric normalization with self loops -> scatter-add -> + bias
    h = h_in @ W
    self_loop = jnp.arange(N, dtype=edge_index.dtype)
    src = jnp.concatenate([edge_index[0], self_loop])
    dst = jnp.concatenate([edge_index[1], self_loop])
    deg = jax.ops.segment_sum(jnp.ones_like(dst, dtype=h.dtype), dst, num_segments=N)
    dinv = jnp.where(deg > 0, jax.lax.rsqrt(deg), 0.0)
    norm = dinv[src] * dinv[dst]
    msg = h[src] * norm[:, None]
    out = jax.ops.segment_sum(msg, dst, num_segments=N)
    return out + b


def reference(x, edge_index, edge_attr, target_edges, W1, b1, W2, b2, W3, b3, M1w, M1b, M2w, M2b, M3w, M3b):
    h = jax.nn.relu(_gcn_conv(x, edge_index, W1, b1))
    h = jax.nn.relu(_gcn_conv(h, edge_index, W2, b2))
    h = jax.nn.relu(_gcn_conv(h, edge_index, W3, b3))
    src_nodes = edge_index[0, target_edges]
    dst_nodes = edge_index[1, target_edges]
    e = jnp.concatenate([h[src_nodes], h[dst_nodes], edge_attr[target_edges]], axis=1)
    # edge_mlp (dropout is identity in eval / deterministic reference)
    e = jax.nn.relu(e @ M1w + M1b)
    e = jax.nn.relu(e @ M2w + M2b)
    e = jax.nn.sigmoid(e @ M3w + M3b)
    return jnp.squeeze(e, axis=-1)

if __name__ == "__main__":
    import jax
    _d = setup_inputs()
    print(jax.jit(kernel)(*tuple(_d.values())))

</pallas_src>

<mosaic_0001>
#map = affine_map<(d0, d1) -> (0, 0)>
#map1 = affine_map<(d0, d1) -> (0, 0, 0)>
module attributes {stable_mosaic.version = 14 : i64} {
  func.func @sc_scatter(%arg0: i32, %arg1: i32, %arg2: memref<2560x128xi32, #tpu.memory_space<hbm>>, %arg3: memref<2560x128xi32, #tpu.memory_space<hbm>>, %arg4: memref<10016x64xf32, #tpu.memory_space<hbm>>, %arg5: memref<10016x64xf32, #tpu.memory_space<hbm>>, %arg6: memref<2x10016x64xf32, #tpu.memory_space<hbm>>, %arg7: memref<80x128xi32, #tpu.memory_space<vmem>>, %arg8: memref<80x128xi32, #tpu.memory_space<vmem>>, %arg9: memref<128x64xf32, #tpu.memory_space<vmem>>, %arg10: memref<128x64xf32, #tpu.memory_space<vmem>>, %arg11: memref<128x64xf32, #tpu.memory_space<vmem>>, %arg12: memref<128x64xf32, #tpu.memory_space<vmem>>, %arg13: memref<10016x64xf32, #tpu.memory_space<vmem_shared>>, %arg14: memref<!tpu.dma_semaphore, #tpu.memory_space<semaphore_mem>>, %arg15: memref<!tpu.dma_semaphore, #tpu.memory_space<semaphore_mem>>, %arg16: memref<!tpu.dma_semaphore, #tpu.memory_space<semaphore_mem>>, %arg17: memref<!tpu.dma_semaphore, #tpu.memory_space<semaphore_mem>>) attributes {dimension_semantics = [#tpu.dimension_semantics<core_parallel>, #tpu.dimension_semantics<subcore_parallel>], iteration_bounds = array<i64: 2, 16>, scalar_prefetch = 0 : i64, scratch_operands = 11 : i64, tpu.core_type = #tpu.core_type<sc_vector_subcore>, window_params = [{transform_indices = #map}, {transform_indices = #map}, {transform_indices = #map}, {transform_indices = #map}, {transform_indices = #map1}]} {
    %mul3A = arith.constant 626 : i32
    %mul3A_0 = arith.muli %arg1, %mul3A : i32
    %mul3A_1 = arith.constant 16 : i32
    %mul3A_2 = arith.muli %arg0, %mul3A_1 : i32
    %add3A = arith.addi %mul3A_2, %arg1 : i32
    %mul3A_3 = arith.constant 80 : i32
    %mul3A_4 = arith.muli %add3A, %mul3A_3 : i32
    "tpu.region"() ({
      %run_scoped3A = tpu.sem_alloc : memref<!tpu.dma_semaphore, #tpu.memory_space<semaphore_mem>>
      %dma_start3A_44 = arith.constant 0 : i32
      %dma_start3A_45 = tpu.memref_slice %arg2[%mul3A_4, %dma_start3A_44] : memref<2560x128xi32, #tpu.memory_space<hbm>> -> memref<80x128xi32, #tpu.memory_space<hbm>>
      %dma_start3A_46 = arith.constant 0 : i32
      %dma_start3A_47 = tpu.memref_slice %arg2[%mul3A_4, %dma_start3A_46] : memref<2560x128xi32, #tpu.memory_space<hbm>> -> memref<80x128xi32, #tpu.memory_space<hbm>>
      tpu.enqueue_dma source(%dma_start3A_47 : memref<80x128xi32, #tpu.memory_space<hbm>>) target(%arg7 : memref<80x128xi32, #tpu.memory_space<vmem>>) target_semaphore(%run_scoped3A : memref<!tpu.dma_semaphore, #tpu.memory_space<semaphore_mem>>)
      %dma_wait3A = arith.constant 0 : i32
      %dma_wait3A_48 = tpu.memref_slice %arg2[%mul3A_4, %dma_wait3A] : memref<2560x128xi32, #tpu.memory_space<hbm>> -> memref<80x128xi32, #tpu.memory_space<hbm>>
      %dma_wait3A_49 = arith.constant 0 : i32
      %dma_wait3A_50 = tpu.memref_slice %arg2[%mul3A_4, %dma_wait3A_49] : memref<2560x128xi32, #tpu.memory_space<hbm>> -> memref<80x128xi32, #tpu.memory_space<hbm>>
      tpu.wait_dma2 semaphore(%run_scoped3A : memref<!tpu.dma_semaphore, #tpu.memory_space<semaphore_mem>>) src(%dma_wait3A_50 : memref<80x128xi32, #tpu.memory_space<hbm>>) dst(%arg7 : memref<80x128xi32, #tpu.memory_space<vmem>>)
      tpu.yield
    }) : () -> ()
    "tpu.region"() ({
      %run_scoped3A = tpu.sem_alloc : memref<!tpu.dma_semaphore, #tpu.memory_space<semaphore_mem>>
      %dma_start3A_44 = arith.constant 0 : i32
      %dma_start3A_45 = tpu.memref_slice %arg3[%mul3A_4, %dma_start3A_44] : memref<2560x128xi32, #tpu.memory_space<hbm>> -> memref<80x128xi32, #tpu.memory_space<hbm>>
      %dma_start3A_46 = arith.constant 0 : i32
      %dma_start3A_47 = tpu.memref_slice %arg3[%mul3A_4, %dma_start3A_46] : memref<2560x128xi32, #tpu.memory_space<hbm>> -> memref<80x128xi32, #tpu.memory_space<hbm>>
      tpu.enqueue_dma source(%dma_start3A_47 : memref<80x128xi32, #tpu.memory_space<hbm>>) target(%arg8 : memref<80x128xi32, #tpu.memory_space<vmem>>) target_semaphore(%run_scoped3A : memref<!tpu.dma_semaphore, #tpu.memory_space<semaphore_mem>>)
      %dma_wait3A = arith.constant 0 : i32
      %dma_wait3A_48 = tpu.memref_slice %arg3[%mul3A_4, %dma_wait3A] : memref<2560x128xi32, #tpu.memory_space<hbm>> -> memref<80x128xi32, #tpu.memory_space<hbm>>
      %dma_wait3A_49 = arith.constant 0 : i32
      %dma_wait3A_50 = tpu.memref_slice %arg3[%mul3A_4, %dma_wait3A_49] : memref<2560x128xi32, #tpu.memory_space<hbm>> -> memref<80x128xi32, #tpu.memory_space<hbm>>
      tpu.wait_dma2 semaphore(%run_scoped3A : memref<!tpu.dma_semaphore, #tpu.memory_space<semaphore_mem>>) src(%dma_wait3A_50 : memref<80x128xi32, #tpu.memory_space<hbm>>) dst(%arg8 : memref<80x128xi32, #tpu.memory_space<vmem>>)
      tpu.yield
    }) : () -> ()
    %eq3A = arith.constant 0 : i32
    %eq3A_5 = arith.cmpi eq, %arg0, %eq3A : i32
    %convert_element_type3A = arith.extui %eq3A_5 : i1 to i32
    %cond3A = arith.constant 0 : i32
    %cond3A_6 = arith.cmpi ne, %convert_element_type3A, %cond3A : i32
    scf.if %cond3A_6 {
      "tpu.region"() ({
        %run_scoped3A = tpu.sem_alloc : memref<!tpu.dma_semaphore, #tpu.memory_space<semaphore_mem>>
        %dma_start3A_44 = arith.constant 0 : i32
        %dma_start3A_45 = tpu.memref_slice %arg13[%mul3A_0, %dma_start3A_44] : memref<10016x64xf32, #tpu.memory_space<vmem_shared>> -> memref<626x64xf32, #tpu.memory_space<vmem_shared>>
        %dma_start3A_46 = arith.constant 0 : i32
        %dma_start3A_47 = tpu.memref_slice %arg4[%mul3A_0, %dma_start3A_46] : memref<10016x64xf32, #tpu.memory_space<hbm>> -> memref<626x64xf32, #tpu.memory_space<hbm>>
        tpu.enqueue_dma source(%dma_start3A_47 : memref<626x64xf32, #tpu.memory_space<hbm>>) target(%dma_start3A_45 : memref<626x64xf32, #tpu.memory_space<vmem_shared>>) target_semaphore(%run_scoped3A : memref<!tpu.dma_semaphore, #tpu.memory_space<semaphore_mem>>)
        %dma_wait3A = arith.constant 0 : i32
        %dma_wait3A_48 = tpu.memref_slice %arg13[%mul3A_0, %dma_wait3A] : memref<10016x64xf32, #tpu.memory_space<vmem_shared>> -> memref<626x64xf32, #tpu.memory_space<vmem_shared>>
        %dma_wait3A_49 = arith.constant 0 : i32
        %dma_wait3A_50 = tpu.memref_slice %arg4[%mul3A_0, %dma_wait3A_49] : memref<10016x64xf32, #tpu.memory_space<hbm>> -> memref<626x64xf32, #tpu.memory_space<hbm>>
        tpu.wait_dma2 semaphore(%run_scoped3A : memref<!tpu.dma_semaphore, #tpu.memory_space<semaphore_mem>>) src(%dma_wait3A_50 : memref<626x64xf32, #tpu.memory_space<hbm>>) dst(%dma_wait3A_48 : memref<626x64xf32, #tpu.memory_space<vmem_shared>>)
        tpu.yield
      }) : () -> ()
    } else {
    }
    %eq3A_7 = arith.constant 1 : i32
    %eq3A_8 = arith.cmpi eq, %arg0, %eq3A_7 : i32
    %convert_element_type3A_9 = arith.extui %eq3A_8 : i1 to i32
    %cond3A_10 = arith.constant 0 : i32
    %cond3A_11 = arith.cmpi ne, %convert_element_type3A_9, %cond3A_10 : i32
    scf.if %cond3A_11 {
      "tpu.region"() ({
        %run_scoped3A = tpu.sem_alloc : memref<!tpu.dma_semaphore, #tpu.memory_space<semaphore_mem>>
        %dma_start3A_44 = arith.constant 0 : i32
        %dma_start3A_45 = tpu.memref_slice %arg13[%mul3A_0, %dma_start3A_44] : memref<10016x64xf32, #tpu.memory_space<vmem_shared>> -> memref<626x64xf32, #tpu.memory_space<vmem_shared>>
        %dma_start3A_46 = arith.constant 0 : i32
        %dma_start3A_47 = tpu.memref_slice %arg5[%mul3A_0, %dma_start3A_46] : memref<10016x64xf32, #tpu.memory_space<hbm>> -> memref<626x64xf32, #tpu.memory_space<hbm>>
        tpu.enqueue_dma source(%dma_start3A_47 : memref<626x64xf32, #tpu.memory_space<hbm>>) target(%dma_start3A_45 : memref<626x64xf32, #tpu.memory_space<vmem_shared>>) target_semaphore(%run_scoped3A : memref<!tpu.dma_semaphore, #tpu.memory_space<semaphore_mem>>)
        %dma_wait3A = arith.constant 0 : i32
        %dma_wait3A_48 = tpu.memref_slice %arg13[%mul3A_0, %dma_wait3A] : memref<10016x64xf32, #tpu.memory_space<vmem_shared>> -> memref<626x64xf32, #tpu.memory_space<vmem_shared>>
        %dma_wait3A_49 = arith.constant 0 : i32
        %dma_wait3A_50 = tpu.memref_slice %arg5[%mul3A_0, %dma_wait3A_49] : memref<10016x64xf32, #tpu.memory_space<hbm>> -> memref<626x64xf32, #tpu.memory_space<hbm>>
        tpu.wait_dma2 semaphore(%run_scoped3A : memref<!tpu.dma_semaphore, #tpu.memory_space<semaphore_mem>>) src(%dma_wait3A_50 : memref<626x64xf32, #tpu.memory_space<hbm>>) dst(%dma_wait3A_48 : memref<626x64xf32, #tpu.memory_space<vmem_shared>>)
        tpu.yield
      }) : () -> ()
    } else {
    }
    %dma_start3A = arith.constant 0 : i32
    %dma_start3A_12 = arith.constant 0 : i32
    %dma_start3A_13 = tpu.memref_slice %arg7[%dma_start3A, %dma_start3A_12] : memref<80x128xi32, #tpu.memory_space<vmem>> -> memref<1x128xi32, #tpu.memory_space<vmem>>
    %dma_start3A_14 = tpu.memref_squeeze %dma_start3A_13 : memref<1x128xi32, #tpu.memory_space<vmem>> -> memref<128xi32, #tpu.memory_space<vmem>>
    %dma_start3A_15 = arith.constant 0 : i32
    %dma_start3A_16 = arith.constant 0 : i32
    %dma_start3A_17 = tpu.memref_slice %arg4[%dma_start3A_15, %dma_start3A_16] : memref<10016x64xf32, #tpu.memory_space<hbm>> -> memref<10016x64xf32, #tpu.memory_space<hbm>>
    tpu.enqueue_indirect_dma source(%dma_start3A_17 : memref<10016x64xf32, #tpu.memory_space<hbm>>) target(%arg9 : memref<128x64xf32, #tpu.memory_space<vmem>>) offsets(%dma_start3A_14 : memref<128xi32, #tpu.memory_space<vmem>>) semaphore(%arg14 : memref<!tpu.dma_semaphore, #tpu.memory_space<semaphore_mem>>)
    %dma_start3A_18 = arith.constant 1 : i32
    %dma_start3A_19 = arith.constant 0 : i32
    %dma_start3A_20 = tpu.memref_slice %arg7[%dma_start3A_18, %dma_start3A_19] : memref<80x128xi32, #tpu.memory_space<vmem>> -> memref<1x128xi32, #tpu.memory_space<vmem>>
    %dma_start3A_21 = tpu.memref_squeeze %dma_start3A_20 : memref<1x128xi32, #tpu.memory_space<vmem>> -> memref<128xi32, #tpu.memory_space<vmem>>
    %dma_start3A_22 = arith.constant 0 : i32
    %dma_start3A_23 = arith.constant 0 : i32
    %dma_start3A_24 = tpu.memref_slice %arg4[%dma_start3A_22, %dma_start3A_23] : memref<10016x64xf32, #tpu.memory_space<hbm>> -> memref<10016x64xf32, #tpu.memory_space<hbm>>
    tpu.enqueue_indirect_dma source(%dma_start3A_24 : memref<10016x64xf32, #tpu.memory_space<hbm>>) target(%arg10 : memref<128x64xf32, #tpu.memory_space<vmem>>) offsets(%dma_start3A_21 : memref<128xi32, #tpu.memory_space<vmem>>) semaphore(%arg15 : memref<!tpu.dma_semaphore, #tpu.memory_space<semaphore_mem>>)
    %dma_start3A_25 = arith.constant 2 : i32
    %dma_start3A_26 = arith.constant 0 : i32
    %dma_start3A_27 = tpu.memref_slice %arg7[%dma_start3A_25, %dma_start3A_26] : memref<80x128xi32, #tpu.memory_space<vmem>> -> memref<1x128xi32, #tpu.memory_space<vmem>>
    %dma_start3A_28 = tpu.memref_squeeze %dma_start3A_27 : memref<1x128xi32, #tpu.memory_space<vmem>> -> memref<128xi32, #tpu.memory_space<vmem>>
    %dma_start3A_29 = arith.constant 0 : i32
    %dma_start3A_30 = arith.constant 0 : i32
    %dma_start3A_31 = tpu.memref_slice %arg4[%dma_start3A_29, %dma_start3A_30] : memref<10016x64xf32, #tpu.memory_space<hbm>> -> memref<10016x64xf32, #tpu.memory_space<hbm>>
    tpu.enqueue_indirect_dma source(%dma_start3A_31 : memref<10016x64xf32, #tpu.memory_space<hbm>>) target(%arg11 : memref<128x64xf32, #tpu.memory_space<vmem>>) offsets(%dma_start3A_28 : memref<128xi32, #tpu.memory_space<vmem>>) semaphore(%arg16 : memref<!tpu.dma_semaphore, #tpu.memory_space<semaphore_mem>>)
    %dma_start3A_32 = arith.constant 3 : i32
    %dma_start3A_33 = arith.constant 0 : i32
    %dma_start3A_34 = tpu.memref_slice %arg7[%dma_start3A_32, %dma_start3A_33] : memref<80x128xi32, #tpu.memory_space<vmem>> -> memref<1x128xi32, #tpu.memory_space<vmem>>
    %dma_start3A_35 = tpu.memref_squeeze %dma_start3A_34 : memref<1x128xi32, #tpu.memory_space<vmem>> -> memref<128xi32, #tpu.memory_space<vmem>>
    %dma_start3A_36 = arith.constant 0 : i32
    %dma_start3A_37 = arith.constant 0 : i32
    %dma_start3A_38 = tpu.memref_slice %arg4[%dma_start3A_36, %dma_start3A_37] : memref<10016x64xf32, #tpu.memory_space<hbm>> -> memref<10016x64xf32, #tpu.memory_space<hbm>>
    tpu.enqueue_indirect_dma source(%dma_start3A_38 : memref<10016x64xf32, #tpu.memory_space<hbm>>) target(%arg12 : memref<128x64xf32, #tpu.memory_space<vmem>>) offsets(%dma_start3A_35 : memref<128xi32, #tpu.memory_space<vmem>>) semaphore(%arg17 : memref<!tpu.dma_semaphore, #tpu.memory_space<semaphore_mem>>)
    %barrier3A = arith.constant 0 : index
    tpu.barrier barrier_id(%barrier3A)
    %scan3A = arith.constant 0 : i32
    %scan3A_39 = arith.constant 20 : i32
    %scan3A_40 = arith.addi %scan3A, %scan3A_39 : i32
    %scan3A_41 = arith.constant 1 : i32
    scf.for %scan3A_44 = %scan3A to %scan3A_40 step %scan3A_41  : i32 {
      %mul3A_45 = arith.constant 4 : i32
      %mul3A_46 = arith.muli %scan3A_44, %mul3A_45 : i32
      %add3A_47 = arith.constant 0 : i32
      %add3A_48 = arith.addi %add3A_47, %mul3A_46 : i32
      %dma_wait3A = arith.constant 0 : i32
      %dma_wait3A_49 = arith.constant 0 : i32
      %dma_wait3A_50 = tpu.memref_slice %arg7[%dma_wait3A, %dma_wait3A_49] : memref<80x128xi32, #tpu.memory_space<vmem>> -> memref<1x128xi32, #tpu.memory_space<vmem>>
      %dma_wait3A_51 = tpu.memref_squeeze %dma_wait3A_50 : memref<1x128xi32, #tpu.memory_space<vmem>> -> memref<128xi32, #tpu.memory_space<vmem>>
      %dma_wait3A_52 = arith.constant 0 : i32
      %dma_wait3A_53 = arith.constant 0 : i32
      %dma_wait3A_54 = tpu.memref_slice %arg4[%dma_wait3A_52, %dma_wait3A_53] : memref<10016x64xf32, #tpu.memory_space<hbm>> -> memref<10016x64xf32, #tpu.memory_space<hbm>>
      tpu.wait_indirect_dma semaphore(%arg14 : memref<!tpu.dma_semaphore, #tpu.memory_space<semaphore_mem>>) src(%dma_wait3A_54 : memref<10016x64xf32, #tpu.memory_space<hbm>>) dst(%arg9 : memref<128x64xf32, #tpu.memory_space<vmem>>)
      %add3A_55 = arith.constant 0 : i32
      %add3A_56 = arith.addi %add3A_48, %add3A_55 : i32
      "tpu.region"() ({
        %run_scoped3A = tpu.sem_alloc : memref<!tpu.dma_semaphore, #tpu.memory_space<semaphore_mem>>
        %dma_start3A_119 = arith.constant 0 : i32
        %dma_start3A_120 = tpu.memref_slice %arg8[%add3A_56, %dma_start3A_119] : memref<80x128xi32, #tpu.memory_space<vmem>> -> memref<1x128xi32, #tpu.memory_space<vmem>>
        %dma_start3A_121 = tpu.memref_squeeze %dma_start3A_120 : memref<1x128xi32, #tpu.memory_space<vmem>> -> memref<128xi32, #tpu.memory_space<vmem>>
        %dma_start3A_122 = arith.constant 0 : i32
        %dma_start3A_123 = arith.constant 0 : i32
        %dma_start3A_124 = tpu.memref_slice %arg13[%dma_start3A_122, %dma_start3A_123] : memref<10016x64xf32, #tpu.memory_space<vmem_shared>> -> memref<10016x64xf32, #tpu.memory_space<vmem_shared>>
        tpu.enqueue_indirect_dma source(%arg9 : memref<128x64xf32, #tpu.memory_space<vmem>>) target(%dma_start3A_124 : memref<10016x64xf32, #tpu.memory_space<vmem_shared>>) offsets(%dma_start3A_121 : memref<128xi32, #tpu.memory_space<vmem>>) semaphore(%run_scoped3A : memref<!tpu.dma_semaphore, #tpu.memory_space<semaphore_mem>>) {add = true}
        %dma_wait3A_125 = arith.constant 0 : i32
        %dma_wait3A_126 = tpu.memref_slice %arg8[%add3A_56, %dma_wait3A_125] : memref<80x128xi32, #tpu.memory_space<vmem>> -> memref<1x128xi32, #tpu.memory_space<vmem>>
        %dma_wait3A_127 = tpu.memref_squeeze %dma_wait3A_126 : memref<1x128xi32, #tpu.memory_space<vmem>> -> memref<128xi32, #tpu.memory_space<vmem>>
        %dma_wait3A_128 = arith.constant 0 : i32
        %dma_wait3A_129 = arith.constant 0 : i32
        %dma_wait3A_130 = tpu.memref_slice %arg13[%dma_wait3A_128, %dma_wait3A_129] : memref<10016x64xf32, #tpu.memory_space<vmem_shared>> -> memref<10016x64xf32, #tpu.memory_space<vmem_shared>>
        tpu.wait_indirect_dma semaphore(%run_scoped3A : memref<!tpu.dma_semaphore, #tpu.memory_space<semaphore_mem>>) src(%arg9 : memref<128x64xf32, #tpu.memory_space<vmem>>) dst(%dma_wait3A_130 : memref<10016x64xf32, #tpu.memory_space<vmem_shared>>)
        tpu.yield
      }) : () -> ()
      %add3A_57 = arith.constant 4 : i32
      %add3A_58 = arith.addi %add3A_48, %add3A_57 : i32
      %add3A_59 = arith.constant 0 : i32
      %add3A_60 = arith.addi %add3A_58, %add3A_59 : i32
      %lt3A = arith.constant 80 : i32
      %lt3A_61 = arith.cmpi slt, %add3A_60, %lt3A : i32
      %convert_element_type3A_62 = arith.extui %lt3A_61 : i1 to i32
      %cond3A_63 = arith.constant 0 : i32
      %cond3A_64 = arith.cmpi ne, %convert_element_type3A_62, %cond3A_63 : i32
      scf.if %cond3A_64 {
        %add3A_119 = arith.constant 4 : i32
        %add3A_120 = arith.addi %add3A_48, %add3A_119 : i32
        %add3A_121 = arith.constant 0 : i32
        %add3A_122 = arith.addi %add3A_120, %add3A_121 : i32
        %dma_start3A_123 = arith.constant 0 : i32
        %dma_start3A_124 = tpu.memref_slice %arg7[%add3A_122, %dma_start3A_123] : memref<80x128xi32, #tpu.memory_space<vmem>> -> memref<1x128xi32, #tpu.memory_space<vmem>>
        %dma_start3A_125 = tpu.memref_squeeze %dma_start3A_124 : memref<1x128xi32, #tpu.memory_space<vmem>> -> memref<128xi32, #tpu.memory_space<vmem>>
        %dma_start3A_126 = arith.constant 0 : i32
        %dma_start3A_127 = arith.constant 0 : i32
        %dma_start3A_128 = tpu.memref_slice %arg4[%dma_start3A_126, %dma_start3A_127] : memref<10016x64xf32, #tpu.memory_space<hbm>> -> memref<10016x64xf32, #tpu.memory_space<hbm>>
        tpu.enqueue_indirect_dma source(%dma_start3A_128 : memref<10016x64xf32, #tpu.memory_space<hbm>>) target(%arg9 : memref<128x64xf32, #tpu.memory_space<vmem>>) offsets(%dma_start3A_125 : memref<128xi32, #tpu.memory_space<vmem>>) semaphore(%arg14 : memref<!tpu.dma_semaphore, #tpu.memory_space<semaphore_mem>>)
      } else {
      }
      %dma_wait3A_65 = arith.constant 0 : i32
      %dma_wait3A_66 = arith.constant 0 : i32
      %dma_wait3A_67 = tpu.memref_slice %arg7[%dma_wait3A_65, %dma_wait3A_66] : memref<80x128xi32, #tpu.memory_space<vmem>> -> memref<1x128xi32, #tpu.memory_space<vmem>>
      %dma_wait3A_68 = tpu.memref_squeeze %dma_wait3A_67 : memref<1x128xi32, #tpu.memory_space<vmem>> -> memref<128xi32, #tpu.memory_space<vmem>>
      %dma_wait3A_69 = arith.constant 0 : i32
      %dma_wait3A_70 = arith.constant 0 : i32
      %dma_wait3A_71 = tpu.memref_slice %arg4[%dma_wait3A_69, %dma_wait3A_70] : memref<10016x64xf32, #tpu.memory_space<hbm>> -> memref<10016x64xf32, #tpu.memory_space<hbm>>
      tpu.wait_indirect_dma semaphore(%arg15 : memref<!tpu.dma_semaphore, #tpu.memory_space<semaphore_mem>>) src(%dma_wait3A_71 : memref<10016x64xf32, #tpu.memory_space<hbm>>) dst(%arg10 : memref<128x64xf32, #tpu.memory_space<vmem>>)
      %add3A_72 = arith.constant 1 : i32
      %add3A_73 = arith.addi %add3A_48, %add3A_72 : i32
      "tpu.region"() ({
        %run_scoped3A = tpu.sem_alloc : memref<!tpu.dma_semaphore, #tpu.memory_space<semaphore_mem>>
        %dma_start3A_119 = arith.constant 0 : i32
        %dma_start3A_120 = tpu.memref_slice %arg8[%add3A_73, %dma_start3A_119] : memref<80x128xi32, #tpu.memory_space<vmem>> -> memref<1x128xi32, #tpu.memory_space<vmem>>
        %dma_start3A_121 = tpu.memref_squeeze %dma_start3A_120 : memref<1x128xi32, #tpu.memory_space<vmem>> -> memref<128xi32, #tpu.memory_space<vmem>>
        %dma_start3A_122 = arith.constant 0 : i32
        %dma_start3A_123 = arith.constant 0 : i32
        %dma_start3A_124 = tpu.memref_slice %arg13[%dma_start3A_122, %dma_start3A_123] : memref<10016x64xf32, #tpu.memory_space<vmem_shared>> -> memref<10016x64xf32, #tpu.memory_space<vmem_shared>>
        tpu.enqueue_indirect_dma source(%arg10 : memref<128x64xf32, #tpu.memory_space<vmem>>) target(%dma_start3A_124 : memref<10016x64xf32, #tpu.memory_space<vmem_shared>>) offsets(%dma_start3A_121 : memref<128xi32, #tpu.memory_space<vmem>>) semaphore(%run_scoped3A : memref<!tpu.dma_semaphore, #tpu.memory_space<semaphore_mem>>) {add = true}
        %dma_wait3A_125 = arith.constant 0 : i32
        %dma_wait3A_126 = tpu.memref_slice %arg8[%add3A_73, %dma_wait3A_125] : memref<80x128xi32, #tpu.memory_space<vmem>> -> memref<1x128xi32, #tpu.memory_space<vmem>>
        %dma_wait3A_127 = tpu.memref_squeeze %dma_wait3A_126 : memref<1x128xi32, #tpu.memory_space<vmem>> -> memref<128xi32, #tpu.memory_space<vmem>>
        %dma_wait3A_128 = arith.constant 0 : i32
        %dma_wait3A_129 = arith.constant 0 : i32
        %dma_wait3A_130 = tpu.memref_slice %arg13[%dma_wait3A_128, %dma_wait3A_129] : memref<10016x64xf32, #tpu.memory_space<vmem_shared>> -> memref<10016x64xf32, #tpu.memory_space<vmem_shared>>
        tpu.wait_indirect_dma semaphore(%run_scoped3A : memref<!tpu.dma_semaphore, #tpu.memory_space<semaphore_mem>>) src(%arg10 : memref<128x64xf32, #tpu.memory_space<vmem>>) dst(%dma_wait3A_130 : memref<10016x64xf32, #tpu.memory_space<vmem_shared>>)
        tpu.yield
      }) : () -> ()
      %add3A_74 = arith.constant 4 : i32
      %add3A_75 = arith.addi %add3A_48, %add3A_74 : i32
      %add3A_76 = arith.constant 1 : i32
      %add3A_77 = arith.addi %add3A_75, %add3A_76 : i32
      %lt3A_78 = arith.constant 80 : i32
      %lt3A_79 = arith.cmpi slt, %add3A_77, %lt3A_78 : i32
      %convert_element_type3A_80 = arith.extui %lt3A_79 : i1 to i32
      %cond3A_81 = arith.constant 0 : i32
      %cond3A_82 = arith.cmpi ne, %convert_element_type3A_80, %cond3A_81 : i32
      scf.if %cond3A_82 {
        %add3A_119 = arith.constant 4 : i32
        %add3A_120 = arith.addi %add3A_48, %add3A_119 : i32
        %add3A_121 = arith.constant 1 : i32
        %add3A_122 = arith.addi %add3A_120, %add3A_121 : i32
        %dma_start3A_123 = arith.constant 0 : i32
        %dma_start3A_124 = tpu.memref_slice %arg7[%add3A_122, %dma_start3A_123] : memref<80x128xi32, #tpu.memory_space<vmem>> -> memref<1x128xi32, #tpu.memory_space<vmem>>
        %dma_start3A_125 = tpu.memref_squeeze %dma_start3A_124 : memref<1x128xi32, #tpu.memory_space<vmem>> -> memref<128xi32, #tpu.memory_space<vmem>>
        %dma_start3A_126 = arith.constant 0 : i32
        %dma_start3A_127 = arith.constant 0 : i32
        %dma_start3A_128 = tpu.memref_slice %arg4[%dma_start3A_126, %dma_start3A_127] : memref<10016x64xf32, #tpu.memory_space<hbm>> -> memref<10016x64xf32, #tpu.memory_space<hbm>>
        tpu.enqueue_indirect_dma source(%dma_start3A_128 : memref<10016x64xf32, #tpu.memory_space<hbm>>) target(%arg10 : memref<128x64xf32, #tpu.memory_space<vmem>>) offsets(%dma_start3A_125 : memref<128xi32, #tpu.memory_space<vmem>>) semaphore(%arg15 : memref<!tpu.dma_semaphore, #tpu.memory_space<semaphore_mem>>)
      } else {
      }
      %dma_wait3A_83 = arith.constant 0 : i32
      %dma_wait3A_84 = arith.constant 0 : i32
      %dma_wait3A_85 = tpu.memref_slice %arg7[%dma_wait3A_83, %dma_wait3A_84] : memref<80x128xi32, #tpu.memory_space<vmem>> -> memref<1x128xi32, #tpu.memory_space<vmem>>
      %dma_wait3A_86 = tpu.memref_squeeze %dma_wait3A_85 : memref<1x128xi32, #tpu.memory_space<vmem>> -> memref<128xi32, #tpu.memory_space<vmem>>
      %dma_wait3A_87 = arith.constant 0 : i32
      %dma_wait3A_88 = arith.constant 0 : i32
      %dma_wait3A_89 = tpu.memref_slice %arg4[%dma_wait3A_87, %dma_wait3A_88] : memref<10016x64xf32, #tpu.memory_space<hbm>> -> memref<10016x64xf32, #tpu.memory_space<hbm>>
      tpu.wait_indirect_dma semaphore(%arg16 : memref<!tpu.dma_semaphore, #tpu.memory_space<semaphore_mem>>) src(%dma_wait3A_89 : memref<10016x64xf32, #tpu.memory_space<hbm>>) dst(%arg11 : memref<128x64xf32, #tpu.memory_space<vmem>>)
      %add3A_90 = arith.constant 2 : i32
      %add3A_91 = arith.addi %add3A_48, %add3A_90 : i32
      "tpu.region"() ({
        %run_scoped3A = tpu.sem_alloc : memref<!tpu.dma_semaphore, #tpu.memory_space<semaphore_mem>>
        %dma_start3A_119 = arith.constant 0 : i32
        %dma_start3A_120 = tpu.memref_slice %arg8[%add3A_91, %dma_start3A_119] : memref<80x128xi32, #tpu.memory_space<vmem>> -> memref<1x128xi32, #tpu.memory_space<vmem>>
        %dma_start3A_121 = tpu.memref_squeeze %dma_start3A_120 : memref<1x128xi32, #tpu.memory_space<vmem>> -> memref<128xi32, #tpu.memory_space<vmem>>
        %dma_start3A_122 = arith.constant 0 : i32
        %dma_start3A_123 = arith.constant 0 : i32
        %dma_start3A_124 = tpu.memref_slice %arg13[%dma_start3A_122, %dma_start3A_123] : memref<10016x64xf32, #tpu.memory_space<vmem_shared>> -> memref<10016x64xf32, #tpu.memory_space<vmem_shared>>
        tpu.enqueue_indirect_dma source(%arg11 : memref<128x64xf32, #tpu.memory_space<vmem>>) target(%dma_start3A_124 : memref<10016x64xf32, #tpu.memory_space<vmem_shared>>) offsets(%dma_start3A_121 : memref<128xi32, #tpu.memory_space<vmem>>) semaphore(%run_scoped3A : memref<!tpu.dma_semaphore, #tpu.memory_space<semaphore_mem>>) {add = true}
        %dma_wait3A_125 = arith.constant 0 : i32
        %dma_wait3A_126 = tpu.memref_slice %arg8[%add3A_91, %dma_wait3A_125] : memref<80x128xi32, #tpu.memory_space<vmem>> -> memref<1x128xi32, #tpu.memory_space<vmem>>
        %dma_wait3A_127 = tpu.memref_squeeze %dma_wait3A_126 : memref<1x128xi32, #tpu.memory_space<vmem>> -> memref<128xi32, #tpu.memory_space<vmem>>
        %dma_wait3A_128 = arith.constant 0 : i32
        %dma_wait3A_129 = arith.constant 0 : i32
        %dma_wait3A_130 = tpu.memref_slice %arg13[%dma_wait3A_128, %dma_wait3A_129] : memref<10016x64xf32, #tpu.memory_space<vmem_shared>> -> memref<10016x64xf32, #tpu.memory_space<vmem_shared>>
        tpu.wait_indirect_dma semaphore(%run_scoped3A : memref<!tpu.dma_semaphore, #tpu.memory_space<semaphore_mem>>) src(%arg11 : memref<128x64xf32, #tpu.memory_space<vmem>>) dst(%dma_wait3A_130 : memref<10016x64xf32, #tpu.memory_space<vmem_shared>>)
        tpu.yield
      }) : () -> ()
      %add3A_92 = arith.constant 4 : i32
      %add3A_93 = arith.addi %add3A_48, %add3A_92 : i32
      %add3A_94 = arith.constant 2 : i32
      %add3A_95 = arith.addi %add3A_93, %add3A_94 : i32
      %lt3A_96 = arith.constant 80 : i32
      %lt3A_97 = arith.cmpi slt, %add3A_95, %lt3A_96 : i32
      %convert_element_type3A_98 = arith.extui %lt3A_97 : i1 to i32
      %cond3A_99 = arith.constant 0 : i32
      %cond3A_100 = arith.cmpi ne, %convert_element_type3A_98, %cond3A_99 : i32
      scf.if %cond3A_100 {
        %add3A_119 = arith.constant 4 : i32
        %add3A_120 = arith.addi %add3A_48, %add3A_119 : i32
        %add3A_121 = arith.constant 2 : i32
        %add3A_122 = arith.addi %add3A_120, %add3A_121 : i32
        %dma_start3A_123 = arith.constant 0 : i32
        %dma_start3A_124 = tpu.memref_slice %arg7[%add3A_122, %dma_start3A_123] : memref<80x128xi32, #tpu.memory_space<vmem>> -> memref<1x128xi32, #tpu.memory_space<vmem>>
        %dma_start3A_125 = tpu.memref_squeeze %dma_start3A_124 : memref<1x128xi32, #tpu.memory_space<vmem>> -> memref<128xi32, #tpu.memory_space<vmem>>
        %dma_start3A_126 = arith.constant 0 : i32
        %dma_start3A_127 = arith.constant 0 : i32
        %dma_start3A_128 = tpu.memref_slice %arg4[%dma_start3A_126, %dma_start3A_127] : memref<10016x64xf32, #tpu.memory_space<hbm>> -> memref<10016x64xf32, #tpu.memory_space<hbm>>
        tpu.enqueue_indirect_dma source(%dma_start3A_128 : memref<10016x64xf32, #tpu.memory_space<hbm>>) target(%arg11 : memref<128x64xf32, #tpu.memory_space<vmem>>) offsets(%dma_start3A_125 : memref<128xi32, #tpu.memory_space<vmem>>) semaphore(%arg16 : memref<!tpu.dma_semaphore, #tpu.memory_space<semaphore_mem>>)
      } else {
      }
      %dma_wait3A_101 = arith.constant 0 : i32
      %dma_wait3A_102 = arith.constant 0 : i32
      %dma_wait3A_103 = tpu.memref_slice %arg7[%dma_wait3A_101, %dma_wait3A_102] : memref<80x128xi32, #tpu.memory_space<vmem>> -> memref<1x128xi32, #tpu.memory_space<vmem>>
      %dma_wait3A_104 = tpu.memref_squeeze %dma_wait3A_103 : memref<1x128xi32, #tpu.memory_space<vmem>> -> memref<128xi32, #tpu.memory_space<vmem>>
      %dma_wait3A_105 = arith.constant 0 : i32
      %dma_wait3A_106 = arith.constant 0 : i32
      %dma_wait3A_107 = tpu.memref_slice %arg4[%dma_wait3A_105, %dma_wait3A_106] : memref<10016x64xf32, #tpu.memory_space<hbm>> -> memref<10016x64xf32, #tpu.memory_space<hbm>>
      tpu.wait_indirect_dma semaphore(%arg17 : memref<!tpu.dma_semaphore, #tpu.memory_space<semaphore_mem>>) src(%dma_wait3A_107 : memref<10016x64xf32, #tpu.memory_space<hbm>>) dst(%arg12 : memref<128x64xf32, #tpu.memory_space<vmem>>)
      %add3A_108 = arith.constant 3 : i32
      %add3A_109 = arith.addi %add3A_48, %add3A_108 : i32
      "tpu.region"() ({
        %run_scoped3A = tpu.sem_alloc : memref<!tpu.dma_semaphore, #tpu.memory_space<semaphore_mem>>
        %dma_start3A_119 = arith.constant 0 : i32
        %dma_start3A_120 = tpu.memref_slice %arg8[%add3A_109, %dma_start3A_119] : memref<80x128xi32, #tpu.memory_space<vmem>> -> memref<1x128xi32, #tpu.memory_space<vmem>>
        %dma_start3A_121 = tpu.memref_squeeze %dma_start3A_120 : memref<1x128xi32, #tpu.memory_space<vmem>> -> memref<128xi32, #tpu.memory_space<vmem>>
        %dma_start3A_122 = arith.constant 0 : i32
        %dma_start3A_123 = arith.constant 0 : i32
        %dma_start3A_124 = tpu.memref_slice %arg13[%dma_start3A_122, %dma_start3A_123] : memref<10016x64xf32, #tpu.memory_space<vmem_shared>> -> memref<10016x64xf32, #tpu.memory_space<vmem_shared>>
        tpu.enqueue_indirect_dma source(%arg12 : memref<128x64xf32, #tpu.memory_space<vmem>>) target(%dma_start3A_124 : memref<10016x64xf32, #tpu.memory_space<vmem_shared>>) offsets(%dma_start3A_121 : memref<128xi32, #tpu.memory_space<vmem>>) semaphore(%run_scoped3A : memref<!tpu.dma_semaphore, #tpu.memory_space<semaphore_mem>>) {add = true}
        %dma_wait3A_125 = arith.constant 0 : i32
        %dma_wait3A_126 = tpu.memref_slice %arg8[%add3A_109, %dma_wait3A_125] : memref<80x128xi32, #tpu.memory_space<vmem>> -> memref<1x128xi32, #tpu.memory_space<vmem>>
        %dma_wait3A_127 = tpu.memref_squeeze %dma_wait3A_126 : memref<1x128xi32, #tpu.memory_space<vmem>> -> memref<128xi32, #tpu.memory_space<vmem>>
        %dma_wait3A_128 = arith.constant 0 : i32
        %dma_wait3A_129 = arith.constant 0 : i32
        %dma_wait3A_130 = tpu.memref_slice %arg13[%dma_wait3A_128, %dma_wait3A_129] : memref<10016x64xf32, #tpu.memory_space<vmem_shared>> -> memref<10016x64xf32, #tpu.memory_space<vmem_shared>>
        tpu.wait_indirect_dma semaphore(%run_scoped3A : memref<!tpu.dma_semaphore, #tpu.memory_space<semaphore_mem>>) src(%arg12 : memref<128x64xf32, #tpu.memory_space<vmem>>) dst(%dma_wait3A_130 : memref<10016x64xf32, #tpu.memory_space<vmem_shared>>)
        tpu.yield
      }) : () -> ()
      %add3A_110 = arith.constant 4 : i32
      %add3A_111 = arith.addi %add3A_48, %add3A_110 : i32
      %add3A_112 = arith.constant 3 : i32
      %add3A_113 = arith.addi %add3A_111, %add3A_112 : i32
      %lt3A_114 = arith.constant 80 : i32
      %lt3A_115 = arith.cmpi slt, %add3A_113, %lt3A_114 : i32
      %convert_element_type3A_116 = arith.extui %lt3A_115 : i1 to i32
      %cond3A_117 = arith.constant 0 : i32
      %cond3A_118 = arith.cmpi ne, %convert_element_type3A_116, %cond3A_117 : i32
      scf.if %cond3A_118 {
        %add3A_119 = arith.constant 4 : i32
        %add3A_120 = arith.addi %add3A_48, %add3A_119 : i32
        %add3A_121 = arith.constant 3 : i32
        %add3A_122 = arith.addi %add3A_120, %add3A_121 : i32
        %dma_start3A_123 = arith.constant 0 : i32
        %dma_start3A_124 = tpu.memref_slice %arg7[%add3A_122, %dma_start3A_123] : memref<80x128xi32, #tpu.memory_space<vmem>> -> memref<1x128xi32, #tpu.memory_space<vmem>>
        %dma_start3A_125 = tpu.memref_squeeze %dma_start3A_124 : memref<1x128xi32, #tpu.memory_space<vmem>> -> memref<128xi32, #tpu.memory_space<vmem>>
        %dma_start3A_126 = arith.constant 0 : i32
        %dma_start3A_127 = arith.constant 0 : i32
        %dma_start3A_128 = tpu.memref_slice %arg4[%dma_start3A_126, %dma_start3A_127] : memref<10016x64xf32, #tpu.memory_space<hbm>> -> memref<10016x64xf32, #tpu.memory_space<hbm>>
        tpu.enqueue_indirect_dma source(%dma_start3A_128 : memref<10016x64xf32, #tpu.memory_space<hbm>>) target(%arg12 : memref<128x64xf32, #tpu.memory_space<vmem>>) offsets(%dma_start3A_125 : memref<128xi32, #tpu.memory_space<vmem>>) semaphore(%arg17 : memref<!tpu.dma_semaphore, #tpu.memory_space<semaphore_mem>>)
      } else {
      }
    }
    %scan3A_42 = arith.constant 20 : i32
    %barrier3A_43 = arith.constant 0 : index
    tpu.barrier barrier_id(%barrier3A_43)
    "tpu.region"() ({
      %run_scoped3A = tpu.sem_alloc : memref<!tpu.dma_semaphore, #tpu.memory_space<semaphore_mem>>
      %dma_start3A_44 = arith.constant 0 : i32
      %dma_start3A_45 = tpu.memref_slice %arg6[%arg0, %mul3A_0, %dma_start3A_44] : memref<2x10016x64xf32, #tpu.memory_space<hbm>> -> memref<1x626x64xf32, #tpu.memory_space<hbm>>
      %dma_start3A_46 = tpu.memref_squeeze %dma_start3A_45 : memref<1x626x64xf32, #tpu.memory_space<hbm>> -> memref<626x64xf32, #tpu.memory_space<hbm>>
      %dma_start3A_47 = arith.constant 0 : i32
      %dma_start3A_48 = tpu.memref_slice %arg13[%mul3A_0, %dma_start3A_47] : memref<10016x64xf32, #tpu.memory_space<vmem_shared>> -> memref<626x64xf32, #tpu.memory_space<vmem_shared>>
      tpu.enqueue_dma source(%dma_start3A_48 : memref<626x64xf32, #tpu.memory_space<vmem_shared>>) target(%dma_start3A_46 : memref<626x64xf32, #tpu.memory_space<hbm>>) target_semaphore(%run_scoped3A : memref<!tpu.dma_semaphore, #tpu.memory_space<semaphore_mem>>)
      %dma_wait3A = arith.constant 0 : i32
      %dma_wait3A_49 = tpu.memref_slice %arg6[%arg0, %mul3A_0, %dma_wait3A] : memref<2x10016x64xf32, #tpu.memory_space<hbm>> -> memref<1x626x64xf32, #tpu.memory_space<hbm>>
      %dma_wait3A_50 = tpu.memref_squeeze %dma_wait3A_49 : memref<1x626x64xf32, #tpu.memory_space<hbm>> -> memref<626x64xf32, #tpu.memory_space<hbm>>
      %dma_wait3A_51 = arith.constant 0 : i32
      %dma_wait3A_52 = tpu.memref_slice %arg13[%mul3A_0, %dma_wait3A_51] : memref<10016x64xf32, #tpu.memory_space<vmem_shared>> -> memref<626x64xf32, #tpu.memory_space<vmem_shared>>
      tpu.wait_dma2 semaphore(%run_scoped3A : memref<!tpu.dma_semaphore, #tpu.memory_space<semaphore_mem>>) src(%dma_wait3A_52 : memref<626x64xf32, #tpu.memory_space<vmem_shared>>) dst(%dma_wait3A_50 : memref<626x64xf32, #tpu.memory_space<hbm>>)
      tpu.yield
    }) : () -> ()
    return
  }
}

#map = affine_map<(d0, d1) -> (0, 0)>
#map1 = affine_map<(d0, d1) -> (0, 0, 0)>
module attributes {stable_mosaic.version = 14 : i64} {
  func.func @sc_scatter(%arg0: i32, %arg1: i32, %arg2: memref<2560x128xi32, #tpu.memory_space<hbm>>, %arg3: memref<2560x128xi32, #tpu.memory_space<hbm>>, %arg4: memref<10016x64xf32, #tpu.memory_space<hbm>>, %arg5: memref<10016x64xf32, #tpu.memory_space<hbm>>, %arg6: memref<2x10016x64xf32, #tpu.memory_space<hbm>>, %arg7: memref<80x128xi32, #tpu.memory_space<vmem>>, %arg8: memref<80x128xi32, #tpu.memory_space<vmem>>, %arg9: memref<128x64xf32, #tpu.memory_space<vmem>>, %arg10: memref<128x64xf32, #tpu.memory_space<vmem>>, %arg11: memref<128x64xf32, #tpu.memory_space<vmem>>, %arg12: memref<128x64xf32, #tpu.memory_space<vmem>>, %arg13: memref<10016x64xf32, #tpu.memory_space<vmem_shared>>, %arg14: memref<!tpu.dma_semaphore, #tpu.memory_space<semaphore_mem>>, %arg15: memref<!tpu.dma_semaphore, #tpu.memory_space<semaphore_mem>>, %arg16: memref<!tpu.dma_semaphore, #tpu.memory_space<semaphore_mem>>, %arg17: memref<!tpu.dma_semaphore, #tpu.memory_space<semaphore_mem>>) attributes {dimension_semantics = [#tpu.dimension_semantics<core_parallel>, #tpu.dimension_semantics<subcore_parallel>], iteration_bounds = array<i64: 2, 16>, scalar_prefetch = 0 : i64, scratch_operands = 11 : i64, tpu.core_type = #tpu.core_type<sc_vector_subcore>, window_params = [{transform_indices = #map}, {transform_indices = #map}, {transform_indices = #map}, {transform_indices = #map}, {transform_indices = #map1}]} {
    %mul3A = arith.constant 626 : i32
    %mul3A_0 = arith.muli %arg1, %mul3A : i32
    %mul3A_1 = arith.constant 16 : i32
    %mul3A_2 = arith.muli %arg0, %mul3A_1 : i32
    %add3A = arith.addi %mul3A_2, %arg1 : i32
    %mul3A_3 = arith.constant 80 : i32
    %mul3A_4 = arith.muli %add3A, %mul3A_3 : i32
    "tpu.region"() ({
      %run_scoped3A = tpu.sem_alloc : memref<!tpu.dma_semaphore, #tpu.memory_space<semaphore_mem>>
      %dma_start3A_44 = arith.constant 0 : i32
      %dma_start3A_45 = tpu.memref_slice %arg2[%mul3A_4, %dma_start3A_44] : memref<2560x128xi32, #tpu.memory_space<hbm>> -> memref<80x128xi32, #tpu.memory_space<hbm>>
      %dma_start3A_46 = arith.constant 0 : i32
      %dma_start3A_47 = tpu.memref_slice %arg2[%mul3A_4, %dma_start3A_46] : memref<2560x128xi32, #tpu.memory_space<hbm>> -> memref<80x128xi32, #tpu.memory_space<hbm>>
      tpu.enqueue_dma source(%dma_start3A_47 : memref<80x128xi32, #tpu.memory_space<hbm>>) target(%arg7 : memref<80x128xi32, #tpu.memory_space<vmem>>) target_semaphore(%run_scoped3A : memref<!tpu.dma_semaphore, #tpu.memory_space<semaphore_mem>>)
      %dma_wait3A = arith.constant 0 : i32
      %dma_wait3A_48 = tpu.memref_slice %arg2[%mul3A_4, %dma_wait3A] : memref<2560x128xi32, #tpu.memory_space<hbm>> -> memref<80x128xi32, #tpu.memory_space<hbm>>
      %dma_wait3A_49 = arith.constant 0 : i32
      %dma_wait3A_50 = tpu.memref_slice %arg2[%mul3A_4, %dma_wait3A_49] : memref<2560x128xi32, #tpu.memory_space<hbm>> -> memref<80x128xi32, #tpu.memory_space<hbm>>
      tpu.wait_dma2 semaphore(%run_scoped3A : memref<!tpu.dma_semaphore, #tpu.memory_space<semaphore_mem>>) src(%dma_wait3A_50 : memref<80x128xi32, #tpu.memory_space<hbm>>) dst(%arg7 : memref<80x128xi32, #tpu.memory_space<vmem>>)
      tpu.yield
    }) : () -> ()
    "tpu.region"() ({
      %run_scoped3A = tpu.sem_alloc : memref<!tpu.dma_semaphore, #tpu.memory_space<semaphore_mem>>
      %dma_start3A_44 = arith.constant 0 : i32
      %dma_start3A_45 = tpu.memref_slice %arg3[%mul3A_4, %dma_start3A_44] : memref<2560x128xi32, #tpu.memory_space<hbm>> -> memref<80x128xi32, #tpu.memory_space<hbm>>
      %dma_start3A_46 = arith.constant 0 : i32
      %dma_start3A_47 = tpu.memref_slice %arg3[%mul3A_4, %dma_start3A_46] : memref<2560x128xi32, #tpu.memory_space<hbm>> -> memref<80x128xi32, #tpu.memory_space<hbm>>
      tpu.enqueue_dma source(%dma_start3A_47 : memref<80x128xi32, #tpu.memory_space<hbm>>) target(%arg8 : memref<80x128xi32, #tpu.memory_space<vmem>>) target_semaphore(%run_scoped3A : memref<!tpu.dma_semaphore, #tpu.memory_space<semaphore_mem>>)
      %dma_wait3A = arith.constant 0 : i32
      %dma_wait3A_48 = tpu.memref_slice %arg3[%mul3A_4, %dma_wait3A] : memref<2560x128xi32, #tpu.memory_space<hbm>> -> memref<80x128xi32, #tpu.memory_space<hbm>>
      %dma_wait3A_49 = arith.constant 0 : i32
      %dma_wait3A_50 = tpu.memref_slice %arg3[%mul3A_4, %dma_wait3A_49] : memref<2560x128xi32, #tpu.memory_space<hbm>> -> memref<80x128xi32, #tpu.memory_space<hbm>>
      tpu.wait_dma2 semaphore(%run_scoped3A : memref<!tpu.dma_semaphore, #tpu.memory_space<semaphore_mem>>) src(%dma_wait3A_50 : memref<80x128xi32, #tpu.memory_space<hbm>>) dst(%arg8 : memref<80x128xi32, #tpu.memory_space<vmem>>)
      tpu.yield
    }) : () -> ()
    %eq3A = arith.constant 0 : i32
    %eq3A_5 = arith.cmpi eq, %arg0, %eq3A : i32
    %convert_element_type3A = arith.extui %eq3A_5 : i1 to i32
    %cond3A = arith.constant 0 : i32
    %cond3A_6 = arith.cmpi ne, %convert_element_type3A, %cond3A : i32
    scf.if %cond3A_6 {
      "tpu.region"() ({
        %run_scoped3A = tpu.sem_alloc : memref<!tpu.dma_semaphore, #tpu.memory_space<semaphore_mem>>
        %dma_start3A_44 = arith.constant 0 : i32
        %dma_start3A_45 = tpu.memref_slice %arg13[%mul3A_0, %dma_start3A_44] : memref<10016x64xf32, #tpu.memory_space<vmem_shared>> -> memref<626x64xf32, #tpu.memory_space<vmem_shared>>
        %dma_start3A_46 = arith.constant 0 : i32
        %dma_start3A_47 = tpu.memref_slice %arg4[%mul3A_0, %dma_start3A_46] : memref<10016x64xf32, #tpu.memory_space<hbm>> -> memref<626x64xf32, #tpu.memory_space<hbm>>
        tpu.enqueue_dma source(%dma_start3A_47 : memref<626x64xf32, #tpu.memory_space<hbm>>) target(%dma_start3A_45 : memref<626x64xf32, #tpu.memory_space<vmem_shared>>) target_semaphore(%run_scoped3A : memref<!tpu.dma_semaphore, #tpu.memory_space<semaphore_mem>>)
        %dma_wait3A = arith.constant 0 : i32
        %dma_wait3A_48 = tpu.memref_slice %arg13[%mul3A_0, %dma_wait3A] : memref<10016x64xf32, #tpu.memory_space<vmem_shared>> -> memref<626x64xf32, #tpu.memory_space<vmem_shared>>
        %dma_wait3A_49 = arith.constant 0 : i32
        %dma_wait3A_50 = tpu.memref_slice %arg4[%mul3A_0, %dma_wait3A_49] : memref<10016x64xf32, #tpu.memory_space<hbm>> -> memref<626x64xf32, #tpu.memory_space<hbm>>
        tpu.wait_dma2 semaphore(%run_scoped3A : memref<!tpu.dma_semaphore, #tpu.memory_space<semaphore_mem>>) src(%dma_wait3A_50 : memref<626x64xf32, #tpu.memory_space<hbm>>) dst(%dma_wait3A_48 : memref<626x64xf32, #tpu.memory_space<vmem_shared>>)
        tpu.yield
      }) : () -> ()
    } else {
    }
    %eq3A_7 = arith.constant 1 : i32
    %eq3A_8 = arith.cmpi eq, %arg0, %eq3A_7 : i32
    %convert_element_type3A_9 = arith.extui %eq3A_8 : i1 to i32
    %cond3A_10 = arith.constant 0 : i32
    %cond3A_11 = arith.cmpi ne, %convert_element_type3A_9, %cond3A_10 : i32
    scf.if %cond3A_11 {
      "tpu.region"() ({
        %run_scoped3A = tpu.sem_alloc : memref<!tpu.dma_semaphore, #tpu.memory_space<semaphore_mem>>
        %dma_start3A_44 = arith.constant 0 : i32
        %dma_start3A_45 = tpu.memref_slice %arg13[%mul3A_0, %dma_start3A_44] : memref<10016x64xf32, #tpu.memory_space<vmem_shared>> -> memref<626x64xf32, #tpu.memory_space<vmem_shared>>
        %dma_start3A_46 = arith.constant 0 : i32
        %dma_start3A_47 = tpu.memref_slice %arg5[%mul3A_0, %dma_start3A_46] : memref<10016x64xf32, #tpu.memory_space<hbm>> -> memref<626x64xf32, #tpu.memory_space<hbm>>
        tpu.enqueue_dma source(%dma_start3A_47 : memref<626x64xf32, #tpu.memory_space<hbm>>) target(%dma_start3A_45 : memref<626x64xf32, #tpu.memory_space<vmem_shared>>) target_semaphore(%run_scoped3A : memref<!tpu.dma_semaphore, #tpu.memory_space<semaphore_mem>>)
        %dma_wait3A = arith.constant 0 : i32
        %dma_wait3A_48 = tpu.memref_slice %arg13[%mul3A_0, %dma_wait3A] : memref<10016x64xf32, #tpu.memory_space<vmem_shared>> -> memref<626x64xf32, #tpu.memory_space<vmem_shared>>
        %dma_wait3A_49 = arith.constant 0 : i32
        %dma_wait3A_50 = tpu.memref_slice %arg5[%mul3A_0, %dma_wait3A_49] : memref<10016x64xf32, #tpu.memory_space<hbm>> -> memref<626x64xf32, #tpu.memory_space<hbm>>
        tpu.wait_dma2 semaphore(%run_scoped3A : memref<!tpu.dma_semaphore, #tpu.memory_space<semaphore_mem>>) src(%dma_wait3A_50 : memref<626x64xf32, #tpu.memory_space<hbm>>) dst(%dma_wait3A_48 : memref<626x64xf32, #tpu.memory_space<vmem_shared>>)
        tpu.yield
      }) : () -> ()
    } else {
    }
    %dma_start3A = arith.constant 0 : i32
    %dma_start3A_12 = arith.constant 0 : i32
    %dma_start3A_13 = tpu.memref_slice %arg7[%dma_start3A, %dma_start3A_12] : memref<80x128xi32, #tpu.memory_space<vmem>> -> memref<1x128xi32, #tpu.memory_space<vmem>>
    %dma_start3A_14 = tpu.memref_squeeze %dma_start3A_13 : memref<1x128xi32, #tpu.memory_space<vmem>> -> memref<128xi32, #tpu.memory_space<vmem>>
    %dma_start3A_15 = arith.constant 0 : i32
    %dma_start3A_16 = arith.constant 0 : i32
    %dma_start3A_17 = tpu.memref_slice %arg4[%dma_start3A_15, %dma_start3A_16] : memref<10016x64xf32, #tpu.memory_space<hbm>> -> memref<10016x64xf32, #tpu.memory_space<hbm>>
    tpu.enqueue_indirect_dma source(%dma_start3A_17 : memref<10016x64xf32, #tpu.memory_space<hbm>>) target(%arg9 : memref<128x64xf32, #tpu.memory_space<vmem>>) offsets(%dma_start3A_14 : memref<128xi32, #tpu.memory_space<vmem>>) semaphore(%arg14 : memref<!tpu.dma_semaphore, #tpu.memory_space<semaphore_mem>>)
    %dma_start3A_18 = arith.constant 1 : i32
    %dma_start3A_19 = arith.constant 0 : i32
    %dma_start3A_20 = tpu.memref_slice %arg7[%dma_start3A_18, %dma_start3A_19] : memref<80x128xi32, #tpu.memory_space<vmem>> -> memref<1x128xi32, #tpu.memory_space<vmem>>
    %dma_start3A_21 = tpu.memref_squeeze %dma_start3A_20 : memref<1x128xi32, #tpu.memory_space<vmem>> -> memref<128xi32, #tpu.memory_space<vmem>>
    %dma_start3A_22 = arith.constant 0 : i32
    %dma_start3A_23 = arith.constant 0 : i32
    %dma_start3A_24 = tpu.memref_slice %arg4[%dma_start3A_22, %dma_start3A_23] : memref<10016x64xf32, #tpu.memory_space<hbm>> -> memref<10016x64xf32, #tpu.memory_space<hbm>>
    tpu.enqueue_indirect_dma source(%dma_start3A_24 : memref<10016x64xf32, #tpu.memory_space<hbm>>) target(%arg10 : memref<128x64xf32, #tpu.memory_space<vmem>>) offsets(%dma_start3A_21 : memref<128xi32, #tpu.memory_space<vmem>>) semaphore(%arg15 : memref<!tpu.dma_semaphore, #tpu.memory_space<semaphore_mem>>)
    %dma_start3A_25 = arith.constant 2 : i32
    %dma_start3A_26 = arith.constant 0 : i32
    %dma_start3A_27 = tpu.memref_slice %arg7[%dma_start3A_25, %dma_start3A_26] : memref<80x128xi32, #tpu.memory_space<vmem>> -> memref<1x128xi32, #tpu.memory_space<vmem>>
    %dma_start3A_28 = tpu.memref_squeeze %dma_start3A_27 : memref<1x128xi32, #tpu.memory_space<vmem>> -> memref<128xi32, #tpu.memory_space<vmem>>
    %dma_start3A_29 = arith.constant 0 : i32
    %dma_start3A_30 = arith.constant 0 : i32
    %dma_start3A_31 = tpu.memref_slice %arg4[%dma_start3A_29, %dma_start3A_30] : memref<10016x64xf32, #tpu.memory_space<hbm>> -> memref<10016x64xf32, #tpu.memory_space<hbm>>
    tpu.enqueue_indirect_dma source(%dma_start3A_31 : memref<10016x64xf32, #tpu.memory_space<hbm>>) target(%arg11 : memref<128x64xf32, #tpu.memory_space<vmem>>) offsets(%dma_start3A_28 : memref<128xi32, #tpu.memory_space<vmem>>) semaphore(%arg16 : memref<!tpu.dma_semaphore, #tpu.memory_space<semaphore_mem>>)
    %dma_start3A_32 = arith.constant 3 : i32
    %dma_start3A_33 = arith.constant 0 : i32
    %dma_start3A_34 = tpu.memref_slice %arg7[%dma_start3A_32, %dma_start3A_33] : memref<80x128xi32, #tpu.memory_space<vmem>> -> memref<1x128xi32, #tpu.memory_space<vmem>>
    %dma_start3A_35 = tpu.memref_squeeze %dma_start3A_34 : memref<1x128xi32, #tpu.memory_space<vmem>> -> memref<128xi32, #tpu.memory_space<vmem>>
    %dma_start3A_36 = arith.constant 0 : i32
    %dma_start3A_37 = arith.constant 0 : i32
    %dma_start3A_38 = tpu.memref_slice %arg4[%dma_start3A_36, %dma_start3A_37] : memref<10016x64xf32, #tpu.memory_space<hbm>> -> memref<10016x64xf32, #tpu.memory_space<hbm>>
    tpu.enqueue_indirect_dma source(%dma_start3A_38 : memref<10016x64xf32, #tpu.memory_space<hbm>>) target(%arg12 : memref<128x64xf32, #tpu.memory_space<vmem>>) offsets(%dma_start3A_35 : memref<128xi32, #tpu.memory_space<vmem>>) semaphore(%arg17 : memref<!tpu.dma_semaphore, #tpu.memory_space<semaphore_mem>>)
    %barrier3A = arith.constant 0 : index
    tpu.barrier barrier_id(%barrier3A)
    %scan3A = arith.constant 0 : i32
    %scan3A_39 = arith.constant 20 : i32
    %scan3A_40 = arith.addi %scan3A, %scan3A_39 : i32
    %scan3A_41 = arith.constant 1 : i32
    scf.for %scan3A_44 = %scan3A to %scan3A_40 step %scan3A_41  : i32 {
      %mul3A_45 = arith.constant 4 : i32
      %mul3A_46 = arith.muli %scan3A_44, %mul3A_45 : i32
      %add3A_47 = arith.constant 0 : i32
      %add3A_48 = arith.addi %add3A_47, %mul3A_46 : i32
      %dma_wait3A = arith.constant 0 : i32
      %dma_wait3A_49 = arith.constant 0 : i32
      %dma_wait3A_50 = tpu.memref_slice %arg7[%dma_wait3A, %dma_wait3A_49] : memref<80x128xi32, #tpu.memory_space<vmem>> -> memref<1x128xi32, #tpu.memory_space<vmem>>
      %dma_wait3A_51 = tpu.memref_squeeze %dma_wait3A_50 : memref<1x128xi32, #tpu.memory_space<vmem>> -> memref<128xi32, #tpu.memory_space<vmem>>
      %dma_wait3A_52 = arith.constant 0 : i32
      %dma_wait3A_53 = arith.constant 0 : i32
      %dma_wait3A_54 = tpu.memref_slice %arg4[%dma_wait3A_52, %dma_wait3A_53] : memref<10016x64xf32, #tpu.memory_space<hbm>> -> memref<10016x64xf32, #tpu.memory_space<hbm>>
      tpu.wait_indirect_dma semaphore(%arg14 : memref<!tpu.dma_semaphore, #tpu.memory_space<semaphore_mem>>) src(%dma_wait3A_54 : memref<10016x64xf32, #tpu.memory_space<hbm>>) dst(%arg9 : memref<128x64xf32, #tpu.memory_space<vmem>>)
      %add3A_55 = arith.constant 0 : i32
      %add3A_56 = arith.addi %add3A_48, %add3A_55 : i32
      "tpu.region"() ({
        %run_scoped3A = tpu.sem_alloc : memref<!tpu.dma_semaphore, #tpu.memory_space<semaphore_mem>>
        %dma_start3A_119 = arith.constant 0 : i32
        %dma_start3A_120 = tpu.memref_slice %arg8[%add3A_56, %dma_start3A_119] : memref<80x128xi32, #tpu.memory_space<vmem>> -> memref<1x128xi32, #tpu.memory_space<vmem>>
        %dma_start3A_121 = tpu.memref_squeeze %dma_start3A_120 : memref<1x128xi32, #tpu.memory_space<vmem>> -> memref<128xi32, #tpu.memory_space<vmem>>
        %dma_start3A_122 = arith.constant 0 : i32
        %dma_start3A_123 = arith.constant 0 : i32
        %dma_start3A_124 = tpu.memref_slice %arg13[%dma_start3A_122, %dma_start3A_123] : memref<10016x64xf32, #tpu.memory_space<vmem_shared>> -> memref<10016x64xf32, #tpu.memory_space<vmem_shared>>
        tpu.enqueue_indirect_dma source(%arg9 : memref<128x64xf32, #tpu.memory_space<vmem>>) target(%dma_start3A_124 : memref<10016x64xf32, #tpu.memory_space<vmem_shared>>) offsets(%dma_start3A_121 : memref<128xi32, #tpu.memory_space<vmem>>) semaphore(%run_scoped3A : memref<!tpu.dma_semaphore, #tpu.memory_space<semaphore_mem>>) {add = true}
        %dma_wait3A_125 = arith.constant 0 : i32
        %dma_wait3A_126 = tpu.memref_slice %arg8[%add3A_56, %dma_wait3A_125] : memref<80x128xi32, #tpu.memory_space<vmem>> -> memref<1x128xi32, #tpu.memory_space<vmem>>
        %dma_wait3A_127 = tpu.memref_squeeze %dma_wait3A_126 : memref<1x128xi32, #tpu.memory_space<vmem>> -> memref<128xi32, #tpu.memory_space<vmem>>
        %dma_wait3A_128 = arith.constant 0 : i32
        %dma_wait3A_129 = arith.constant 0 : i32
        %dma_wait3A_130 = tpu.memref_slice %arg13[%dma_wait3A_128, %dma_wait3A_129] : memref<10016x64xf32, #tpu.memory_space<vmem_shared>> -> memref<10016x64xf32, #tpu.memory_space<vmem_shared>>
        tpu.wait_indirect_dma semaphore(%run_scoped3A : memref<!tpu.dma_semaphore, #tpu.memory_space<semaphore_mem>>) src(%arg9 : memref<128x64xf32, #tpu.memory_space<vmem>>) dst(%dma_wait3A_130 : memref<10016x64xf32, #tpu.memory_space<vmem_shared>>)
        tpu.yield
      }) : () -> ()
      %add3A_57 = arith.constant 4 : i32
      %add3A_58 = arith.addi %add3A_48, %add3A_57 : i32
      %add3A_59 = arith.constant 0 : i32
      %add3A_60 = arith.addi %add3A_58, %add3A_59 : i32
      %lt3A = arith.constant 80 : i32
      %lt3A_61 = arith.cmpi slt, %add3A_60, %lt3A : i32
      %convert_element_type3A_62 = arith.extui %lt3A_61 : i1 to i32
      %cond3A_63 = arith.constant 0 : i32
      %cond3A_64 = arith.cmpi ne, %convert_element_type3A_62, %cond3A_63 : i32
      scf.if %cond3A_64 {
        %add3A_119 = arith.constant 4 : i32
        %add3A_120 = arith.addi %add3A_48, %add3A_119 : i32
        %add3A_121 = arith.constant 0 : i32
        %add3A_122 = arith.addi %add3A_120, %add3A_121 : i32
        %dma_start3A_123 = arith.constant 0 : i32
        %dma_start3A_124 = tpu.memref_slice %arg7[%add3A_122, %dma_start3A_123] : memref<80x128xi32, #tpu.memory_space<vmem>> -> memref<1x128xi32, #tpu.memory_space<vmem>>
        %dma_start3A_125 = tpu.memref_squeeze %dma_start3A_124 : memref<1x128xi32, #tpu.memory_space<vmem>> -> memref<128xi32, #tpu.memory_space<vmem>>
        %dma_start3A_126 = arith.constant 0 : i32
        %dma_start3A_127 = arith.constant 0 : i32
        %dma_start3A_128 = tpu.memref_slice %arg4[%dma_start3A_126, %dma_start3A_127] : memref<10016x64xf32, #tpu.memory_space<hbm>> -> memref<10016x64xf32, #tpu.memory_space<hbm>>
        tpu.enqueue_indirect_dma source(%dma_start3A_128 : memref<10016x64xf32, #tpu.memory_space<hbm>>) target(%arg9 : memref<128x64xf32, #tpu.memory_space<vmem>>) offsets(%dma_start3A_125 : memref<128xi32, #tpu.memory_space<vmem>>) semaphore(%arg14 : memref<!tpu.dma_semaphore, #tpu.memory_space<semaphore_mem>>)
      } else {
      }
      %dma_wait3A_65 = arith.constant 0 : i32
      %dma_wait3A_66 = arith.constant 0 : i32
      %dma_wait3A_67 = tpu.memref_slice %arg7[%dma_wait3A_65, %dma_wait3A_66] : memref<80x128xi32, #tpu.memory_space<vmem>> -> memref<1x128xi32, #tpu.memory_space<vmem>>
      %dma_wait3A_68 = tpu.memref_squeeze %dma_wait3A_67 : memref<1x128xi32, #tpu.memory_space<vmem>> -> memref<128xi32, #tpu.memory_space<vmem>>
      %dma_wait3A_69 = arith.constant 0 : i32
      %dma_wait3A_70 = arith.constant 0 : i32
      %dma_wait3A_71 = tpu.memref_slice %arg4[%dma_wait3A_69, %dma_wait3A_70] : memref<10016x64xf32, #tpu.memory_space<hbm>> -> memref<10016x64xf32, #tpu.memory_space<hbm>>
      tpu.wait_indirect_dma semaphore(%arg15 : memref<!tpu.dma_semaphore, #tpu.memory_space<semaphore_mem>>) src(%dma_wait3A_71 : memref<10016x64xf32, #tpu.memory_space<hbm>>) dst(%arg10 : memref<128x64xf32, #tpu.memory_space<vmem>>)
      %add3A_72 = arith.constant 1 : i32
      %add3A_73 = arith.addi %add3A_48, %add3A_72 : i32
      "tpu.region"() ({
        %run_scoped3A = tpu.sem_alloc : memref<!tpu.dma_semaphore, #tpu.memory_space<semaphore_mem>>
        %dma_start3A_119 = arith.constant 0 : i32
        %dma_start3A_120 = tpu.memref_slice %arg8[%add3A_73, %dma_start3A_119] : memref<80x128xi32, #tpu.memory_space<vmem>> -> memref<1x128xi32, #tpu.memory_space<vmem>>
        %dma_start3A_121 = tpu.memref_squeeze %dma_start3A_120 : memref<1x128xi32, #tpu.memory_space<vmem>> -> memref<128xi32, #tpu.memory_space<vmem>>
        %dma_start3A_122 = arith.constant 0 : i32
        %dma_start3A_123 = arith.constant 0 : i32
        %dma_start3A_124 = tpu.memref_slice %arg13[%dma_start3A_122, %dma_start3A_123] : memref<10016x64xf32, #tpu.memory_space<vmem_shared>> -> memref<10016x64xf32, #tpu.memory_space<vmem_shared>>
        tpu.enqueue_indirect_dma source(%arg10 : memref<128x64xf32, #tpu.memory_space<vmem>>) target(%dma_start3A_124 : memref<10016x64xf32, #tpu.memory_space<vmem_shared>>) offsets(%dma_start3A_121 : memref<128xi32, #tpu.memory_space<vmem>>) semaphore(%run_scoped3A : memref<!tpu.dma_semaphore, #tpu.memory_space<semaphore_mem>>) {add = true}
        %dma_wait3A_125 = arith.constant 0 : i32
        %dma_wait3A_126 = tpu.memref_slice %arg8[%add3A_73, %dma_wait3A_125] : memref<80x128xi32, #tpu.memory_space<vmem>> -> memref<1x128xi32, #tpu.memory_space<vmem>>
        %dma_wait3A_127 = tpu.memref_squeeze %dma_wait3A_126 : memref<1x128xi32, #tpu.memory_space<vmem>> -> memref<128xi32, #tpu.memory_space<vmem>>
        %dma_wait3A_128 = arith.constant 0 : i32
        %dma_wait3A_129 = arith.constant 0 : i32
        %dma_wait3A_130 = tpu.memref_slice %arg13[%dma_wait3A_128, %dma_wait3A_129] : memref<10016x64xf32, #tpu.memory_space<vmem_shared>> -> memref<10016x64xf32, #tpu.memory_space<vmem_shared>>
        tpu.wait_indirect_dma semaphore(%run_scoped3A : memref<!tpu.dma_semaphore, #tpu.memory_space<semaphore_mem>>) src(%arg10 : memref<128x64xf32, #tpu.memory_space<vmem>>) dst(%dma_wait3A_130 : memref<10016x64xf32, #tpu.memory_space<vmem_shared>>)
        tpu.yield
      }) : () -> ()
      %add3A_74 = arith.constant 4 : i32
      %add3A_75 = arith.addi %add3A_48, %add3A_74 : i32
      %add3A_76 = arith.constant 1 : i32
      %add3A_77 = arith.addi %add3A_75, %add3A_76 : i32
      %lt3A_78 = arith.constant 80 : i32
      %lt3A_79 = arith.cmpi slt, %add3A_77, %lt3A_78 : i32
      %convert_element_type3A_80 = arith.extui %lt3A_79 : i1 to i32
      %cond3A_81 = arith.constant 0 : i32
      %cond3A_82 = arith.cmpi ne, %convert_element_type3A_80, %cond3A_81 : i32
      scf.if %cond3A_82 {
        %add3A_119 = arith.constant 4 : i32
        %add3A_120 = arith.addi %add3A_48, %add3A_119 : i32
        %add3A_121 = arith.constant 1 : i32
        %add3A_122 = arith.addi %add3A_120, %add3A_121 : i32
        %dma_start3A_123 = arith.constant 0 : i32
        %dma_start3A_124 = tpu.memref_slice %arg7[%add3A_122, %dma_start3A_123] : memref<80x128xi32, #tpu.memory_space<vmem>> -> memref<1x128xi32, #tpu.memory_space<vmem>>
        %dma_start3A_125 = tpu.memref_squeeze %dma_start3A_124 : memref<1x128xi32, #tpu.memory_space<vmem>> -> memref<128xi32, #tpu.memory_space<vmem>>
        %dma_start3A_126 = arith.constant 0 : i32
        %dma_start3A_127 = arith.constant 0 : i32
        %dma_start3A_128 = tpu.memref_slice %arg4[%dma_start3A_126, %dma_start3A_127] : memref<10016x64xf32, #tpu.memory_space<hbm>> -> memref<10016x64xf32, #tpu.memory_space<hbm>>
        tpu.enqueue_indirect_dma source(%dma_start3A_128 : memref<10016x64xf32, #tpu.memory_space<hbm>>) target(%arg10 : memref<128x64xf32, #tpu.memory_space<vmem>>) offsets(%dma_start3A_125 : memref<128xi32, #tpu.memory_space<vmem>>) semaphore(%arg15 : memref<!tpu.dma_semaphore, #tpu.memory_space<semaphore_mem>>)
      } else {
      }
      %dma_wait3A_83 = arith.constant 0 : i32
      %dma_wait3A_84 = arith.constant 0 : i32
      %dma_wait3A_85 = tpu.memref_slice %arg7[%dma_wait3A_83, %dma_wait3A_84] : memref<80x128xi32, #tpu.memory_space<vmem>> -> memref<1x128xi32, #tpu.memory_space<vmem>>
      %dma_wait3A_86 = tpu.memref_squeeze %dma_wait3A_85 : memref<1x128xi32, #tpu.memory_space<vmem>> -> memref<128xi32, #tpu.memory_space<vmem>>
      %dma_wait3A_87 = arith.constant 0 : i32
      %dma_wait3A_88 = arith.constant 0 : i32
      %dma_wait3A_89 = tpu.memref_slice %arg4[%dma_wait3A_87, %dma_wait3A_88] : memref<10016x64xf32, #tpu.memory_space<hbm>> -> memref<10016x64xf32, #tpu.memory_space<hbm>>
      tpu.wait_indirect_dma semaphore(%arg16 : memref<!tpu.dma_semaphore, #tpu.memory_space<semaphore_mem>>) src(%dma_wait3A_89 : memref<10016x64xf32, #tpu.memory_space<hbm>>) dst(%arg11 : memref<128x64xf32, #tpu.memory_space<vmem>>)
      %add3A_90 = arith.constant 2 : i32
      %add3A_91 = arith.addi %add3A_48, %add3A_90 : i32
      "tpu.region"() ({
        %run_scoped3A = tpu.sem_alloc : memref<!tpu.dma_semaphore, #tpu.memory_space<semaphore_mem>>
        %dma_start3A_119 = arith.constant 0 : i32
        %dma_start3A_120 = tpu.memref_slice %arg8[%add3A_91, %dma_start3A_119] : memref<80x128xi32, #tpu.memory_space<vmem>> -> memref<1x128xi32, #tpu.memory_space<vmem>>
        %dma_start3A_121 = tpu.memref_squeeze %dma_start3A_120 : memref<1x128xi32, #tpu.memory_space<vmem>> -> memref<128xi32, #tpu.memory_space<vmem>>
        %dma_start3A_122 = arith.constant 0 : i32
        %dma_start3A_123 = arith.constant 0 : i32
        %dma_start3A_124 = tpu.memref_slice %arg13[%dma_start3A_122, %dma_start3A_123] : memref<10016x64xf32, #tpu.memory_space<vmem_shared>> -> memref<10016x64xf32, #tpu.memory_space<vmem_shared>>
        tpu.enqueue_indirect_dma source(%arg11 : memref<128x64xf32, #tpu.memory_space<vmem>>) target(%dma_start3A_124 : memref<10016x64xf32, #tpu.memory_space<vmem_shared>>) offsets(%dma_start3A_121 : memref<128xi32, #tpu.memory_space<vmem>>) semaphore(%run_scoped3A : memref<!tpu.dma_semaphore, #tpu.memory_space<semaphore_mem>>) {add = true}
        %dma_wait3A_125 = arith.constant 0 : i32
        %dma_wait3A_126 = tpu.memref_slice %arg8[%add3A_91, %dma_wait3A_125] : memref<80x128xi32, #tpu.memory_space<vmem>> -> memref<1x128xi32, #tpu.memory_space<vmem>>
        %dma_wait3A_127 = tpu.memref_squeeze %dma_wait3A_126 : memref<1x128xi32, #tpu.memory_space<vmem>> -> memref<128xi32, #tpu.memory_space<vmem>>
        %dma_wait3A_128 = arith.constant 0 : i32
        %dma_wait3A_129 = arith.constant 0 : i32
        %dma_wait3A_130 = tpu.memref_slice %arg13[%dma_wait3A_128, %dma_wait3A_129] : memref<10016x64xf32, #tpu.memory_space<vmem_shared>> -> memref<10016x64xf32, #tpu.memory_space<vmem_shared>>
        tpu.wait_indirect_dma semaphore(%run_scoped3A : memref<!tpu.dma_semaphore, #tpu.memory_space<semaphore_mem>>) src(%arg11 : memref<128x64xf32, #tpu.memory_space<vmem>>) dst(%dma_wait3A_130 : memref<10016x64xf32, #tpu.memory_space<vmem_shared>>)
        tpu.yield
      }) : () -> ()
      %add3A_92 = arith.constant 4 : i32
      %add3A_93 = arith.addi %add3A_48, %add3A_92 : i32
      %add3A_94 = arith.constant 2 : i32
      %add3A_95 = arith.addi %add3A_93, %add3A_94 : i32
      %lt3A_96 = arith.constant 80 : i32
      %lt3A_97 = arith.cmpi slt, %add3A_95, %lt3A_96 : i32
      %convert_element_type3A_98 = arith.extui %lt3A_97 : i1 to i32
      %cond3A_99 = arith.constant 0 : i32
      %cond3A_100 = arith.cmpi ne, %convert_element_type3A_98, %cond3A_99 : i32
      scf.if %cond3A_100 {
        %add3A_119 = arith.constant 4 : i32
        %add3A_120 = arith.addi %add3A_48, %add3A_119 : i32
        %add3A_121 = arith.constant 2 : i32
        %add3A_122 = arith.addi %add3A_120, %add3A_121 : i32
        %dma_start3A_123 = arith.constant 0 : i32
        %dma_start3A_124 = tpu.memref_slice %arg7[%add3A_122, %dma_start3A_123] : memref<80x128xi32, #tpu.memory_space<vmem>> -> memref<1x128xi32, #tpu.memory_space<vmem>>
        %dma_start3A_125 = tpu.memref_squeeze %dma_start3A_124 : memref<1x128xi32, #tpu.memory_space<vmem>> -> memref<128xi32, #tpu.memory_space<vmem>>
        %dma_start3A_126 = arith.constant 0 : i32
        %dma_start3A_127 = arith.constant 0 : i32
        %dma_start3A_128 = tpu.memref_slice %arg4[%dma_start3A_126, %dma_start3A_127] : memref<10016x64xf32, #tpu.memory_space<hbm>> -> memref<10016x64xf32, #tpu.memory_space<hbm>>
        tpu.enqueue_indirect_dma source(%dma_start3A_128 : memref<10016x64xf32, #tpu.memory_space<hbm>>) target(%arg11 : memref<128x64xf32, #tpu.memory_space<vmem>>) offsets(%dma_start3A_125 : memref<128xi32, #tpu.memory_space<vmem>>) semaphore(%arg16 : memref<!tpu.dma_semaphore, #tpu.memory_space<semaphore_mem>>)
      } else {
      }
      %dma_wait3A_101 = arith.constant 0 : i32
      %dma_wait3A_102 = arith.constant 0 : i32
      %dma_wait3A_103 = tpu.memref_slice %arg7[%dma_wait3A_101, %dma_wait3A_102] : memref<80x128xi32, #tpu.memory_space<vmem>> -> memref<1x128xi32, #tpu.memory_space<vmem>>
      %dma_wait3A_104 = tpu.memref_squeeze %dma_wait3A_103 : memref<1x128xi32, #tpu.memory_space<vmem>> -> memref<128xi32, #tpu.memory_space<vmem>>
      %dma_wait3A_105 = arith.constant 0 : i32
      %dma_wait3A_106 = arith.constant 0 : i32
      %dma_wait3A_107 = tpu.memref_slice %arg4[%dma_wait3A_105, %dma_wait3A_106] : memref<10016x64xf32, #tpu.memory_space<hbm>> -> memref<10016x64xf32, #tpu.memory_space<hbm>>
      tpu.wait_indirect_dma semaphore(%arg17 : memref<!tpu.dma_semaphore, #tpu.memory_space<semaphore_mem>>) src(%dma_wait3A_107 : memref<10016x64xf32, #tpu.memory_space<hbm>>) dst(%arg12 : memref<128x64xf32, #tpu.memory_space<vmem>>)
      %add3A_108 = arith.constant 3 : i32
      %add3A_109 = arith.addi %add3A_48, %add3A_108 : i32
      "tpu.region"() ({
        %run_scoped3A = tpu.sem_alloc : memref<!tpu.dma_semaphore, #tpu.memory_space<semaphore_mem>>
        %dma_start3A_119 = arith.constant 0 : i32
        %dma_start3A_120 = tpu.memref_slice %arg8[%add3A_109, %dma_start3A_119] : memref<80x128xi32, #tpu.memory_space<vmem>> -> memref<1x128xi32, #tpu.memory_space<vmem>>
        %dma_start3A_121 = tpu.memref_squeeze %dma_start3A_120 : memref<1x128xi32, #tpu.memory_space<vmem>> -> memref<128xi32, #tpu.memory_space<vmem>>
        %dma_start3A_122 = arith.constant 0 : i32
        %dma_start3A_123 = arith.constant 0 : i32
        %dma_start3A_124 = tpu.memref_slice %arg13[%dma_start3A_122, %dma_start3A_123] : memref<10016x64xf32, #tpu.memory_space<vmem_shared>> -> memref<10016x64xf32, #tpu.memory_space<vmem_shared>>
        tpu.enqueue_indirect_dma source(%arg12 : memref<128x64xf32, #tpu.memory_space<vmem>>) target(%dma_start3A_124 : memref<10016x64xf32, #tpu.memory_space<vmem_shared>>) offsets(%dma_start3A_121 : memref<128xi32, #tpu.memory_space<vmem>>) semaphore(%run_scoped3A : memref<!tpu.dma_semaphore, #tpu.memory_space<semaphore_mem>>) {add = true}
        %dma_wait3A_125 = arith.constant 0 : i32
        %dma_wait3A_126 = tpu.memref_slice %arg8[%add3A_109, %dma_wait3A_125] : memref<80x128xi32, #tpu.memory_space<vmem>> -> memref<1x128xi32, #tpu.memory_space<vmem>>
        %dma_wait3A_127 = tpu.memref_squeeze %dma_wait3A_126 : memref<1x128xi32, #tpu.memory_space<vmem>> -> memref<128xi32, #tpu.memory_space<vmem>>
        %dma_wait3A_128 = arith.constant 0 : i32
        %dma_wait3A_129 = arith.constant 0 : i32
        %dma_wait3A_130 = tpu.memref_slice %arg13[%dma_wait3A_128, %dma_wait3A_129] : memref<10016x64xf32, #tpu.memory_space<vmem_shared>> -> memref<10016x64xf32, #tpu.memory_space<vmem_shared>>
        tpu.wait_indirect_dma semaphore(%run_scoped3A : memref<!tpu.dma_semaphore, #tpu.memory_space<semaphore_mem>>) src(%arg12 : memref<128x64xf32, #tpu.memory_space<vmem>>) dst(%dma_wait3A_130 : memref<10016x64xf32, #tpu.memory_space<vmem_shared>>)
        tpu.yield
      }) : () -> ()
      %add3A_110 = arith.constant 4 : i32
      %add3A_111 = arith.addi %add3A_48, %add3A_110 : i32
      %add3A_112 = arith.constant 3 : i32
      %add3A_113 = arith.addi %add3A_111, %add3A_112 : i32
      %lt3A_114 = arith.constant 80 : i32
      %lt3A_115 = arith.cmpi slt, %add3A_113, %lt3A_114 : i32
      %convert_element_type3A_116 = arith.extui %lt3A_115 : i1 to i32
      %cond3A_117 = arith.constant 0 : i32
      %cond3A_118 = arith.cmpi ne, %convert_element_type3A_116, %cond3A_117 : i32
      scf.if %cond3A_118 {
        %add3A_119 = arith.constant 4 : i32
        %add3A_120 = arith.addi %add3A_48, %add3A_119 : i32
        %add3A_121 = arith.constant 3 : i32
        %add3A_122 = arith.addi %add3A_120, %add3A_121 : i32
        %dma_start3A_123 = arith.constant 0 : i32
        %dma_start3A_124 = tpu.memref_slice %arg7[%add3A_122, %dma_start3A_123] : memref<80x128xi32, #tpu.memory_space<vmem>> -> memref<1x128xi32, #tpu.memory_space<vmem>>
        %dma_start3A_125 = tpu.memref_squeeze %dma_start3A_124 : memref<1x128xi32, #tpu.memory_space<vmem>> -> memref<128xi32, #tpu.memory_space<vmem>>
        %dma_start3A_126 = arith.constant 0 : i32
        %dma_start3A_127 = arith.constant 0 : i32
        %dma_start3A_128 = tpu.memref_slice %arg4[%dma_start3A_126, %dma_start3A_127] : memref<10016x64xf32, #tpu.memory_space<hbm>> -> memref<10016x64xf32, #tpu.memory_space<hbm>>
        tpu.enqueue_indirect_dma source(%dma_start3A_128 : memref<10016x64xf32, #tpu.memory_space<hbm>>) target(%arg12 : memref<128x64xf32, #tpu.memory_space<vmem>>) offsets(%dma_start3A_125 : memref<128xi32, #tpu.memory_space<vmem>>) semaphore(%arg17 : memref<!tpu.dma_semaphore, #tpu.memory_space<semaphore_mem>>)
      } else {
      }
    }
    %scan3A_42 = arith.constant 20 : i32
    %barrier3A_43 = arith.constant 0 : index
    tpu.barrier barrier_id(%barrier3A_43)
    "tpu.region"() ({
      %run_scoped3A = tpu.sem_alloc : memref<!tpu.dma_semaphore, #tpu.memory_space<semaphore_mem>>
      %dma_start3A_44 = arith.constant 0 : i32
      %dma_start3A_45 = tpu.memref_slice %arg6[%arg0, %mul3A_0, %dma_start3A_44] : memref<2x10016x64xf32, #tpu.memory_space<hbm>> -> memref<1x626x64xf32, #tpu.memory_space<hbm>>
      %dma_start3A_46 = tpu.memref_squeeze %dma_start3A_45 : memref<1x626x64xf32, #tpu.memory_space<hbm>> -> memref<626x64xf32, #tpu.memory_space<hbm>>
      %dma_start3A_47 = arith.constant 0 : i32
      %dma_start3A_48 = tpu.memref_slice %arg13[%mul3A_0, %dma_start3A_47] : memref<10016x64xf32, #tpu.memory_space<vmem_shared>> -> memref<626x64xf32, #tpu.memory_space<vmem_shared>>
      tpu.enqueue_dma source(%dma_start3A_48 : memref<626x64xf32, #tpu.memory_space<vmem_shared>>) target(%dma_start3A_46 : memref<626x64xf32, #tpu.memory_space<hbm>>) target_semaphore(%run_scoped3A : memref<!tpu.dma_semaphore, #tpu.memory_space<semaphore_mem>>)
      %dma_wait3A = arith.constant 0 : i32
      %dma_wait3A_49 = tpu.memref_slice %arg6[%arg0, %mul3A_0, %dma_wait3A] : memref<2x10016x64xf32, #tpu.memory_space<hbm>> -> memref<1x626x64xf32, #tpu.memory_space<hbm>>
      %dma_wait3A_50 = tpu.memref_squeeze %dma_wait3A_49 : memref<1x626x64xf32, #tpu.memory_space<hbm>> -> memref<626x64xf32, #tpu.memory_space<hbm>>
      %dma_wait3A_51 = arith.constant 0 : i32
      %dma_wait3A_52 = tpu.memref_slice %arg13[%mul3A_0, %dma_wait3A_51] : memref<10016x64xf32, #tpu.memory_space<vmem_shared>> -> memref<626x64xf32, #tpu.memory_space<vmem_shared>>
      tpu.wait_dma2 semaphore(%run_scoped3A : memref<!tpu.dma_semaphore, #tpu.memory_space<semaphore_mem>>) src(%dma_wait3A_52 : memref<626x64xf32, #tpu.memory_space<vmem_shared>>) dst(%dma_wait3A_50 : memref<626x64xf32, #tpu.memory_space<hbm>>)
      tpu.yield
    }) : () -> ()
    return
  }
}

#map = affine_map<(d0, d1) -> (0)>
#map1 = affine_map<(d0, d1) -> (0, 0)>
module attributes {stable_mosaic.version = 14 : i64} {
  func.func @sc_prep(%arg0: i32, %arg1: i32, %arg2: memref<327680xi32, #tpu.memory_space<hbm>>, %arg3: memref<800x128xi32, #tpu.memory_space<hbm>>, %arg4: memref<320000xi32, #tpu.memory_space<hbm>>, %arg5: memref<320000xi32, #tpu.memory_space<hbm>>, %arg6: memref<320000x16xf32, #tpu.memory_space<hbm>>, %arg7: memref<32x10016xf32, #tpu.memory_space<hbm>>, %arg8: memref<102400xi32, #tpu.memory_space<hbm>>, %arg9: memref<102400xi32, #tpu.memory_space<hbm>>, %arg10: memref<102400x16xf32, #tpu.memory_space<hbm>>, %arg11: memref<10016xf32, #tpu.memory_space<vmem>>, %arg12: memref<2048xi32, #tpu.memory_space<vmem>>, %arg13: memref<25x128xi32, #tpu.memory_space<vmem>>, %arg14: memref<128xi32, #tpu.memory_space<vmem>>, %arg15: memref<128xi32, #tpu.memory_space<vmem>>, %arg16: memref<128x16xf32, #tpu.memory_space<vmem>>, %arg17: memref<128xi32, #tpu.memory_space<vmem>>, %arg18: memref<128xi32, #tpu.memory_space<vmem>>, %arg19: memref<128x16xf32, #tpu.memory_space<vmem>>, %arg20: memref<!tpu.dma_semaphore, #tpu.memory_space<semaphore_mem>>, %arg21: memref<!tpu.dma_semaphore, #tpu.memory_space<semaphore_mem>>) attributes {dimension_semantics = [#tpu.dimension_semantics<core_parallel>, #tpu.dimension_semantics<subcore_parallel>], iteration_bounds = array<i64: 2, 16>, scalar_prefetch = 0 : i64, scratch_operands = 11 : i64, tpu.core_type = #tpu.core_type<sc_vector_subcore>, window_params = [{transform_indices = #map}, {transform_indices = #map1}, {transform_indices = #map}, {transform_indices = #map}, {transform_indices = #map1}, {transform_indices = #map1}, {transform_indices = #map}, {transform_indices = #map}, {transform_indices = #map1}]} {
    %mul3A = arith.constant 2 : i32
    %mul3A_0 = arith.muli %arg1, %mul3A : i32
    %add3A = arith.addi %mul3A_0, %arg0 : i32
    %broadcast_in_dim3A = arith.constant 1.000000e+00 : f32
    %broadcast_in_dim3A_1 = vector.broadcast %broadcast_in_dim3A : f32 to vector<16xf32>
    %broadcast_in_dim3A_2 = arith.constant 0.000000e+00 : f32
    %broadcast_in_dim3A_3 = vector.broadcast %broadcast_in_dim3A_2 : f32 to vector<16xf32>
    %mul3A_4 = arith.constant 25 : i32
    %mul3A_5 = arith.muli %add3A, %mul3A_4 : i32
    "tpu.region"() ({
      %run_scoped3A = tpu.sem_alloc : memref<!tpu.dma_semaphore, #tpu.memory_space<semaphore_mem>>
      %dma_start3A_81 = arith.constant 0 : i32
      %dma_start3A_82 = tpu.memref_slice %arg3[%mul3A_5, %dma_start3A_81] : memref<800x128xi32, #tpu.memory_space<hbm>> -> memref<25x128xi32, #tpu.memory_space<hbm>>
      %dma_start3A_83 = arith.constant 0 : i32
      %dma_start3A_84 = tpu.memref_slice %arg3[%mul3A_5, %dma_start3A_83] : memref<800x128xi32, #tpu.memory_space<hbm>> -> memref<25x128xi32, #tpu.memory_space<hbm>>
      tpu.enqueue_dma source(%dma_start3A_84 : memref<25x128xi32, #tpu.memory_space<hbm>>) target(%arg13 : memref<25x128xi32, #tpu.memory_space<vmem>>) target_semaphore(%run_scoped3A : memref<!tpu.dma_semaphore, #tpu.memory_space<semaphore_mem>>)
      %dma_wait3A_85 = arith.constant 0 : i32
      %dma_wait3A_86 = tpu.memref_slice %arg3[%mul3A_5, %dma_wait3A_85] : memref<800x128xi32, #tpu.memory_space<hbm>> -> memref<25x128xi32, #tpu.memory_space<hbm>>
      %dma_wait3A_87 = arith.constant 0 : i32
      %dma_wait3A_88 = tpu.memref_slice %arg3[%mul3A_5, %dma_wait3A_87] : memref<800x128xi32, #tpu.memory_space<hbm>> -> memref<25x128xi32, #tpu.memory_space<hbm>>
      tpu.wait_dma2 semaphore(%run_scoped3A : memref<!tpu.dma_semaphore, #tpu.memory_space<semaphore_mem>>) src(%dma_wait3A_88 : memref<25x128xi32, #tpu.memory_space<hbm>>) dst(%arg13 : memref<25x128xi32, #tpu.memory_space<vmem>>)
      tpu.yield
    }) : () -> ()
    %dma_start3A = arith.constant 0 : i32
    %dma_start3A_6 = arith.constant 0 : i32
    %dma_start3A_7 = tpu.memref_slice %arg13[%dma_start3A, %dma_start3A_6] : memref<25x128xi32, #tpu.memory_space<vmem>> -> memref<1x128xi32, #tpu.memory_space<vmem>>
    %dma_start3A_8 = tpu.memref_squeeze %dma_start3A_7 : memref<1x128xi32, #tpu.memory_space<vmem>> -> memref<128xi32, #tpu.memory_space<vmem>>
    %dma_start3A_9 = arith.constant 0 : i32
    %dma_start3A_10 = tpu.memref_slice %arg4[%dma_start3A_9] : memref<320000xi32, #tpu.memory_space<hbm>> -> memref<320000xi32, #tpu.memory_space<hbm>>
    tpu.enqueue_indirect_dma source(%dma_start3A_10 : memref<320000xi32, #tpu.memory_space<hbm>>) target(%arg14 : memref<128xi32, #tpu.memory_space<vmem>>) offsets(%dma_start3A_8 : memref<128xi32, #tpu.memory_space<vmem>>) semaphore(%arg20 : memref<!tpu.dma_semaphore, #tpu.memory_space<semaphore_mem>>)
    %dma_start3A_11 = arith.constant 0 : i32
    %dma_start3A_12 = arith.constant 0 : i32
    %dma_start3A_13 = tpu.memref_slice %arg13[%dma_start3A_11, %dma_start3A_12] : memref<25x128xi32, #tpu.memory_space<vmem>> -> memref<1x128xi32, #tpu.memory_space<vmem>>
    %dma_start3A_14 = tpu.memref_squeeze %dma_start3A_13 : memref<1x128xi32, #tpu.memory_space<vmem>> -> memref<128xi32, #tpu.memory_space<vmem>>
    %dma_start3A_15 = arith.constant 0 : i32
    %dma_start3A_16 = tpu.memref_slice %arg5[%dma_start3A_15] : memref<320000xi32, #tpu.memory_space<hbm>> -> memref<320000xi32, #tpu.memory_space<hbm>>
    tpu.enqueue_indirect_dma source(%dma_start3A_16 : memref<320000xi32, #tpu.memory_space<hbm>>) target(%arg15 : memref<128xi32, #tpu.memory_space<vmem>>) offsets(%dma_start3A_14 : memref<128xi32, #tpu.memory_space<vmem>>) semaphore(%arg20 : memref<!tpu.dma_semaphore, #tpu.memory_space<semaphore_mem>>)
    %dma_start3A_17 = arith.constant 0 : i32
    %dma_start3A_18 = arith.constant 0 : i32
    %dma_start3A_19 = tpu.memref_slice %arg13[%dma_start3A_17, %dma_start3A_18] : memref<25x128xi32, #tpu.memory_space<vmem>> -> memref<1x128xi32, #tpu.memory_space<vmem>>
    %dma_start3A_20 = tpu.memref_squeeze %dma_start3A_19 : memref<1x128xi32, #tpu.memory_space<vmem>> -> memref<128xi32, #tpu.memory_space<vmem>>
    %dma_start3A_21 = arith.constant 0 : i32
    %dma_start3A_22 = arith.constant 0 : i32
    %dma_start3A_23 = tpu.memref_slice %arg6[%dma_start3A_21, %dma_start3A_22] : memref<320000x16xf32, #tpu.memory_space<hbm>> -> memref<320000x16xf32, #tpu.memory_space<hbm>>
    tpu.enqueue_indirect_dma source(%dma_start3A_23 : memref<320000x16xf32, #tpu.memory_space<hbm>>) target(%arg16 : memref<128x16xf32, #tpu.memory_space<vmem>>) offsets(%dma_start3A_20 : memref<128xi32, #tpu.memory_space<vmem>>) semaphore(%arg20 : memref<!tpu.dma_semaphore, #tpu.memory_space<semaphore_mem>>)
    %dma_start3A_24 = arith.constant 1 : i32
    %dma_start3A_25 = arith.constant 0 : i32
    %dma_start3A_26 = tpu.memref_slice %arg13[%dma_start3A_24, %dma_start3A_25] : memref<25x128xi32, #tpu.memory_space<vmem>> -> memref<1x128xi32, #tpu.memory_space<vmem>>
    %dma_start3A_27 = tpu.memref_squeeze %dma_start3A_26 : memref<1x128xi32, #tpu.memory_space<vmem>> -> memref<128xi32, #tpu.memory_space<vmem>>
    %dma_start3A_28 = arith.constant 0 : i32
    %dma_start3A_29 = tpu.memref_slice %arg4[%dma_start3A_28] : memref<320000xi32, #tpu.memory_space<hbm>> -> memref<320000xi32, #tpu.memory_space<hbm>>
    tpu.enqueue_indirect_dma source(%dma_start3A_29 : memref<320000xi32, #tpu.memory_space<hbm>>) target(%arg17 : memref<128xi32, #tpu.memory_space<vmem>>) offsets(%dma_start3A_27 : memref<128xi32, #tpu.memory_space<vmem>>) semaphore(%arg21 : memref<!tpu.dma_semaphore, #tpu.memory_space<semaphore_mem>>)
    %dma_start3A_30 = arith.constant 1 : i32
    %dma_start3A_31 = arith.constant 0 : i32
    %dma_start3A_32 = tpu.memref_slice %arg13[%dma_start3A_30, %dma_start3A_31] : memref<25x128xi32, #tpu.memory_space<vmem>> -> memref<1x128xi32, #tpu.memory_space<vmem>>
    %dma_start3A_33 = tpu.memref_squeeze %dma_start3A_32 : memref<1x128xi32, #tpu.memory_space<vmem>> -> memref<128xi32, #tpu.memory_space<vmem>>
    %dma_start3A_34 = arith.constant 0 : i32
    %dma_start3A_35 = tpu.memref_slice %arg5[%dma_start3A_34] : memref<320000xi32, #tpu.memory_space<hbm>> -> memref<320000xi32, #tpu.memory_space<hbm>>
    tpu.enqueue_indirect_dma source(%dma_start3A_35 : memref<320000xi32, #tpu.memory_space<hbm>>) target(%arg18 : memref<128xi32, #tpu.memory_space<vmem>>) offsets(%dma_start3A_33 : memref<128xi32, #tpu.memory_space<vmem>>) semaphore(%arg21 : memref<!tpu.dma_semaphore, #tpu.memory_space<semaphore_mem>>)
    %dma_start3A_36 = arith.constant 1 : i32
    %dma_start3A_37 = arith.constant 0 : i32
    %dma_start3A_38 = tpu.memref_slice %arg13[%dma_start3A_36, %dma_start3A_37] : memref<25x128xi32, #tpu.memory_space<vmem>> -> memref<1x128xi32, #tpu.memory_space<vmem>>
    %dma_start3A_39 = tpu.memref_squeeze %dma_start3A_38 : memref<1x128xi32, #tpu.memory_space<vmem>> -> memref<128xi32, #tpu.memory_space<vmem>>
    %dma_start3A_40 = arith.constant 0 : i32
    %dma_start3A_41 = arith.constant 0 : i32
    %dma_start3A_42 = tpu.memref_slice %arg6[%dma_start3A_40, %dma_start3A_41] : memref<320000x16xf32, #tpu.memory_space<hbm>> -> memref<320000x16xf32, #tpu.memory_space<hbm>>
    tpu.enqueue_indirect_dma source(%dma_start3A_42 : memref<320000x16xf32, #tpu.memory_space<hbm>>) target(%arg19 : memref<128x16xf32, #tpu.memory_space<vmem>>) offsets(%dma_start3A_39 : memref<128xi32, #tpu.memory_space<vmem>>) semaphore(%arg21 : memref<!tpu.dma_semaphore, #tpu.memory_space<semaphore_mem>>)
    %scan3A = arith.constant 0 : i32
    %scan3A_43 = arith.constant 626 : i32
    %scan3A_44 = arith.addi %scan3A, %scan3A_43 : i32
    %scan3A_45 = arith.constant 1 : i32
    scf.for %scan3A_81 = %scan3A to %scan3A_44 step %scan3A_45  : i32 {
      %mul3A_82 = arith.constant 1 : i32
      %mul3A_83 = arith.muli %scan3A_81, %mul3A_82 : i32
      %add3A_84 = arith.constant 0 : i32
      %add3A_85 = arith.addi %add3A_84, %mul3A_83 : i32
      %mul3A_86 = arith.constant 16 : i32
      %mul3A_87 = arith.muli %add3A_85, %mul3A_86 : i32
      %swap3A = arith.index_cast %mul3A_87 : i32 to index
      %swap3A_88 = tpu.vector_load %arg11[%swap3A] {strides = array<i32>} : memref<10016xf32, #tpu.memory_space<vmem>>, vector<16xf32>,
      tpu.vector_store %arg11[%swap3A], %broadcast_in_dim3A_3 {strides = array<i32>} : memref<10016xf32, #tpu.memory_space<vmem>>, vector<16xf32>,
    }
    %scan3A_46 = arith.constant 626 : i32
    %mul3A_47 = arith.constant 10240 : i32
    %mul3A_48 = arith.muli %add3A, %mul3A_47 : i32
    %scan3A_49 = arith.constant 0 : i32
    %scan3A_50 = arith.constant 5 : i32
    %scan3A_51 = arith.addi %scan3A_49, %scan3A_50 : i32
    %scan3A_52 = arith.constant 1 : i32
    scf.for %scan3A_81 = %scan3A_49 to %scan3A_51 step %scan3A_52  : i32 {
      %mul3A_82 = arith.constant 1 : i32
      %mul3A_83 = arith.muli %scan3A_81, %mul3A_82 : i32
      %add3A_84 = arith.constant 0 : i32
      %add3A_85 = arith.addi %add3A_84, %mul3A_83 : i32
      %mul3A_86 = arith.constant 2048 : i32
      %mul3A_87 = arith.muli %add3A_85, %mul3A_86 : i32
      %add3A_88 = arith.addi %mul3A_48, %mul3A_87 : i32
      "tpu.region"() ({
        %run_scoped3A = tpu.sem_alloc : memref<!tpu.dma_semaphore, #tpu.memory_space<semaphore_mem>>
        %dma_start3A_94 = tpu.memref_slice %arg2[%add3A_88] : memref<327680xi32, #tpu.memory_space<hbm>> -> memref<2048xi32, #tpu.memory_space<hbm>>
        %dma_start3A_95 = tpu.memref_slice %arg2[%add3A_88] : memref<327680xi32, #tpu.memory_space<hbm>> -> memref<2048xi32, #tpu.memory_space<hbm>>
        tpu.enqueue_dma source(%dma_start3A_95 : memref<2048xi32, #tpu.memory_space<hbm>>) target(%arg12 : memref<2048xi32, #tpu.memory_space<vmem>>) target_semaphore(%run_scoped3A : memref<!tpu.dma_semaphore, #tpu.memory_space<semaphore_mem>>)
        %dma_wait3A_96 = tpu.memref_slice %arg2[%add3A_88] : memref<327680xi32, #tpu.memory_space<hbm>> -> memref<2048xi32, #tpu.memory_space<hbm>>
        %dma_wait3A_97 = tpu.memref_slice %arg2[%add3A_88] : memref<327680xi32, #tpu.memory_space<hbm>> -> memref<2048xi32, #tpu.memory_space<hbm>>
        tpu.wait_dma2 semaphore(%run_scoped3A : memref<!tpu.dma_semaphore, #tpu.memory_space<semaphore_mem>>) src(%dma_wait3A_97 : memref<2048xi32, #tpu.memory_space<hbm>>) dst(%arg12 : memref<2048xi32, #tpu.memory_space<vmem>>)
        tpu.yield
      }) : () -> ()
      %scan3A_89 = arith.constant 0 : i32
      %scan3A_90 = arith.constant 128 : i32
      %scan3A_91 = arith.addi %scan3A_89, %scan3A_90 : i32
      %scan3A_92 = arith.constant 1 : i32
      scf.for %scan3A_94 = %scan3A_89 to %scan3A_91 step %scan3A_92  : i32 {
        %mul3A_95 = arith.constant 1 : i32
        %mul3A_96 = arith.muli %scan3A_94, %mul3A_95 : i32
        %add3A_97 = arith.constant 0 : i32
        %add3A_98 = arith.addi %add3A_97, %mul3A_96 : i32
        %mul3A_99 = arith.constant 16 : i32
        %mul3A_100 = arith.muli %add3A_98, %mul3A_99 : i32
        %get3A = arith.index_cast %mul3A_100 : i32 to index
        %get3A_101 = tpu.vector_load %arg12[%get3A] {strides = array<i32>} : memref<2048xi32, #tpu.memory_space<vmem>>, vector<16xi32>,
        tpu.vector_store_idx %arg11[%get3A_101], %broadcast_in_dim3A_1 {add = true} : memref<10016xf32, #tpu.memory_space<vmem>>[vector<16xi32>], vector<16xf32>,
      }
      %scan3A_93 = arith.constant 128 : i32
    }
    %scan3A_53 = arith.constant 5 : i32
    "tpu.region"() ({
      %run_scoped3A = tpu.sem_alloc : memref<!tpu.dma_semaphore, #tpu.memory_space<semaphore_mem>>
      %dma_start3A_81 = arith.constant 0 : i32
      %dma_start3A_82 = tpu.memref_slice %arg7[%add3A, %dma_start3A_81] : memref<32x10016xf32, #tpu.memory_space<hbm>> -> memref<1x10016xf32, #tpu.memory_space<hbm>>
      %dma_start3A_83 = tpu.memref_squeeze %dma_start3A_82 : memref<1x10016xf32, #tpu.memory_space<hbm>> -> memref<10016xf32, #tpu.memory_space<hbm>>
      %dma_start3A_84 = arith.constant 0 : i32
      %dma_start3A_85 = tpu.memref_slice %arg7[%add3A, %dma_start3A_84] : memref<32x10016xf32, #tpu.memory_space<hbm>> -> memref<1x10016xf32, #tpu.memory_space<hbm>>
      %dma_start3A_86 = tpu.memref_squeeze %dma_start3A_85 : memref<1x10016xf32, #tpu.memory_space<hbm>> -> memref<10016xf32, #tpu.memory_space<hbm>>
      tpu.enqueue_dma source(%arg11 : memref<10016xf32, #tpu.memory_space<vmem>>) target(%dma_start3A_86 : memref<10016xf32, #tpu.memory_space<hbm>>) target_semaphore(%run_scoped3A : memref<!tpu.dma_semaphore, #tpu.memory_space<semaphore_mem>>)
      %dma_wait3A_87 = arith.constant 0 : i32
      %dma_wait3A_88 = tpu.memref_slice %arg7[%add3A, %dma_wait3A_87] : memref<32x10016xf32, #tpu.memory_space<hbm>> -> memref<1x10016xf32, #tpu.memory_space<hbm>>
      %dma_wait3A_89 = tpu.memref_squeeze %dma_wait3A_88 : memref<1x10016xf32, #tpu.memory_space<hbm>> -> memref<10016xf32, #tpu.memory_space<hbm>>
      %dma_wait3A_90 = arith.constant 0 : i32
      %dma_wait3A_91 = tpu.memref_slice %arg7[%add3A, %dma_wait3A_90] : memref<32x10016xf32, #tpu.memory_space<hbm>> -> memref<1x10016xf32, #tpu.memory_space<hbm>>
      %dma_wait3A_92 = tpu.memref_squeeze %dma_wait3A_91 : memref<1x10016xf32, #tpu.memory_space<hbm>> -> memref<10016xf32, #tpu.memory_space<hbm>>
      tpu.wait_dma2 semaphore(%run_scoped3A : memref<!tpu.dma_semaphore, #tpu.memory_space<semaphore_mem>>) src(%arg11 : memref<10016xf32, #tpu.memory_space<vmem>>) dst(%dma_wait3A_92 : memref<10016xf32, #tpu.memory_space<hbm>>)
      tpu.yield
    }) : () -> ()
    %scan3A_54 = arith.constant 0 : i32
    %scan3A_55 = arith.constant 12 : i32
    %scan3A_56 = arith.addi %scan3A_54, %scan3A_55 : i32
    %scan3A_57 = arith.constant 1 : i32
    scf.for %scan3A_81 = %scan3A_54 to %scan3A_56 step %scan3A_57  : i32 {
      %mul3A_82 = arith.constant 2 : i32
      %mul3A_83 = arith.muli %scan3A_81, %mul3A_82 : i32
      %add3A_84 = arith.constant 0 : i32
      %add3A_85 = arith.addi %add3A_84, %mul3A_83 : i32
      %mul3A_86 = arith.constant 3200 : i32
      %mul3A_87 = arith.muli %add3A, %mul3A_86 : i32
      %mul3A_88 = arith.constant 128 : i32
      %mul3A_89 = arith.muli %add3A_85, %mul3A_88 : i32
      %add3A_90 = arith.addi %mul3A_87, %mul3A_89 : i32
      %dma_wait3A_91 = arith.constant 0 : i32
      %dma_wait3A_92 = arith.constant 0 : i32
      %dma_wait3A_93 = tpu.memref_slice %arg13[%dma_wait3A_91, %dma_wait3A_92] : memref<25x128xi32, #tpu.memory_space<vmem>> -> memref<1x128xi32, #tpu.memory_space<vmem>>
      %dma_wait3A_94 = tpu.memref_squeeze %dma_wait3A_93 : memref<1x128xi32, #tpu.memory_space<vmem>> -> memref<128xi32, #tpu.memory_space<vmem>>
      %dma_wait3A_95 = arith.constant 0 : i32
      %dma_wait3A_96 = tpu.memref_slice %arg4[%dma_wait3A_95] : memref<320000xi32, #tpu.memory_space<hbm>> -> memref<320000xi32, #tpu.memory_space<hbm>>
      tpu.wait_indirect_dma semaphore(%arg20 : memref<!tpu.dma_semaphore, #tpu.memory_space<semaphore_mem>>) src(%dma_wait3A_96 : memref<320000xi32, #tpu.memory_space<hbm>>) dst(%arg14 : memref<128xi32, #tpu.memory_space<vmem>>)
      %dma_wait3A_97 = arith.constant 0 : i32
      %dma_wait3A_98 = arith.constant 0 : i32
      %dma_wait3A_99 = tpu.memref_slice %arg13[%dma_wait3A_97, %dma_wait3A_98] : memref<25x128xi32, #tpu.memory_space<vmem>> -> memref<1x128xi32, #tpu.memory_space<vmem>>
      %dma_wait3A_100 = tpu.memref_squeeze %dma_wait3A_99 : memref<1x128xi32, #tpu.memory_space<vmem>> -> memref<128xi32, #tpu.memory_space<vmem>>
      %dma_wait3A_101 = arith.constant 0 : i32
      %dma_wait3A_102 = tpu.memref_slice %arg5[%dma_wait3A_101] : memref<320000xi32, #tpu.memory_space<hbm>> -> memref<320000xi32, #tpu.memory_space<hbm>>
      tpu.wait_indirect_dma semaphore(%arg20 : memref<!tpu.dma_semaphore, #tpu.memory_space<semaphore_mem>>) src(%dma_wait3A_102 : memref<320000xi32, #tpu.memory_space<hbm>>) dst(%arg15 : memref<128xi32, #tpu.memory_space<vmem>>)
      %dma_wait3A_103 = arith.constant 0 : i32
      %dma_wait3A_104 = arith.constant 0 : i32
      %dma_wait3A_105 = tpu.memref_slice %arg13[%dma_wait3A_103, %dma_wait3A_104] : memref<25x128xi32, #tpu.memory_space<vmem>> -> memref<1x128xi32, #tpu.memory_space<vmem>>
      %dma_wait3A_106 = tpu.memref_squeeze %dma_wait3A_105 : memref<1x128xi32, #tpu.memory_space<vmem>> -> memref<128xi32, #tpu.memory_space<vmem>>
      %dma_wait3A_107 = arith.constant 0 : i32
      %dma_wait3A_108 = arith.constant 0 : i32
      %dma_wait3A_109 = tpu.memref_slice %arg6[%dma_wait3A_107, %dma_wait3A_108] : memref<320000x16xf32, #tpu.memory_space<hbm>> -> memref<320000x16xf32, #tpu.memory_space<hbm>>
      tpu.wait_indirect_dma semaphore(%arg20 : memref<!tpu.dma_semaphore, #tpu.memory_space<semaphore_mem>>) src(%dma_wait3A_109 : memref<320000x16xf32, #tpu.memory_space<hbm>>) dst(%arg16 : memref<128x16xf32, #tpu.memory_space<vmem>>)
      "tpu.region"() ({
        %run_scoped3A = tpu.sem_alloc : memref<!tpu.dma_semaphore, #tpu.memory_space<semaphore_mem>>
        %dma_start3A_147 = tpu.memref_slice %arg8[%add3A_90] : memref<102400xi32, #tpu.memory_space<hbm>> -> memref<128xi32, #tpu.memory_space<hbm>>
        %dma_start3A_148 = tpu.memref_slice %arg8[%add3A_90] : memref<102400xi32, #tpu.memory_space<hbm>> -> memref<128xi32, #tpu.memory_space<hbm>>
        tpu.enqueue_dma source(%arg14 : memref<128xi32, #tpu.memory_space<vmem>>) target(%dma_start3A_148 : memref<128xi32, #tpu.memory_space<hbm>>) target_semaphore(%run_scoped3A : memref<!tpu.dma_semaphore, #tpu.memory_space<semaphore_mem>>)
        %dma_wait3A_149 = tpu.memref_slice %arg8[%add3A_90] : memref<102400xi32, #tpu.memory_space<hbm>> -> memref<128xi32, #tpu.memory_space<hbm>>
        %dma_wait3A_150 = tpu.memref_slice %arg8[%add3A_90] : memref<102400xi32, #tpu.memory_space<hbm>> -> memref<128xi32, #tpu.memory_space<hbm>>
        tpu.wait_dma2 semaphore(%run_scoped3A : memref<!tpu.dma_semaphore, #tpu.memory_space<semaphore_mem>>) src(%arg14 : memref<128xi32, #tpu.memory_space<vmem>>) dst(%dma_wait3A_150 : memref<128xi32, #tpu.memory_space<hbm>>)
        tpu.yield
      }) : () -> ()
      "tpu.region"() ({
        %run_scoped3A = tpu.sem_alloc : memref<!tpu.dma_semaphore, #tpu.memory_space<semaphore_mem>>
        %dma_start3A_147 = tpu.memref_slice %arg9[%add3A_90] : memref<102400xi32, #tpu.memory_space<hbm>> -> memref<128xi32, #tpu.memory_space<hbm>>
        %dma_start3A_148 = tpu.memref_slice %arg9[%add3A_90] : memref<102400xi32, #tpu.memory_space<hbm>> -> memref<128xi32, #tpu.memory_space<hbm>>
        tpu.enqueue_dma source(%arg15 : memref<128xi32, #tpu.memory_space<vmem>>) target(%dma_start3A_148 : memref<128xi32, #tpu.memory_space<hbm>>) target_semaphore(%run_scoped3A : memref<!tpu.dma_semaphore, #tpu.memory_space<semaphore_mem>>)
        %dma_wait3A_149 = tpu.memref_slice %arg9[%add3A_90] : memref<102400xi32, #tpu.memory_space<hbm>> -> memref<128xi32, #tpu.memory_space<hbm>>
        %dma_wait3A_150 = tpu.memref_slice %arg9[%add3A_90] : memref<102400xi32, #tpu.memory_space<hbm>> -> memref<128xi32, #tpu.memory_space<hbm>>
        tpu.wait_dma2 semaphore(%run_scoped3A : memref<!tpu.dma_semaphore, #tpu.memory_space<semaphore_mem>>) src(%arg15 : memref<128xi32, #tpu.memory_space<vmem>>) dst(%dma_wait3A_150 : memref<128xi32, #tpu.memory_space<hbm>>)
        tpu.yield
      }) : () -> ()
      "tpu.region"() ({
        %run_scoped3A = tpu.sem_alloc : memref<!tpu.dma_semaphore, #tpu.memory_space<semaphore_mem>>
        %dma_start3A_147 = arith.constant 0 : i32
        %dma_start3A_148 = tpu.memref_slice %arg10[%add3A_90, %dma_start3A_147] : memref<102400x16xf32, #tpu.memory_space<hbm>> -> memref<128x16xf32, #tpu.memory_space<hbm>>
        %dma_start3A_149 = arith.constant 0 : i32
        %dma_start3A_150 = tpu.memref_slice %arg10[%add3A_90, %dma_start3A_149] : memref<102400x16xf32, #tpu.memory_space<hbm>> -> memref<128x16xf32, #tpu.memory_space<hbm>>
        tpu.enqueue_dma source(%arg16 : memref<128x16xf32, #tpu.memory_space<vmem>>) target(%dma_start3A_150 : memref<128x16xf32, #tpu.memory_space<hbm>>) target_semaphore(%run_scoped3A : memref<!tpu.dma_semaphore, #tpu.memory_space<semaphore_mem>>)
        %dma_wait3A_151 = arith.constant 0 : i32
        %dma_wait3A_152 = tpu.memref_slice %arg10[%add3A_90, %dma_wait3A_151] : memref<102400x16xf32, #tpu.memory_space<hbm>> -> memref<128x16xf32, #tpu.memory_space<hbm>>
        %dma_wait3A_153 = arith.constant 0 : i32
        %dma_wait3A_154 = tpu.memref_slice %arg10[%add3A_90, %dma_wait3A_153] : memref<102400x16xf32, #tpu.memory_space<hbm>> -> memref<128x16xf32, #tpu.memory_space<hbm>>
        tpu.wait_dma2 semaphore(%run_scoped3A : memref<!tpu.dma_semaphore, #tpu.memory_space<semaphore_mem>>) src(%arg16 : memref<128x16xf32, #tpu.memory_space<vmem>>) dst(%dma_wait3A_154 : memref<128x16xf32, #tpu.memory_space<hbm>>)
        tpu.yield
      }) : () -> ()
      %add3A_110 = arith.constant 2 : i32
      %add3A_111 = arith.addi %add3A_85, %add3A_110 : i32
      %lt3A = arith.constant 25 : i32
      %lt3A_112 = arith.cmpi slt, %add3A_111, %lt3A : i32
      %convert_element_type3A = arith.extui %lt3A_112 : i1 to i32
      %cond3A = arith.constant 0 : i32
      %cond3A_113 = arith.cmpi ne, %convert_element_type3A, %cond3A : i32
      scf.if %cond3A_113 {
        %add3A_147 = arith.constant 2 : i32
        %add3A_148 = arith.addi %add3A_85, %add3A_147 : i32
        %dma_start3A_149 = arith.constant 0 : i32
        %dma_start3A_150 = tpu.memref_slice %arg13[%add3A_148, %dma_start3A_149] : memref<25x128xi32, #tpu.memory_space<vmem>> -> memref<1x128xi32, #tpu.memory_space<vmem>>
        %dma_start3A_151 = tpu.memref_squeeze %dma_start3A_150 : memref<1x128xi32, #tpu.memory_space<vmem>> -> memref<128xi32, #tpu.memory_space<vmem>>
        %dma_start3A_152 = arith.constant 0 : i32
        %dma_start3A_153 = tpu.memref_slice %arg4[%dma_start3A_152] : memref<320000xi32, #tpu.memory_space<hbm>> -> memref<320000xi32, #tpu.memory_space<hbm>>
        tpu.enqueue_indirect_dma source(%dma_start3A_153 : memref<320000xi32, #tpu.memory_space<hbm>>) target(%arg14 : memref<128xi32, #tpu.memory_space<vmem>>) offsets(%dma_start3A_151 : memref<128xi32, #tpu.memory_space<vmem>>) semaphore(%arg20 : memref<!tpu.dma_semaphore, #tpu.memory_space<semaphore_mem>>)
        %dma_start3A_154 = arith.constant 0 : i32
        %dma_start3A_155 = tpu.memref_slice %arg13[%add3A_148, %dma_start3A_154] : memref<25x128xi32, #tpu.memory_space<vmem>> -> memref<1x128xi32, #tpu.memory_space<vmem>>
        %dma_start3A_156 = tpu.memref_squeeze %dma_start3A_155 : memref<1x128xi32, #tpu.memory_space<vmem>> -> memref<128xi32, #tpu.memory_space<vmem>>
        %dma_start3A_157 = arith.constant 0 : i32
        %dma_start3A_158 = tpu.memref_slice %arg5[%dma_start3A_157] : memref<320000xi32, #tpu.memory_space<hbm>> -> memref<320000xi32, #tpu.memory_space<hbm>>
        tpu.enqueue_indirect_dma source(%dma_start3A_158 : memref<320000xi32, #tpu.memory_space<hbm>>) target(%arg15 : memref<128xi32, #tpu.memory_space<vmem>>) offsets(%dma_start3A_156 : memref<128xi32, #tpu.memory_space<vmem>>) semaphore(%arg20 : memref<!tpu.dma_semaphore, #tpu.memory_space<semaphore_mem>>)
        %dma_start3A_159 = arith.constant 0 : i32
        %dma_start3A_160 = tpu.memref_slice %arg13[%add3A_148, %dma_start3A_159] : memref<25x128xi32, #tpu.memory_space<vmem>> -> memref<1x128xi32, #tpu.memory_space<vmem>>
        %dma_start3A_161 = tpu.memref_squeeze %dma_start3A_160 : memref<1x128xi32, #tpu.memory_space<vmem>> -> memref<128xi32, #tpu.memory_space<vmem>>
        %dma_start3A_162 = arith.constant 0 : i32
        %dma_start3A_163 = arith.constant 0 : i32
        %dma_start3A_164 = tpu.memref_slice %arg6[%dma_start3A_162, %dma_start3A_163] : memref<320000x16xf32, #tpu.memory_space<hbm>> -> memref<320000x16xf32, #tpu.memory_space<hbm>>
        tpu.enqueue_indirect_dma source(%dma_start3A_164 : memref<320000x16xf32, #tpu.memory_space<hbm>>) target(%arg16 : memref<128x16xf32, #tpu.memory_space<vmem>>) offsets(%dma_start3A_161 : memref<128xi32, #tpu.memory_space<vmem>>) semaphore(%arg20 : memref<!tpu.dma_semaphore, #tpu.memory_space<semaphore_mem>>)
      } else {
      }
      %add3A_114 = arith.constant 1 : i32
      %add3A_115 = arith.addi %add3A_85, %add3A_114 : i32
      %mul3A_116 = arith.constant 3200 : i32
      %mul3A_117 = arith.muli %add3A, %mul3A_116 : i32
      %mul3A_118 = arith.constant 128 : i32
      %mul3A_119 = arith.muli %add3A_115, %mul3A_118 : i32
      %add3A_120 = arith.addi %mul3A_117, %mul3A_119 : i32
      %dma_wait3A_121 = arith.constant 0 : i32
      %dma_wait3A_122 = arith.constant 0 : i32
      %dma_wait3A_123 = tpu.memref_slice %arg13[%dma_wait3A_121, %dma_wait3A_122] : memref<25x128xi32, #tpu.memory_space<vmem>> -> memref<1x128xi32, #tpu.memory_space<vmem>>
      %dma_wait3A_124 = tpu.memref_squeeze %dma_wait3A_123 : memref<1x128xi32, #tpu.memory_space<vmem>> -> memref<128xi32, #tpu.memory_space<vmem>>
      %dma_wait3A_125 = arith.constant 0 : i32
      %dma_wait3A_126 = tpu.memref_slice %arg4[%dma_wait3A_125] : memref<320000xi32, #tpu.memory_space<hbm>> -> memref<320000xi32, #tpu.memory_space<hbm>>
      tpu.wait_indirect_dma semaphore(%arg21 : memref<!tpu.dma_semaphore, #tpu.memory_space<semaphore_mem>>) src(%dma_wait3A_126 : memref<320000xi32, #tpu.memory_space<hbm>>) dst(%arg17 : memref<128xi32, #tpu.memory_space<vmem>>)
      %dma_wait3A_127 = arith.constant 0 : i32
      %dma_wait3A_128 = arith.constant 0 : i32
      %dma_wait3A_129 = tpu.memref_slice %arg13[%dma_wait3A_127, %dma_wait3A_128] : memref<25x128xi32, #tpu.memory_space<vmem>> -> memref<1x128xi32, #tpu.memory_space<vmem>>
      %dma_wait3A_130 = tpu.memref_squeeze %dma_wait3A_129 : memref<1x128xi32, #tpu.memory_space<vmem>> -> memref<128xi32, #tpu.memory_space<vmem>>
      %dma_wait3A_131 = arith.constant 0 : i32
      %dma_wait3A_132 = tpu.memref_slice %arg5[%dma_wait3A_131] : memref<320000xi32, #tpu.memory_space<hbm>> -> memref<320000xi32, #tpu.memory_space<hbm>>
      tpu.wait_indirect_dma semaphore(%arg21 : memref<!tpu.dma_semaphore, #tpu.memory_space<semaphore_mem>>) src(%dma_wait3A_132 : memref<320000xi32, #tpu.memory_space<hbm>>) dst(%arg18 : memref<128xi32, #tpu.memory_space<vmem>>)
      %dma_wait3A_133 = arith.constant 0 : i32
      %dma_wait3A_134 = arith.constant 0 : i32
      %dma_wait3A_135 = tpu.memref_slice %arg13[%dma_wait3A_133, %dma_wait3A_134] : memref<25x128xi32, #tpu.memory_space<vmem>> -> memref<1x128xi32, #tpu.memory_space<vmem>>
      %dma_wait3A_136 = tpu.memref_squeeze %dma_wait3A_135 : memref<1x128xi32, #tpu.memory_space<vmem>> -> memref<128xi32, #tpu.memory_space<vmem>>
      %dma_wait3A_137 = arith.constant 0 : i32
      %dma_wait3A_138 = arith.constant 0 : i32
      %dma_wait3A_139 = tpu.memref_slice %arg6[%dma_wait3A_137, %dma_wait3A_138] : memref<320000x16xf32, #tpu.memory_space<hbm>> -> memref<320000x16xf32, #tpu.memory_space<hbm>>
      tpu.wait_indirect_dma semaphore(%arg21 : memref<!tpu.dma_semaphore, #tpu.memory_space<semaphore_mem>>) src(%dma_wait3A_139 : memref<320000x16xf32, #tpu.memory_space<hbm>>) dst(%arg19 : memref<128x16xf32, #tpu.memory_space<vmem>>)
      "tpu.region"() ({
        %run_scoped3A = tpu.sem_alloc : memref<!tpu.dma_semaphore, #tpu.memory_space<semaphore_mem>>
        %dma_start3A_147 = tpu.memref_slice %arg8[%add3A_120] : memref<102400xi32, #tpu.memory_space<hbm>> -> memref<128xi32, #tpu.memory_space<hbm>>
        %dma_start3A_148 = tpu.memref_slice %arg8[%add3A_120] : memref<102400xi32, #tpu.memory_space<hbm>> -> memref<128xi32, #tpu.memory_space<hbm>>
        tpu.enqueue_dma source(%arg17 : memref<128xi32, #tpu.memory_space<vmem>>) target(%dma_start3A_148 : memref<128xi32, #tpu.memory_space<hbm>>) target_semaphore(%run_scoped3A : memref<!tpu.dma_semaphore, #tpu.memory_space<semaphore_mem>>)
        %dma_wait3A_149 = tpu.memref_slice %arg8[%add3A_120] : memref<102400xi32, #tpu.memory_space<hbm>> -> memref<128xi32, #tpu.memory_space<hbm>>
        %dma_wait3A_150 = tpu.memref_slice %arg8[%add3A_120] : memref<102400xi32, #tpu.memory_space<hbm>> -> memref<128xi32, #tpu.memory_space<hbm>>
        tpu.wait_dma2 semaphore(%run_scoped3A : memref<!tpu.dma_semaphore, #tpu.memory_space<semaphore_mem>>) src(%arg17 : memref<128xi32, #tpu.memory_space<vmem>>) dst(%dma_wait3A_150 : memref<128xi32, #tpu.memory_space<hbm>>)
        tpu.yield
      }) : () -> ()
      "tpu.region"() ({
        %run_scoped3A = tpu.sem_alloc : memref<!tpu.dma_semaphore, #tpu.memory_space<semaphore_mem>>
        %dma_start3A_147 = tpu.memref_slice %arg9[%add3A_120] : memref<102400xi32, #tpu.memory_space<hbm>> -> memref<128xi32, #tpu.memory_space<hbm>>
        %dma_start3A_148 = tpu.memref_slice %arg9[%add3A_120] : memref<102400xi32, #tpu.memory_space<hbm>> -> memref<128xi32, #tpu.memory_space<hbm>>
        tpu.enqueue_dma source(%arg18 : memref<128xi32, #tpu.memory_space<vmem>>) target(%dma_start3A_148 : memref<128xi32, #tpu.memory_space<hbm>>) target_semaphore(%run_scoped3A : memref<!tpu.dma_semaphore, #tpu.memory_space<semaphore_mem>>)
        %dma_wait3A_149 = tpu.memref_slice %arg9[%add3A_120] : memref<102400xi32, #tpu.memory_space<hbm>> -> memref<128xi32, #tpu.memory_space<hbm>>
        %dma_wait3A_150 = tpu.memref_slice %arg9[%add3A_120] : memref<102400xi32, #tpu.memory_space<hbm>> -> memref<128xi32, #tpu.memory_space<hbm>>
        tpu.wait_dma2 semaphore(%run_scoped3A : memref<!tpu.dma_semaphore, #tpu.memory_space<semaphore_mem>>) src(%arg18 : memref<128xi32, #tpu.memory_space<vmem>>) dst(%dma_wait3A_150 : memref<128xi32, #tpu.memory_space<hbm>>)
        tpu.yield
      }) : () -> ()
      "tpu.region"() ({
        %run_scoped3A = tpu.sem_alloc : memref<!tpu.dma_semaphore, #tpu.memory_space<semaphore_mem>>
        %dma_start3A_147 = arith.constant 0 : i32
        %dma_start3A_148 = tpu.memref_slice %arg10[%add3A_120, %dma_start3A_147] : memref<102400x16xf32, #tpu.memory_space<hbm>> -> memref<128x16xf32, #tpu.memory_space<hbm>>
        %dma_start3A_149 = arith.constant 0 : i32
        %dma_start3A_150 = tpu.memref_slice %arg10[%add3A_120, %dma_start3A_149] : memref<102400x16xf32, #tpu.memory_space<hbm>> -> memref<128x16xf32, #tpu.memory_space<hbm>>
        tpu.enqueue_dma source(%arg19 : memref<128x16xf32, #tpu.memory_space<vmem>>) target(%dma_start3A_150 : memref<128x16xf32, #tpu.memory_space<hbm>>) target_semaphore(%run_scoped3A : memref<!tpu.dma_semaphore, #tpu.memory_space<semaphore_mem>>)
        %dma_wait3A_151 = arith.constant 0 : i32
        %dma_wait3A_152 = tpu.memref_slice %arg10[%add3A_120, %dma_wait3A_151] : memref<102400x16xf32, #tpu.memory_space<hbm>> -> memref<128x16xf32, #tpu.memory_space<hbm>>
        %dma_wait3A_153 = arith.constant 0 : i32
        %dma_wait3A_154 = tpu.memref_slice %arg10[%add3A_120, %dma_wait3A_153] : memref<102400x16xf32, #tpu.memory_space<hbm>> -> memref<128x16xf32, #tpu.memory_space<hbm>>
        tpu.wait_dma2 semaphore(%run_scoped3A : memref<!tpu.dma_semaphore, #tpu.memory_space<semaphore_mem>>) src(%arg19 : memref<128x16xf32, #tpu.memory_space<vmem>>) dst(%dma_wait3A_154 : memref<128x16xf32, #tpu.memory_space<hbm>>)
        tpu.yield
      }) : () -> ()
      %add3A_140 = arith.constant 3 : i32
      %add3A_141 = arith.addi %add3A_85, %add3A_140 : i32
      %lt3A_142 = arith.constant 25 : i32
      %lt3A_143 = arith.cmpi slt, %add3A_141, %lt3A_142 : i32
      %convert_element_type3A_144 = arith.extui %lt3A_143 : i1 to i32
      %cond3A_145 = arith.constant 0 : i32
      %cond3A_146 = arith.cmpi ne, %convert_element_type3A_144, %cond3A_145 : i32
      scf.if %cond3A_146 {
        %add3A_147 = arith.constant 3 : i32
        %add3A_148 = arith.addi %add3A_85, %add3A_147 : i32
        %dma_start3A_149 = arith.constant 0 : i32
        %dma_start3A_150 = tpu.memref_slice %arg13[%add3A_148, %dma_start3A_149] : memref<25x128xi32, #tpu.memory_space<vmem>> -> memref<1x128xi32, #tpu.memory_space<vmem>>
        %dma_start3A_151 = tpu.memref_squeeze %dma_start3A_150 : memref<1x128xi32, #tpu.memory_space<vmem>> -> memref<128xi32, #tpu.memory_space<vmem>>
        %dma_start3A_152 = arith.constant 0 : i32
        %dma_start3A_153 = tpu.memref_slice %arg4[%dma_start3A_152] : memref<320000xi32, #tpu.memory_space<hbm>> -> memref<320000xi32, #tpu.memory_space<hbm>>
        tpu.enqueue_indirect_dma source(%dma_start3A_153 : memref<320000xi32, #tpu.memory_space<hbm>>) target(%arg17 : memref<128xi32, #tpu.memory_space<vmem>>) offsets(%dma_start3A_151 : memref<128xi32, #tpu.memory_space<vmem>>) semaphore(%arg21 : memref<!tpu.dma_semaphore, #tpu.memory_space<semaphore_mem>>)
        %dma_start3A_154 = arith.constant 0 : i32
        %dma_start3A_155 = tpu.memref_slice %arg13[%add3A_148, %dma_start3A_154] : memref<25x128xi32, #tpu.memory_space<vmem>> -> memref<1x128xi32, #tpu.memory_space<vmem>>
        %dma_start3A_156 = tpu.memref_squeeze %dma_start3A_155 : memref<1x128xi32, #tpu.memory_space<vmem>> -> memref<128xi32, #tpu.memory_space<vmem>>
        %dma_start3A_157 = arith.constant 0 : i32
        %dma_start3A_158 = tpu.memref_slice %arg5[%dma_start3A_157] : memref<320000xi32, #tpu.memory_space<hbm>> -> memref<320000xi32, #tpu.memory_space<hbm>>
        tpu.enqueue_indirect_dma source(%dma_start3A_158 : memref<320000xi32, #tpu.memory_space<hbm>>) target(%arg18 : memref<128xi32, #tpu.memory_space<vmem>>) offsets(%dma_start3A_156 : memref<128xi32, #tpu.memory_space<vmem>>) semaphore(%arg21 : memref<!tpu.dma_semaphore, #tpu.memory_space<semaphore_mem>>)
        %dma_start3A_159 = arith.constant 0 : i32
        %dma_start3A_160 = tpu.memref_slice %arg13[%add3A_148, %dma_start3A_159] : memref<25x128xi32, #tpu.memory_space<vmem>> -> memref<1x128xi32, #tpu.memory_space<vmem>>
        %dma_start3A_161 = tpu.memref_squeeze %dma_start3A_160 : memref<1x128xi32, #tpu.memory_space<vmem>> -> memref<128xi32, #tpu.memory_space<vmem>>
        %dma_start3A_162 = arith.constant 0 : i32
        %dma_start3A_163 = arith.constant 0 : i32
        %dma_start3A_164 = tpu.memref_slice %arg6[%dma_start3A_162, %dma_start3A_163] : memref<320000x16xf32, #tpu.memory_space<hbm>> -> memref<320000x16xf32, #tpu.memory_space<hbm>>
        tpu.enqueue_indirect_dma source(%dma_start3A_164 : memref<320000x16xf32, #tpu.memory_space<hbm>>) target(%arg19 : memref<128x16xf32, #tpu.memory_space<vmem>>) offsets(%dma_start3A_161 : memref<128xi32, #tpu.memory_space<vmem>>) semaphore(%arg21 : memref<!tpu.dma_semaphore, #tpu.memory_space<semaphore_mem>>)
      } else {
      }
    }
    %scan3A_58 = arith.constant 12 : i32
    %mul3A_59 = arith.constant 3200 : i32
    %mul3A_60 = arith.muli %add3A, %mul3A_59 : i32
    %add3A_61 = arith.constant 3072 : i32
    %add3A_62 = arith.addi %mul3A_60, %add3A_61 : i32
    %dma_wait3A = arith.constant 0 : i32
    %dma_wait3A_63 = arith.constant 0 : i32
    %dma_wait3A_64 = tpu.memref_slice %arg13[%dma_wait3A, %dma_wait3A_63] : memref<25x128xi32, #tpu.memory_space<vmem>> -> memref<1x128xi32, #tpu.memory_space<vmem>>
    %dma_wait3A_65 = tpu.memref_squeeze %dma_wait3A_64 : memref<1x128xi32, #tpu.memory_space<vmem>> -> memref<128xi32, #tpu.memory_space<vmem>>
    %dma_wait3A_66 = arith.constant 0 : i32
    %dma_wait3A_67 = tpu.memref_slice %arg4[%dma_wait3A_66] : memref<320000xi32, #tpu.memory_space<hbm>> -> memref<320000xi32, #tpu.memory_space<hbm>>
    tpu.wait_indirect_dma semaphore(%arg20 : memref<!tpu.dma_semaphore, #tpu.memory_space<semaphore_mem>>) src(%dma_wait3A_67 : memref<320000xi32, #tpu.memory_space<hbm>>) dst(%arg14 : memref<128xi32, #tpu.memory_space<vmem>>)
    %dma_wait3A_68 = arith.constant 0 : i32
    %dma_wait3A_69 = arith.constant 0 : i32
    %dma_wait3A_70 = tpu.memref_slice %arg13[%dma_wait3A_68, %dma_wait3A_69] : memref<25x128xi32, #tpu.memory_space<vmem>> -> memref<1x128xi32, #tpu.memory_space<vmem>>
    %dma_wait3A_71 = tpu.memref_squeeze %dma_wait3A_70 : memref<1x128xi32, #tpu.memory_space<vmem>> -> memref<128xi32, #tpu.memory_space<vmem>>
    %dma_wait3A_72 = arith.constant 0 : i32
    %dma_wait3A_73 = tpu.memref_slice %arg5[%dma_wait3A_72] : memref<320000xi32, #tpu.memory_space<hbm>> -> memref<320000xi32, #tpu.memory_space<hbm>>
    tpu.wait_indirect_dma semaphore(%arg20 : memref<!tpu.dma_semaphore, #tpu.memory_space<semaphore_mem>>) src(%dma_wait3A_73 : memref<320000xi32, #tpu.memory_space<hbm>>) dst(%arg15 : memref<128xi32, #tpu.memory_space<vmem>>)
    %dma_wait3A_74 = arith.constant 0 : i32
    %dma_wait3A_75 = arith.constant 0 : i32
    %dma_wait3A_76 = tpu.memref_slice %arg13[%dma_wait3A_74, %dma_wait3A_75] : memref<25x128xi32, #tpu.memory_space<vmem>> -> memref<1x128xi32, #tpu.memory_space<vmem>>
    %dma_wait3A_77 = tpu.memref_squeeze %dma_wait3A_76 : memref<1x128xi32, #tpu.memory_space<vmem>> -> memref<128xi32, #tpu.memory_space<vmem>>
    %dma_wait3A_78 = arith.constant 0 : i32
    %dma_wait3A_79 = arith.constant 0 : i32
    %dma_wait3A_80 = tpu.memref_slice %arg6[%dma_wait3A_78, %dma_wait3A_79] : memref<320000x16xf32, #tpu.memory_space<hbm>> -> memref<320000x16xf32, #tpu.memory_space<hbm>>
    tpu.wait_indirect_dma semaphore(%arg20 : memref<!tpu.dma_semaphore, #tpu.memory_space<semaphore_mem>>) src(%dma_wait3A_80 : memref<320000x16xf32, #tpu.memory_space<hbm>>) dst(%arg16 : memref<128x16xf32, #tpu.memory_space<vmem>>)
    "tpu.region"() ({
      %run_scoped3A = tpu.sem_alloc : memref<!tpu.dma_semaphore, #tpu.memory_space<semaphore_mem>>
      %dma_start3A_81 = tpu.memref_slice %arg8[%add3A_62] : memref<102400xi32, #tpu.memory_space<hbm>> -> memref<128xi32, #tpu.memory_space<hbm>>
      %dma_start3A_82 = tpu.memref_slice %arg8[%add3A_62] : memref<102400xi32, #tpu.memory_space<hbm>> -> memref<128xi32, #tpu.memory_space<hbm>>
      tpu.enqueue_dma source(%arg14 : memref<128xi32, #tpu.memory_space<vmem>>) target(%dma_start3A_82 : memref<128xi32, #tpu.memory_space<hbm>>) target_semaphore(%run_scoped3A : memref<!tpu.dma_semaphore, #tpu.memory_space<semaphore_mem>>)
      %dma_wait3A_83 = tpu.memref_slice %arg8[%add3A_62] : memref<102400xi32, #tpu.memory_space<hbm>> -> memref<128xi32, #tpu.memory_space<hbm>>
      %dma_wait3A_84 = tpu.memref_slice %arg8[%add3A_62] : memref<102400xi32, #tpu.memory_space<hbm>> -> memref<128xi32, #tpu.memory_space<hbm>>
      tpu.wait_dma2 semaphore(%run_scoped3A : memref<!tpu.dma_semaphore, #tpu.memory_space<semaphore_mem>>) src(%arg14 : memref<128xi32, #tpu.memory_space<vmem>>) dst(%dma_wait3A_84 : memref<128xi32, #tpu.memory_space<hbm>>)
      tpu.yield
    }) : () -> ()
    "tpu.region"() ({
      %run_scoped3A = tpu.sem_alloc : memref<!tpu.dma_semaphore, #tpu.memory_space<semaphore_mem>>
      %dma_start3A_81 = tpu.memref_slice %arg9[%add3A_62] : memref<102400xi32, #tpu.memory_space<hbm>> -> memref<128xi32, #tpu.memory_space<hbm>>
      %dma_start3A_82 = tpu.memref_slice %arg9[%add3A_62] : memref<102400xi32, #tpu.memory_space<hbm>> -> memref<128xi32, #tpu.memory_space<hbm>>
      tpu.enqueue_dma source(%arg15 : memref<128xi32, #tpu.memory_space<vmem>>) target(%dma_start3A_82 : memref<128xi32, #tpu.memory_space<hbm>>) target_semaphore(%run_scoped3A : memref<!tpu.dma_semaphore, #tpu.memory_space<semaphore_mem>>)
      %dma_wait3A_83 = tpu.memref_slice %arg9[%add3A_62] : memref<102400xi32, #tpu.memory_space<hbm>> -> memref<128xi32, #tpu.memory_space<hbm>>
      %dma_wait3A_84 = tpu.memref_slice %arg9[%add3A_62] : memref<102400xi32, #tpu.memory_space<hbm>> -> memref<128xi32, #tpu.memory_space<hbm>>
      tpu.wait_dma2 semaphore(%run_scoped3A : memref<!tpu.dma_semaphore, #tpu.memory_space<semaphore_mem>>) src(%arg15 : memref<128xi32, #tpu.memory_space<vmem>>) dst(%dma_wait3A_84 : memref<128xi32, #tpu.memory_space<hbm>>)
      tpu.yield
    }) : () -> ()
    "tpu.region"() ({
      %run_scoped3A = tpu.sem_alloc : memref<!tpu.dma_semaphore, #tpu.memory_space<semaphore_mem>>
      %dma_start3A_81 = arith.constant 0 : i32
      %dma_start3A_82 = tpu.memref_slice %arg10[%add3A_62, %dma_start3A_81] : memref<102400x16xf32, #tpu.memory_space<hbm>> -> memref<128x16xf32, #tpu.memory_space<hbm>>
      %dma_start3A_83 = arith.constant 0 : i32
      %dma_start3A_84 = tpu.memref_slice %arg10[%add3A_62, %dma_start3A_83] : memref<102400x16xf32, #tpu.memory_space<hbm>> -> memref<128x16xf32, #tpu.memory_space<hbm>>
      tpu.enqueue_dma source(%arg16 : memref<128x16xf32, #tpu.memory_space<vmem>>) target(%dma_start3A_84 : memref<128x16xf32, #tpu.memory_space<hbm>>) target_semaphore(%run_scoped3A : memref<!tpu.dma_semaphore, #tpu.memory_space<semaphore_mem>>)
      %dma_wait3A_85 = arith.constant 0 : i32
      %dma_wait3A_86 = tpu.memref_slice %arg10[%add3A_62, %dma_wait3A_85] : memref<102400x16xf32, #tpu.memory_space<hbm>> -> memref<128x16xf32, #tpu.memory_space<hbm>>
      %dma_wait3A_87 = arith.constant 0 : i32
      %dma_wait3A_88 = tpu.memref_slice %arg10[%add3A_62, %dma_wait3A_87] : memref<102400x16xf32, #tpu.memory_space<hbm>> -> memref<128x16xf32, #tpu.memory_space<hbm>>
      tpu.wait_dma2 semaphore(%run_scoped3A : memref<!tpu.dma_semaphore, #tpu.memory_space<semaphore_mem>>) src(%arg16 : memref<128x16xf32, #tpu.memory_space<vmem>>) dst(%dma_wait3A_88 : memref<128x16xf32, #tpu.memory_space<hbm>>)
      tpu.yield
    }) : () -> ()
    return
  }
}

#map = affine_map<(d0, d1) -> (0, 0)>
#map1 = affine_map<(d0, d1) -> (0, 0, 0)>
module attributes {stable_mosaic.version = 14 : i64} {
  func.func @sc_scatter(%arg0: i32, %arg1: i32, %arg2: memref<2560x128xi32, #tpu.memory_space<hbm>>, %arg3: memref<2560x128xi32, #tpu.memory_space<hbm>>, %arg4: memref<10016x64xf32, #tpu.memory_space<hbm>>, %arg5: memref<10016x64xf32, #tpu.memory_space<hbm>>, %arg6: memref<2x10016x64xf32, #tpu.memory_space<hbm>>, %arg7: memref<80x128xi32, #tpu.memory_space<vmem>>, %arg8: memref<80x128xi32, #tpu.memory_space<vmem>>, %arg9: memref<128x64xf32, #tpu.memory_space<vmem>>, %arg10: memref<128x64xf32, #tpu.memory_space<vmem>>, %arg11: memref<128x64xf32, #tpu.memory_space<vmem>>, %arg12: memref<128x64xf32, #tpu.memory_space<vmem>>, %arg13: memref<10016x64xf32, #tpu.memory_space<vmem_shared>>, %arg14: memref<!tpu.dma_semaphore, #tpu.memory_space<semaphore_mem>>, %arg15: memref<!tpu.dma_semaphore, #tpu.memory_space<semaphore_mem>>, %arg16: memref<!tpu.dma_semaphore, #tpu.memory_space<semaphore_mem>>, %arg17: memref<!tpu.dma_semaphore, #tpu.memory_space<semaphore_mem>>) attributes {dimension_semantics = [#tpu.dimension_semantics<core_parallel>, #tpu.dimension_semantics<subcore_parallel>], iteration_bounds = array<i64: 2, 16>, scalar_prefetch = 0 : i64, scratch_operands = 11 : i64, tpu.core_type = #tpu.core_type<sc_vector_subcore>, window_params = [{transform_indices = #map}, {transform_indices = #map}, {transform_indices = #map}, {transform_indices = #map}, {transform_indices = #map1}]} {
    %mul3A = arith.constant 626 : i32
    %mul3A_0 = arith.muli %arg1, %mul3A : i32
    %mul3A_1 = arith.constant 16 : i32
    %mul3A_2 = arith.muli %arg0, %mul3A_1 : i32
    %add3A = arith.addi %mul3A_2, %arg1 : i32
    %mul3A_3 = arith.constant 80 : i32
    %mul3A_4 = arith.muli %add3A, %mul3A_3 : i32
    "tpu.region"() ({
      %run_scoped3A = tpu.sem_alloc : memref<!tpu.dma_semaphore, #tpu.memory_space<semaphore_mem>>
      %dma_start3A_44 = arith.constant 0 : i32
      %dma_start3A_45 = tpu.memref_slice %arg2[%mul3A_4, %dma_start3A_44] : memref<2560x128xi32, #tpu.memory_space<hbm>> -> memref<80x128xi32, #tpu.memory_space<hbm>>
      %dma_start3A_46 = arith.constant 0 : i32
      %dma_start3A_47 = tpu.memref_slice %arg2[%mul3A_4, %dma_start3A_46] : memref<2560x128xi32, #tpu.memory_space<hbm>> -> memref<80x128xi32, #tpu.memory_space<hbm>>
      tpu.enqueue_dma source(%dma_start3A_47 : memref<80x128xi32, #tpu.memory_space<hbm>>) target(%arg7 : memref<80x128xi32, #tpu.memory_space<vmem>>) target_semaphore(%run_scoped3A : memref<!tpu.dma_semaphore, #tpu.memory_space<semaphore_mem>>)
      %dma_wait3A = arith.constant 0 : i32
      %dma_wait3A_48 = tpu.memref_slice %arg2[%mul3A_4, %dma_wait3A] : memref<2560x128xi32, #tpu.memory_space<hbm>> -> memref<80x128xi32, #tpu.memory_space<hbm>>
      %dma_wait3A_49 = arith.constant 0 : i32
      %dma_wait3A_50 = tpu.memref_slice %arg2[%mul3A_4, %dma_wait3A_49] : memref<2560x128xi32, #tpu.memory_space<hbm>> -> memref<80x128xi32, #tpu.memory_space<hbm>>
      tpu.wait_dma2 semaphore(%run_scoped3A : memref<!tpu.dma_semaphore, #tpu.memory_space<semaphore_mem>>) src(%dma_wait3A_50 : memref<80x128xi32, #tpu.memory_space<hbm>>) dst(%arg7 : memref<80x128xi32, #tpu.memory_space<vmem>>)
      tpu.yield
    }) : () -> ()
    "tpu.region"() ({
      %run_scoped3A = tpu.sem_alloc : memref<!tpu.dma_semaphore, #tpu.memory_space<semaphore_mem>>
      %dma_start3A_44 = arith.constant 0 : i32
      %dma_start3A_45 = tpu.memref_slice %arg3[%mul3A_4, %dma_start3A_44] : memref<2560x128xi32, #tpu.memory_space<hbm>> -> memref<80x128xi32, #tpu.memory_space<hbm>>
      %dma_start3A_46 = arith.constant 0 : i32
      %dma_start3A_47 = tpu.memref_slice %arg3[%mul3A_4, %dma_start3A_46] : memref<2560x128xi32, #tpu.memory_space<hbm>> -> memref<80x128xi32, #tpu.memory_space<hbm>>
      tpu.enqueue_dma source(%dma_start3A_47 : memref<80x128xi32, #tpu.memory_space<hbm>>) target(%arg8 : memref<80x128xi32, #tpu.memory_space<vmem>>) target_semaphore(%run_scoped3A : memref<!tpu.dma_semaphore, #tpu.memory_space<semaphore_mem>>)
      %dma_wait3A = arith.constant 0 : i32
      %dma_wait3A_48 = tpu.memref_slice %arg3[%mul3A_4, %dma_wait3A] : memref<2560x128xi32, #tpu.memory_space<hbm>> -> memref<80x128xi32, #tpu.memory_space<hbm>>
      %dma_wait3A_49 = arith.constant 0 : i32
      %dma_wait3A_50 = tpu.memref_slice %arg3[%mul3A_4, %dma_wait3A_49] : memref<2560x128xi32, #tpu.memory_space<hbm>> -> memref<80x128xi32, #tpu.memory_space<hbm>>
      tpu.wait_dma2 semaphore(%run_scoped3A : memref<!tpu.dma_semaphore, #tpu.memory_space<semaphore_mem>>) src(%dma_wait3A_50 : memref<80x128xi32, #tpu.memory_space<hbm>>) dst(%arg8 : memref<80x128xi32, #tpu.memory_space<vmem>>)
      tpu.yield
    }) : () -> ()
    %eq3A = arith.constant 0 : i32
    %eq3A_5 = arith.cmpi eq, %arg0, %eq3A : i32
    %convert_element_type3A = arith.extui %eq3A_5 : i1 to i32
    %cond3A = arith.constant 0 : i32
    %cond3A_6 = arith.cmpi ne, %convert_element_type3A, %cond3A : i32
    scf.if %cond3A_6 {
      "tpu.region"() ({
        %run_scoped3A = tpu.sem_alloc : memref<!tpu.dma_semaphore, #tpu.memory_space<semaphore_mem>>
        %dma_start3A_44 = arith.constant 0 : i32
        %dma_start3A_45 = tpu.memref_slice %arg13[%mul3A_0, %dma_start3A_44] : memref<10016x64xf32, #tpu.memory_space<vmem_shared>> -> memref<626x64xf32, #tpu.memory_space<vmem_shared>>
        %dma_start3A_46 = arith.constant 0 : i32
        %dma_start3A_47 = tpu.memref_slice %arg4[%mul3A_0, %dma_start3A_46] : memref<10016x64xf32, #tpu.memory_space<hbm>> -> memref<626x64xf32, #tpu.memory_space<hbm>>
        tpu.enqueue_dma source(%dma_start3A_47 : memref<626x64xf32, #tpu.memory_space<hbm>>) target(%dma_start3A_45 : memref<626x64xf32, #tpu.memory_space<vmem_shared>>) target_semaphore(%run_scoped3A : memref<!tpu.dma_semaphore, #tpu.memory_space<semaphore_mem>>)
        %dma_wait3A = arith.constant 0 : i32
        %dma_wait3A_48 = tpu.memref_slice %arg13[%mul3A_0, %dma_wait3A] : memref<10016x64xf32, #tpu.memory_space<vmem_shared>> -> memref<626x64xf32, #tpu.memory_space<vmem_shared>>
        %dma_wait3A_49 = arith.constant 0 : i32
        %dma_wait3A_50 = tpu.memref_slice %arg4[%mul3A_0, %dma_wait3A_49] : memref<10016x64xf32, #tpu.memory_space<hbm>> -> memref<626x64xf32, #tpu.memory_space<hbm>>
        tpu.wait_dma2 semaphore(%run_scoped3A : memref<!tpu.dma_semaphore, #tpu.memory_space<semaphore_mem>>) src(%dma_wait3A_50 : memref<626x64xf32, #tpu.memory_space<hbm>>) dst(%dma_wait3A_48 : memref<626x64xf32, #tpu.memory_space<vmem_shared>>)
        tpu.yield
      }) : () -> ()
    } else {
    }
    %eq3A_7 = arith.constant 1 : i32
    %eq3A_8 = arith.cmpi eq, %arg0, %eq3A_7 : i32
    %convert_element_type3A_9 = arith.extui %eq3A_8 : i1 to i32
    %cond3A_10 = arith.constant 0 : i32
    %cond3A_11 = arith.cmpi ne, %convert_element_type3A_9, %cond3A_10 : i32
    scf.if %cond3A_11 {
      "tpu.region"() ({
        %run_scoped3A = tpu.sem_alloc : memref<!tpu.dma_semaphore, #tpu.memory_space<semaphore_mem>>
        %dma_start3A_44 = arith.constant 0 : i32
        %dma_start3A_45 = tpu.memref_slice %arg13[%mul3A_0, %dma_start3A_44] : memref<10016x64xf32, #tpu.memory_space<vmem_shared>> -> memref<626x64xf32, #tpu.memory_space<vmem_shared>>
        %dma_start3A_46 = arith.constant 0 : i32
        %dma_start3A_47 = tpu.memref_slice %arg5[%mul3A_0, %dma_start3A_46] : memref<10016x64xf32, #tpu.memory_space<hbm>> -> memref<626x64xf32, #tpu.memory_space<hbm>>
        tpu.enqueue_dma source(%dma_start3A_47 : memref<626x64xf32, #tpu.memory_space<hbm>>) target(%dma_start3A_45 : memref<626x64xf32, #tpu.memory_space<vmem_shared>>) target_semaphore(%run_scoped3A : memref<!tpu.dma_semaphore, #tpu.memory_space<semaphore_mem>>)
        %dma_wait3A = arith.constant 0 : i32
        %dma_wait3A_48 = tpu.memref_slice %arg13[%mul3A_0, %dma_wait3A] : memref<10016x64xf32, #tpu.memory_space<vmem_shared>> -> memref<626x64xf32, #tpu.memory_space<vmem_shared>>
        %dma_wait3A_49 = arith.constant 0 : i32
        %dma_wait3A_50 = tpu.memref_slice %arg5[%mul3A_0, %dma_wait3A_49] : memref<10016x64xf32, #tpu.memory_space<hbm>> -> memref<626x64xf32, #tpu.memory_space<hbm>>
        tpu.wait_dma2 semaphore(%run_scoped3A : memref<!tpu.dma_semaphore, #tpu.memory_space<semaphore_mem>>) src(%dma_wait3A_50 : memref<626x64xf32, #tpu.memory_space<hbm>>) dst(%dma_wait3A_48 : memref<626x64xf32, #tpu.memory_space<vmem_shared>>)
        tpu.yield
      }) : () -> ()
    } else {
    }
    %dma_start3A = arith.constant 0 : i32
    %dma_start3A_12 = arith.constant 0 : i32
    %dma_start3A_13 = tpu.memref_slice %arg7[%dma_start3A, %dma_start3A_12] : memref<80x128xi32, #tpu.memory_space<vmem>> -> memref<1x128xi32, #tpu.memory_space<vmem>>
    %dma_start3A_14 = tpu.memref_squeeze %dma_start3A_13 : memref<1x128xi32, #tpu.memory_space<vmem>> -> memref<128xi32, #tpu.memory_space<vmem>>
    %dma_start3A_15 = arith.constant 0 : i32
    %dma_start3A_16 = arith.constant 0 : i32
    %dma_start3A_17 = tpu.memref_slice %arg4[%dma_start3A_15, %dma_start3A_16] : memref<10016x64xf32, #tpu.memory_space<hbm>> -> memref<10016x64xf32, #tpu.memory_space<hbm>>
    tpu.enqueue_indirect_dma source(%dma_start3A_17 : memref<10016x64xf32, #tpu.memory_space<hbm>>) target(%arg9 : memref<128x64xf32, #tpu.memory_space<vmem>>) offsets(%dma_start3A_14 : memref<128xi32, #tpu.memory_space<vmem>>) semaphore(%arg14 : memref<!tpu.dma_semaphore, #tpu.memory_space<semaphore_mem>>)
    %dma_start3A_18 = arith.constant 1 : i32
    %dma_start3A_19 = arith.constant 0 : i32
    %dma_start3A_20 = tpu.memref_slice %arg7[%dma_start3A_18, %dma_start3A_19] : memref<80x128xi32, #tpu.memory_space<vmem>> -> memref<1x128xi32, #tpu.memory_space<vmem>>
    %dma_start3A_21 = tpu.memref_squeeze %dma_start3A_20 : memref<1x128xi32, #tpu.memory_space<vmem>> -> memref<128xi32, #tpu.memory_space<vmem>>
    %dma_start3A_22 = arith.constant 0 : i32
    %dma_start3A_23 = arith.constant 0 : i32
    %dma_start3A_24 = tpu.memref_slice %arg4[%dma_start3A_22, %dma_start3A_23] : memref<10016x64xf32, #tpu.memory_space<hbm>> -> memref<10016x64xf32, #tpu.memory_space<hbm>>
    tpu.enqueue_indirect_dma source(%dma_start3A_24 : memref<10016x64xf32, #tpu.memory_space<hbm>>) target(%arg10 : memref<128x64xf32, #tpu.memory_space<vmem>>) offsets(%dma_start3A_21 : memref<128xi32, #tpu.memory_space<vmem>>) semaphore(%arg15 : memref<!tpu.dma_semaphore, #tpu.memory_space<semaphore_mem>>)
    %dma_start3A_25 = arith.constant 2 : i32
    %dma_start3A_26 = arith.constant 0 : i32
    %dma_start3A_27 = tpu.memref_slice %arg7[%dma_start3A_25, %dma_start3A_26] : memref<80x128xi32, #tpu.memory_space<vmem>> -> memref<1x128xi32, #tpu.memory_space<vmem>>
    %dma_start3A_28 = tpu.memref_squeeze %dma_start3A_27 : memref<1x128xi32, #tpu.memory_space<vmem>> -> memref<128xi32, #tpu.memory_space<vmem>>
    %dma_start3A_29 = arith.constant 0 : i32
    %dma_start3A_30 = arith.constant 0 : i32
    %dma_start3A_31 = tpu.memref_slice %arg4[%dma_start3A_29, %dma_start3A_30] : memref<10016x64xf32, #tpu.memory_space<hbm>> -> memref<10016x64xf32, #tpu.memory_space<hbm>>
    tpu.enqueue_indirect_dma source(%dma_start3A_31 : memref<10016x64xf32, #tpu.memory_space<hbm>>) target(%arg11 : memref<128x64xf32, #tpu.memory_space<vmem>>) offsets(%dma_start3A_28 : memref<128xi32, #tpu.memory_space<vmem>>) semaphore(%arg16 : memref<!tpu.dma_semaphore, #tpu.memory_space<semaphore_mem>>)
    %dma_start3A_32 = arith.constant 3 : i32
    %dma_start3A_33 = arith.constant 0 : i32
    %dma_start3A_34 = tpu.memref_slice %arg7[%dma_start3A_32, %dma_start3A_33] : memref<80x128xi32, #tpu.memory_space<vmem>> -> memref<1x128xi32, #tpu.memory_space<vmem>>
    %dma_start3A_35 = tpu.memref_squeeze %dma_start3A_34 : memref<1x128xi32, #tpu.memory_space<vmem>> -> memref<128xi32, #tpu.memory_space<vmem>>
    %dma_start3A_36 = arith.constant 0 : i32
    %dma_start3A_37 = arith.constant 0 : i32
    %dma_start3A_38 = tpu.memref_slice %arg4[%dma_start3A_36, %dma_start3A_37] : memref<10016x64xf32, #tpu.memory_space<hbm>> -> memref<10016x64xf32, #tpu.memory_space<hbm>>
    tpu.enqueue_indirect_dma source(%dma_start3A_38 : memref<10016x64xf32, #tpu.memory_space<hbm>>) target(%arg12 : memref<128x64xf32, #tpu.memory_space<vmem>>) offsets(%dma_start3A_35 : memref<128xi32, #tpu.memory_space<vmem>>) semaphore(%arg17 : memref<!tpu.dma_semaphore, #tpu.memory_space<semaphore_mem>>)
    %barrier3A = arith.constant 0 : index
    tpu.barrier barrier_id(%barrier3A)
    %scan3A = arith.constant 0 : i32
    %scan3A_39 = arith.constant 20 : i32
    %scan3A_40 = arith.addi %scan3A, %scan3A_39 : i32
    %scan3A_41 = arith.constant 1 : i32
    scf.for %scan3A_44 = %scan3A to %scan3A_40 step %scan3A_41  : i32 {
      %mul3A_45 = arith.constant 4 : i32
      %mul3A_46 = arith.muli %scan3A_44, %mul3A_45 : i32
      %add3A_47 = arith.constant 0 : i32
      %add3A_48 = arith.addi %add3A_47, %mul3A_46 : i32
      %dma_wait3A = arith.constant 0 : i32
      %dma_wait3A_49 = arith.constant 0 : i32
      %dma_wait3A_50 = tpu.memref_slice %arg7[%dma_wait3A, %dma_wait3A_49] : memref<80x128xi32, #tpu.memory_space<vmem>> -> memref<1x128xi32, #tpu.memory_space<vmem>>
      %dma_wait3A_51 = tpu.memref_squeeze %dma_wait3A_50 : memref<1x128xi32, #tpu.memory_space<vmem>> -> memref<128xi32, #tpu.memory_space<vmem>>
      %dma_wait3A_52 = arith.constant 0 : i32
      %dma_wait3A_53 = arith.constant 0 : i32
      %dma_wait3A_54 = tpu.memref_slice %arg4[%dma_wait3A_52, %dma_wait3A_53] : memref<10016x64xf32, #tpu.memory_space<hbm>> -> memref<10016x64xf32, #tpu.memory_space<hbm>>
      tpu.wait_indirect_dma semaphore(%arg14 : memref<!tpu.dma_semaphore, #tpu.memory_space<semaphore_mem>>) src(%dma_wait3A_54 : memref<10016x64xf32, #tpu.memory_space<hbm>>) dst(%arg9 : memref<128x64xf32, #tpu.memory_space<vmem>>)
      %add3A_55 = arith.constant 0 : i32
      %add3A_56 = arith.addi %add3A_48, %add3A_55 : i32
      "tpu.region"() ({
        %run_scoped3A = tpu.sem_alloc : memref<!tpu.dma_semaphore, #tpu.memory_space<semaphore_mem>>
        %dma_start3A_119 = arith.constant 0 : i32
        %dma_start3A_120 = tpu.memref_slice %arg8[%add3A_56, %dma_start3A_119] : memref<80x128xi32, #tpu.memory_space<vmem>> -> memref<1x128xi32, #tpu.memory_space<vmem>>
        %dma_start3A_121 = tpu.memref_squeeze %dma_start3A_120 : memref<1x128xi32, #tpu.memory_space<vmem>> -> memref<128xi32, #tpu.memory_space<vmem>>
        %dma_start3A_122 = arith.constant 0 : i32
        %dma_start3A_123 = arith.constant 0 : i32
        %dma_start3A_124 = tpu.memref_slice %arg13[%dma_start3A_122, %dma_start3A_123] : memref<10016x64xf32, #tpu.memory_space<vmem_shared>> -> memref<10016x64xf32, #tpu.memory_space<vmem_shared>>
        tpu.enqueue_indirect_dma source(%arg9 : memref<128x64xf32, #tpu.memory_space<vmem>>) target(%dma_start3A_124 : memref<10016x64xf32, #tpu.memory_space<vmem_shared>>) offsets(%dma_start3A_121 : memref<128xi32, #tpu.memory_space<vmem>>) semaphore(%run_scoped3A : memref<!tpu.dma_semaphore, #tpu.memory_space<semaphore_mem>>) {add = true}
        %dma_wait3A_125 = arith.constant 0 : i32
        %dma_wait3A_126 = tpu.memref_slice %arg8[%add3A_56, %dma_wait3A_125] : memref<80x128xi32, #tpu.memory_space<vmem>> -> memref<1x128xi32, #tpu.memory_space<vmem>>
        %dma_wait3A_127 = tpu.memref_squeeze %dma_wait3A_126 : memref<1x128xi32, #tpu.memory_space<vmem>> -> memref<128xi32, #tpu.memory_space<vmem>>
        %dma_wait3A_128 = arith.constant 0 : i32
        %dma_wait3A_129 = arith.constant 0 : i32
        %dma_wait3A_130 = tpu.memref_slice %arg13[%dma_wait3A_128, %dma_wait3A_129] : memref<10016x64xf32, #tpu.memory_space<vmem_shared>> -> memref<10016x64xf32, #tpu.memory_space<vmem_shared>>
        tpu.wait_indirect_dma semaphore(%run_scoped3A : memref<!tpu.dma_semaphore, #tpu.memory_space<semaphore_mem>>) src(%arg9 : memref<128x64xf32, #tpu.memory_space<vmem>>) dst(%dma_wait3A_130 : memref<10016x64xf32, #tpu.memory_space<vmem_shared>>)
        tpu.yield
      }) : () -> ()
      %add3A_57 = arith.constant 4 : i32
      %add3A_58 = arith.addi %add3A_48, %add3A_57 : i32
      %add3A_59 = arith.constant 0 : i32
      %add3A_60 = arith.addi %add3A_58, %add3A_59 : i32
      %lt3A = arith.constant 80 : i32
      %lt3A_61 = arith.cmpi slt, %add3A_60, %lt3A : i32
      %convert_element_type3A_62 = arith.extui %lt3A_61 : i1 to i32
      %cond3A_63 = arith.constant 0 : i32
      %cond3A_64 = arith.cmpi ne, %convert_element_type3A_62, %cond3A_63 : i32
      scf.if %cond3A_64 {
        %add3A_119 = arith.constant 4 : i32
        %add3A_120 = arith.addi %add3A_48, %add3A_119 : i32
        %add3A_121 = arith.constant 0 : i32
        %add3A_122 = arith.addi %add3A_120, %add3A_121 : i32
        %dma_start3A_123 = arith.constant 0 : i32
        %dma_start3A_124 = tpu.memref_slice %arg7[%add3A_122, %dma_start3A_123] : memref<80x128xi32, #tpu.memory_space<vmem>> -> memref<1x128xi32, #tpu.memory_space<vmem>>
        %dma_start3A_125 = tpu.memref_squeeze %dma_start3A_124 : memref<1x128xi32, #tpu.memory_space<vmem>> -> memref<128xi32, #tpu.memory_space<vmem>>
        %dma_start3A_126 = arith.constant 0 : i32
        %dma_start3A_127 = arith.constant 0 : i32
        %dma_start3A_128 = tpu.memref_slice %arg4[%dma_start3A_126, %dma_start3A_127] : memref<10016x64xf32, #tpu.memory_space<hbm>> -> memref<10016x64xf32, #tpu.memory_space<hbm>>
        tpu.enqueue_indirect_dma source(%dma_start3A_128 : memref<10016x64xf32, #tpu.memory_space<hbm>>) target(%arg9 : memref<128x64xf32, #tpu.memory_space<vmem>>) offsets(%dma_start3A_125 : memref<128xi32, #tpu.memory_space<vmem>>) semaphore(%arg14 : memref<!tpu.dma_semaphore, #tpu.memory_space<semaphore_mem>>)
      } else {
      }
      %dma_wait3A_65 = arith.constant 0 : i32
      %dma_wait3A_66 = arith.constant 0 : i32
      %dma_wait3A_67 = tpu.memref_slice %arg7[%dma_wait3A_65, %dma_wait3A_66] : memref<80x128xi32, #tpu.memory_space<vmem>> -> memref<1x128xi32, #tpu.memory_space<vmem>>
      %dma_wait3A_68 = tpu.memref_squeeze %dma_wait3A_67 : memref<1x128xi32, #tpu.memory_space<vmem>> -> memref<128xi32, #tpu.memory_space<vmem>>
      %dma_wait3A_69 = arith.constant 0 : i32
      %dma_wait3A_70 = arith.constant 0 : i32
      %dma_wait3A_71 = tpu.memref_slice %arg4[%dma_wait3A_69, %dma_wait3A_70] : memref<10016x64xf32, #tpu.memory_space<hbm>> -> memref<10016x64xf32, #tpu.memory_space<hbm>>
      tpu.wait_indirect_dma semaphore(%arg15 : memref<!tpu.dma_semaphore, #tpu.memory_space<semaphore_mem>>) src(%dma_wait3A_71 : memref<10016x64xf32, #tpu.memory_space<hbm>>) dst(%arg10 : memref<128x64xf32, #tpu.memory_space<vmem>>)
      %add3A_72 = arith.constant 1 : i32
      %add3A_73 = arith.addi %add3A_48, %add3A_72 : i32
      "tpu.region"() ({
        %run_scoped3A = tpu.sem_alloc : memref<!tpu.dma_semaphore, #tpu.memory_space<semaphore_mem>>
        %dma_start3A_119 = arith.constant 0 : i32
        %dma_start3A_120 = tpu.memref_slice %arg8[%add3A_73, %dma_start3A_119] : memref<80x128xi32, #tpu.memory_space<vmem>> -> memref<1x128xi32, #tpu.memory_space<vmem>>
        %dma_start3A_121 = tpu.memref_squeeze %dma_start3A_120 : memref<1x128xi32, #tpu.memory_space<vmem>> -> memref<128xi32, #tpu.memory_space<vmem>>
        %dma_start3A_122 = arith.constant 0 : i32
        %dma_start3A_123 = arith.constant 0 : i32
        %dma_start3A_124 = tpu.memref_slice %arg13[%dma_start3A_122, %dma_start3A_123] : memref<10016x64xf32, #tpu.memory_space<vmem_shared>> -> memref<10016x64xf32, #tpu.memory_space<vmem_shared>>
        tpu.enqueue_indirect_dma source(%arg10 : memref<128x64xf32, #tpu.memory_space<vmem>>) target(%dma_start3A_124 : memref<10016x64xf32, #tpu.memory_space<vmem_shared>>) offsets(%dma_start3A_121 : memref<128xi32, #tpu.memory_space<vmem>>) semaphore(%run_scoped3A : memref<!tpu.dma_semaphore, #tpu.memory_space<semaphore_mem>>) {add = true}
        %dma_wait3A_125 = arith.constant 0 : i32
        %dma_wait3A_126 = tpu.memref_slice %arg8[%add3A_73, %dma_wait3A_125] : memref<80x128xi32, #tpu.memory_space<vmem>> -> memref<1x128xi32, #tpu.memory_space<vmem>>
        %dma_wait3A_127 = tpu.memref_squeeze %dma_wait3A_126 : memref<1x128xi32, #tpu.memory_space<vmem>> -> memref<128xi32, #tpu.memory_space<vmem>>
        %dma_wait3A_128 = arith.constant 0 : i32
        %dma_wait3A_129 = arith.constant 0 : i32
        %dma_wait3A_130 = tpu.memref_slice %arg13[%dma_wait3A_128, %dma_wait3A_129] : memref<10016x64xf32, #tpu.memory_space<vmem_shared>> -> memref<10016x64xf32, #tpu.memory_space<vmem_shared>>
        tpu.wait_indirect_dma semaphore(%run_scoped3A : memref<!tpu.dma_semaphore, #tpu.memory_space<semaphore_mem>>) src(%arg10 : memref<128x64xf32, #tpu.memory_space<vmem>>) dst(%dma_wait3A_130 : memref<10016x64xf32, #tpu.memory_space<vmem_shared>>)
        tpu.yield
      }) : () -> ()
      %add3A_74 = arith.constant 4 : i32
      %add3A_75 = arith.addi %add3A_48, %add3A_74 : i32
      %add3A_76 = arith.constant 1 : i32
      %add3A_77 = arith.addi %add3A_75, %add3A_76 : i32
      %lt3A_78 = arith.constant 80 : i32
      %lt3A_79 = arith.cmpi slt, %add3A_77, %lt3A_78 : i32
      %convert_element_type3A_80 = arith.extui %lt3A_79 : i1 to i32
      %cond3A_81 = arith.constant 0 : i32
      %cond3A_82 = arith.cmpi ne, %convert_element_type3A_80, %cond3A_81 : i32
      scf.if %cond3A_82 {
        %add3A_119 = arith.constant 4 : i32
        %add3A_120 = arith.addi %add3A_48, %add3A_119 : i32
        %add3A_121 = arith.constant 1 : i32
        %add3A_122 = arith.addi %add3A_120, %add3A_121 : i32
        %dma_start3A_123 = arith.constant 0 : i32
        %dma_start3A_124 = tpu.memref_slice %arg7[%add3A_122, %dma_start3A_123] : memref<80x128xi32, #tpu.memory_space<vmem>> -> memref<1x128xi32, #tpu.memory_space<vmem>>
        %dma_start3A_125 = tpu.memref_squeeze %dma_start3A_124 : memref<1x128xi32, #tpu.memory_space<vmem>> -> memref<128xi32, #tpu.memory_space<vmem>>
        %dma_start3A_126 = arith.constant 0 : i32
        %dma_start3A_127 = arith.constant 0 : i32
        %dma_start3A_128 = tpu.memref_slice %arg4[%dma_start3A_126, %dma_start3A_127] : memref<10016x64xf32, #tpu.memory_space<hbm>> -> memref<10016x64xf32, #tpu.memory_space<hbm>>
        tpu.enqueue_indirect_dma source(%dma_start3A_128 : memref<10016x64xf32, #tpu.memory_space<hbm>>) target(%arg10 : memref<128x64xf32, #tpu.memory_space<vmem>>) offsets(%dma_start3A_125 : memref<128xi32, #tpu.memory_space<vmem>>) semaphore(%arg15 : memref<!tpu.dma_semaphore, #tpu.memory_space<semaphore_mem>>)
      } else {
      }
      %dma_wait3A_83 = arith.constant 0 : i32
      %dma_wait3A_84 = arith.constant 0 : i32
      %dma_wait3A_85 = tpu.memref_slice %arg7[%dma_wait3A_83, %dma_wait3A_84] : memref<80x128xi32, #tpu.memory_space<vmem>> -> memref<1x128xi32, #tpu.memory_space<vmem>>
      %dma_wait3A_86 = tpu.memref_squeeze %dma_wait3A_85 : memref<1x128xi32, #tpu.memory_space<vmem>> -> memref<128xi32, #tpu.memory_space<vmem>>
      %dma_wait3A_87 = arith.constant 0 : i32
      %dma_wait3A_88 = arith.constant 0 : i32
      %dma_wait3A_89 = tpu.memref_slice %arg4[%dma_wait3A_87, %dma_wait3A_88] : memref<10016x64xf32, #tpu.memory_space<hbm>> -> memref<10016x64xf32, #tpu.memory_space<hbm>>
      tpu.wait_indirect_dma semaphore(%arg16 : memref<!tpu.dma_semaphore, #tpu.memory_space<semaphore_mem>>) src(%dma_wait3A_89 : memref<10016x64xf32, #tpu.memory_space<hbm>>) dst(%arg11 : memref<128x64xf32, #tpu.memory_space<vmem>>)
      %add3A_90 = arith.constant 2 : i32
      %add3A_91 = arith.addi %add3A_48, %add3A_90 : i32
      "tpu.region"() ({
        %run_scoped3A = tpu.sem_alloc : memref<!tpu.dma_semaphore, #tpu.memory_space<semaphore_mem>>
        %dma_start3A_119 = arith.constant 0 : i32
        %dma_start3A_120 = tpu.memref_slice %arg8[%add3A_91, %dma_start3A_119] : memref<80x128xi32, #tpu.memory_space<vmem>> -> memref<1x128xi32, #tpu.memory_space<vmem>>
        %dma_start3A_121 = tpu.memref_squeeze %dma_start3A_120 : memref<1x128xi32, #tpu.memory_space<vmem>> -> memref<128xi32, #tpu.memory_space<vmem>>
        %dma_start3A_122 = arith.constant 0 : i32
        %dma_start3A_123 = arith.constant 0 : i32
        %dma_start3A_124 = tpu.memref_slice %arg13[%dma_start3A_122, %dma_start3A_123] : memref<10016x64xf32, #tpu.memory_space<vmem_shared>> -> memref<10016x64xf32, #tpu.memory_space<vmem_shared>>
        tpu.enqueue_indirect_dma source(%arg11 : memref<128x64xf32, #tpu.memory_space<vmem>>) target(%dma_start3A_124 : memref<10016x64xf32, #tpu.memory_space<vmem_shared>>) offsets(%dma_start3A_121 : memref<128xi32, #tpu.memory_space<vmem>>) semaphore(%run_scoped3A : memref<!tpu.dma_semaphore, #tpu.memory_space<semaphore_mem>>) {add = true}
        %dma_wait3A_125 = arith.constant 0 : i32
        %dma_wait3A_126 = tpu.memref_slice %arg8[%add3A_91, %dma_wait3A_125] : memref<80x128xi32, #tpu.memory_space<vmem>> -> memref<1x128xi32, #tpu.memory_space<vmem>>
        %dma_wait3A_127 = tpu.memref_squeeze %dma_wait3A_126 : memref<1x128xi32, #tpu.memory_space<vmem>> -> memref<128xi32, #tpu.memory_space<vmem>>
        %dma_wait3A_128 = arith.constant 0 : i32
        %dma_wait3A_129 = arith.constant 0 : i32
        %dma_wait3A_130 = tpu.memref_slice %arg13[%dma_wait3A_128, %dma_wait3A_129] : memref<10016x64xf32, #tpu.memory_space<vmem_shared>> -> memref<10016x64xf32, #tpu.memory_space<vmem_shared>>
        tpu.wait_indirect_dma semaphore(%run_scoped3A : memref<!tpu.dma_semaphore, #tpu.memory_space<semaphore_mem>>) src(%arg11 : memref<128x64xf32, #tpu.memory_space<vmem>>) dst(%dma_wait3A_130 : memref<10016x64xf32, #tpu.memory_space<vmem_shared>>)
        tpu.yield
      }) : () -> ()
      %add3A_92 = arith.constant 4 : i32
      %add3A_93 = arith.addi %add3A_48, %add3A_92 : i32
      %add3A_94 = arith.constant 2 : i32
      %add3A_95 = arith.addi %add3A_93, %add3A_94 : i32
      %lt3A_96 = arith.constant 80 : i32
      %lt3A_97 = arith.cmpi slt, %add3A_95, %lt3A_96 : i32
      %convert_element_type3A_98 = arith.extui %lt3A_97 : i1 to i32
      %cond3A_99 = arith.constant 0 : i32
      %cond3A_100 = arith.cmpi ne, %convert_element_type3A_98, %cond3A_99 : i32
      scf.if %cond3A_100 {
        %add3A_119 = arith.constant 4 : i32
        %add3A_120 = arith.addi %add3A_48, %add3A_119 : i32
        %add3A_121 = arith.constant 2 : i32
        %add3A_122 = arith.addi %add3A_120, %add3A_121 : i32
        %dma_start3A_123 = arith.constant 0 : i32
        %dma_start3A_124 = tpu.memref_slice %arg7[%add3A_122, %dma_start3A_123] : memref<80x128xi32, #tpu.memory_space<vmem>> -> memref<1x128xi32, #tpu.memory_space<vmem>>
        %dma_start3A_125 = tpu.memref_squeeze %dma_start3A_124 : memref<1x128xi32, #tpu.memory_space<vmem>> -> memref<128xi32, #tpu.memory_space<vmem>>
        %dma_start3A_126 = arith.constant 0 : i32
        %dma_start3A_127 = arith.constant 0 : i32
        %dma_start3A_128 = tpu.memref_slice %arg4[%dma_start3A_126, %dma_start3A_127] : memref<10016x64xf32, #tpu.memory_space<hbm>> -> memref<10016x64xf32, #tpu.memory_space<hbm>>
        tpu.enqueue_indirect_dma source(%dma_start3A_128 : memref<10016x64xf32, #tpu.memory_space<hbm>>) target(%arg11 : memref<128x64xf32, #tpu.memory_space<vmem>>) offsets(%dma_start3A_125 : memref<128xi32, #tpu.memory_space<vmem>>) semaphore(%arg16 : memref<!tpu.dma_semaphore, #tpu.memory_space<semaphore_mem>>)
      } else {
      }
      %dma_wait3A_101 = arith.constant 0 : i32
      %dma_wait3A_102 = arith.constant 0 : i32
      %dma_wait3A_103 = tpu.memref_slice %arg7[%dma_wait3A_101, %dma_wait3A_102] : memref<80x128xi32, #tpu.memory_space<vmem>> -> memref<1x128xi32, #tpu.memory_space<vmem>>
      %dma_wait3A_104 = tpu.memref_squeeze %dma_wait3A_103 : memref<1x128xi32, #tpu.memory_space<vmem>> -> memref<128xi32, #tpu.memory_space<vmem>>
      %dma_wait3A_105 = arith.constant 0 : i32
      %dma_wait3A_106 = arith.constant 0 : i32
      %dma_wait3A_107 = tpu.memref_slice %arg4[%dma_wait3A_105, %dma_wait3A_106] : memref<10016x64xf32, #tpu.memory_space<hbm>> -> memref<10016x64xf32, #tpu.memory_space<hbm>>
      tpu.wait_indirect_dma semaphore(%arg17 : memref<!tpu.dma_semaphore, #tpu.memory_space<semaphore_mem>>) src(%dma_wait3A_107 : memref<10016x64xf32, #tpu.memory_space<hbm>>) dst(%arg12 : memref<128x64xf32, #tpu.memory_space<vmem>>)
      %add3A_108 = arith.constant 3 : i32
      %add3A_109 = arith.addi %add3A_48, %add3A_108 : i32
      "tpu.region"() ({
        %run_scoped3A = tpu.sem_alloc : memref<!tpu.dma_semaphore, #tpu.memory_space<semaphore_mem>>
        %dma_start3A_119 = arith.constant 0 : i32
        %dma_start3A_120 = tpu.memref_slice %arg8[%add3A_109, %dma_start3A_119] : memref<80x128xi32, #tpu.memory_space<vmem>> -> memref<1x128xi32, #tpu.memory_space<vmem>>
        %dma_start3A_121 = tpu.memref_squeeze %dma_start3A_120 : memref<1x128xi32, #tpu.memory_space<vmem>> -> memref<128xi32, #tpu.memory_space<vmem>>
        %dma_start3A_122 = arith.constant 0 : i32
        %dma_start3A_123 = arith.constant 0 : i32
        %dma_start3A_124 = tpu.memref_slice %arg13[%dma_start3A_122, %dma_start3A_123] : memref<10016x64xf32, #tpu.memory_space<vmem_shared>> -> memref<10016x64xf32, #tpu.memory_space<vmem_shared>>
        tpu.enqueue_indirect_dma source(%arg12 : memref<128x64xf32, #tpu.memory_space<vmem>>) target(%dma_start3A_124 : memref<10016x64xf32, #tpu.memory_space<vmem_shared>>) offsets(%dma_start3A_121 : memref<128xi32, #tpu.memory_space<vmem>>) semaphore(%run_scoped3A : memref<!tpu.dma_semaphore, #tpu.memory_space<semaphore_mem>>) {add = true}
        %dma_wait3A_125 = arith.constant 0 : i32
        %dma_wait3A_126 = tpu.memref_slice %arg8[%add3A_109, %dma_wait3A_125] : memref<80x128xi32, #tpu.memory_space<vmem>> -> memref<1x128xi32, #tpu.memory_space<vmem>>
        %dma_wait3A_127 = tpu.memref_squeeze %dma_wait3A_126 : memref<1x128xi32, #tpu.memory_space<vmem>> -> memref<128xi32, #tpu.memory_space<vmem>>
        %dma_wait3A_128 = arith.constant 0 : i32
        %dma_wait3A_129 = arith.constant 0 : i32
        %dma_wait3A_130 = tpu.memref_slice %arg13[%dma_wait3A_128, %dma_wait3A_129] : memref<10016x64xf32, #tpu.memory_space<vmem_shared>> -> memref<10016x64xf32, #tpu.memory_space<vmem_shared>>
        tpu.wait_indirect_dma semaphore(%run_scoped3A : memref<!tpu.dma_semaphore, #tpu.memory_space<semaphore_mem>>) src(%arg12 : memref<128x64xf32, #tpu.memory_space<vmem>>) dst(%dma_wait3A_130 : memref<10016x64xf32, #tpu.memory_space<vmem_shared>>)
        tpu.yield
      }) : () -> ()
      %add3A_110 = arith.constant 4 : i32
      %add3A_111 = arith.addi %add3A_48, %add3A_110 : i32
      %add3A_112 = arith.constant 3 : i32
      %add3A_113 = arith.addi %add3A_111, %add3A_112 : i32
      %lt3A_114 = arith.constant 80 : i32
      %lt3A_115 = arith.cmpi slt, %add3A_113, %lt3A_114 : i32
      %convert_element_type3A_116 = arith.extui %lt3A_115 : i1 to i32
      %cond3A_117 = arith.constant 0 : i32
      %cond3A_118 = arith.cmpi ne, %convert_element_type3A_116, %cond3A_117 : i32
      scf.if %cond3A_118 {
        %add3A_119 = arith.constant 4 : i32
        %add3A_120 = arith.addi %add3A_48, %add3A_119 : i32
        %add3A_121 = arith.constant 3 : i32
        %add3A_122 = arith.addi %add3A_120, %add3A_121 : i32
        %dma_start3A_123 = arith.constant 0 : i32
        %dma_start3A_124 = tpu.memref_slice %arg7[%add3A_122, %dma_start3A_123] : memref<80x128xi32, #tpu.memory_space<vmem>> -> memref<1x128xi32, #tpu.memory_space<vmem>>
        %dma_start3A_125 = tpu.memref_squeeze %dma_start3A_124 : memref<1x128xi32, #tpu.memory_space<vmem>> -> memref<128xi32, #tpu.memory_space<vmem>>
        %dma_start3A_126 = arith.constant 0 : i32
        %dma_start3A_127 = arith.constant 0 : i32
        %dma_start3A_128 = tpu.memref_slice %arg4[%dma_start3A_126, %dma_start3A_127] : memref<10016x64xf32, #tpu.memory_space<hbm>> -> memref<10016x64xf32, #tpu.memory_space<hbm>>
        tpu.enqueue_indirect_dma source(%dma_start3A_128 : memref<10016x64xf32, #tpu.memory_space<hbm>>) target(%arg12 : memref<128x64xf32, #tpu.memory_space<vmem>>) offsets(%dma_start3A_125 : memref<128xi32, #tpu.memory_space<vmem>>) semaphore(%arg17 : memref<!tpu.dma_semaphore, #tpu.memory_space<semaphore_mem>>)
      } else {
      }
    }
    %scan3A_42 = arith.constant 20 : i32
    %barrier3A_43 = arith.constant 0 : index
    tpu.barrier barrier_id(%barrier3A_43)
    "tpu.region"() ({
      %run_scoped3A = tpu.sem_alloc : memref<!tpu.dma_semaphore, #tpu.memory_space<semaphore_mem>>
      %dma_start3A_44 = arith.constant 0 : i32
      %dma_start3A_45 = tpu.memref_slice %arg6[%arg0, %mul3A_0, %dma_start3A_44] : memref<2x10016x64xf32, #tpu.memory_space<hbm>> -> memref<1x626x64xf32, #tpu.memory_space<hbm>>
      %dma_start3A_46 = tpu.memref_squeeze %dma_start3A_45 : memref<1x626x64xf32, #tpu.memory_space<hbm>> -> memref<626x64xf32, #tpu.memory_space<hbm>>
      %dma_start3A_47 = arith.constant 0 : i32
      %dma_start3A_48 = tpu.memref_slice %arg13[%mul3A_0, %dma_start3A_47] : memref<10016x64xf32, #tpu.memory_space<vmem_shared>> -> memref<626x64xf32, #tpu.memory_space<vmem_shared>>
      tpu.enqueue_dma source(%dma_start3A_48 : memref<626x64xf32, #tpu.memory_space<vmem_shared>>) target(%dma_start3A_46 : memref<626x64xf32, #tpu.memory_space<hbm>>) target_semaphore(%run_scoped3A : memref<!tpu.dma_semaphore, #tpu.memory_space<semaphore_mem>>)
      %dma_wait3A = arith.constant 0 : i32
      %dma_wait3A_49 = tpu.memref_slice %arg6[%arg0, %mul3A_0, %dma_wait3A] : memref<2x10016x64xf32, #tpu.memory_space<hbm>> -> memref<1x626x64xf32, #tpu.memory_space<hbm>>
      %dma_wait3A_50 = tpu.memref_squeeze %dma_wait3A_49 : memref<1x626x64xf32, #tpu.memory_space<hbm>> -> memref<626x64xf32, #tpu.memory_space<hbm>>
      %dma_wait3A_51 = arith.constant 0 : i32
      %dma_wait3A_52 = tpu.memref_slice %arg13[%mul3A_0, %dma_wait3A_51] : memref<10016x64xf32, #tpu.memory_space<vmem_shared>> -> memref<626x64xf32, #tpu.memory_space<vmem_shared>>
      tpu.wait_dma2 semaphore(%run_scoped3A : memref<!tpu.dma_semaphore, #tpu.memory_space<semaphore_mem>>) src(%dma_wait3A_52 : memref<626x64xf32, #tpu.memory_space<vmem_shared>>) dst(%dma_wait3A_50 : memref<626x64xf32, #tpu.memory_space<hbm>>)
      tpu.yield
    }) : () -> ()
    return
  }
}

#map = affine_map<(d0, d1) -> (0, 0)>
module attributes {stable_mosaic.version = 14 : i64} {
  func.func @sc_pq(%arg0: i32, %arg1: i32, %arg2: memref<800x128xi32, #tpu.memory_space<hbm>>, %arg3: memref<800x128xi32, #tpu.memory_space<hbm>>, %arg4: memref<10016x64xf32, #tpu.memory_space<hbm>>, %arg5: memref<10016x64xf32, #tpu.memory_space<hbm>>, %arg6: memref<102400x64xf32, #tpu.memory_space<hbm>>, %arg7: memref<102400x64xf32, #tpu.memory_space<hbm>>, %arg8: memref<25x128xi32, #tpu.memory_space<vmem>>, %arg9: memref<25x128xi32, #tpu.memory_space<vmem>>, %arg10: memref<128x64xf32, #tpu.memory_space<vmem>>, %arg11: memref<128x64xf32, #tpu.memory_space<vmem>>, %arg12: memref<128x64xf32, #tpu.memory_space<vmem>>, %arg13: memref<128x64xf32, #tpu.memory_space<vmem>>, %arg14: memref<128x64xf32, #tpu.memory_space<vmem>>, %arg15: memref<128x64xf32, #tpu.memory_space<vmem>>, %arg16: memref<128x64xf32, #tpu.memory_space<vmem>>, %arg17: memref<128x64xf32, #tpu.memory_space<vmem>>, %arg18: memref<!tpu.dma_semaphore, #tpu.memory_space<semaphore_mem>>, %arg19: memref<!tpu.dma_semaphore, #tpu.memory_space<semaphore_mem>>, %arg20: memref<!tpu.dma_semaphore, #tpu.memory_space<semaphore_mem>>, %arg21: memref<!tpu.dma_semaphore, #tpu.memory_space<semaphore_mem>>) attributes {dimension_semantics = [#tpu.dimension_semantics<core_parallel>, #tpu.dimension_semantics<subcore_parallel>], iteration_bounds = array<i64: 2, 16>, scalar_prefetch = 0 : i64, scratch_operands = 14 : i64, tpu.core_type = #tpu.core_type<sc_vector_subcore>, window_params = [{transform_indices = #map}, {transform_indices = #map}, {transform_indices = #map}, {transform_indices = #map}, {transform_indices = #map}, {transform_indices = #map}]} {
    %mul3A = arith.constant 2 : i32
    %mul3A_0 = arith.muli %arg1, %mul3A : i32
    %add3A = arith.addi %mul3A_0, %arg0 : i32
    %mul3A_1 = arith.constant 3200 : i32
    %mul3A_2 = arith.muli %add3A, %mul3A_1 : i32
    %mul3A_3 = arith.constant 25 : i32
    %mul3A_4 = arith.muli %add3A, %mul3A_3 : i32
    "tpu.region"() ({
      %run_scoped3A = tpu.sem_alloc : memref<!tpu.dma_semaphore, #tpu.memory_space<semaphore_mem>>
      %dma_start3A_79 = arith.constant 0 : i32
      %dma_start3A_80 = tpu.memref_slice %arg2[%mul3A_4, %dma_start3A_79] : memref<800x128xi32, #tpu.memory_space<hbm>> -> memref<25x128xi32, #tpu.memory_space<hbm>>
      %dma_start3A_81 = arith.constant 0 : i32
      %dma_start3A_82 = tpu.memref_slice %arg2[%mul3A_4, %dma_start3A_81] : memref<800x128xi32, #tpu.memory_space<hbm>> -> memref<25x128xi32, #tpu.memory_space<hbm>>
      tpu.enqueue_dma source(%dma_start3A_82 : memref<25x128xi32, #tpu.memory_space<hbm>>) target(%arg8 : memref<25x128xi32, #tpu.memory_space<vmem>>) target_semaphore(%run_scoped3A : memref<!tpu.dma_semaphore, #tpu.memory_space<semaphore_mem>>)
      %dma_wait3A_83 = arith.constant 0 : i32
      %dma_wait3A_84 = tpu.memref_slice %arg2[%mul3A_4, %dma_wait3A_83] : memref<800x128xi32, #tpu.memory_space<hbm>> -> memref<25x128xi32, #tpu.memory_space<hbm>>
      %dma_wait3A_85 = arith.constant 0 : i32
      %dma_wait3A_86 = tpu.memref_slice %arg2[%mul3A_4, %dma_wait3A_85] : memref<800x128xi32, #tpu.memory_space<hbm>> -> memref<25x128xi32, #tpu.memory_space<hbm>>
      tpu.wait_dma2 semaphore(%run_scoped3A : memref<!tpu.dma_semaphore, #tpu.memory_space<semaphore_mem>>) src(%dma_wait3A_86 : memref<25x128xi32, #tpu.memory_space<hbm>>) dst(%arg8 : memref<25x128xi32, #tpu.memory_space<vmem>>)
      tpu.yield
    }) : () -> ()
    "tpu.region"() ({
      %run_scoped3A = tpu.sem_alloc : memref<!tpu.dma_semaphore, #tpu.memory_space<semaphore_mem>>
      %dma_start3A_79 = arith.constant 0 : i32
      %dma_start3A_80 = tpu.memref_slice %arg3[%mul3A_4, %dma_start3A_79] : memref<800x128xi32, #tpu.memory_space<hbm>> -> memref<25x128xi32, #tpu.memory_space<hbm>>
      %dma_start3A_81 = arith.constant 0 : i32
      %dma_start3A_82 = tpu.memref_slice %arg3[%mul3A_4, %dma_start3A_81] : memref<800x128xi32, #tpu.memory_space<hbm>> -> memref<25x128xi32, #tpu.memory_space<hbm>>
      tpu.enqueue_dma source(%dma_start3A_82 : memref<25x128xi32, #tpu.memory_space<hbm>>) target(%arg9 : memref<25x128xi32, #tpu.memory_space<vmem>>) target_semaphore(%run_scoped3A : memref<!tpu.dma_semaphore, #tpu.memory_space<semaphore_mem>>)
      %dma_wait3A_83 = arith.constant 0 : i32
      %dma_wait3A_84 = tpu.memref_slice %arg3[%mul3A_4, %dma_wait3A_83] : memref<800x128xi32, #tpu.memory_space<hbm>> -> memref<25x128xi32, #tpu.memory_space<hbm>>
      %dma_wait3A_85 = arith.constant 0 : i32
      %dma_wait3A_86 = tpu.memref_slice %arg3[%mul3A_4, %dma_wait3A_85] : memref<800x128xi32, #tpu.memory_space<hbm>> -> memref<25x128xi32, #tpu.memory_space<hbm>>
      tpu.wait_dma2 semaphore(%run_scoped3A : memref<!tpu.dma_semaphore, #tpu.memory_space<semaphore_mem>>) src(%dma_wait3A_86 : memref<25x128xi32, #tpu.memory_space<hbm>>) dst(%arg9 : memref<25x128xi32, #tpu.memory_space<vmem>>)
      tpu.yield
    }) : () -> ()
    %dma_start3A = arith.constant 0 : i32
    %dma_start3A_5 = arith.constant 0 : i32
    %dma_start3A_6 = tpu.memref_slice %arg8[%dma_start3A, %dma_start3A_5] : memref<25x128xi32, #tpu.memory_space<vmem>> -> memref<1x128xi32, #tpu.memory_space<vmem>>
    %dma_start3A_7 = tpu.memref_squeeze %dma_start3A_6 : memref<1x128xi32, #tpu.memory_space<vmem>> -> memref<128xi32, #tpu.memory_space<vmem>>
    %dma_start3A_8 = arith.constant 0 : i32
    %dma_start3A_9 = arith.constant 0 : i32
    %dma_start3A_10 = tpu.memref_slice %arg4[%dma_start3A_8, %dma_start3A_9] : memref<10016x64xf32, #tpu.memory_space<hbm>> -> memref<10016x64xf32, #tpu.memory_space<hbm>>
    tpu.enqueue_indirect_dma source(%dma_start3A_10 : memref<10016x64xf32, #tpu.memory_space<hbm>>) target(%arg10 : memref<128x64xf32, #tpu.memory_space<vmem>>) offsets(%dma_start3A_7 : memref<128xi32, #tpu.memory_space<vmem>>) semaphore(%arg18 : memref<!tpu.dma_semaphore, #tpu.memory_space<semaphore_mem>>)
    %dma_start3A_11 = arith.constant 0 : i32
    %dma_start3A_12 = arith.constant 0 : i32
    %dma_start3A_13 = tpu.memref_slice %arg9[%dma_start3A_11, %dma_start3A_12] : memref<25x128xi32, #tpu.memory_space<vmem>> -> memref<1x128xi32, #tpu.memory_space<vmem>>
    %dma_start3A_14 = tpu.memref_squeeze %dma_start3A_13 : memref<1x128xi32, #tpu.memory_space<vmem>> -> memref<128xi32, #tpu.memory_space<vmem>>
    %dma_start3A_15 = arith.constant 0 : i32
    %dma_start3A_16 = arith.constant 0 : i32
    %dma_start3A_17 = tpu.memref_slice %arg5[%dma_start3A_15, %dma_start3A_16] : memref<10016x64xf32, #tpu.memory_space<hbm>> -> memref<10016x64xf32, #tpu.memory_space<hbm>>
    tpu.enqueue_indirect_dma source(%dma_start3A_17 : memref<10016x64xf32, #tpu.memory_space<hbm>>) target(%arg11 : memref<128x64xf32, #tpu.memory_space<vmem>>) offsets(%dma_start3A_14 : memref<128xi32, #tpu.memory_space<vmem>>) semaphore(%arg18 : memref<!tpu.dma_semaphore, #tpu.memory_space<semaphore_mem>>)
    %dma_start3A_18 = arith.constant 1 : i32
    %dma_start3A_19 = arith.constant 0 : i32
    %dma_start3A_20 = tpu.memref_slice %arg8[%dma_start3A_18, %dma_start3A_19] : memref<25x128xi32, #tpu.memory_space<vmem>> -> memref<1x128xi32, #tpu.memory_space<vmem>>
    %dma_start3A_21 = tpu.memref_squeeze %dma_start3A_20 : memref<1x128xi32, #tpu.memory_space<vmem>> -> memref<128xi32, #tpu.memory_space<vmem>>
    %dma_start3A_22 = arith.constant 0 : i32
    %dma_start3A_23 = arith.constant 0 : i32
    %dma_start3A_24 = tpu.memref_slice %arg4[%dma_start3A_22, %dma_start3A_23] : memref<10016x64xf32, #tpu.memory_space<hbm>> -> memref<10016x64xf32, #tpu.memory_space<hbm>>
    tpu.enqueue_indirect_dma source(%dma_start3A_24 : memref<10016x64xf32, #tpu.memory_space<hbm>>) target(%arg12 : memref<128x64xf32, #tpu.memory_space<vmem>>) offsets(%dma_start3A_21 : memref<128xi32, #tpu.memory_space<vmem>>) semaphore(%arg19 : memref<!tpu.dma_semaphore, #tpu.memory_space<semaphore_mem>>)
    %dma_start3A_25 = arith.constant 1 : i32
    %dma_start3A_26 = arith.constant 0 : i32
    %dma_start3A_27 = tpu.memref_slice %arg9[%dma_start3A_25, %dma_start3A_26] : memref<25x128xi32, #tpu.memory_space<vmem>> -> memref<1x128xi32, #tpu.memory_space<vmem>>
    %dma_start3A_28 = tpu.memref_squeeze %dma_start3A_27 : memref<1x128xi32, #tpu.memory_space<vmem>> -> memref<128xi32, #tpu.memory_space<vmem>>
    %dma_start3A_29 = arith.constant 0 : i32
    %dma_start3A_30 = arith.constant 0 : i32
    %dma_start3A_31 = tpu.memref_slice %arg5[%dma_start3A_29, %dma_start3A_30] : memref<10016x64xf32, #tpu.memory_space<hbm>> -> memref<10016x64xf32, #tpu.memory_space<hbm>>
    tpu.enqueue_indirect_dma source(%dma_start3A_31 : memref<10016x64xf32, #tpu.memory_space<hbm>>) target(%arg13 : memref<128x64xf32, #tpu.memory_space<vmem>>) offsets(%dma_start3A_28 : memref<128xi32, #tpu.memory_space<vmem>>) semaphore(%arg19 : memref<!tpu.dma_semaphore, #tpu.memory_space<semaphore_mem>>)
    %dma_start3A_32 = arith.constant 2 : i32
    %dma_start3A_33 = arith.constant 0 : i32
    %dma_start3A_34 = tpu.memref_slice %arg8[%dma_start3A_32, %dma_start3A_33] : memref<25x128xi32, #tpu.memory_space<vmem>> -> memref<1x128xi32, #tpu.memory_space<vmem>>
    %dma_start3A_35 = tpu.memref_squeeze %dma_start3A_34 : memref<1x128xi32, #tpu.memory_space<vmem>> -> memref<128xi32, #tpu.memory_space<vmem>>
    %dma_start3A_36 = arith.constant 0 : i32
    %dma_start3A_37 = arith.constant 0 : i32
    %dma_start3A_38 = tpu.memref_slice %arg4[%dma_start3A_36, %dma_start3A_37] : memref<10016x64xf32, #tpu.memory_space<hbm>> -> memref<10016x64xf32, #tpu.memory_space<hbm>>
    tpu.enqueue_indirect_dma source(%dma_start3A_38 : memref<10016x64xf32, #tpu.memory_space<hbm>>) target(%arg14 : memref<128x64xf32, #tpu.memory_space<vmem>>) offsets(%dma_start3A_35 : memref<128xi32, #tpu.memory_space<vmem>>) semaphore(%arg20 : memref<!tpu.dma_semaphore, #tpu.memory_space<semaphore_mem>>)
    %dma_start3A_39 = arith.constant 2 : i32
    %dma_start3A_40 = arith.constant 0 : i32
    %dma_start3A_41 = tpu.memref_slice %arg9[%dma_start3A_39, %dma_start3A_40] : memref<25x128xi32, #tpu.memory_space<vmem>> -> memref<1x128xi32, #tpu.memory_space<vmem>>
    %dma_start3A_42 = tpu.memref_squeeze %dma_start3A_41 : memref<1x128xi32, #tpu.memory_space<vmem>> -> memref<128xi32, #tpu.memory_space<vmem>>
    %dma_start3A_43 = arith.constant 0 : i32
    %dma_start3A_44 = arith.constant 0 : i32
    %dma_start3A_45 = tpu.memref_slice %arg5[%dma_start3A_43, %dma_start3A_44] : memref<10016x64xf32, #tpu.memory_space<hbm>> -> memref<10016x64xf32, #tpu.memory_space<hbm>>
    tpu.enqueue_indirect_dma source(%dma_start3A_45 : memref<10016x64xf32, #tpu.memory_space<hbm>>) target(%arg15 : memref<128x64xf32, #tpu.memory_space<vmem>>) offsets(%dma_start3A_42 : memref<128xi32, #tpu.memory_space<vmem>>) semaphore(%arg20 : memref<!tpu.dma_semaphore, #tpu.memory_space<semaphore_mem>>)
    %dma_start3A_46 = arith.constant 3 : i32
    %dma_start3A_47 = arith.constant 0 : i32
    %dma_start3A_48 = tpu.memref_slice %arg8[%dma_start3A_46, %dma_start3A_47] : memref<25x128xi32, #tpu.memory_space<vmem>> -> memref<1x128xi32, #tpu.memory_space<vmem>>
    %dma_start3A_49 = tpu.memref_squeeze %dma_start3A_48 : memref<1x128xi32, #tpu.memory_space<vmem>> -> memref<128xi32, #tpu.memory_space<vmem>>
    %dma_start3A_50 = arith.constant 0 : i32
    %dma_start3A_51 = arith.constant 0 : i32
    %dma_start3A_52 = tpu.memref_slice %arg4[%dma_start3A_50, %dma_start3A_51] : memref<10016x64xf32, #tpu.memory_space<hbm>> -> memref<10016x64xf32, #tpu.memory_space<hbm>>
    tpu.enqueue_indirect_dma source(%dma_start3A_52 : memref<10016x64xf32, #tpu.memory_space<hbm>>) target(%arg16 : memref<128x64xf32, #tpu.memory_space<vmem>>) offsets(%dma_start3A_49 : memref<128xi32, #tpu.memory_space<vmem>>) semaphore(%arg21 : memref<!tpu.dma_semaphore, #tpu.memory_space<semaphore_mem>>)
    %dma_start3A_53 = arith.constant 3 : i32
    %dma_start3A_54 = arith.constant 0 : i32
    %dma_start3A_55 = tpu.memref_slice %arg9[%dma_start3A_53, %dma_start3A_54] : memref<25x128xi32, #tpu.memory_space<vmem>> -> memref<1x128xi32, #tpu.memory_space<vmem>>
    %dma_start3A_56 = tpu.memref_squeeze %dma_start3A_55 : memref<1x128xi32, #tpu.memory_space<vmem>> -> memref<128xi32, #tpu.memory_space<vmem>>
    %dma_start3A_57 = arith.constant 0 : i32
    %dma_start3A_58 = arith.constant 0 : i32
    %dma_start3A_59 = tpu.memref_slice %arg5[%dma_start3A_57, %dma_start3A_58] : memref<10016x64xf32, #tpu.memory_space<hbm>> -> memref<10016x64xf32, #tpu.memory_space<hbm>>
    tpu.enqueue_indirect_dma source(%dma_start3A_59 : memref<10016x64xf32, #tpu.memory_space<hbm>>) target(%arg17 : memref<128x64xf32, #tpu.memory_space<vmem>>) offsets(%dma_start3A_56 : memref<128xi32, #tpu.memory_space<vmem>>) semaphore(%arg21 : memref<!tpu.dma_semaphore, #tpu.memory_space<semaphore_mem>>)
    %scan3A = arith.constant 0 : i32
    %scan3A_60 = arith.constant 6 : i32
    %scan3A_61 = arith.addi %scan3A, %scan3A_60 : i32
    %scan3A_62 = arith.constant 1 : i32
    scf.for %scan3A_79 = %scan3A to %scan3A_61 step %scan3A_62  : i32 {
      %mul3A_80 = arith.constant 4 : i32
      %mul3A_81 = arith.muli %scan3A_79, %mul3A_80 : i32
      %add3A_82 = arith.constant 0 : i32
      %add3A_83 = arith.addi %add3A_82, %mul3A_81 : i32
      %add3A_84 = arith.constant 0 : i32
      %add3A_85 = arith.addi %add3A_83, %add3A_84 : i32
      %mul3A_86 = arith.constant 128 : i32
      %mul3A_87 = arith.muli %add3A_85, %mul3A_86 : i32
      %add3A_88 = arith.addi %mul3A_2, %mul3A_87 : i32
      %dma_wait3A_89 = arith.constant 0 : i32
      %dma_wait3A_90 = arith.constant 0 : i32
      %dma_wait3A_91 = tpu.memref_slice %arg8[%dma_wait3A_89, %dma_wait3A_90] : memref<25x128xi32, #tpu.memory_space<vmem>> -> memref<1x128xi32, #tpu.memory_space<vmem>>
      %dma_wait3A_92 = tpu.memref_squeeze %dma_wait3A_91 : memref<1x128xi32, #tpu.memory_space<vmem>> -> memref<128xi32, #tpu.memory_space<vmem>>
      %dma_wait3A_93 = arith.constant 0 : i32
      %dma_wait3A_94 = arith.constant 0 : i32
      %dma_wait3A_95 = tpu.memref_slice %arg4[%dma_wait3A_93, %dma_wait3A_94] : memref<10016x64xf32, #tpu.memory_space<hbm>> -> memref<10016x64xf32, #tpu.memory_space<hbm>>
      tpu.wait_indirect_dma semaphore(%arg18 : memref<!tpu.dma_semaphore, #tpu.memory_space<semaphore_mem>>) src(%dma_wait3A_95 : memref<10016x64xf32, #tpu.memory_space<hbm>>) dst(%arg10 : memref<128x64xf32, #tpu.memory_space<vmem>>)
      %dma_wait3A_96 = arith.constant 0 : i32
      %dma_wait3A_97 = arith.constant 0 : i32
      %dma_wait3A_98 = tpu.memref_slice %arg9[%dma_wait3A_96, %dma_wait3A_97] : memref<25x128xi32, #tpu.memory_space<vmem>> -> memref<1x128xi32, #tpu.memory_space<vmem>>
      %dma_wait3A_99 = tpu.memref_squeeze %dma_wait3A_98 : memref<1x128xi32, #tpu.memory_space<vmem>> -> memref<128xi32, #tpu.memory_space<vmem>>
      %dma_wait3A_100 = arith.constant 0 : i32
      %dma_wait3A_101 = arith.constant 0 : i32
      %dma_wait3A_102 = tpu.memref_slice %arg5[%dma_wait3A_100, %dma_wait3A_101] : memref<10016x64xf32, #tpu.memory_space<hbm>> -> memref<10016x64xf32, #tpu.memory_space<hbm>>
      tpu.wait_indirect_dma semaphore(%arg18 : memref<!tpu.dma_semaphore, #tpu.memory_space<semaphore_mem>>) src(%dma_wait3A_102 : memref<10016x64xf32, #tpu.memory_space<hbm>>) dst(%arg11 : memref<128x64xf32, #tpu.memory_space<vmem>>)
      "tpu.region"() ({
        %run_scoped3A = tpu.sem_alloc : memref<!tpu.dma_semaphore, #tpu.memory_space<semaphore_mem>>
        %dma_start3A_193 = arith.constant 0 : i32
        %dma_start3A_194 = tpu.memref_slice %arg6[%add3A_88, %dma_start3A_193] : memref<102400x64xf32, #tpu.memory_space<hbm>> -> memref<128x64xf32, #tpu.memory_space<hbm>>
        %dma_start3A_195 = arith.constant 0 : i32
        %dma_start3A_196 = tpu.memref_slice %arg6[%add3A_88, %dma_start3A_195] : memref<102400x64xf32, #tpu.memory_space<hbm>> -> memref<128x64xf32, #tpu.memory_space<hbm>>
        tpu.enqueue_dma source(%arg10 : memref<128x64xf32, #tpu.memory_space<vmem>>) target(%dma_start3A_196 : memref<128x64xf32, #tpu.memory_space<hbm>>) target_semaphore(%run_scoped3A : memref<!tpu.dma_semaphore, #tpu.memory_space<semaphore_mem>>)
        %dma_wait3A_197 = arith.constant 0 : i32
        %dma_wait3A_198 = tpu.memref_slice %arg6[%add3A_88, %dma_wait3A_197] : memref<102400x64xf32, #tpu.memory_space<hbm>> -> memref<128x64xf32, #tpu.memory_space<hbm>>
        %dma_wait3A_199 = arith.constant 0 : i32
        %dma_wait3A_200 = tpu.memref_slice %arg6[%add3A_88, %dma_wait3A_199] : memref<102400x64xf32, #tpu.memory_space<hbm>> -> memref<128x64xf32, #tpu.memory_space<hbm>>
        tpu.wait_dma2 semaphore(%run_scoped3A : memref<!tpu.dma_semaphore, #tpu.memory_space<semaphore_mem>>) src(%arg10 : memref<128x64xf32, #tpu.memory_space<vmem>>) dst(%dma_wait3A_200 : memref<128x64xf32, #tpu.memory_space<hbm>>)
        tpu.yield
      }) : () -> ()
      "tpu.region"() ({
        %run_scoped3A = tpu.sem_alloc : memref<!tpu.dma_semaphore, #tpu.memory_space<semaphore_mem>>
        %dma_start3A_193 = arith.constant 0 : i32
        %dma_start3A_194 = tpu.memref_slice %arg7[%add3A_88, %dma_start3A_193] : memref<102400x64xf32, #tpu.memory_space<hbm>> -> memref<128x64xf32, #tpu.memory_space<hbm>>
        %dma_start3A_195 = arith.constant 0 : i32
        %dma_start3A_196 = tpu.memref_slice %arg7[%add3A_88, %dma_start3A_195] : memref<102400x64xf32, #tpu.memory_space<hbm>> -> memref<128x64xf32, #tpu.memory_space<hbm>>
        tpu.enqueue_dma source(%arg11 : memref<128x64xf32, #tpu.memory_space<vmem>>) target(%dma_start3A_196 : memref<128x64xf32, #tpu.memory_space<hbm>>) target_semaphore(%run_scoped3A : memref<!tpu.dma_semaphore, #tpu.memory_space<semaphore_mem>>)
        %dma_wait3A_197 = arith.constant 0 : i32
        %dma_wait3A_198 = tpu.memref_slice %arg7[%add3A_88, %dma_wait3A_197] : memref<102400x64xf32, #tpu.memory_space<hbm>> -> memref<128x64xf32, #tpu.memory_space<hbm>>
        %dma_wait3A_199 = arith.constant 0 : i32
        %dma_wait3A_200 = tpu.memref_slice %arg7[%add3A_88, %dma_wait3A_199] : memref<102400x64xf32, #tpu.memory_space<hbm>> -> memref<128x64xf32, #tpu.memory_space<hbm>>
        tpu.wait_dma2 semaphore(%run_scoped3A : memref<!tpu.dma_semaphore, #tpu.memory_space<semaphore_mem>>) src(%arg11 : memref<128x64xf32, #tpu.memory_space<vmem>>) dst(%dma_wait3A_200 : memref<128x64xf32, #tpu.memory_space<hbm>>)
        tpu.yield
      }) : () -> ()
      %add3A_103 = arith.constant 4 : i32
      %add3A_104 = arith.addi %add3A_83, %add3A_103 : i32
      %add3A_105 = arith.constant 0 : i32
      %add3A_106 = arith.addi %add3A_104, %add3A_105 : i32
      %lt3A = arith.constant 25 : i32
      %lt3A_107 = arith.cmpi slt, %add3A_106, %lt3A : i32
      %convert_element_type3A = arith.extui %lt3A_107 : i1 to i32
      %cond3A = arith.constant 0 : i32
      %cond3A_108 = arith.cmpi ne, %convert_element_type3A, %cond3A : i32
      scf.if %cond3A_108 {
        %add3A_193 = arith.constant 4 : i32
        %add3A_194 = arith.addi %add3A_83, %add3A_193 : i32
        %add3A_195 = arith.constant 0 : i32
        %add3A_196 = arith.addi %add3A_194, %add3A_195 : i32
        %dma_start3A_197 = arith.constant 0 : i32
        %dma_start3A_198 = tpu.memref_slice %arg8[%add3A_196, %dma_start3A_197] : memref<25x128xi32, #tpu.memory_space<vmem>> -> memref<1x128xi32, #tpu.memory_space<vmem>>
        %dma_start3A_199 = tpu.memref_squeeze %dma_start3A_198 : memref<1x128xi32, #tpu.memory_space<vmem>> -> memref<128xi32, #tpu.memory_space<vmem>>
        %dma_start3A_200 = arith.constant 0 : i32
        %dma_start3A_201 = arith.constant 0 : i32
        %dma_start3A_202 = tpu.memref_slice %arg4[%dma_start3A_200, %dma_start3A_201] : memref<10016x64xf32, #tpu.memory_space<hbm>> -> memref<10016x64xf32, #tpu.memory_space<hbm>>
        tpu.enqueue_indirect_dma source(%dma_start3A_202 : memref<10016x64xf32, #tpu.memory_space<hbm>>) target(%arg10 : memref<128x64xf32, #tpu.memory_space<vmem>>) offsets(%dma_start3A_199 : memref<128xi32, #tpu.memory_space<vmem>>) semaphore(%arg18 : memref<!tpu.dma_semaphore, #tpu.memory_space<semaphore_mem>>)
        %dma_start3A_203 = arith.constant 0 : i32
        %dma_start3A_204 = tpu.memref_slice %arg9[%add3A_196, %dma_start3A_203] : memref<25x128xi32, #tpu.memory_space<vmem>> -> memref<1x128xi32, #tpu.memory_space<vmem>>
        %dma_start3A_205 = tpu.memref_squeeze %dma_start3A_204 : memref<1x128xi32, #tpu.memory_space<vmem>> -> memref<128xi32, #tpu.memory_space<vmem>>
        %dma_start3A_206 = arith.constant 0 : i32
        %dma_start3A_207 = arith.constant 0 : i32
        %dma_start3A_208 = tpu.memref_slice %arg5[%dma_start3A_206, %dma_start3A_207] : memref<10016x64xf32, #tpu.memory_space<hbm>> -> memref<10016x64xf32, #tpu.memory_space<hbm>>
        tpu.enqueue_indirect_dma source(%dma_start3A_208 : memref<10016x64xf32, #tpu.memory_space<hbm>>) target(%arg11 : memref<128x64xf32, #tpu.memory_space<vmem>>) offsets(%dma_start3A_205 : memref<128xi32, #tpu.memory_space<vmem>>) semaphore(%arg18 : memref<!tpu.dma_semaphore, #tpu.memory_space<semaphore_mem>>)
      } else {
      }
      %add3A_109 = arith.constant 1 : i32
      %add3A_110 = arith.addi %add3A_83, %add3A_109 : i32
      %mul3A_111 = arith.constant 128 : i32
      %mul3A_112 = arith.muli %add3A_110, %mul3A_111 : i32
      %add3A_113 = arith.addi %mul3A_2, %mul3A_112 : i32
      %dma_wait3A_114 = arith.constant 0 : i32
      %dma_wait3A_115 = arith.constant 0 : i32
      %dma_wait3A_116 = tpu.memref_slice %arg8[%dma_wait3A_114, %dma_wait3A_115] : memref<25x128xi32, #tpu.memory_space<vmem>> -> memref<1x128xi32, #tpu.memory_space<vmem>>
      %dma_wait3A_117 = tpu.memref_squeeze %dma_wait3A_116 : memref<1x128xi32, #tpu.memory_space<vmem>> -> memref<128xi32, #tpu.memory_space<vmem>>
      %dma_wait3A_118 = arith.constant 0 : i32
      %dma_wait3A_119 = arith.constant 0 : i32
      %dma_wait3A_120 = tpu.memref_slice %arg4[%dma_wait3A_118, %dma_wait3A_119] : memref<10016x64xf32, #tpu.memory_space<hbm>> -> memref<10016x64xf32, #tpu.memory_space<hbm>>
      tpu.wait_indirect_dma semaphore(%arg19 : memref<!tpu.dma_semaphore, #tpu.memory_space<semaphore_mem>>) src(%dma_wait3A_120 : memref<10016x64xf32, #tpu.memory_space<hbm>>) dst(%arg12 : memref<128x64xf32, #tpu.memory_space<vmem>>)
      %dma_wait3A_121 = arith.constant 0 : i32
      %dma_wait3A_122 = arith.constant 0 : i32
      %dma_wait3A_123 = tpu.memref_slice %arg9[%dma_wait3A_121, %dma_wait3A_122] : memref<25x128xi32, #tpu.memory_space<vmem>> -> memref<1x128xi32, #tpu.memory_space<vmem>>
      %dma_wait3A_124 = tpu.memref_squeeze %dma_wait3A_123 : memref<1x128xi32, #tpu.memory_space<vmem>> -> memref<128xi32, #tpu.memory_space<vmem>>
      %dma_wait3A_125 = arith.constant 0 : i32
      %dma_wait3A_126 = arith.constant 0 : i32
      %dma_wait3A_127 = tpu.memref_slice %arg5[%dma_wait3A_125, %dma_wait3A_126] : memref<10016x64xf32, #tpu.memory_space<hbm>> -> memref<10016x64xf32, #tpu.memory_space<hbm>>
      tpu.wait_indirect_dma semaphore(%arg19 : memref<!tpu.dma_semaphore, #tpu.memory_space<semaphore_mem>>) src(%dma_wait3A_127 : memref<10016x64xf32, #tpu.memory_space<hbm>>) dst(%arg13 : memref<128x64xf32, #tpu.memory_space<vmem>>)
      "tpu.region"() ({
        %run_scoped3A = tpu.sem_alloc : memref<!tpu.dma_semaphore, #tpu.memory_space<semaphore_mem>>
        %dma_start3A_193 = arith.constant 0 : i32
        %dma_start3A_194 = tpu.memref_slice %arg6[%add3A_113, %dma_start3A_193] : memref<102400x64xf32, #tpu.memory_space<hbm>> -> memref<128x64xf32, #tpu.memory_space<hbm>>
        %dma_start3A_195 = arith.constant 0 : i32
        %dma_start3A_196 = tpu.memref_slice %arg6[%add3A_113, %dma_start3A_195] : memref<102400x64xf32, #tpu.memory_space<hbm>> -> memref<128x64xf32, #tpu.memory_space<hbm>>
        tpu.enqueue_dma source(%arg12 : memref<128x64xf32, #tpu.memory_space<vmem>>) target(%dma_start3A_196 : memref<128x64xf32, #tpu.memory_space<hbm>>) target_semaphore(%run_scoped3A : memref<!tpu.dma_semaphore, #tpu.memory_space<semaphore_mem>>)
        %dma_wait3A_197 = arith.constant 0 : i32
        %dma_wait3A_198 = tpu.memref_slice %arg6[%add3A_113, %dma_wait3A_197] : memref<102400x64xf32, #tpu.memory_space<hbm>> -> memref<128x64xf32, #tpu.memory_space<hbm>>
        %dma_wait3A_199 = arith.constant 0 : i32
        %dma_wait3A_200 = tpu.memref_slice %arg6[%add3A_113, %dma_wait3A_199] : memref<102400x64xf32, #tpu.memory_space<hbm>> -> memref<128x64xf32, #tpu.memory_space<hbm>>
        tpu.wait_dma2 semaphore(%run_scoped3A : memref<!tpu.dma_semaphore, #tpu.memory_space<semaphore_mem>>) src(%arg12 : memref<128x64xf32, #tpu.memory_space<vmem>>) dst(%dma_wait3A_200 : memref<128x64xf32, #tpu.memory_space<hbm>>)
        tpu.yield
      }) : () -> ()
      "tpu.region"() ({
        %run_scoped3A = tpu.sem_alloc : memref<!tpu.dma_semaphore, #tpu.memory_space<semaphore_mem>>
        %dma_start3A_193 = arith.constant 0 : i32
        %dma_start3A_194 = tpu.memref_slice %arg7[%add3A_113, %dma_start3A_193] : memref<102400x64xf32, #tpu.memory_space<hbm>> -> memref<128x64xf32, #tpu.memory_space<hbm>>
        %dma_start3A_195 = arith.constant 0 : i32
        %dma_start3A_196 = tpu.memref_slice %arg7[%add3A_113, %dma_start3A_195] : memref<102400x64xf32, #tpu.memory_space<hbm>> -> memref<128x64xf32, #tpu.memory_space<hbm>>
        tpu.enqueue_dma source(%arg13 : memref<128x64xf32, #tpu.memory_space<vmem>>) target(%dma_start3A_196 : memref<128x64xf32, #tpu.memory_space<hbm>>) target_semaphore(%run_scoped3A : memref<!tpu.dma_semaphore, #tpu.memory_space<semaphore_mem>>)
        %dma_wait3A_197 = arith.constant 0 : i32
        %dma_wait3A_198 = tpu.memref_slice %arg7[%add3A_113, %dma_wait3A_197] : memref<102400x64xf32, #tpu.memory_space<hbm>> -> memref<128x64xf32, #tpu.memory_space<hbm>>
        %dma_wait3A_199 = arith.constant 0 : i32
        %dma_wait3A_200 = tpu.memref_slice %arg7[%add3A_113, %dma_wait3A_199] : memref<102400x64xf32, #tpu.memory_space<hbm>> -> memref<128x64xf32, #tpu.memory_space<hbm>>
        tpu.wait_dma2 semaphore(%run_scoped3A : memref<!tpu.dma_semaphore, #tpu.memory_space<semaphore_mem>>) src(%arg13 : memref<128x64xf32, #tpu.memory_space<vmem>>) dst(%dma_wait3A_200 : memref<128x64xf32, #tpu.memory_space<hbm>>)
        tpu.yield
      }) : () -> ()
      %add3A_128 = arith.constant 4 : i32
      %add3A_129 = arith.addi %add3A_83, %add3A_128 : i32
      %add3A_130 = arith.constant 1 : i32
      %add3A_131 = arith.addi %add3A_129, %add3A_130 : i32
      %lt3A_132 = arith.constant 25 : i32
      %lt3A_133 = arith.cmpi slt, %add3A_131, %lt3A_132 : i32
      %convert_element_type3A_134 = arith.extui %lt3A_133 : i1 to i32
      %cond3A_135 = arith.constant 0 : i32
      %cond3A_136 = arith.cmpi ne, %convert_element_type3A_134, %cond3A_135 : i32
      scf.if %cond3A_136 {
        %add3A_193 = arith.constant 4 : i32
        %add3A_194 = arith.addi %add3A_83, %add3A_193 : i32
        %add3A_195 = arith.constant 1 : i32
        %add3A_196 = arith.addi %add3A_194, %add3A_195 : i32
        %dma_start3A_197 = arith.constant 0 : i32
        %dma_start3A_198 = tpu.memref_slice %arg8[%add3A_196, %dma_start3A_197] : memref<25x128xi32, #tpu.memory_space<vmem>> -> memref<1x128xi32, #tpu.memory_space<vmem>>
        %dma_start3A_199 = tpu.memref_squeeze %dma_start3A_198 : memref<1x128xi32, #tpu.memory_space<vmem>> -> memref<128xi32, #tpu.memory_space<vmem>>
        %dma_start3A_200 = arith.constant 0 : i32
        %dma_start3A_201 = arith.constant 0 : i32
        %dma_start3A_202 = tpu.memref_slice %arg4[%dma_start3A_200, %dma_start3A_201] : memref<10016x64xf32, #tpu.memory_space<hbm>> -> memref<10016x64xf32, #tpu.memory_space<hbm>>
        tpu.enqueue_indirect_dma source(%dma_start3A_202 : memref<10016x64xf32, #tpu.memory_space<hbm>>) target(%arg12 : memref<128x64xf32, #tpu.memory_space<vmem>>) offsets(%dma_start3A_199 : memref<128xi32, #tpu.memory_space<vmem>>) semaphore(%arg19 : memref<!tpu.dma_semaphore, #tpu.memory_space<semaphore_mem>>)
        %dma_start3A_203 = arith.constant 0 : i32
        %dma_start3A_204 = tpu.memref_slice %arg9[%add3A_196, %dma_start3A_203] : memref<25x128xi32, #tpu.memory_space<vmem>> -> memref<1x128xi32, #tpu.memory_space<vmem>>
        %dma_start3A_205 = tpu.memref_squeeze %dma_start3A_204 : memref<1x128xi32, #tpu.memory_space<vmem>> -> memref<128xi32, #tpu.memory_space<vmem>>
        %dma_start3A_206 = arith.constant 0 : i32
        %dma_start3A_207 = arith.constant 0 : i32
        %dma_start3A_208 = tpu.memref_slice %arg5[%dma_start3A_206, %dma_start3A_207] : memref<10016x64xf32, #tpu.memory_space<hbm>> -> memref<10016x64xf32, #tpu.memory_space<hbm>>
        tpu.enqueue_indirect_dma source(%dma_start3A_208 : memref<10016x64xf32, #tpu.memory_space<hbm>>) target(%arg13 : memref<128x64xf32, #tpu.memory_space<vmem>>) offsets(%dma_start3A_205 : memref<128xi32, #tpu.memory_space<vmem>>) semaphore(%arg19 : memref<!tpu.dma_semaphore, #tpu.memory_space<semaphore_mem>>)
      } else {
      }
      %add3A_137 = arith.constant 2 : i32
      %add3A_138 = arith.addi %add3A_83, %add3A_137 : i32
      %mul3A_139 = arith.constant 128 : i32
      %mul3A_140 = arith.muli %add3A_138, %mul3A_139 : i32
      %add3A_141 = arith.addi %mul3A_2, %mul3A_140 : i32
      %dma_wait3A_142 = arith.constant 0 : i32
      %dma_wait3A_143 = arith.constant 0 : i32
      %dma_wait3A_144 = tpu.memref_slice %arg8[%dma_wait3A_142, %dma_wait3A_143] : memref<25x128xi32, #tpu.memory_space<vmem>> -> memref<1x128xi32, #tpu.memory_space<vmem>>
      %dma_wait3A_145 = tpu.memref_squeeze %dma_wait3A_144 : memref<1x128xi32, #tpu.memory_space<vmem>> -> memref<128xi32, #tpu.memory_space<vmem>>
      %dma_wait3A_146 = arith.constant 0 : i32
      %dma_wait3A_147 = arith.constant 0 : i32
      %dma_wait3A_148 = tpu.memref_slice %arg4[%dma_wait3A_146, %dma_wait3A_147] : memref<10016x64xf32, #tpu.memory_space<hbm>> -> memref<10016x64xf32, #tpu.memory_space<hbm>>
      tpu.wait_indirect_dma semaphore(%arg20 : memref<!tpu.dma_semaphore, #tpu.memory_space<semaphore_mem>>) src(%dma_wait3A_148 : memref<10016x64xf32, #tpu.memory_space<hbm>>) dst(%arg14 : memref<128x64xf32, #tpu.memory_space<vmem>>)
      %dma_wait3A_149 = arith.constant 0 : i32
      %dma_wait3A_150 = arith.constant 0 : i32
      %dma_wait3A_151 = tpu.memref_slice %arg9[%dma_wait3A_149, %dma_wait3A_150] : memref<25x128xi32, #tpu.memory_space<vmem>> -> memref<1x128xi32, #tpu.memory_space<vmem>>
      %dma_wait3A_152 = tpu.memref_squeeze %dma_wait3A_151 : memref<1x128xi32, #tpu.memory_space<vmem>> -> memref<128xi32, #tpu.memory_space<vmem>>
      %dma_wait3A_153 = arith.constant 0 : i32
      %dma_wait3A_154 = arith.constant 0 : i32
      %dma_wait3A_155 = tpu.memref_slice %arg5[%dma_wait3A_153, %dma_wait3A_154] : memref<10016x64xf32, #tpu.memory_space<hbm>> -> memref<10016x64xf32, #tpu.memory_space<hbm>>
      tpu.wait_indirect_dma semaphore(%arg20 : memref<!tpu.dma_semaphore, #tpu.memory_space<semaphore_mem>>) src(%dma_wait3A_155 : memref<10016x64xf32, #tpu.memory_space<hbm>>) dst(%arg15 : memref<128x64xf32, #tpu.memory_space<vmem>>)
      "tpu.region"() ({
        %run_scoped3A = tpu.sem_alloc : memref<!tpu.dma_semaphore, #tpu.memory_space<semaphore_mem>>
        %dma_start3A_193 = arith.constant 0 : i32
        %dma_start3A_194 = tpu.memref_slice %arg6[%add3A_141, %dma_start3A_193] : memref<102400x64xf32, #tpu.memory_space<hbm>> -> memref<128x64xf32, #tpu.memory_space<hbm>>
        %dma_start3A_195 = arith.constant 0 : i32
        %dma_start3A_196 = tpu.memref_slice %arg6[%add3A_141, %dma_start3A_195] : memref<102400x64xf32, #tpu.memory_space<hbm>> -> memref<128x64xf32, #tpu.memory_space<hbm>>
        tpu.enqueue_dma source(%arg14 : memref<128x64xf32, #tpu.memory_space<vmem>>) target(%dma_start3A_196 : memref<128x64xf32, #tpu.memory_space<hbm>>) target_semaphore(%run_scoped3A : memref<!tpu.dma_semaphore, #tpu.memory_space<semaphore_mem>>)
        %dma_wait3A_197 = arith.constant 0 : i32
        %dma_wait3A_198 = tpu.memref_slice %arg6[%add3A_141, %dma_wait3A_197] : memref<102400x64xf32, #tpu.memory_space<hbm>> -> memref<128x64xf32, #tpu.memory_space<hbm>>
        %dma_wait3A_199 = arith.constant 0 : i32
        %dma_wait3A_200 = tpu.memref_slice %arg6[%add3A_141, %dma_wait3A_199] : memref<102400x64xf32, #tpu.memory_space<hbm>> -> memref<128x64xf32, #tpu.memory_space<hbm>>
        tpu.wait_dma2 semaphore(%run_scoped3A : memref<!tpu.dma_semaphore, #tpu.memory_space<semaphore_mem>>) src(%arg14 : memref<128x64xf32, #tpu.memory_space<vmem>>) dst(%dma_wait3A_200 : memref<128x64xf32, #tpu.memory_space<hbm>>)
        tpu.yield
      }) : () -> ()
      "tpu.region"() ({
        %run_scoped3A = tpu.sem_alloc : memref<!tpu.dma_semaphore, #tpu.memory_space<semaphore_mem>>
        %dma_start3A_193 = arith.constant 0 : i32
        %dma_start3A_194 = tpu.memref_slice %arg7[%add3A_141, %dma_start3A_193] : memref<102400x64xf32, #tpu.memory_space<hbm>> -> memref<128x64xf32, #tpu.memory_space<hbm>>
        %dma_start3A_195 = arith.constant 0 : i32
        %dma_start3A_196 = tpu.memref_slice %arg7[%add3A_141, %dma_start3A_195] : memref<102400x64xf32, #tpu.memory_space<hbm>> -> memref<128x64xf32, #tpu.memory_space<hbm>>
        tpu.enqueue_dma source(%arg15 : memref<128x64xf32, #tpu.memory_space<vmem>>) target(%dma_start3A_196 : memref<128x64xf32, #tpu.memory_space<hbm>>) target_semaphore(%run_scoped3A : memref<!tpu.dma_semaphore, #tpu.memory_space<semaphore_mem>>)
        %dma_wait3A_197 = arith.constant 0 : i32
        %dma_wait3A_198 = tpu.memref_slice %arg7[%add3A_141, %dma_wait3A_197] : memref<102400x64xf32, #tpu.memory_space<hbm>> -> memref<128x64xf32, #tpu.memory_space<hbm>>
        %dma_wait3A_199 = arith.constant 0 : i32
        %dma_wait3A_200 = tpu.memref_slice %arg7[%add3A_141, %dma_wait3A_199] : memref<102400x64xf32, #tpu.memory_space<hbm>> -> memref<128x64xf32, #tpu.memory_space<hbm>>
        tpu.wait_dma2 semaphore(%run_scoped3A : memref<!tpu.dma_semaphore, #tpu.memory_space<semaphore_mem>>) src(%arg15 : memref<128x64xf32, #tpu.memory_space<vmem>>) dst(%dma_wait3A_200 : memref<128x64xf32, #tpu.memory_space<hbm>>)
        tpu.yield
      }) : () -> ()
      %add3A_156 = arith.constant 4 : i32
      %add3A_157 = arith.addi %add3A_83, %add3A_156 : i32
      %add3A_158 = arith.constant 2 : i32
      %add3A_159 = arith.addi %add3A_157, %add3A_158 : i32
      %lt3A_160 = arith.constant 25 : i32
      %lt3A_161 = arith.cmpi slt, %add3A_159, %lt3A_160 : i32
      %convert_element_type3A_162 = arith.extui %lt3A_161 : i1 to i32
      %cond3A_163 = arith.constant 0 : i32
      %cond3A_164 = arith.cmpi ne, %convert_element_type3A_162, %cond3A_163 : i32
      scf.if %cond3A_164 {
        %add3A_193 = arith.constant 4 : i32
        %add3A_194 = arith.addi %add3A_83, %add3A_193 : i32
        %add3A_195 = arith.constant 2 : i32
        %add3A_196 = arith.addi %add3A_194, %add3A_195 : i32
        %dma_start3A_197 = arith.constant 0 : i32
        %dma_start3A_198 = tpu.memref_slice %arg8[%add3A_196, %dma_start3A_197] : memref<25x128xi32, #tpu.memory_space<vmem>> -> memref<1x128xi32, #tpu.memory_space<vmem>>
        %dma_start3A_199 = tpu.memref_squeeze %dma_start3A_198 : memref<1x128xi32, #tpu.memory_space<vmem>> -> memref<128xi32, #tpu.memory_space<vmem>>
        %dma_start3A_200 = arith.constant 0 : i32
        %dma_start3A_201 = arith.constant 0 : i32
        %dma_start3A_202 = tpu.memref_slice %arg4[%dma_start3A_200, %dma_start3A_201] : memref<10016x64xf32, #tpu.memory_space<hbm>> -> memref<10016x64xf32, #tpu.memory_space<hbm>>
        tpu.enqueue_indirect_dma source(%dma_start3A_202 : memref<10016x64xf32, #tpu.memory_space<hbm>>) target(%arg14 : memref<128x64xf32, #tpu.memory_space<vmem>>) offsets(%dma_start3A_199 : memref<128xi32, #tpu.memory_space<vmem>>) semaphore(%arg20 : memref<!tpu.dma_semaphore, #tpu.memory_space<semaphore_mem>>)
        %dma_start3A_203 = arith.constant 0 : i32
        %dma_start3A_204 = tpu.memref_slice %arg9[%add3A_196, %dma_start3A_203] : memref<25x128xi32, #tpu.memory_space<vmem>> -> memref<1x128xi32, #tpu.memory_space<vmem>>
        %dma_start3A_205 = tpu.memref_squeeze %dma_start3A_204 : memref<1x128xi32, #tpu.memory_space<vmem>> -> memref<128xi32, #tpu.memory_space<vmem>>
        %dma_start3A_206 = arith.constant 0 : i32
        %dma_start3A_207 = arith.constant 0 : i32
        %dma_start3A_208 = tpu.memref_slice %arg5[%dma_start3A_206, %dma_start3A_207] : memref<10016x64xf32, #tpu.memory_space<hbm>> -> memref<10016x64xf32, #tpu.memory_space<hbm>>
        tpu.enqueue_indirect_dma source(%dma_start3A_208 : memref<10016x64xf32, #tpu.memory_space<hbm>>) target(%arg15 : memref<128x64xf32, #tpu.memory_space<vmem>>) offsets(%dma_start3A_205 : memref<128xi32, #tpu.memory_space<vmem>>) semaphore(%arg20 : memref<!tpu.dma_semaphore, #tpu.memory_space<semaphore_mem>>)
      } else {
      }
      %add3A_165 = arith.constant 3 : i32
      %add3A_166 = arith.addi %add3A_83, %add3A_165 : i32
      %mul3A_167 = arith.constant 128 : i32
      %mul3A_168 = arith.muli %add3A_166, %mul3A_167 : i32
      %add3A_169 = arith.addi %mul3A_2, %mul3A_168 : i32
      %dma_wait3A_170 = arith.constant 0 : i32
      %dma_wait3A_171 = arith.constant 0 : i32
      %dma_wait3A_172 = tpu.memref_slice %arg8[%dma_wait3A_170, %dma_wait3A_171] : memref<25x128xi32, #tpu.memory_space<vmem>> -> memref<1x128xi32, #tpu.memory_space<vmem>>
      %dma_wait3A_173 = tpu.memref_squeeze %dma_wait3A_172 : memref<1x128xi32, #tpu.memory_space<vmem>> -> memref<128xi32, #tpu.memory_space<vmem>>
      %dma_wait3A_174 = arith.constant 0 : i32
      %dma_wait3A_175 = arith.constant 0 : i32
      %dma_wait3A_176 = tpu.memref_slice %arg4[%dma_wait3A_174, %dma_wait3A_175] : memref<10016x64xf32, #tpu.memory_space<hbm>> -> memref<10016x64xf32, #tpu.memory_space<hbm>>
      tpu.wait_indirect_dma semaphore(%arg21 : memref<!tpu.dma_semaphore, #tpu.memory_space<semaphore_mem>>) src(%dma_wait3A_176 : memref<10016x64xf32, #tpu.memory_space<hbm>>) dst(%arg16 : memref<128x64xf32, #tpu.memory_space<vmem>>)
      %dma_wait3A_177 = arith.constant 0 : i32
      %dma_wait3A_178 = arith.constant 0 : i32
      %dma_wait3A_179 = tpu.memref_slice %arg9[%dma_wait3A_177, %dma_wait3A_178] : memref<25x128xi32, #tpu.memory_space<vmem>> -> memref<1x128xi32, #tpu.memory_space<vmem>>
      %dma_wait3A_180 = tpu.memref_squeeze %dma_wait3A_179 : memref<1x128xi32, #tpu.memory_space<vmem>> -> memref<128xi32, #tpu.memory_space<vmem>>
      %dma_wait3A_181 = arith.constant 0 : i32
      %dma_wait3A_182 = arith.constant 0 : i32
      %dma_wait3A_183 = tpu.memref_slice %arg5[%dma_wait3A_181, %dma_wait3A_182] : memref<10016x64xf32, #tpu.memory_space<hbm>> -> memref<10016x64xf32, #tpu.memory_space<hbm>>
      tpu.wait_indirect_dma semaphore(%arg21 : memref<!tpu.dma_semaphore, #tpu.memory_space<semaphore_mem>>) src(%dma_wait3A_183 : memref<10016x64xf32, #tpu.memory_space<hbm>>) dst(%arg17 : memref<128x64xf32, #tpu.memory_space<vmem>>)
      "tpu.region"() ({
        %run_scoped3A = tpu.sem_alloc : memref<!tpu.dma_semaphore, #tpu.memory_space<semaphore_mem>>
        %dma_start3A_193 = arith.constant 0 : i32
        %dma_start3A_194 = tpu.memref_slice %arg6[%add3A_169, %dma_start3A_193] : memref<102400x64xf32, #tpu.memory_space<hbm>> -> memref<128x64xf32, #tpu.memory_space<hbm>>
        %dma_start3A_195 = arith.constant 0 : i32
        %dma_start3A_196 = tpu.memref_slice %arg6[%add3A_169, %dma_start3A_195] : memref<102400x64xf32, #tpu.memory_space<hbm>> -> memref<128x64xf32, #tpu.memory_space<hbm>>
        tpu.enqueue_dma source(%arg16 : memref<128x64xf32, #tpu.memory_space<vmem>>) target(%dma_start3A_196 : memref<128x64xf32, #tpu.memory_space<hbm>>) target_semaphore(%run_scoped3A : memref<!tpu.dma_semaphore, #tpu.memory_space<semaphore_mem>>)
        %dma_wait3A_197 = arith.constant 0 : i32
        %dma_wait3A_198 = tpu.memref_slice %arg6[%add3A_169, %dma_wait3A_197] : memref<102400x64xf32, #tpu.memory_space<hbm>> -> memref<128x64xf32, #tpu.memory_space<hbm>>
        %dma_wait3A_199 = arith.constant 0 : i32
        %dma_wait3A_200 = tpu.memref_slice %arg6[%add3A_169, %dma_wait3A_199] : memref<102400x64xf32, #tpu.memory_space<hbm>> -> memref<128x64xf32, #tpu.memory_space<hbm>>
        tpu.wait_dma2 semaphore(%run_scoped3A : memref<!tpu.dma_semaphore, #tpu.memory_space<semaphore_mem>>) src(%arg16 : memref<128x64xf32, #tpu.memory_space<vmem>>) dst(%dma_wait3A_200 : memref<128x64xf32, #tpu.memory_space<hbm>>)
        tpu.yield
      }) : () -> ()
      "tpu.region"() ({
        %run_scoped3A = tpu.sem_alloc : memref<!tpu.dma_semaphore, #tpu.memory_space<semaphore_mem>>
        %dma_start3A_193 = arith.constant 0 : i32
        %dma_start3A_194 = tpu.memref_slice %arg7[%add3A_169, %dma_start3A_193] : memref<102400x64xf32, #tpu.memory_space<hbm>> -> memref<128x64xf32, #tpu.memory_space<hbm>>
        %dma_start3A_195 = arith.constant 0 : i32
        %dma_start3A_196 = tpu.memref_slice %arg7[%add3A_169, %dma_start3A_195] : memref<102400x64xf32, #tpu.memory_space<hbm>> -> memref<128x64xf32, #tpu.memory_space<hbm>>
        tpu.enqueue_dma source(%arg17 : memref<128x64xf32, #tpu.memory_space<vmem>>) target(%dma_start3A_196 : memref<128x64xf32, #tpu.memory_space<hbm>>) target_semaphore(%run_scoped3A : memref<!tpu.dma_semaphore, #tpu.memory_space<semaphore_mem>>)
        %dma_wait3A_197 = arith.constant 0 : i32
        %dma_wait3A_198 = tpu.memref_slice %arg7[%add3A_169, %dma_wait3A_197] : memref<102400x64xf32, #tpu.memory_space<hbm>> -> memref<128x64xf32, #tpu.memory_space<hbm>>
        %dma_wait3A_199 = arith.constant 0 : i32
        %dma_wait3A_200 = tpu.memref_slice %arg7[%add3A_169, %dma_wait3A_199] : memref<102400x64xf32, #tpu.memory_space<hbm>> -> memref<128x64xf32, #tpu.memory_space<hbm>>
        tpu.wait_dma2 semaphore(%run_scoped3A : memref<!tpu.dma_semaphore, #tpu.memory_space<semaphore_mem>>) src(%arg17 : memref<128x64xf32, #tpu.memory_space<vmem>>) dst(%dma_wait3A_200 : memref<128x64xf32, #tpu.memory_space<hbm>>)
        tpu.yield
      }) : () -> ()
      %add3A_184 = arith.constant 4 : i32
      %add3A_185 = arith.addi %add3A_83, %add3A_184 : i32
      %add3A_186 = arith.constant 3 : i32
      %add3A_187 = arith.addi %add3A_185, %add3A_186 : i32
      %lt3A_188 = arith.constant 25 : i32
      %lt3A_189 = arith.cmpi slt, %add3A_187, %lt3A_188 : i32
      %convert_element_type3A_190 = arith.extui %lt3A_189 : i1 to i32
      %cond3A_191 = arith.constant 0 : i32
      %cond3A_192 = arith.cmpi ne, %convert_element_type3A_190, %cond3A_191 : i32
      scf.if %cond3A_192 {
        %add3A_193 = arith.constant 4 : i32
        %add3A_194 = arith.addi %add3A_83, %add3A_193 : i32
        %add3A_195 = arith.constant 3 : i32
        %add3A_196 = arith.addi %add3A_194, %add3A_195 : i32
        %dma_start3A_197 = arith.constant 0 : i32
        %dma_start3A_198 = tpu.memref_slice %arg8[%add3A_196, %dma_start3A_197] : memref<25x128xi32, #tpu.memory_space<vmem>> -> memref<1x128xi32, #tpu.memory_space<vmem>>
        %dma_start3A_199 = tpu.memref_squeeze %dma_start3A_198 : memref<1x128xi32, #tpu.memory_space<vmem>> -> memref<128xi32, #tpu.memory_space<vmem>>
        %dma_start3A_200 = arith.constant 0 : i32
        %dma_start3A_201 = arith.constant 0 : i32
        %dma_start3A_202 = tpu.memref_slice %arg4[%dma_start3A_200, %dma_start3A_201] : memref<10016x64xf32, #tpu.memory_space<hbm>> -> memref<10016x64xf32, #tpu.memory_space<hbm>>
        tpu.enqueue_indirect_dma source(%dma_start3A_202 : memref<10016x64xf32, #tpu.memory_space<hbm>>) target(%arg16 : memref<128x64xf32, #tpu.memory_space<vmem>>) offsets(%dma_start3A_199 : memref<128xi32, #tpu.memory_space<vmem>>) semaphore(%arg21 : memref<!tpu.dma_semaphore, #tpu.memory_space<semaphore_mem>>)
        %dma_start3A_203 = arith.constant 0 : i32
        %dma_start3A_204 = tpu.memref_slice %arg9[%add3A_196, %dma_start3A_203] : memref<25x128xi32, #tpu.memory_space<vmem>> -> memref<1x128xi32, #tpu.memory_space<vmem>>
        %dma_start3A_205 = tpu.memref_squeeze %dma_start3A_204 : memref<1x128xi32, #tpu.memory_space<vmem>> -> memref<128xi32, #tpu.memory_space<vmem>>
        %dma_start3A_206 = arith.constant 0 : i32
        %dma_start3A_207 = arith.constant 0 : i32
        %dma_start3A_208 = tpu.memref_slice %arg5[%dma_start3A_206, %dma_start3A_207] : memref<10016x64xf32, #tpu.memory_space<hbm>> -> memref<10016x64xf32, #tpu.memory_space<hbm>>
        tpu.enqueue_indirect_dma source(%dma_start3A_208 : memref<10016x64xf32, #tpu.memory_space<hbm>>) target(%arg17 : memref<128x64xf32, #tpu.memory_space<vmem>>) offsets(%dma_start3A_205 : memref<128xi32, #tpu.memory_space<vmem>>) semaphore(%arg21 : memref<!tpu.dma_semaphore, #tpu.memory_space<semaphore_mem>>)
      } else {
      }
    }
    %scan3A_63 = arith.constant 6 : i32
    %add3A_64 = arith.constant 3072 : i32
    %add3A_65 = arith.addi %mul3A_2, %add3A_64 : i32
    %dma_wait3A = arith.constant 0 : i32
    %dma_wait3A_66 = arith.constant 0 : i32
    %dma_wait3A_67 = tpu.memref_slice %arg8[%dma_wait3A, %dma_wait3A_66] : memref<25x128xi32, #tpu.memory_space<vmem>> -> memref<1x128xi32, #tpu.memory_space<vmem>>
    %dma_wait3A_68 = tpu.memref_squeeze %dma_wait3A_67 : memref<1x128xi32, #tpu.memory_space<vmem>> -> memref<128xi32, #tpu.memory_space<vmem>>
    %dma_wait3A_69 = arith.constant 0 : i32
    %dma_wait3A_70 = arith.constant 0 : i32
    %dma_wait3A_71 = tpu.memref_slice %arg4[%dma_wait3A_69, %dma_wait3A_70] : memref<10016x64xf32, #tpu.memory_space<hbm>> -> memref<10016x64xf32, #tpu.memory_space<hbm>>
    tpu.wait_indirect_dma semaphore(%arg18 : memref<!tpu.dma_semaphore, #tpu.memory_space<semaphore_mem>>) src(%dma_wait3A_71 : memref<10016x64xf32, #tpu.memory_space<hbm>>) dst(%arg10 : memref<128x64xf32, #tpu.memory_space<vmem>>)
    %dma_wait3A_72 = arith.constant 0 : i32
    %dma_wait3A_73 = arith.constant 0 : i32
    %dma_wait3A_74 = tpu.memref_slice %arg9[%dma_wait3A_72, %dma_wait3A_73] : memref<25x128xi32, #tpu.memory_space<vmem>> -> memref<1x128xi32, #tpu.memory_space<vmem>>
    %dma_wait3A_75 = tpu.memref_squeeze %dma_wait3A_74 : memref<1x128xi32, #tpu.memory_space<vmem>> -> memref<128xi32, #tpu.memory_space<vmem>>
    %dma_wait3A_76 = arith.constant 0 : i32
    %dma_wait3A_77 = arith.constant 0 : i32
    %dma_wait3A_78 = tpu.memref_slice %arg5[%dma_wait3A_76, %dma_wait3A_77] : memref<10016x64xf32, #tpu.memory_space<hbm>> -> memref<10016x64xf32, #tpu.memory_space<hbm>>
    tpu.wait_indirect_dma semaphore(%arg18 : memref<!tpu.dma_semaphore, #tpu.memory_space<semaphore_mem>>) src(%dma_wait3A_78 : memref<10016x64xf32, #tpu.memory_space<hbm>>) dst(%arg11 : memref<128x64xf32, #tpu.memory_space<vmem>>)
    "tpu.region"() ({
      %run_scoped3A = tpu.sem_alloc : memref<!tpu.dma_semaphore, #tpu.memory_space<semaphore_mem>>
      %dma_start3A_79 = arith.constant 0 : i32
      %dma_start3A_80 = tpu.memref_slice %arg6[%add3A_65, %dma_start3A_79] : memref<102400x64xf32, #tpu.memory_space<hbm>> -> memref<128x64xf32, #tpu.memory_space<hbm>>
      %dma_start3A_81 = arith.constant 0 : i32
      %dma_start3A_82 = tpu.memref_slice %arg6[%add3A_65, %dma_start3A_81] : memref<102400x64xf32, #tpu.memory_space<hbm>> -> memref<128x64xf32, #tpu.memory_space<hbm>>
      tpu.enqueue_dma source(%arg10 : memref<128x64xf32, #tpu.memory_space<vmem>>) target(%dma_start3A_82 : memref<128x64xf32, #tpu.memory_space<hbm>>) target_semaphore(%run_scoped3A : memref<!tpu.dma_semaphore, #tpu.memory_space<semaphore_mem>>)
      %dma_wait3A_83 = arith.constant 0 : i32
      %dma_wait3A_84 = tpu.memref_slice %arg6[%add3A_65, %dma_wait3A_83] : memref<102400x64xf32, #tpu.memory_space<hbm>> -> memref<128x64xf32, #tpu.memory_space<hbm>>
      %dma_wait3A_85 = arith.constant 0 : i32
      %dma_wait3A_86 = tpu.memref_slice %arg6[%add3A_65, %dma_wait3A_85] : memref<102400x64xf32, #tpu.memory_space<hbm>> -> memref<128x64xf32, #tpu.memory_space<hbm>>
      tpu.wait_dma2 semaphore(%run_scoped3A : memref<!tpu.dma_semaphore, #tpu.memory_space<semaphore_mem>>) src(%arg10 : memref<128x64xf32, #tpu.memory_space<vmem>>) dst(%dma_wait3A_86 : memref<128x64xf32, #tpu.memory_space<hbm>>)
      tpu.yield
    }) : () -> ()
    "tpu.region"() ({
      %run_scoped3A = tpu.sem_alloc : memref<!tpu.dma_semaphore, #tpu.memory_space<semaphore_mem>>
      %dma_start3A_79 = arith.constant 0 : i32
      %dma_start3A_80 = tpu.memref_slice %arg7[%add3A_65, %dma_start3A_79] : memref<102400x64xf32, #tpu.memory_space<hbm>> -> memref<128x64xf32, #tpu.memory_space<hbm>>
      %dma_start3A_81 = arith.constant 0 : i32
      %dma_start3A_82 = tpu.memref_slice %arg7[%add3A_65, %dma_start3A_81] : memref<102400x64xf32, #tpu.memory_space<hbm>> -> memref<128x64xf32, #tpu.memory_space<hbm>>
      tpu.enqueue_dma source(%arg11 : memref<128x64xf32, #tpu.memory_space<vmem>>) target(%dma_start3A_82 : memref<128x64xf32, #tpu.memory_space<hbm>>) target_semaphore(%run_scoped3A : memref<!tpu.dma_semaphore, #tpu.memory_space<semaphore_mem>>)
      %dma_wait3A_83 = arith.constant 0 : i32
      %dma_wait3A_84 = tpu.memref_slice %arg7[%add3A_65, %dma_wait3A_83] : memref<102400x64xf32, #tpu.memory_space<hbm>> -> memref<128x64xf32, #tpu.memory_space<hbm>>
      %dma_wait3A_85 = arith.constant 0 : i32
      %dma_wait3A_86 = tpu.memref_slice %arg7[%add3A_65, %dma_wait3A_85] : memref<102400x64xf32, #tpu.memory_space<hbm>> -> memref<128x64xf32, #tpu.memory_space<hbm>>
      tpu.wait_dma2 semaphore(%run_scoped3A : memref<!tpu.dma_semaphore, #tpu.memory_space<semaphore_mem>>) src(%arg11 : memref<128x64xf32, #tpu.memory_space<vmem>>) dst(%dma_wait3A_86 : memref<128x64xf32, #tpu.memory_space<hbm>>)
      tpu.yield
    }) : () -> ()
    return
  }
}

module attributes {stable_mosaic.version = 14 : i64} {
  func.func @_tc1_body(%arg0: memref<10016x32xf32, #tpu.memory_space<vmem>>, %arg1: memref<10016x128xf32, #tpu.memory_space<vmem>>, %arg2: memref<128x64xf32, #tpu.memory_space<vmem>>, %arg3: memref<10016x1xf32, #tpu.memory_space<vmem>>, %arg4: memref<10016x64xf32, #tpu.memory_space<vmem>>) attributes {dimension_semantics = [], scalar_prefetch = 0 : i64, scratch_operands = 0 : i64, tpu.core_type = #tpu.core_type<tc>} {
    %get3A = arith.constant 0 : index
    %get3A_0 = arith.constant 0 : index
    %get3A_1 = vector.load %arg0[%get3A, %get3A_0] : memref<10016x32xf32, #tpu.memory_space<vmem>>, vector<10016x32xf32>
    %reduce_sum3A = arith.constant dense<0.000000e+00> : vector<10016xf32>
    %reduce_sum3A_2 = vector.multi_reduction <add>, %get3A_1, %reduce_sum3A [1] : vector<10016x32xf32> to vector<10016xf32>
    %broadcast_in_dim3A = vector.shape_cast %reduce_sum3A_2 : vector<10016xf32> to vector<10016x1xf32>
    %add3A = arith.constant 1.000000e+00 : f32
    %add3A_3 = vector.broadcast %add3A : f32 to vector<10016x1xf32>
    %add3A_4 = arith.addf %broadcast_in_dim3A, %add3A_3 : vector<10016x1xf32>
    %rsqrt3A = math.rsqrt %add3A_4 : vector<10016x1xf32>
    %swap3A = arith.constant 0 : index
    %swap3A_5 = arith.constant 0 : index
    %swap3A_6 = vector.load %arg3[%swap3A, %swap3A_5] : memref<10016x1xf32, #tpu.memory_space<vmem>>, vector<10016x1xf32>
    tpu.vector_store %arg3[%swap3A, %swap3A_5], %rsqrt3A {strides = array<i32>} : memref<10016x1xf32, #tpu.memory_space<vmem>>, vector<10016x1xf32>,
    %get3A_7 = arith.constant 0 : index
    %get3A_8 = arith.constant 0 : index
    %get3A_9 = vector.load %arg1[%get3A_7, %get3A_8] : memref<10016x128xf32, #tpu.memory_space<vmem>>, vector<10016x128xf32>
    %get3A_10 = arith.constant 0 : index
    %get3A_11 = arith.constant 0 : index
    %get3A_12 = vector.load %arg2[%get3A_10, %get3A_11] : memref<128x64xf32, #tpu.memory_space<vmem>>, vector<128x64xf32>
    %dot_general3A = arith.constant dense<0.000000e+00> : vector<10016x64xf32>
    %dot_general3A_13 = tpu.matmul %get3A_9, %get3A_12, %dot_general3A {dimension_numbers = #tpu.dot_dimension_numbers<[1], [0], [0], [1], [0, 0, 1, 1], [], []>, transpose_lhs_hint = false} : vector<10016x128xf32>, vector<128x64xf32>, vector<10016x64xf32> -> vector<10016x64xf32>
    %mul3A = vector.broadcast %rsqrt3A : vector<10016x1xf32> to vector<10016x64xf32>
    %mul3A_14 = arith.mulf %dot_general3A_13, %mul3A : vector<10016x64xf32>
    %swap3A_15 = arith.constant 0 : index
    %swap3A_16 = arith.constant 0 : index
    %swap3A_17 = vector.load %arg4[%swap3A_15, %swap3A_16] : memref<10016x64xf32, #tpu.memory_space<vmem>>, vector<10016x64xf32>
    tpu.vector_store %arg4[%swap3A_15, %swap3A_16], %mul3A_14 {strides = array<i32>} : memref<10016x64xf32, #tpu.memory_space<vmem>>, vector<10016x64xf32>,
    return
  }
}

module attributes {stable_mosaic.version = 14 : i64} {
  func.func @_comb_body(%arg0: memref<2x10016x64xf32, #tpu.memory_space<vmem>>, %arg1: memref<10016x1xf32, #tpu.memory_space<vmem>>, %arg2: memref<1x64xf32, #tpu.memory_space<vmem>>, %arg3: memref<64x64xf32, #tpu.memory_space<vmem>>, %arg4: memref<10016x64xf32, #tpu.memory_space<vmem>>) attributes {dimension_semantics = [], scalar_prefetch = 0 : i64, scratch_operands = 0 : i64, tpu.core_type = #tpu.core_type<tc>} {
    %get3A = arith.constant 0 : index
    %get3A_0 = arith.constant 0 : index
    %get3A_1 = vector.load %arg1[%get3A, %get3A_0] : memref<10016x1xf32, #tpu.memory_space<vmem>>, vector<10016x1xf32>
    %get3A_2 = arith.constant 0 : index
    %get3A_3 = arith.constant 0 : index
    %get3A_4 = arith.constant 0 : index
    %get3A_5 = vector.load %arg0[%get3A_2, %get3A_3, %get3A_4] : memref<2x10016x64xf32, #tpu.memory_space<vmem>>, vector<1x10016x64xf32>
    %get3A_6 = vector.shape_cast %get3A_5 : vector<1x10016x64xf32> to vector<10016x64xf32>
    %get3A_7 = arith.constant 1 : index
    %get3A_8 = arith.constant 0 : index
    %get3A_9 = arith.constant 0 : index
    %get3A_10 = vector.load %arg0[%get3A_7, %get3A_8, %get3A_9] : memref<2x10016x64xf32, #tpu.memory_space<vmem>>, vector<1x10016x64xf32>
    %get3A_11 = vector.shape_cast %get3A_10 : vector<1x10016x64xf32> to vector<10016x64xf32>
    %add3A = arith.addf %get3A_6, %get3A_11 : vector<10016x64xf32>
    %mul3A = vector.broadcast %get3A_1 : vector<10016x1xf32> to vector<10016x64xf32>
    %mul3A_12 = arith.mulf %add3A, %mul3A : vector<10016x64xf32>
    %get3A_13 = arith.constant 0 : index
    %get3A_14 = arith.constant 0 : index
    %get3A_15 = vector.load %arg2[%get3A_13, %get3A_14] : memref<1x64xf32, #tpu.memory_space<vmem>>, vector<1x64xf32>
    %add3A_16 = vector.broadcast %get3A_15 : vector<1x64xf32> to vector<10016x64xf32>
    %add3A_17 = arith.addf %mul3A_12, %add3A_16 : vector<10016x64xf32>
    %max3A = arith.constant 0.000000e+00 : f32
    %max3A_18 = vector.broadcast %max3A : f32 to vector<10016x64xf32>
    %max3A_19 = arith.maximumf %add3A_17, %max3A_18 : vector<10016x64xf32>
    %get3A_20 = arith.constant 0 : index
    %get3A_21 = arith.constant 0 : index
    %get3A_22 = vector.load %arg3[%get3A_20, %get3A_21] : memref<64x64xf32, #tpu.memory_space<vmem>>, vector<64x64xf32>
    %dot_general3A = arith.constant dense<0.000000e+00> : vector<10016x64xf32>
    %dot_general3A_23 = tpu.matmul %max3A_19, %get3A_22, %dot_general3A {dimension_numbers = #tpu.dot_dimension_numbers<[1], [0], [0], [1], [0, 0, 1, 1], [], []>, transpose_lhs_hint = false} : vector<10016x64xf32>, vector<64x64xf32>, vector<10016x64xf32> -> vector<10016x64xf32>
    %mul3A_24 = vector.broadcast %get3A_1 : vector<10016x1xf32> to vector<10016x64xf32>
    %mul3A_25 = arith.mulf %dot_general3A_23, %mul3A_24 : vector<10016x64xf32>
    %swap3A = arith.constant 0 : index
    %swap3A_26 = arith.constant 0 : index
    %swap3A_27 = vector.load %arg4[%swap3A, %swap3A_26] : memref<10016x64xf32, #tpu.memory_space<vmem>>, vector<10016x64xf32>
    tpu.vector_store %arg4[%swap3A, %swap3A_26], %mul3A_25 {strides = array<i32>} : memref<10016x64xf32, #tpu.memory_space<vmem>>, vector<10016x64xf32>,
    return
  }
}

module attributes {stable_mosaic.version = 14 : i64} {
  func.func @_comb3_body(%arg0: memref<2x10016x64xf32, #tpu.memory_space<vmem>>, %arg1: memref<10016x1xf32, #tpu.memory_space<vmem>>, %arg2: memref<1x64xf32, #tpu.memory_space<vmem>>, %arg3: memref<64x64xf32, #tpu.memory_space<vmem>>, %arg4: memref<64x64xf32, #tpu.memory_space<vmem>>, %arg5: memref<10016x64xf32, #tpu.memory_space<vmem>>, %arg6: memref<10016x64xf32, #tpu.memory_space<vmem>>) attributes {dimension_semantics = [], scalar_prefetch = 0 : i64, scratch_operands = 0 : i64, tpu.core_type = #tpu.core_type<tc>} {
    %get3A = arith.constant 0 : index
    %get3A_0 = arith.constant 0 : index
    %get3A_1 = vector.load %arg1[%get3A, %get3A_0] : memref<10016x1xf32, #tpu.memory_space<vmem>>, vector<10016x1xf32>
    %get3A_2 = arith.constant 0 : index
    %get3A_3 = arith.constant 0 : index
    %get3A_4 = arith.constant 0 : index
    %get3A_5 = vector.load %arg0[%get3A_2, %get3A_3, %get3A_4] : memref<2x10016x64xf32, #tpu.memory_space<vmem>>, vector<1x10016x64xf32>
    %get3A_6 = vector.shape_cast %get3A_5 : vector<1x10016x64xf32> to vector<10016x64xf32>
    %get3A_7 = arith.constant 1 : index
    %get3A_8 = arith.constant 0 : index
    %get3A_9 = arith.constant 0 : index
    %get3A_10 = vector.load %arg0[%get3A_7, %get3A_8, %get3A_9] : memref<2x10016x64xf32, #tpu.memory_space<vmem>>, vector<1x10016x64xf32>
    %get3A_11 = vector.shape_cast %get3A_10 : vector<1x10016x64xf32> to vector<10016x64xf32>
    %add3A = arith.addf %get3A_6, %get3A_11 : vector<10016x64xf32>
    %mul3A = vector.broadcast %get3A_1 : vector<10016x1xf32> to vector<10016x64xf32>
    %mul3A_12 = arith.mulf %add3A, %mul3A : vector<10016x64xf32>
    %get3A_13 = arith.constant 0 : index
    %get3A_14 = arith.constant 0 : index
    %get3A_15 = vector.load %arg2[%get3A_13, %get3A_14] : memref<1x64xf32, #tpu.memory_space<vmem>>, vector<1x64xf32>
    %add3A_16 = vector.broadcast %get3A_15 : vector<1x64xf32> to vector<10016x64xf32>
    %add3A_17 = arith.addf %mul3A_12, %add3A_16 : vector<10016x64xf32>
    %max3A = arith.constant 0.000000e+00 : f32
    %max3A_18 = vector.broadcast %max3A : f32 to vector<10016x64xf32>
    %max3A_19 = arith.maximumf %add3A_17, %max3A_18 : vector<10016x64xf32>
    %get3A_20 = arith.constant 0 : index
    %get3A_21 = arith.constant 0 : index
    %get3A_22 = vector.load %arg3[%get3A_20, %get3A_21] : memref<64x64xf32, #tpu.memory_space<vmem>>, vector<64x64xf32>
    %dot_general3A = arith.constant dense<0.000000e+00> : vector<10016x64xf32>
    %dot_general3A_23 = tpu.matmul %max3A_19, %get3A_22, %dot_general3A {dimension_numbers = #tpu.dot_dimension_numbers<[1], [0], [0], [1], [0, 0, 1, 1], [], []>, transpose_lhs_hint = false} : vector<10016x64xf32>, vector<64x64xf32>, vector<10016x64xf32> -> vector<10016x64xf32>
    %swap3A = arith.constant 0 : index
    %swap3A_24 = arith.constant 0 : index
    %swap3A_25 = vector.load %arg5[%swap3A, %swap3A_24] : memref<10016x64xf32, #tpu.memory_space<vmem>>, vector<10016x64xf32>
    tpu.vector_store %arg5[%swap3A, %swap3A_24], %dot_general3A_23 {strides = array<i32>} : memref<10016x64xf32, #tpu.memory_space<vmem>>, vector<10016x64xf32>,
    %get3A_26 = arith.constant 0 : index
    %get3A_27 = arith.constant 0 : index
    %get3A_28 = vector.load %arg4[%get3A_26, %get3A_27] : memref<64x64xf32, #tpu.memory_space<vmem>>, vector<64x64xf32>
    %dot_general3A_29 = arith.constant dense<0.000000e+00> : vector<10016x64xf32>
    %dot_general3A_30 = tpu.matmul %max3A_19, %get3A_28, %dot_general3A_29 {dimension_numbers = #tpu.dot_dimension_numbers<[1], [0], [0], [1], [0, 0, 1, 1], [], []>, transpose_lhs_hint = false} : vector<10016x64xf32>, vector<64x64xf32>, vector<10016x64xf32> -> vector<10016x64xf32>
    %swap3A_31 = arith.constant 0 : index
    %swap3A_32 = arith.constant 0 : index
    %swap3A_33 = vector.load %arg6[%swap3A_31, %swap3A_32] : memref<10016x64xf32, #tpu.memory_space<vmem>>, vector<10016x64xf32>
    tpu.vector_store %arg6[%swap3A_31, %swap3A_32], %dot_general3A_30 {strides = array<i32>} : memref<10016x64xf32, #tpu.memory_space<vmem>>, vector<10016x64xf32>,
    return
  }
}

module attributes {stable_mosaic.version = 14 : i64} {
  func.func @_mlp_body(%arg0: i32, %arg1: memref<6400x64xf32, #tpu.memory_space<vmem>>, %arg2: memref<6400x64xf32, #tpu.memory_space<vmem>>, %arg3: memref<6400x16xf32, #tpu.memory_space<vmem>>, %arg4: memref<16x64xf32, #tpu.memory_space<vmem>>, %arg5: memref<1x64xf32, #tpu.memory_space<vmem>>, %arg6: memref<64x32xf32, #tpu.memory_space<vmem>>, %arg7: memref<1x32xf32, #tpu.memory_space<vmem>>, %arg8: memref<1x32xf32, #tpu.memory_space<vmem>>, %arg9: memref<1x1xf32, #tpu.memory_space<vmem>>, %arg10: memref<6400x1xf32, #tpu.memory_space<vmem>>) attributes {dimension_semantics = [#tpu.dimension_semantics<arbitrary>], iteration_bounds = array<i64: 16>, scalar_prefetch = 0 : i64, scratch_operands = 0 : i64, tpu.core_type = #tpu.core_type<tc>, window_params = [{transform_indices = @transform_0, window_bounds = array<i64: 6400, 64>}, {transform_indices = @transform_1, window_bounds = array<i64: 6400, 64>}, {transform_indices = @transform_2, window_bounds = array<i64: 6400, 16>}, {pipeline_mode = #tpu.pipeline_mode<synchronous>, transform_indices = @transform_3, window_bounds = array<i64: 16, 64>}, {pipeline_mode = #tpu.pipeline_mode<synchronous>, transform_indices = @transform_4, window_bounds = array<i64: 1, 64>}, {pipeline_mode = #tpu.pipeline_mode<synchronous>, transform_indices = @transform_5, window_bounds = array<i64: 64, 32>}, {pipeline_mode = #tpu.pipeline_mode<synchronous>, transform_indices = @transform_6, window_bounds = array<i64: 1, 32>}, {pipeline_mode = #tpu.pipeline_mode<synchronous>, transform_indices = @transform_7, window_bounds = array<i64: 1, 32>}, {pipeline_mode = #tpu.pipeline_mode<synchronous>, transform_indices = @transform_8, window_bounds = array<i64: 1, 1>}, {transform_indices = @transform_9, window_bounds = array<i64: 6400, 1>}]} {
    %get3A = arith.constant 0 : index
    %get3A_0 = arith.constant 0 : index
    %get3A_1 = vector.load %arg1[%get3A, %get3A_0] : memref<6400x64xf32, #tpu.memory_space<vmem>>, vector<6400x64xf32>
    %get3A_2 = arith.constant 0 : index
    %get3A_3 = arith.constant 0 : index
    %get3A_4 = vector.load %arg2[%get3A_2, %get3A_3] : memref<6400x64xf32, #tpu.memory_space<vmem>>, vector<6400x64xf32>
    %add3A = arith.addf %get3A_1, %get3A_4 : vector<6400x64xf32>
    %get3A_5 = arith.constant 0 : index
    %get3A_6 = arith.constant 0 : index
    %get3A_7 = vector.load %arg3[%get3A_5, %get3A_6] : memref<6400x16xf32, #tpu.memory_space<vmem>>, vector<6400x16xf32>
    %get3A_8 = arith.constant 0 : index
    %get3A_9 = arith.constant 0 : index
    %get3A_10 = vector.load %arg4[%get3A_8, %get3A_9] : memref<16x64xf32, #tpu.memory_space<vmem>>, vector<16x64xf32>
    %dot_general3A = arith.constant dense<0.000000e+00> : vector<6400x64xf32>
    %dot_general3A_11 = tpu.matmul %get3A_7, %get3A_10, %dot_general3A {dimension_numbers = #tpu.dot_dimension_numbers<[1], [0], [0], [1], [0, 0, 1, 1], [], []>, transpose_lhs_hint = false} : vector<6400x16xf32>, vector<16x64xf32>, vector<6400x64xf32> -> vector<6400x64xf32>
    %add3A_12 = arith.addf %add3A, %dot_general3A_11 : vector<6400x64xf32>
    %get3A_13 = arith.constant 0 : index
    %get3A_14 = arith.constant 0 : index
    %get3A_15 = vector.load %arg5[%get3A_13, %get3A_14] : memref<1x64xf32, #tpu.memory_space<vmem>>, vector<1x64xf32>
    %add3A_16 = vector.broadcast %get3A_15 : vector<1x64xf32> to vector<6400x64xf32>
    %add3A_17 = arith.addf %add3A_12, %add3A_16 : vector<6400x64xf32>
    %max3A = arith.constant 0.000000e+00 : f32
    %max3A_18 = vector.broadcast %max3A : f32 to vector<6400x64xf32>
    %max3A_19 = arith.maximumf %add3A_17, %max3A_18 : vector<6400x64xf32>
    %get3A_20 = arith.constant 0 : index
    %get3A_21 = arith.constant 0 : index
    %get3A_22 = vector.load %arg6[%get3A_20, %get3A_21] : memref<64x32xf32, #tpu.memory_space<vmem>>, vector<64x32xf32>
    %dot_general3A_23 = arith.constant dense<0.000000e+00> : vector<6400x32xf32>
    %dot_general3A_24 = tpu.matmul %max3A_19, %get3A_22, %dot_general3A_23 {dimension_numbers = #tpu.dot_dimension_numbers<[1], [0], [0], [1], [0, 0, 1, 1], [], []>, transpose_lhs_hint = false} : vector<6400x64xf32>, vector<64x32xf32>, vector<6400x32xf32> -> vector<6400x32xf32>
    %get3A_25 = arith.constant 0 : index
    %get3A_26 = arith.constant 0 : index
    %get3A_27 = vector.load %arg7[%get3A_25, %get3A_26] : memref<1x32xf32, #tpu.memory_space<vmem>>, vector<1x32xf32>
    %add3A_28 = vector.broadcast %get3A_27 : vector<1x32xf32> to vector<6400x32xf32>
    %add3A_29 = arith.addf %dot_general3A_24, %add3A_28 : vector<6400x32xf32>
    %max3A_30 = arith.constant 0.000000e+00 : f32
    %max3A_31 = vector.broadcast %max3A_30 : f32 to vector<6400x32xf32>
    %max3A_32 = arith.maximumf %add3A_29, %max3A_31 : vector<6400x32xf32>
    %get3A_33 = arith.constant 0 : index
    %get3A_34 = arith.constant 0 : index
    %get3A_35 = vector.load %arg8[%get3A_33, %get3A_34] : memref<1x32xf32, #tpu.memory_space<vmem>>, vector<1x32xf32>
    %mul3A = vector.broadcast %get3A_35 : vector<1x32xf32> to vector<6400x32xf32>
    %mul3A_36 = arith.mulf %max3A_32, %mul3A : vector<6400x32xf32>
    %reduce_sum3A = arith.constant dense<0.000000e+00> : vector<6400xf32>
    %reduce_sum3A_37 = vector.multi_reduction <add>, %mul3A_36, %reduce_sum3A [1] : vector<6400x32xf32> to vector<6400xf32>
    %broadcast_in_dim3A = vector.shape_cast %reduce_sum3A_37 : vector<6400xf32> to vector<6400x1xf32>
    %get3A_38 = arith.constant 0 : index
    %get3A_39 = arith.constant 0 : index
    %get3A_40 = vector.load %arg9[%get3A_38, %get3A_39] : memref<1x1xf32, #tpu.memory_space<vmem>>, vector<1x1xf32>
    %add3A_41 = vector.broadcast %get3A_40 : vector<1x1xf32> to vector<6400x1xf32>
    %add3A_42 = arith.addf %broadcast_in_dim3A, %add3A_41 : vector<6400x1xf32>
    %neg3A = arith.constant 0.000000e+00 : f32
    %neg3A_43 = vector.broadcast %neg3A : f32 to vector<6400x1xf32>
    %neg3A_44 = arith.subf %neg3A_43, %add3A_42 : vector<6400x1xf32>
    %exp3A = math.exp %neg3A_44 : vector<6400x1xf32>
    %add3A_45 = arith.constant 1.000000e+00 : f32
    %add3A_46 = vector.broadcast %add3A_45 : f32 to vector<6400x1xf32>
    %add3A_47 = arith.addf %add3A_46, %exp3A : vector<6400x1xf32>
    %div3A = arith.constant 1.000000e+00 : f32
    %div3A_48 = vector.broadcast %div3A : f32 to vector<6400x1xf32>
    %div3A_49 = arith.divf %div3A_48, %add3A_47 : vector<6400x1xf32>
    %swap3A = arith.constant 0 : index
    %swap3A_50 = arith.constant 0 : index
    %swap3A_51 = vector.load %arg10[%swap3A, %swap3A_50] : memref<6400x1xf32, #tpu.memory_space<vmem>>, vector<6400x1xf32>
    tpu.vector_store %arg10[%swap3A, %swap3A_50], %div3A_49 {strides = array<i32>} : memref<6400x1xf32, #tpu.memory_space<vmem>>, vector<6400x1xf32>,
    return
  }
  func.func @transform_0(%arg0: i32) -> (i32, i32) {
    %c0_i32 = arith.constant 0 : i32
    %c0_i32_0 = arith.constant 0 : i32
    return %arg0, %c0_i32 : i32, i32
  }
  func.func @transform_1(%arg0: i32) -> (i32, i32) {
    %c0_i32 = arith.constant 0 : i32
    %c0_i32_0 = arith.constant 0 : i32
    return %arg0, %c0_i32 : i32, i32
  }
  func.func @transform_2(%arg0: i32) -> (i32, i32) {
    %c0_i32 = arith.constant 0 : i32
    %c0_i32_0 = arith.constant 0 : i32
    return %arg0, %c0_i32 : i32, i32
  }
  func.func @transform_3(%arg0: i32) -> (i32, i32) {
    %c0_i32 = arith.constant 0 : i32
    %c0_i32_0 = arith.constant 0 : i32
    %c0_i32_1 = arith.constant 0 : i32
    return %c0_i32, %c0_i32_0 : i32, i32
  }
  func.func @transform_4(%arg0: i32) -> (i32, i32) {
    %c0_i32 = arith.constant 0 : i32
    %c0_i32_0 = arith.constant 0 : i32
    %c0_i32_1 = arith.constant 0 : i32
    return %c0_i32, %c0_i32_0 : i32, i32
  }
  func.func @transform_5(%arg0: i32) -> (i32, i32) {
    %c0_i32 = arith.constant 0 : i32
    %c0_i32_0 = arith.constant 0 : i32
    %c0_i32_1 = arith.constant 0 : i32
    return %c0_i32, %c0_i32_0 : i32, i32
  }
  func.func @transform_6(%arg0: i32) -> (i32, i32) {
    %c0_i32 = arith.constant 0 : i32
    %c0_i32_0 = arith.constant 0 : i32
    %c0_i32_1 = arith.constant 0 : i32
    return %c0_i32, %c0_i32_0 : i32, i32
  }
  func.func @transform_7(%arg0: i32) -> (i32, i32) {
    %c0_i32 = arith.constant 0 : i32
    %c0_i32_0 = arith.constant 0 : i32
    %c0_i32_1 = arith.constant 0 : i32
    return %c0_i32, %c0_i32_0 : i32, i32
  }
  func.func @transform_8(%arg0: i32) -> (i32, i32) {
    %c0_i32 = arith.constant 0 : i32
    %c0_i32_0 = arith.constant 0 : i32
    %c0_i32_1 = arith.constant 0 : i32
    return %c0_i32, %c0_i32_0 : i32, i32
  }
  func.func @transform_9(%arg0: i32) -> (i32, i32) {
    %c0_i32 = arith.constant 0 : i32
    %c0_i32_0 = arith.constant 0 : i32
    return %arg0, %c0_i32 : i32, i32
  }
}

</mosaic_0001>

<sc_bundles>
// kernel: kernel.12.cloned.1.call-start
scs
__scs_entry_jumppad:
0x0: {  	(pc) =	sbr.rel $0x88, $3  }
0x1: {  	(tag) =	ssettag $0x0;
	lr =	simm.s32 $0x1  }
0x2: {  	[smem:$0x3F91] =	sst lr;
	_ =	strace $0xD0000000  }
0x3: {  	_ = 	snop  }
0x4: {  	_ = 	snop  }
0x5: {  	_ = 	snop  }
0x6: {  	_ = 	snop  }
0x7: {  	_ = 	snop  }
__scs_overlays_trampoline_lowered:
0x8: {  	[smem:$0x3FA0] =	sst s0  }
0x9: {  	[smem:$0x3FA1] =	sst s1  }
0xa: {  	[smem:$0x3FA2] =	sst s2  }
0xb: {  	[smem:$0x3FA3] =	sst s3  }
0xc: {  	[smem:$0x3FA4] =	sst s4  }
0xd: {  	[smem:$0x3FA5] =	sst s5  }
0xe: {  	[smem:$0x3FA6] =	sst s6  }
0xf: {  	[smem:$0x3FA7] =	sst s7  }
0x10: {  	[smem:$0x3FA8] =	sst s8  }
0x11: {  	[smem:$0x3FA9] =	sst s9;
	s0 =	simm.s32 @!p0 $0x0  }
0x12: {  	s1 =	sld [smem:$0x3F8F];
	s0 =	simm.s32 @p0 $0x1  }
0x13: {  	[smem:$0x3FAA] =	sst s0;
	s0 =	simm.s32 @!p1 $0x0  }
0x14: {  	s2 =	sld [smem:$0x3F8E];
	s0 =	simm.s32 @p1 $0x1  }
0x15: {  	[smem:$0x3FAB] =	sst s0;
	s0 =	simm.s32 @!p2 $0x0  }
0x16: {  	s3 =	sld [smem:$0x3FDB];
	s0 =	simm.s32 @p2 $0x1  }
0x17: {  	s4 =	simm.s32 $0x1BF5;
	[smem:$0x3FAD] =	sst s0  }
0x18: {  	s0 =	sld [smem:$0x3F90];
	_ =	swait.ge [sflag:s4], $0x0  }
0x19: {  	s7 =	sld [smem:$0x3F91]  }
0x1a: {  	s8 =	sadd.s32 $0xFFFFE003, lr  }
0x1b: {  	s9 =	sadd.s32 $0xFFFFFEF7, lr;
	s5 =	simm.s32 $0xFFFFFFFF;
	p2 =	slt.u32 s8, $0xFFFFF086  }
0x1c: {  	p1 =	slt.u32 s9, $0xF7A;
	s5 =	simm.s32 @!p2 $0x0  }
0x1d: {  	s5 =	simm.s32 @p1 $0x1;
	p0 =	seq.s32 s7, s2  }
0x1e: {  	s7 =	smul.u32 @!p0 $0xF7A, s2;
	p2 =	seq.s32 @!p0 s5, $0x0  }
0x1f: {  	s9 =	smul.u32 $0xF7A, s1;
	s8 =	simm.s32 @!p0 $0x1BF5;
	p2 =	por !p2, p0  }
0x20: {  	[sflag:s8] =	ssyncset.s32 @!p0 $0xFFFFF086;
	s6 =	sadd.s32 @!p0 s3, s7;
	s7 =	simm.s32 @!p0 $0x108  }
0x21: {  	s3 =	sadd.s32 s3, s9;
	s6 =	sadd.s32 @!p0 $0x88, s6;
	s7 =	simm.s32 @p2 $0x1082  }
0x22: {  	[simem:s7], [sflag:s8] =	dma.local @!p0 [hbm:s6], $0xF7A  }
0x23: {  	s9 =	sor.u32 $0xD0000000, s2;
	s6 =	simm.s32 $0x108;
	_ =	swait.ge @!p0 [sflag:s8], $0x0  }
0x24: {  	s3 =	sadd.s32 $0x88, s3;
	s6 =	simm.s32 @!p1 $0x1082;
	[sflag:s4] =	ssyncset.s32 $0xFFFFF086  }
0x25: {  	[simem:s6], [sflag:s4] =	dma.local [hbm:s3], $0xF7A  }
0x26: {  	[smem:$0x3F91] =	sst s1;
	(tag) =	ssettag s2;
	_ =	strace s9  }
0x27: {  	s1 =	sld [smem:$0x3FA1]  }
0x28: {  	s2 =	sld [smem:$0x3FA2]  }
0x29: {  	s4 =	sld [smem:$0x3FA4]  }
0x2a: {  	p0 =	seq.s32 s5, $0x0;
	s5 =	sld [smem:$0x3FA5]  }
0x2b: {  	s6 =	sld [smem:$0x3FA6]  }
0x2c: {  	s7 =	sld [smem:$0x3FA7]  }
0x2d: {  	s3 =	simm.s32 $0x108;
	s8 =	sld [smem:$0x3FA8]  }
0x2e: {  	s3 =	simm.s32 @!p0 $0x1082;
	s9 =	sld [smem:$0x3FA9]  }
0x2f: {  	lr =	sadd.s32 s0, s3;
	s0 =	sld [smem:$0x3FA0]  }
0x30: {  	s3 =	sld [smem:$0x3FA3]  }
0x31: {  	[smem:$0x3FAC] =	sst s10  }
0x32: {  	s10 =	sld [smem:$0x3FAA];
	_ =	sdelay $0x3  }
0x33: {  	p0 =	seq.s32 s10, $0x1;
	s10 =	sld [smem:$0x3FAC];
	_ =	sdelay $0x3  }
0x34: {  	[smem:$0x3FAC] =	sst s10  }
0x35: {  	s10 =	sld [smem:$0x3FAB];
	_ =	sdelay $0x3  }
0x36: {  	p1 =	seq.s32 s10, $0x1;
	s10 =	sld [smem:$0x3FAC];
	_ =	sdelay $0x3  }
0x37: {  	[smem:$0x3FAC] =	sst s10  }
0x38: {  	s10 =	sld [smem:$0x3FAD]  }
0x39: {  	_ = 	snop;
	(pc) =	sbr.ind lr, $3  }
0x3a: {  	_ = 	snop  }
0x3b: {  	_ = 	snop  }
0x3c: {  	p2 =	seq.s32 s10, $0x1;
	s10 =	sld [smem:$0x3FAC]  }
0x3d: {  	_ =	shalt  }
0x3e: {  	_ =	shalt  }
0x3f: {  	_ =	shalt  }
0x40: {  	_ =	shalt  }
0x41: {  	_ =	shalt  }
0x42: {  	_ =	shalt  }
0x43: {  	_ =	shalt  }
0x44: {  	_ =	shalt  }
0x45: {  	_ =	shalt  }
0x46: {  	_ =	shalt  }
0x47: {  	_ =	shalt  }
0x48: {  	_ =	shalt  }
0x49: {  	_ =	shalt  }
0x4a: {  	_ =	shalt  }
0x4b: {  	_ =	shalt  }
0x4c: {  	_ =	shalt  }
0x4d: {  	_ =	shalt  }
0x4e: {  	_ =	shalt  }
0x4f: {  	_ =	shalt  }
0x50: {  	_ =	shalt  }
0x51: {  	_ =	shalt  }
0x52: {  	_ =	shalt  }
0x53: {  	_ =	shalt  }
0x54: {  	_ =	shalt  }
0x55: {  	_ =	shalt  }
0x56: {  	_ =	shalt  }
0x57: {  	_ =	shalt  }
0x58: {  	_ =	shalt  }
0x59: {  	_ =	shalt  }
0x5a: {  	_ =	shalt  }
0x5b: {  	_ =	shalt  }
0x5c: {  	_ =	shalt  }
0x5d: {  	_ =	shalt  }
0x5e: {  	_ =	shalt  }
0x5f: {  	_ =	shalt  }
0x60: {  	_ =	shalt  }
0x61: {  	_ =	shalt  }
0x62: {  	_ =	shalt  }
0x63: {  	_ =	shalt  }
0x64: {  	_ =	shalt  }
0x65: {  	_ =	shalt  }
0x66: {  	_ =	shalt  }
0x67: {  	_ =	shalt  }
0x68: {  	_ =	shalt  }
0x69: {  	_ =	shalt  }
0x6a: {  	_ =	shalt  }
0x6b: {  	_ =	shalt  }
0x6c: {  	_ =	shalt  }
0x6d: {  	_ =	shalt  }
0x6e: {  	_ =	shalt  }
0x6f: {  	_ =	shalt  }
0x70: {  	_ =	shalt  }
0x71: {  	_ =	shalt  }
0x72: {  	_ =	shalt  }
0x73: {  	_ =	shalt  }
0x74: {  	_ =	shalt  }
0x75: {  	_ =	shalt  }
0x76: {  	_ =	shalt  }
0x77: {  	_ =	shalt  }
0x78: {  	_ =	shalt  }
0x79: {  	_ =	shalt  }
0x7a: {  	_ =	shalt  }
0x7b: {  	_ =	shalt  }
0x7c: {  	_ =	shalt  }
0x7d: {  	_ =	shalt  }
0x7e: {  	_ =	shalt  }
0x7f: {  	_ =	shalt  }
0x80: {  	_ =	shalt  }
0x81: {  	_ =	shalt  }
0x82: {  	_ =	shalt  }
0x83: {  	_ =	shalt  }
0x84: {  	_ =	shalt  }
0x85: {  	_ =	shalt  }
0x86: {  	_ =	shalt  }
0x87: {  	_ =	shalt  }
.Lfunc_end0:
.L_simem_size_0:
called_computation_lowered:
.L_overlay_start_0:
0x88: {  	s2 =	sld [smem:$0x3FD9]  }
0x89: {  	s3 =	sld [smem:$0x3FFE];
	_ =	sdelay $0x1  }
0x8a: {  	s1 =	srdreg.scid  }
0x8b: {  	s0 =	sand.u32 $0x1, s1  }
0x8c: {  	s16 =	sshll.u32 s0, $0xA;
	s2 =	sadd.s32 s3, s2  }
0x8d: {  	s2 =	sadd.s32 s2, s16  }
0x8e: {  	[smem:$0x3FB8] =	sst s2  }
0x8f: {  	_ = 	snop  }
0x90: {  	(tm) =	ssettm $0x1  }
0x91: {  	s17 =	sld [smem:$0x3FFB];
	_ =	sdelay $0x3  }
0x92: {  	_ =	strace s17  }
0x93: {  	s2 =	sld [smem:$0x3FFC];
	_ =	sdelay $0x3  }
0x94: {  	_ =	strace s2  }
0x95: {  	s2 =	sld [smem:$0x3FFD];
	_ =	sdelay $0x3  }
0x96: {  	_ =	strace s2  }
0x97: {  	_ =	strace $0x8FFFFFFF  }
0x98: {  	s18 =	sld [smem:$0x3FDB];
	_ =	sdelay $0x1  }
0x99: {  	s19 =	simm.s32 $_scs_section_size  }
0x9a: {  	s4 =	simm.s32 $_size__tile_overlayer_lowered;
	s5 =	simm.s32 $_tile_overlayer_lowered  }
0x9b: {  	s22 =	simm.s32 $0x1BFF;
	s21 =	sshll.u32 s5, $0x1;
	s2 =	sadd.s32 s19, s18  }
0x9c: {  	s6 =	simm.s32 $0x0;
	s20 =	sshll.u32 s4, $0x1;
	s4 =	sadd.s32 s21, s2  }
0x9d: {  	[timem:s6], [sflag:s22] =	dma.local [hbm:s4], s20  }
0x9e: {  	_ =	swait.ge [sflag:s22], s20  }
0x9f: {  	s3 =	ssub.s32 $0x0, s20;
	[sflag:s22] =	ssyncset.done $0x0  }
0xa0: {  	[sflag:s22] =	ssyncadd.s32 s3;
	_ =	sdelay $0x1  }
0xa1: {  	s23 =	simm.s32 $0x1B8B  }
0xa2: {  	_ =	swait.ge [sflag:s23], $0x1  }
0xa3: {  	[sflag:s23] =	ssyncset.done $0x0  }
0xa4: {  	s25 =	simm.s32 $0x1B8E;
	s24 =	sld [smem:$0x3FFE];
	[sflag:s23] =	ssyncadd.s32 $0xFFFFFFFF  }
0xa5: {  	s26 =	simm.s32 $execute0_lowered;
	[smem:$0x3FD2] =	sst s25  }
0xa6: {  	s4 =	sshll.u32 s26, $0x1;
	_ =	strace $0x80000046;
	[dreg:$0x1] =	wrdreg $0xFFFFFFFF  }
0xa7: {  	s28 =	simm.s32 $_size_execute0_lowered;
	s2 =	sadd.s32 s2, s4;
	[dreg:$0x0] =	wrdreg $0x0  }
0xa8: {  	s4 =	sshll.u32 s28, $0x1;
	[dreg:$0x2] =	wrdreg s2  }
0xa9: {  	[dreg:$0x3] =	wrdreg s4  }
0xaa: {  	[dreg:$0x4] =	wrdreg $0xC0  }
0xab: {  	_ =	task [dreg:s6], $0x5FFFF  }
0xac: {  	[dreg:$0x1] =	wrdreg $0xFFFFFFFF  }
0xad: {  	[dreg:$0x0] =	wrdreg $0x60  }
0xae: {  	[dreg:$0x2] =	wrdreg s24  }
0xaf: {  	[dreg:$0x3] =	wrdreg $0x9  }
0xb0: {  	_ =	task.clear_ibuf [dreg:s6], $0x4FFFF;
	_ =	strace $0x90000046  }
0xb1: {  	s29 =	simm.s32 $0x9;
	_ =	strace $0x80000048  }
0xb2: {  	_ =	swait.ge [sflag:s29], $0x1  }
0xb3: {  	[sflag:s29] =	ssyncadd.s32 $0xFFFFFFFF  }
0xb4: {  	_ =	strace $0x90000048  }
0xb5: {  	_ =	sfence  }
0xb6: {  	s30 =	sld [smem:$0x0];
	_ =	sdelay $0x2  }
0xb7: {  	s31 =	sshll.u32 s1, $0xD;
	s1 =	sshrl.u32 s1, $0x2  }
0xb8: {  	s3 =	sand.u32 $0x4000, s31;
	s1 =	sadd.s32 s1, s30  }
0xb9: {  	s0 =	sor.u32 s3, s0;
	s1 =	sshll.u32 s1, $0x11  }
0xba: {  	s0 =	sor.u32 s1, s0  }
0xbb: {  	s0 =	sadd.s32 $0x8F2B, s0  }
0xbc: {  	[sflag:s0] =	ssyncadd.remote.s32 $0x1  }
0xbd: {  	_ =	sfence.sel $0xFFFF  }
0xbe: {  	[dreg:$0x0] =	wrdreg $0xFFFFFFFF;
	(pc) =	sbr.abs _section_cstart, $3  }
0xbf: {  	[dreg:$0x1] =	wrdreg $0xFFFFFFFF  }
0xc0: {  	_ =	task.clear_ibuf [dreg:s6], $0x2FFFF;
	_ =	strace $0x9FFFFFFF  }
0xc1: {  	(tm) =	ssettm $0x7FFFFFFF  }
tec
execute0_lowered:
.L_overlay_start_1:
0x0: {  	(tag) =	ssettag $0x1  }
0x1: {  	s0 =	srdreg.scid;
	s13 =	stileid.u32  }
0x2: {  	s6 =	rddreg [dreg:$0x0];
	s2 =	simm.s32 $0x0;
	s15 =	smul.u32 $0x1900, s13  }
0x3: {  	s28 =	simm.s32 $0x3C20;
	s0 =	sand.u32 $0x1, s0;
	s26 =	smul.u32 $0x3200, s13  }
0x4: {  	s29 =	simm.s32 $0x3CA0;
	s1 =	sshll.u32 s13, $0x1;
	s18 =	smul.u32 $0xC80, s0  }
0x5: {  	s1 =	sor.u32 s0, s1;
	s11 =	ssub.s32 $0x2, s0;
	s0 =	smul.u32 $0x1900, s0  }
0x6: {  	s30 =	simm.s32 $0x2FA0;
	s31 =	simm.s32 $0x44A0;
	s3 =	smul.u32 $0x2800, s1  }
0x7: {  	[smem:$0x7FF] =	sst s2;
	s5 =	sadd.s32 $0x4F9E00, s6;
	s4 =	smul.u32 $0x190, s1  }
0x8: {  	s10 =	sadd.s32 $0x6AE00, s6;
	s17 =	sadd.s32 $0x6E000, s6;
	s7 =	smul.u32 $0x4E4, s1  }
0x9: {  	_ =	strace $0x80000047;
	s1 =	smul.u32 $0xC80, s1;
	s12 =	sshrl.u32 s11, $0x1  }
0xa: {  	s11 =	ssub.s32 s11, s12;
	s22 =	sadd.s32 s18, s15;
	s3 =	sshrl.u32 s3, $0x3  }
0xb: {  	s9 =	sadd.s32 s4, s6;
	s4 =	sadd.s32 $0xE000, s6;
	s7 =	sadd.s32 s7, s6  }
0xc: {  	s1 =	sadd.s32 $0xC00, s1;
	s19 =	smax.u32 s11, $0x1;
	s24 =	sadd.s32 $0x80, s22  }
0xd: {  	s8 =	sadd.s32 s3, s6;
	s3 =	sadd.s32 $0x4200, s6;
	s6 =	sadd.s32 $0x38E00, s6  }
0xe: {  	s9 =	sadd.s32 $0x17E00, s9;
	s7 =	sadd.s32 $0x2F000, s7;
	[dreg:$0x7] =	wrdreg s19  }
0xf: {  	s14 =	sshrl.u32 s1, $0x3;
	s1 =	sshll.u32 s1, $0x1;
	[dreg:$0x2] =	wrdreg s9  }
0x10: {  	s25 =	sshll.u32 s24, $0x1;
	[dreg:$0x3] =	wrdreg s7;
	s16 =	sadd.s32 s10, s14  }
0x11: {  	s7 =	sadd.s32 s17, s14;
	s1 =	sadd.s32 s6, s1;
	[dreg:$0x4] =	wrdreg s16  }
0x12: {  	s20 =	sadd.s32 $0x25000, s8;
	s21 =	sadd.s32 $0x25100, s8;
	[dreg:$0x5] =	wrdreg s7  }
0x13: {  	s23 =	sadd.s32 $0x25200, s8;
	s15 =	sadd.s32 $0x25300, s8;
	[dreg:$0x6] =	wrdreg s1  }
0x14: {  	s13 =	sadd.s32 s25, s6;
	s6 =	sadd.s32 s26, s6;
	[dreg:$0x8] =	wrdreg s20  }
0x15: {  	s25 =	simm.s32 $0x80;
	s26 =	simm.s32 $0x3BA0;
	[dreg:$0x9] =	wrdreg s21  }
0x16: {  	s9 =	simm.s32 $0x0;
	[dreg:$0xa] =	wrdreg s23;
	s16 =	sadd.s32 $0x25400, s8  }
.Ltmp0:
0x17: {  	s7 =	sshrl.u32 s24, $0x3;
	s1 =	sshrl.u32 s22, $0x3;
	(pc) =	sbr.rel .LBB2_1-.Ltmp0, $4  }
0x18: {  	s12 =	sadd.s32 s0, s6;
	s23 =	simm.s32 $0x2F20;
	s24 =	simm.s32 $0x3  }
0x19: {  	s0 =	simm.s32 $0x45A0;
	s6 =	simm.s32 $0x2720;
	s8 =	simm.s32 $0x2  }
0x1a: {  	s18 =	sadd.s32 s7, s17;
	s19 =	sadd.s32 s7, s10;
	s21 =	sadd.s32 s1, s17  }
0x1b: {  	v0 =	vimm.f32 $0.0e+00;
	v1 =	vimm.f32 $1.000000000e+00;
	s22 =	sadd.s32 s1, s10;
	s1 =	simm.s32 $0x4520;
	s7 =	simm.s32 $0x1  }
.LBB2_16:
0x1c: {  	_ =	swait.ge [sflag:s7], $0x80  }
0x1d: {  	[sflag:s7] =	ssyncset.done $0x0  }
0x1e: {  	[sflag:s7] =	ssyncadd.s32 $0xFFFFFF80  }
0x1f: {  	_ =	swait.ge [sflag:s7], $0x80  }
0x20: {  	[sflag:s7] =	ssyncset.done $0x0  }
0x21: {  	[sflag:s7] =	ssyncadd.s32 $0xFFFFFF80  }
0x22: {  	_ =	swait.ge [sflag:s7], $0x800  }
0x23: {  	[sflag:s7] =	ssyncset.done $0x0  }
0x24: {  	s10 =	rddreg [dreg:$0x4];
	[sflag:s7] =	ssyncadd.s32 $0xFFFFF800  }
0x25: {  	[hbm4b:s10+s2] =	stream.linear.scatter [tilespmem:s26], [sflag:$0x3], $0x80, $0x38;
	[tilespmem:$0x4DA0] =	vst v63  }
0x26: {  	_ =	swait.ge [sflag:s24], $0x80  }
0x27: {  	[sflag:s24] =	ssyncset.done $0x0  }
0x28: {  	s14 =	rddreg [dreg:$0x5];
	[sflag:s24] =	ssyncadd.s32 $0xFFFFFF80  }
0x29: {  	[hbm4b:s14+s2] =	stream.linear.scatter [tilespmem:s28], [sflag:$0x3], $0x80, $0x38;
	[tilespmem:$0x4DA0] =	vst v63  }
0x2a: {  	_ =	swait.ge [sflag:s24], $0x80  }
0x2b: {  	[sflag:s24] =	ssyncset.done $0x0  }
0x2c: {  	s17 =	rddreg [dreg:$0x6];
	[sflag:s24] =	ssyncadd.s32 $0xFFFFFF80  }
0x2d: {  	[hbm4b:s17+s2] =	stream.linear.scatter [tilespmem:s29], [sflag:$0x3], $0x800, $0x38;
	[tilespmem:$0x4DA0] =	vst v63  }
0x2e: {  	_ =	swait.ge [sflag:s24], $0x800  }
0x2f: {  	s9 =	sadd.s32 $0x1, s9;
	s20 =	rddreg [dreg:$0x7]  }
0x30: {  	p0 =	sne.s32 s9, s20  }
.Ltmp1:
0x31: {  	_ = 	snop;
	(pc) =	sbr.rel @!p0 .LBB2_17-.Ltmp1, $3  }
0x32: {  	_ =	sdelay $0x1  }
0x33: {  	[sflag:s24] =	ssyncset.done $0x0  }
0x34: {  	[sflag:s24] =	ssyncadd.s32 $0xFFFFF800  }
.LBB2_1:
0x35: {  	s10 =	rddreg [dreg:$0x2]  }
0x36: {  	[tilespmem:s23], [sflag:$0x3] =	stream.linear.gather [hbm4b:s10+s2], $0xC80, $0x38;
	[tilespmem:$0x4DA0] =	vst v63  }
0x37: {  	_ =	swait.ge [sflag:s24], $0xC80  }
0x38: {  	[sflag:s24] =	ssyncset.done $0x0  }
0x39: {  	[sflag:s24] =	ssyncadd.s32 $0xFFFFF380  }
0x3a: {  	[tilespmem:s26], [sflag:$0x1] =	stream.indirect.gather [hbm4b:s3+s25], $0x1, s23, s25, $0xb8;
	[tilespmem:$0x4DA0] =	vst v63  }
0x3b: {  	_ = 	snop  }
0x3c: {  	[tilespmem:s28], [sflag:$0x1] =	stream.indirect.gather [hbm4b:s4+s25], $0x1, s23, s25, $0xb8;
	[tilespmem:$0x4DA0] =	vst v63  }
0x3d: {  	_ = 	snop  }
0x3e: {  	[tilespmem:s29], [sflag:$0x1] =	stream.indirect.gather [hbm4b:s5+s25], $0x10, s23, s25, $0xb8;
	[tilespmem:$0x4DA0] =	vst v63  }
0x3f: {  	_ = 	snop  }
0x40: {  	[tilespmem:s31], [sflag:$0x2] =	stream.indirect.gather [hbm4b:s3+s25], $0x1, s30, s25, $0xb8;
	[tilespmem:$0x4DA0] =	vst v63  }
0x41: {  	_ = 	snop  }
0x42: {  	[tilespmem:s1], [sflag:$0x2] =	stream.indirect.gather [hbm4b:s4+s25], $0x1, s30, s25, $0xb8;
	[tilespmem:$0x4DA0] =	vst v63  }
0x43: {  	s11 =	simm.s32 $0x0;
	s10 =	simm.s32 $0x40  }
0x44: {  	[tilespmem:s0], [sflag:$0x2] =	stream.indirect.gather [hbm4b:s5+s25], $0x10, s30, s25, $0xb8;
	[tilespmem:$0x4DA0] =	vst v63  }
.LBB2_2:
0x45: {  	p0 =	sne.s32 s10, $0x9C40;
	[tilespmem:s11+$0x0] =	vst v0;
	s11 =	smov.u32 s10;
	s10 =	sadd.s32 $0x40, s10  }
.Ltmp2:
0x46: {  	(pc) =	sbr.rel @p0 .LBB2_2-.Ltmp2, $2  }
0x47: {  	_ =	sdelay $0x2  }
0x48: {  	s11 =	sshra.s32 s11, $0x2  }
0x49: {  	[tilespmem:s11+$0x0] =	vst v0;
	s10 =	simm.s32 $0x0;
	s20 =	rddreg [dreg:$0x8]  }
0x4a: {  	[tilespmem:s6], [sflag:$0x3] =	stream.linear.gather [hbm4b:s20+s10], $0x800, $0x38;
	[tilespmem:$0x4DA0] =	vst v63  }
0x4b: {  	_ =	swait.ge [sflag:s24], $0x800  }
0x4c: {  	[sflag:s24] =	ssyncset.done $0x0  }
0x4d: {  	s11 =	simm.s32 $0x0;
	s10 =	simm.s32 $0x40;
	[sflag:s24] =	ssyncadd.s32 $0xFFFFF800  }
.LBB2_4:
0x4e: {  	p0 =	sne.s32 s10, $0x1FC0;
	v2 =	vld [tilespmem:s11+$0x2720];
	_ =	sdelay $0x3  }
.Ltmp3:
0x4f: {  	(pc) =	sbr.rel @p0 .LBB2_4-.Ltmp3, $2  }
0x50: {  	_ =	sdelay $0x2  }
0x51: {  	s11 =	sshra.s32 s10, $0x2;
	s10 =	sadd.s32 $0x40, s10;
	[tilespmem:v2+s2+$0x0] =	vst.idx.add.f32.msk $0xffff, v1  }
0x52: {  	v2 =	vld [tilespmem:s11+$0x2720];
	_ =	sdelay $0x7  }
0x53: {  	s10 =	simm.s32 $0x0;
	s20 =	rddreg [dreg:$0x9];
	[tilespmem:v2+s2+$0x0] =	vst.idx.add.f32.msk $0xffff, v1  }
0x54: {  	[tilespmem:s6], [sflag:$0x3] =	stream.linear.gather [hbm4b:s20+s10], $0x800, $0x38;
	[tilespmem:$0x4DA0] =	vst v63  }
0x55: {  	_ =	swait.ge [sflag:s24], $0x800  }
0x56: {  	[sflag:s24] =	ssyncset.done $0x0  }
0x57: {  	s11 =	simm.s32 $0x0;
	s10 =	simm.s32 $0x40;
	[sflag:s24] =	ssyncadd.s32 $0xFFFFF800  }
.LBB2_6:
0x58: {  	p0 =	sne.s32 s10, $0x1FC0;
	v2 =	vld [tilespmem:s11+$0x2720];
	_ =	sdelay $0x3  }
.Ltmp4:
0x59: {  	(pc) =	sbr.rel @p0 .LBB2_6-.Ltmp4, $2  }
0x5a: {  	_ =	sdelay $0x2  }
0x5b: {  	s11 =	sshra.s32 s10, $0x2;
	s10 =	sadd.s32 $0x40, s10;
	[tilespmem:v2+s2+$0x0] =	vst.idx.add.f32.msk $0xffff, v1  }
0x5c: {  	v2 =	vld [tilespmem:s11+$0x2720];
	_ =	sdelay $0x7  }
0x5d: {  	s10 =	simm.s32 $0x0;
	s20 =	rddreg [dreg:$0xa];
	[tilespmem:v2+s2+$0x0] =	vst.idx.add.f32.msk $0xffff, v1  }
0x5e: {  	[tilespmem:s6], [sflag:$0x3] =	stream.linear.gather [hbm4b:s20+s10], $0x800, $0x38;
	[tilespmem:$0x4DA0] =	vst v63  }
0x5f: {  	_ =	swait.ge [sflag:s24], $0x800  }
0x60: {  	[sflag:s24] =	ssyncset.done $0x0  }
0x61: {  	s11 =	simm.s32 $0x0;
	s10 =	simm.s32 $0x40;
	[sflag:s24] =	ssyncadd.s32 $0xFFFFF800  }
.LBB2_8:
0x62: {  	p0 =	sne.s32 s10, $0x1FC0;
	v2 =	vld [tilespmem:s11+$0x2720];
	_ =	sdelay $0x3  }
.Ltmp5:
0x63: {  	(pc) =	sbr.rel @p0 .LBB2_8-.Ltmp5, $2  }
0x64: {  	_ =	sdelay $0x2  }
0x65: {  	s11 =	sshra.s32 s10, $0x2;
	s10 =	sadd.s32 $0x40, s10;
	[tilespmem:v2+s2+$0x0] =	vst.idx.add.f32.msk $0xffff, v1  }
0x66: {  	v2 =	vld [tilespmem:s11+$0x2720];
	_ =	sdelay $0x7  }
0x67: {  	s10 =	simm.s32 $0x0;
	[tilespmem:v2+s2+$0x0] =	vst.idx.add.f32.msk $0xffff, v1  }
0x68: {  	[tilespmem:s6], [sflag:$0x3] =	stream.linear.gather [hbm4b:s15+s10], $0x800, $0x38;
	[tilespmem:$0x4DA0] =	vst v63  }
0x69: {  	_ =	swait.ge [sflag:s24], $0x800  }
0x6a: {  	[sflag:s24] =	ssyncset.done $0x0  }
0x6b: {  	s11 =	simm.s32 $0x0;
	s10 =	simm.s32 $0x40;
	[sflag:s24] =	ssyncadd.s32 $0xFFFFF800  }
.LBB2_10:
0x6c: {  	p0 =	sne.s32 s10, $0x1FC0;
	v2 =	vld [tilespmem:s11+$0x2720];
	_ =	sdelay $0x3  }
.Ltmp6:
0x6d: {  	(pc) =	sbr.rel @p0 .LBB2_10-.Ltmp6, $2  }
0x6e: {  	_ =	sdelay $0x2  }
0x6f: {  	s11 =	sshra.s32 s10, $0x2;
	s10 =	sadd.s32 $0x40, s10;
	[tilespmem:v2+s2+$0x0] =	vst.idx.add.f32.msk $0xffff, v1  }
0x70: {  	v2 =	vld [tilespmem:s11+$0x2720];
	_ =	sdelay $0x7  }
0x71: {  	s10 =	simm.s32 $0x0;
	[tilespmem:v2+s2+$0x0] =	vst.idx.add.f32.msk $0xffff, v1  }
0x72: {  	[tilespmem:s6], [sflag:$0x3] =	stream.linear.gather [hbm4b:s16+s10], $0x800, $0x38;
	[tilespmem:$0x4DA0] =	vst v63  }
0x73: {  	_ =	swait.ge [sflag:s24], $0x800  }
0x74: {  	[sflag:s24] =	ssyncset.done $0x0  }
0x75: {  	s11 =	simm.s32 $0x0;
	s10 =	simm.s32 $0x40;
	[sflag:s24] =	ssyncadd.s32 $0xFFFFF800  }
.LBB2_12:
0x76: {  	p0 =	sne.s32 s10, $0x1FC0;
	v2 =	vld [tilespmem:s11+$0x2720];
	_ =	sdelay $0x3  }
.Ltmp7:
0x77: {  	(pc) =	sbr.rel @p0 .LBB2_12-.Ltmp7, $2  }
0x78: {  	_ =	sdelay $0x2  }
0x79: {  	s11 =	sshra.s32 s10, $0x2;
	s10 =	sadd.s32 $0x40, s10;
	[tilespmem:v2+s2+$0x0] =	vst.idx.add.f32.msk $0xffff, v1  }
0x7a: {  	v2 =	vld [tilespmem:s11+$0x2720];
	_ =	sdelay $0x7  }
0x7b: {  	s10 =	simm.s32 $0x0;
	s20 =	rddreg [dreg:$0x3];
	[tilespmem:v2+s2+$0x0] =	vst.idx.add.f32.msk $0xffff, v1  }
0x7c: {  	[hbm4b:s20+s10] =	stream.linear.scatter [tilespmem:s10], [sflag:$0x3], $0x2720, $0x38;
	[tilespmem:$0x4DA0] =	vst v63  }
0x7d: {  	_ =	swait.ge [sflag:s24], $0x2720  }
0x7e: {  	s11 =	simm.s32 $0x30A0;
	[sflag:s24] =	ssyncset.done $0x0  }
0x7f: {  	s17 =	smov.u32 s13;
	s20 =	smov.u32 s12;
	[sflag:s24] =	ssyncadd.s32 $0xFFFFD8E0  }
.LBB2_14:
0x80: {  	_ =	swait.ge [sflag:s7], $0x80  }
0x81: {  	[sflag:s7] =	ssyncset.done $0x0  }
0x82: {  	[sflag:s7] =	ssyncadd.s32 $0xFFFFFF80  }
0x83: {  	_ =	swait.ge [sflag:s7], $0x80  }
0x84: {  	[sflag:s7] =	ssyncset.done $0x0  }
0x85: {  	[sflag:s7] =	ssyncadd.s32 $0xFFFFFF80  }
0x86: {  	_ =	swait.ge [sflag:s7], $0x800  }
0x87: {  	[sflag:s7] =	ssyncset.done $0x0  }
0x88: {  	s14 =	sadd.s32 s10, s22;
	[sflag:s7] =	ssyncadd.s32 $0xFFFFF800  }
0x89: {  	[hbm4b:s14+s2] =	stream.linear.scatter [tilespmem:s26], [sflag:$0x3], $0x80, $0x38;
	[tilespmem:$0x4DA0] =	vst v63  }
0x8a: {  	_ =	swait.ge [sflag:s24], $0x80  }
0x8b: {  	[sflag:s24] =	ssyncset.done $0x0  }
0x8c: {  	s14 =	sadd.s32 s10, s21;
	[sflag:s24] =	ssyncadd.s32 $0xFFFFFF80  }
0x8d: {  	[hbm4b:s14+s2] =	stream.linear.scatter [tilespmem:s28], [sflag:$0x3], $0x80, $0x38;
	[tilespmem:$0x4DA0] =	vst v63  }
0x8e: {  	_ =	swait.ge [sflag:s24], $0x80  }
0x8f: {  	[sflag:s24] =	ssyncset.done $0x0  }
0x90: {  	[sflag:s24] =	ssyncadd.s32 $0xFFFFFF80  }
0x91: {  	[hbm4b:s20+s2] =	stream.linear.scatter [tilespmem:s29], [sflag:$0x3], $0x800, $0x38;
	[tilespmem:$0x4DA0] =	vst v63  }
0x92: {  	_ =	swait.ge [sflag:s24], $0x800  }
0x93: {  	[sflag:s24] =	ssyncset.done $0x0  }
0x94: {  	s14 =	sadd.s32 $0xFFFFFF80, s11;
	[sflag:s24] =	ssyncadd.s32 $0xFFFFF800  }
0x95: {  	[tilespmem:s26], [sflag:$0x1] =	stream.indirect.gather [hbm4b:s3+s25], $0x1, s14, s25, $0xb8;
	[tilespmem:$0x4DA0] =	vst v63  }
0x96: {  	_ = 	snop  }
0x97: {  	[tilespmem:s28], [sflag:$0x1] =	stream.indirect.gather [hbm4b:s4+s25], $0x1, s14, s25, $0xb8;
	[tilespmem:$0x4DA0] =	vst v63  }
0x98: {  	_ = 	snop  }
0x99: {  	[tilespmem:s29], [sflag:$0x1] =	stream.indirect.gather [hbm4b:s5+s25], $0x10, s14, s25, $0xb8;
	[tilespmem:$0x4DA0] =	vst v63  }
0x9a: {  	_ =	swait.ge [sflag:s8], $0x80  }
0x9b: {  	[sflag:s8] =	ssyncset.done $0x0  }
0x9c: {  	[sflag:s8] =	ssyncadd.s32 $0xFFFFFF80  }
0x9d: {  	_ =	swait.ge [sflag:s8], $0x80  }
0x9e: {  	[sflag:s8] =	ssyncset.done $0x0  }
0x9f: {  	[sflag:s8] =	ssyncadd.s32 $0xFFFFFF80  }
0xa0: {  	_ =	swait.ge [sflag:s8], $0x800  }
0xa1: {  	[sflag:s8] =	ssyncset.done $0x0  }
0xa2: {  	s14 =	sadd.s32 s10, s19;
	[sflag:s8] =	ssyncadd.s32 $0xFFFFF800  }
0xa3: {  	[hbm4b:s14+s2] =	stream.linear.scatter [tilespmem:s31], [sflag:$0x3], $0x80, $0x38;
	[tilespmem:$0x4DA0] =	vst v63  }
0xa4: {  	_ =	swait.ge [sflag:s24], $0x80  }
0xa5: {  	[sflag:s24] =	ssyncset.done $0x0  }
0xa6: {  	s14 =	sadd.s32 s10, s18;
	[sflag:s24] =	ssyncadd.s32 $0xFFFFFF80  }
0xa7: {  	[hbm4b:s14+s2] =	stream.linear.scatter [tilespmem:s1], [sflag:$0x3], $0x80, $0x38;
	[tilespmem:$0x4DA0] =	vst v63  }
0xa8: {  	_ =	swait.ge [sflag:s24], $0x80  }
0xa9: {  	p0 =	seq.s32 s10, $0x160;
	[sflag:s24] =	ssyncset.done $0x0  }
.Ltmp8:
0xaa: {  	[sflag:s24] =	ssyncadd.s32 $0xFFFFFF80;
	(pc) =	sbr.rel @p0 .LBB2_16-.Ltmp8, $4  }
0xab: {  	[hbm4b:s17+s2] =	stream.linear.scatter [tilespmem:s0], [sflag:$0x3], $0x800, $0x38;
	[tilespmem:$0x4DA0] =	vst v63  }
0xac: {  	_ =	swait.ge [sflag:s24], $0x800  }
0xad: {  	[sflag:s24] =	ssyncset.done $0x0  }
0xae: {  	[sflag:s24] =	ssyncadd.s32 $0xFFFFF800  }
0xaf: {  	[tilespmem:s31], [sflag:$0x2] =	stream.indirect.gather [hbm4b:s3+s25], $0x1, s11, s25, $0xb8;
	[tilespmem:$0x4DA0] =	vst v63  }
.Ltmp9:
0xb0: {  	_ = 	snop;
	(pc) =	sbr.rel .LBB2_14-.Ltmp9, $4  }
0xb1: {  	[tilespmem:s1], [sflag:$0x2] =	stream.indirect.gather [hbm4b:s4+s25], $0x1, s11, s25, $0xb8;
	[tilespmem:$0x4DA0] =	vst v63  }
0xb2: {  	s17 =	sadd.s32 $0x200, s17  }
0xb3: {  	[tilespmem:s0], [sflag:$0x2] =	stream.indirect.gather [hbm4b:s5+s25], $0x10, s11, s25, $0xb8;
	[tilespmem:$0x4DA0] =	vst v63  }
0xb4: {  	s10 =	sadd.s32 $0x20, s10;
	s20 =	sadd.s32 $0x200, s20;
	s11 =	sadd.s32 $0x100, s11  }
.LBB2_17:
0xb5: {  	_ =	sfence.sel $0x180000  }
0xb6: {  	[bflag:$0x0] =	sbarrier.arrive $0xFFFF  }
0xb7: {  	_ =	strace $0x90000047  }
0xb8: {  	s0 =	stileid.u32;
	[bflag:$0x2] =	sbarrier.arrive $0xFFFF  }
0xb9: {  	p0 =	sne.s32 s0, $0x0;
	s0 =	rddreg [dreg:$0x1]  }
0xba: {  	s0 =	sadd.s32 @!p0 $0x100000, s0  }
0xbb: {  	[sflag:s0] =	ssyncadd.tile.s32 @!p0 $0x1;
	_ =	shalt  }
.Lfunc_end2:
_tile_overlayer_lowered:
.L_overlay_start_2:
0xbc: {  	(tag) =	ssettag $0x2  }
0xbd: {  	s0 =	rddreg [dreg:$0x0];
	s2 =	stileid.u32  }
0xbe: {  	s1 =	rddreg [dreg:$0x1];
	p0 =	sne.s32 s2, $0x0  }
0xbf: {  	s3 =	rddreg [dreg:$0x2];
	[bflag:$0x3] =	sbarrier.arrive $0xFFFF;
	s2 =	simm.s32 @!p0 $0x1C03  }
0xc0: {  	[timem:s3], [sflag:s2] =	dma.local @!p0 [hbm:s0], s1  }
0xc1: {  	s0 =	simm.s32 @!p0 $0x3  }
0xc2: {  	_ =	swait.ge @!p0 [sflag:s0], s1  }
0xc3: {  	s1 =	ssub.s32 @!p0 $0x0, s1;
	[sflag:s0] =	ssyncset.done @!p0 $0x0  }
0xc4: {  	[sflag:s0] =	ssyncadd.s32 @!p0 s1  }
0xc5: {  	[bflag:$0x3] =	sbarrier.arrive $0xFFFF  }
0xc6: {  	_ =	shalt  }

// kernel: kernel.15.cloned.1.call-start
scs
__scs_entry_jumppad:
0x0: {  	(pc) =	sbr.rel $0x88, $3  }
0x1: {  	(tag) =	ssettag $0x0;
	lr =	simm.s32 $0x1  }
0x2: {  	[smem:$0x3F91] =	sst lr;
	_ =	strace $0xD0000000  }
0x3: {  	_ = 	snop  }
0x4: {  	_ = 	snop  }
0x5: {  	_ = 	snop  }
0x6: {  	_ = 	snop  }
0x7: {  	_ = 	snop  }
__scs_overlays_trampoline_lowered:
0x8: {  	[smem:$0x3FA0] =	sst s0  }
0x9: {  	[smem:$0x3FA1] =	sst s1  }
0xa: {  	[smem:$0x3FA2] =	sst s2  }
0xb: {  	[smem:$0x3FA3] =	sst s3  }
0xc: {  	[smem:$0x3FA4] =	sst s4  }
0xd: {  	[smem:$0x3FA5] =	sst s5  }
0xe: {  	[smem:$0x3FA6] =	sst s6  }
0xf: {  	[smem:$0x3FA7] =	sst s7  }
0x10: {  	[smem:$0x3FA8] =	sst s8  }
0x11: {  	[smem:$0x3FA9] =	sst s9;
	s0 =	simm.s32 @!p0 $0x0  }
0x12: {  	s1 =	sld [smem:$0x3F8F];
	s0 =	simm.s32 @p0 $0x1  }
0x13: {  	[smem:$0x3FAA] =	sst s0;
	s0 =	simm.s32 @!p1 $0x0  }
0x14: {  	s2 =	sld [smem:$0x3F8E];
	s0 =	simm.s32 @p1 $0x1  }
0x15: {  	[smem:$0x3FAB] =	sst s0;
	s0 =	simm.s32 @!p2 $0x0  }
0x16: {  	s3 =	sld [smem:$0x3FDB];
	s0 =	simm.s32 @p2 $0x1  }
0x17: {  	s4 =	simm.s32 $0x1BF5;
	[smem:$0x3FAD] =	sst s0  }
0x18: {  	s0 =	sld [smem:$0x3F90];
	_ =	swait.ge [sflag:s4], $0x0  }
0x19: {  	s7 =	sld [smem:$0x3F91]  }
0x1a: {  	s8 =	sadd.s32 $0xFFFFE003, lr  }
0x1b: {  	s9 =	sadd.s32 $0xFFFFFEF7, lr;
	s5 =	simm.s32 $0xFFFFFFFF;
	p2 =	slt.u32 s8, $0xFFFFF086  }
0x1c: {  	p1 =	slt.u32 s9, $0xF7A;
	s5 =	simm.s32 @!p2 $0x0  }
0x1d: {  	s5 =	simm.s32 @p1 $0x1;
	p0 =	seq.s32 s7, s2  }
0x1e: {  	s7 =	smul.u32 @!p0 $0xF7A, s2;
	p2 =	seq.s32 @!p0 s5, $0x0  }
0x1f: {  	s9 =	smul.u32 $0xF7A, s1;
	s8 =	simm.s32 @!p0 $0x1BF5;
	p2 =	por !p2, p0  }
0x20: {  	[sflag:s8] =	ssyncset.s32 @!p0 $0xFFFFF086;
	s6 =	sadd.s32 @!p0 s3, s7;
	s7 =	simm.s32 @!p0 $0x108  }
0x21: {  	s3 =	sadd.s32 s3, s9;
	s6 =	sadd.s32 @!p0 $0x88, s6;
	s7 =	simm.s32 @p2 $0x1082  }
0x22: {  	[simem:s7], [sflag:s8] =	dma.local @!p0 [hbm:s6], $0xF7A  }
0x23: {  	s9 =	sor.u32 $0xD0000000, s2;
	s6 =	simm.s32 $0x108;
	_ =	swait.ge @!p0 [sflag:s8], $0x0  }
0x24: {  	s3 =	sadd.s32 $0x88, s3;
	s6 =	simm.s32 @!p1 $0x1082;
	[sflag:s4] =	ssyncset.s32 $0xFFFFF086  }
0x25: {  	[simem:s6], [sflag:s4] =	dma.local [hbm:s3], $0xF7A  }
0x26: {  	[smem:$0x3F91] =	sst s1;
	(tag) =	ssettag s2;
	_ =	strace s9  }
0x27: {  	s1 =	sld [smem:$0x3FA1]  }
0x28: {  	s2 =	sld [smem:$0x3FA2]  }
0x29: {  	s4 =	sld [smem:$0x3FA4]  }
0x2a: {  	p0 =	seq.s32 s5, $0x0;
	s5 =	sld [smem:$0x3FA5]  }
0x2b: {  	s6 =	sld [smem:$0x3FA6]  }
0x2c: {  	s7 =	sld [smem:$0x3FA7]  }
0x2d: {  	s3 =	simm.s32 $0x108;
	s8 =	sld [smem:$0x3FA8]  }
0x2e: {  	s3 =	simm.s32 @!p0 $0x1082;
	s9 =	sld [smem:$0x3FA9]  }
0x2f: {  	lr =	sadd.s32 s0, s3;
	s0 =	sld [smem:$0x3FA0]  }
0x30: {  	s3 =	sld [smem:$0x3FA3]  }
0x31: {  	[smem:$0x3FAC] =	sst s10  }
0x32: {  	s10 =	sld [smem:$0x3FAA];
	_ =	sdelay $0x3  }
0x33: {  	p0 =	seq.s32 s10, $0x1;
	s10 =	sld [smem:$0x3FAC];
	_ =	sdelay $0x3  }
0x34: {  	[smem:$0x3FAC] =	sst s10  }
0x35: {  	s10 =	sld [smem:$0x3FAB];
	_ =	sdelay $0x3  }
0x36: {  	p1 =	seq.s32 s10, $0x1;
	s10 =	sld [smem:$0x3FAC];
	_ =	sdelay $0x3  }
0x37: {  	[smem:$0x3FAC] =	sst s10  }
0x38: {  	s10 =	sld [smem:$0x3FAD]  }
0x39: {  	_ = 	snop;
	(pc) =	sbr.ind lr, $3  }
0x3a: {  	_ = 	snop  }
0x3b: {  	_ = 	snop  }
0x3c: {  	p2 =	seq.s32 s10, $0x1;
	s10 =	sld [smem:$0x3FAC]  }
0x3d: {  	_ =	shalt  }
0x3e: {  	_ =	shalt  }
0x3f: {  	_ =	shalt  }
0x40: {  	_ =	shalt  }
0x41: {  	_ =	shalt  }
0x42: {  	_ =	shalt  }
0x43: {  	_ =	shalt  }
0x44: {  	_ =	shalt  }
0x45: {  	_ =	shalt  }
0x46: {  	_ =	shalt  }
0x47: {  	_ =	shalt  }
0x48: {  	_ =	shalt  }
0x49: {  	_ =	shalt  }
0x4a: {  	_ =	shalt  }
0x4b: {  	_ =	shalt  }
0x4c: {  	_ =	shalt  }
0x4d: {  	_ =	shalt  }
0x4e: {  	_ =	shalt  }
0x4f: {  	_ =	shalt  }
0x50: {  	_ =	shalt  }
0x51: {  	_ =	shalt  }
0x52: {  	_ =	shalt  }
0x53: {  	_ =	shalt  }
0x54: {  	_ =	shalt  }
0x55: {  	_ =	shalt  }
0x56: {  	_ =	shalt  }
0x57: {  	_ =	shalt  }
0x58: {  	_ =	shalt  }
0x59: {  	_ =	shalt  }
0x5a: {  	_ =	shalt  }
0x5b: {  	_ =	shalt  }
0x5c: {  	_ =	shalt  }
0x5d: {  	_ =	shalt  }
0x5e: {  	_ =	shalt  }
0x5f: {  	_ =	shalt  }
0x60: {  	_ =	shalt  }
0x61: {  	_ =	shalt  }
0x62: {  	_ =	shalt  }
0x63: {  	_ =	shalt  }
0x64: {  	_ =	shalt  }
0x65: {  	_ =	shalt  }
0x66: {  	_ =	shalt  }
0x67: {  	_ =	shalt  }
0x68: {  	_ =	shalt  }
0x69: {  	_ =	shalt  }
0x6a: {  	_ =	shalt  }
0x6b: {  	_ =	shalt  }
0x6c: {  	_ =	shalt  }
0x6d: {  	_ =	shalt  }
0x6e: {  	_ =	shalt  }
0x6f: {  	_ =	shalt  }
0x70: {  	_ =	shalt  }
0x71: {  	_ =	shalt  }
0x72: {  	_ =	shalt  }
0x73: {  	_ =	shalt  }
0x74: {  	_ =	shalt  }
0x75: {  	_ =	shalt  }
0x76: {  	_ =	shalt  }
0x77: {  	_ =	shalt  }
0x78: {  	_ =	shalt  }
0x79: {  	_ =	shalt  }
0x7a: {  	_ =	shalt  }
0x7b: {  	_ =	shalt  }
0x7c: {  	_ =	shalt  }
0x7d: {  	_ =	shalt  }
0x7e: {  	_ =	shalt  }
0x7f: {  	_ =	shalt  }
0x80: {  	_ =	shalt  }
0x81: {  	_ =	shalt  }
0x82: {  	_ =	shalt  }
0x83: {  	_ =	shalt  }
0x84: {  	_ =	shalt  }
0x85: {  	_ =	shalt  }
0x86: {  	_ =	shalt  }
0x87: {  	_ =	shalt  }
.Lfunc_end0:
.L_simem_size_0:
called_computation.1_lowered:
.L_overlay_start_0:
0x88: {  	s2 =	sld [smem:$0x3FD9]  }
0x89: {  	s3 =	sld [smem:$0x3FFE];
	_ =	sdelay $0x1  }
0x8a: {  	s1 =	srdreg.scid  }
0x8b: {  	s0 =	sand.u32 $0x1, s1  }
0x8c: {  	s16 =	sshll.u32 s0, $0xA;
	s2 =	sadd.s32 s3, s2  }
0x8d: {  	s2 =	sadd.s32 s2, s16  }
0x8e: {  	[smem:$0x3FB8] =	sst s2  }
0x8f: {  	_ = 	snop  }
0x90: {  	(tm) =	ssettm $0x1  }
0x91: {  	s17 =	sld [smem:$0x3FFB];
	_ =	sdelay $0x3  }
0x92: {  	_ =	strace s17  }
0x93: {  	s2 =	sld [smem:$0x3FFC];
	_ =	sdelay $0x3  }
0x94: {  	_ =	strace s2  }
0x95: {  	s2 =	sld [smem:$0x3FFD];
	_ =	sdelay $0x3  }
0x96: {  	_ =	strace s2  }
0x97: {  	_ =	strace $0x8FFFFFFF  }
0x98: {  	s18 =	sld [smem:$0x3FDB];
	_ =	sdelay $0x1  }
0x99: {  	s19 =	simm.s32 $_scs_section_size  }
0x9a: {  	s4 =	simm.s32 $_size__tile_overlayer_lowered;
	s5 =	simm.s32 $_tile_overlayer_lowered  }
0x9b: {  	s22 =	simm.s32 $0x1BFF;
	s21 =	sshll.u32 s5, $0x1;
	s2 =	sadd.s32 s19, s18  }
0x9c: {  	s6 =	simm.s32 $0x0;
	s20 =	sshll.u32 s4, $0x1;
	s4 =	sadd.s32 s21, s2  }
0x9d: {  	[timem:s6], [sflag:s22] =	dma.local [hbm:s4], s20  }
0x9e: {  	_ =	swait.ge [sflag:s22], s20  }
0x9f: {  	s3 =	ssub.s32 $0x0, s20;
	[sflag:s22] =	ssyncset.done $0x0  }
0xa0: {  	[sflag:s22] =	ssyncadd.s32 s3;
	_ =	sdelay $0x1  }
0xa1: {  	s23 =	simm.s32 $0x1B8B  }
0xa2: {  	_ =	swait.ge [sflag:s23], $0x1  }
0xa3: {  	[sflag:s23] =	ssyncset.done $0x0  }
0xa4: {  	s25 =	simm.s32 $0x1B8E;
	s24 =	sld [smem:$0x3FFE];
	[sflag:s23] =	ssyncadd.s32 $0xFFFFFFFF  }
0xa5: {  	s26 =	simm.s32 $execute0_lowered;
	[smem:$0x3FD2] =	sst s25  }
0xa6: {  	s4 =	sshll.u32 s26, $0x1;
	_ =	strace $0x80000049;
	[dreg:$0x1] =	wrdreg $0xFFFFFFFF  }
0xa7: {  	s28 =	simm.s32 $_size_execute0_lowered;
	s2 =	sadd.s32 s2, s4;
	[dreg:$0x0] =	wrdreg $0x0  }
0xa8: {  	s4 =	sshll.u32 s28, $0x1;
	[dreg:$0x2] =	wrdreg s2  }
0xa9: {  	[dreg:$0x3] =	wrdreg s4  }
0xaa: {  	[dreg:$0x4] =	wrdreg $0xC0  }
0xab: {  	_ =	task [dreg:s6], $0x5FFFF  }
0xac: {  	[dreg:$0x1] =	wrdreg $0xFFFFFFFF  }
0xad: {  	[dreg:$0x0] =	wrdreg $0x60  }
0xae: {  	[dreg:$0x2] =	wrdreg s24  }
0xaf: {  	[dreg:$0x3] =	wrdreg $0xD0000  }
0xb0: {  	[dreg:$0x4] =	wrdreg $0x9  }
0xb1: {  	_ =	task.clear_ibuf [dreg:s6], $0x5FFFF;
	_ =	strace $0x90000049  }
0xb2: {  	s29 =	simm.s32 $0x9;
	_ =	strace $0x8000004B  }
0xb3: {  	_ =	swait.ge [sflag:s29], $0x1  }
0xb4: {  	[sflag:s29] =	ssyncadd.s32 $0xFFFFFFFF  }
0xb5: {  	_ =	strace $0x9000004B  }
0xb6: {  	_ =	sfence  }
0xb7: {  	s30 =	sld [smem:$0x0];
	_ =	sdelay $0x2  }
0xb8: {  	s31 =	sshll.u32 s1, $0xD;
	s1 =	sshrl.u32 s1, $0x2  }
0xb9: {  	s3 =	sand.u32 $0x4000, s31;
	s1 =	sadd.s32 s1, s30  }
0xba: {  	s0 =	sor.u32 s3, s0;
	s1 =	sshll.u32 s1, $0x11  }
0xbb: {  	s0 =	sor.u32 s1, s0  }
0xbc: {  	s0 =	sadd.s32 $0x8F2B, s0  }
0xbd: {  	[sflag:s0] =	ssyncadd.remote.s32 $0x1  }
0xbe: {  	_ =	sfence.sel $0xFFFF  }
0xbf: {  	[dreg:$0x0] =	wrdreg $0xFFFFFFFF;
	(pc) =	sbr.abs _section_cstart, $3  }
0xc0: {  	[dreg:$0x1] =	wrdreg $0xFFFFFFFF  }
0xc1: {  	_ =	task.clear_ibuf [dreg:s6], $0x2FFFF;
	_ =	strace $0x9FFFFFFF  }
0xc2: {  	(tm) =	ssettm $0x7FFFFFFF  }
0xc3: {  	_ =	shalt  }
tec
execute0_lowered:
.L_overlay_start_1:
0x0: {  	(tag) =	ssettag $0x1  }
0x1: {  	s0 =	srdreg.scid;
	s25 =	stileid.u32  }
0x2: {  	s5 =	rddreg [dreg:$0x0];
	s14 =	simm.s32 $0x80;
	s15 =	simm.s32 $0x5000  }
0x3: {  	s16 =	simm.s32 $0x7000;
	s17 =	simm.s32 $0x100;
	s18 =	simm.s32 $0x9000  }
0x4: {  	s19 =	simm.s32 $0x180;
	s20 =	simm.s32 $0xB000;
	s21 =	simm.s32 $0x1  }
0x5: {  	s22 =	simm.s32 $0x2;
	s23 =	simm.s32 $0x3;
	s24 =	simm.s32 $0x4  }
0x6: {  	s28 =	simm.s32 $0x4F00;
	s29 =	simm.s32 $0x4F80;
	s30 =	simm.s32 $0x0  }
0x7: {  	s1 =	sand.u32 $0x1, s0;
	s7 =	smul.u32 $0x9C80, s25;
	s11 =	sadd.s32 $0x71200, s5  }
0x8: {  	s31 =	sshll.u32 s25, $0x6;
	s2 =	sshll.u32 s1, $0x4;
	s6 =	smul.u32 $0x9C800, s1  }
0x9: {  	s9 =	ssub.s32 $0x2, s1;
	p0 =	seq.s32 s1, $0x1;
	s3 =	sor.u32 s25, s2  }
0xa: {  	s2 =	rddreg [dreg:$0x1];
	s10 =	sshrl.u32 s9, $0x1;
	s26 =	sshrl.u32 s7, $0x3  }
0xb: {  	s25 =	simm.s32 $0x4E00;
	s4 =	smul.u32 $0x500, s3;
	s3 =	simm.s32 $0x0  }
0xc: {  	s6 =	sadd.s32 s7, s6;
	s9 =	ssub.s32 s9, s10;
	s13 =	sadd.s32 s7, s2  }
0xd: {  	s10 =	simm.s32 $0x5;
	[smem:$0x7FF] =	sst s3;
	s6 =	sshrl.u32 s6, $0x3  }
0xe: {  	s13 =	sshrl.u32 s13, $0x3;
	_ =	strace $0x8000004A;
	s8 =	sadd.s32 s4, s5  }
0xf: {  	s4 =	sadd.s32 $0x4200, s5;
	s12 =	sadd.s32 s6, s5;
	s5 =	sadd.s32 $0x1B000, s8  }
0x10: {  	s6 =	sadd.s32 $0x25000, s8;
	s1 =	smov.u32 s4;
	s7 =	sadd.s32 $0x84C00, s12  }
0x11: {  	s8 =	smax.u32 s9, $0x1;
	s12 =	sor.u32 $0x1C05, s31;
	s1 =	smov.u32 @p0 s11  }
0x12: {  	s11 =	simm.s32 $0x2800;
	s9 =	sadd.s32 s1, s26;
	s26 =	simm.s32 $0x4E80  }
.LBB2_1:
0x13: {  	[tilespmem:s3], [sflag:$0x5] =	stream.linear.gather [hbm4b:s5+s3], $0x2800, $0x38;
	[tilespmem:$0x16C80] =	vst v63  }
0x14: {  	_ =	swait.ge [sflag:s10], $0x2800  }
0x15: {  	[sflag:s10] =	ssyncset.done $0x0  }
0x16: {  	[sflag:s10] =	ssyncadd.s32 $0xFFFFD800  }
0x17: {  	[tilespmem:s11], [sflag:$0x5] =	stream.linear.gather [hbm4b:s6+s3], $0x2800, $0x38;
	[tilespmem:$0x16C80] =	vst v63  }
0x18: {  	_ =	swait.ge [sflag:s10], $0x2800  }
0x19: {  	[sflag:s10] =	ssyncset.done $0x0  }
0x1a: {  	[sflag:s10] =	ssyncadd.s32 $0xFFFFD800  }
0x1b: {  	[spmem:s13], [sflag:s12] =	dma.local [hbm:s9], $0x1390  }
0x1c: {  	_ =	swait.ge [sflag:s10], $0x1390  }
0x1d: {  	[sflag:s10] =	ssyncset.done $0x0  }
0x1e: {  	[sflag:s10] =	ssyncadd.s32 $0xFFFFEC70  }
0x1f: {  	[tilespmem:s15], [sflag:$0x1] =	stream.indirect.gather [hbm4b:s4+s14], $0x40, s3, s14, $0xb8;
	[tilespmem:$0x16C80] =	vst v63  }
0x20: {  	_ = 	snop  }
0x21: {  	[tilespmem:s16], [sflag:$0x2] =	stream.indirect.gather [hbm4b:s4+s14], $0x40, s14, s14, $0xb8;
	[tilespmem:$0x16C80] =	vst v63  }
0x22: {  	_ = 	snop  }
0x23: {  	[tilespmem:s18], [sflag:$0x3] =	stream.indirect.gather [hbm4b:s4+s14], $0x40, s17, s14, $0xb8;
	[tilespmem:$0x16C80] =	vst v63  }
0x24: {  	_ = 	snop  }
0x25: {  	[tilespmem:s20], [sflag:$0x4] =	stream.indirect.gather [hbm4b:s4+s14], $0x40, s19, s14, $0xb8;
	[tilespmem:$0x16C80] =	vst v63  }
0x26: {  	[bflag:$0x0] =	sbarrier.arrive $0xFFFF  }
0x27: {  	_ =	swait.ge [sflag:s21], $0x2000  }
0x28: {  	[sflag:s21] =	ssyncset.done $0x0  }
0x29: {  	s1 =	simm.s32 $0x2800;
	[sflag:s21] =	ssyncadd.s32 $0xFFFFE000  }
0x2a: {  	[spmem:s2] =	stream.indirect.scatter.add.f32 [tilespmem:s15], [sflag:$0x5], $0x40, s1, s14, $0xb8;
	[tilespmem:$0x16C80] =	vst v63  }
0x2b: {  	_ =	swait.ge [sflag:s10], $0x2000  }
0x2c: {  	[sflag:s10] =	ssyncset.done $0x0  }
0x2d: {  	s0 =	simm.s32 $0x200;
	[sflag:s10] =	ssyncadd.s32 $0xFFFFE000  }
0x2e: {  	[tilespmem:s15], [sflag:$0x1] =	stream.indirect.gather [hbm4b:s4+s14], $0x40, s0, s14, $0xb8;
	[tilespmem:$0x16C80] =	vst v63  }
0x2f: {  	_ =	swait.ge [sflag:s22], $0x2000  }
0x30: {  	[sflag:s22] =	ssyncset.done $0x0  }
0x31: {  	s0 =	simm.s32 $0x2880;
	[sflag:s22] =	ssyncadd.s32 $0xFFFFE000  }
0x32: {  	[spmem:s2] =	stream.indirect.scatter.add.f32 [tilespmem:s16], [sflag:$0x5], $0x40, s0, s14, $0xb8;
	[tilespmem:$0x16C80] =	vst v63  }
0x33: {  	_ =	swait.ge [sflag:s10], $0x2000  }
0x34: {  	[sflag:s10] =	ssyncset.done $0x0  }
0x35: {  	s0 =	simm.s32 $0x280;
	[sflag:s10] =	ssyncadd.s32 $0xFFFFE000  }
0x36: {  	[tilespmem:s16], [sflag:$0x2] =	stream.indirect.gather [hbm4b:s4+s14], $0x40, s0, s14, $0xb8;
	[tilespmem:$0x16C80] =	vst v63  }
0x37: {  	_ =	swait.ge [sflag:s23], $0x2000  }
0x38: {  	[sflag:s23] =	ssyncset.done $0x0  }
0x39: {  	s0 =	simm.s32 $0x2900;
	[sflag:s23] =	ssyncadd.s32 $0xFFFFE000  }
0x3a: {  	[spmem:s2] =	stream.indirect.scatter.add.f32 [tilespmem:s18], [sflag:$0x5], $0x40, s0, s14, $0xb8;
	[tilespmem:$0x16C80] =	vst v63  }
0x3b: {  	_ =	swait.ge [sflag:s10], $0x2000  }
0x3c: {  	[sflag:s10] =	ssyncset.done $0x0  }
0x3d: {  	s0 =	simm.s32 $0x300;
	[sflag:s10] =	ssyncadd.s32 $0xFFFFE000  }
0x3e: {  	[tilespmem:s18], [sflag:$0x3] =	stream.indirect.gather [hbm4b:s4+s14], $0x40, s0, s14, $0xb8;
	[tilespmem:$0x16C80] =	vst v63  }
0x3f: {  	_ =	swait.ge [sflag:s24], $0x2000  }
0x40: {  	[sflag:s24] =	ssyncset.done $0x0  }
0x41: {  	s0 =	simm.s32 $0x2980;
	[sflag:s24] =	ssyncadd.s32 $0xFFFFE000  }
0x42: {  	[spmem:s2] =	stream.indirect.scatter.add.f32 [tilespmem:s20], [sflag:$0x5], $0x40, s0, s14, $0xb8;
	[tilespmem:$0x16C80] =	vst v63  }
0x43: {  	_ =	swait.ge [sflag:s10], $0x2000  }
0x44: {  	[sflag:s10] =	ssyncset.done $0x0  }
0x45: {  	s31 =	simm.s32 $0x800;
	s1 =	simm.s32 $0x380;
	[sflag:s10] =	ssyncadd.s32 $0xFFFFE000  }
.LBB2_2:
0x46: {  	[tilespmem:s20], [sflag:$0x4] =	stream.indirect.gather [hbm4b:s4+s14], $0x40, s1, s14, $0xb8;
	[tilespmem:$0x16C80] =	vst v63  }
0x47: {  	s1 =	smov.u32 s31  }
0x48: {  	p0 =	sne.s32 s31, $0x9000;
	s31 =	sadd.s32 $0x800, s31;
	_ =	swait.ge [sflag:s21], $0x2000  }
0x49: {  	s1 =	sshra.s32 s1, $0x2;
	[sflag:s21] =	ssyncset.done $0x0  }
0x4a: {  	s0 =	sadd.s32 $0x2800, s1;
	[sflag:s21] =	ssyncadd.s32 $0xFFFFE000  }
0x4b: {  	[spmem:s2] =	stream.indirect.scatter.add.f32 [tilespmem:s15], [sflag:$0x5], $0x40, s0, s14, $0xb8;
	[tilespmem:$0x16C80] =	vst v63  }
0x4c: {  	_ =	swait.ge [sflag:s10], $0x2000  }
0x4d: {  	[sflag:s10] =	ssyncset.done $0x0  }
0x4e: {  	s0 =	sadd.s32 $0x200, s1;
	[sflag:s10] =	ssyncadd.s32 $0xFFFFE000  }
0x4f: {  	[tilespmem:s15], [sflag:$0x1] =	stream.indirect.gather [hbm4b:s4+s14], $0x40, s0, s14, $0xb8;
	[tilespmem:$0x16C80] =	vst v63  }
0x50: {  	_ =	swait.ge [sflag:s22], $0x2000  }
0x51: {  	[sflag:s22] =	ssyncset.done $0x0  }
0x52: {  	s0 =	sadd.s32 $0x2880, s1;
	[sflag:s22] =	ssyncadd.s32 $0xFFFFE000  }
0x53: {  	[spmem:s2] =	stream.indirect.scatter.add.f32 [tilespmem:s16], [sflag:$0x5], $0x40, s0, s14, $0xb8;
	[tilespmem:$0x16C80] =	vst v63  }
0x54: {  	_ =	swait.ge [sflag:s10], $0x2000  }
0x55: {  	[sflag:s10] =	ssyncset.done $0x0  }
0x56: {  	s0 =	sadd.s32 $0x280, s1;
	[sflag:s10] =	ssyncadd.s32 $0xFFFFE000  }
0x57: {  	[tilespmem:s16], [sflag:$0x2] =	stream.indirect.gather [hbm4b:s4+s14], $0x40, s0, s14, $0xb8;
	[tilespmem:$0x16C80] =	vst v63  }
0x58: {  	_ =	swait.ge [sflag:s23], $0x2000  }
0x59: {  	[sflag:s23] =	ssyncset.done $0x0  }
0x5a: {  	s0 =	sadd.s32 $0x2900, s1;
	[sflag:s23] =	ssyncadd.s32 $0xFFFFE000  }
0x5b: {  	[spmem:s2] =	stream.indirect.scatter.add.f32 [tilespmem:s18], [sflag:$0x5], $0x40, s0, s14, $0xb8;
	[tilespmem:$0x16C80] =	vst v63  }
0x5c: {  	_ =	swait.ge [sflag:s10], $0x2000  }
0x5d: {  	[sflag:s10] =	ssyncset.done $0x0  }
0x5e: {  	s0 =	sadd.s32 $0x300, s1;
	[sflag:s10] =	ssyncadd.s32 $0xFFFFE000  }
0x5f: {  	[tilespmem:s18], [sflag:$0x3] =	stream.indirect.gather [hbm4b:s4+s14], $0x40, s0, s14, $0xb8;
	[tilespmem:$0x16C80] =	vst v63  }
0x60: {  	_ =	swait.ge [sflag:s24], $0x2000  }
0x61: {  	[sflag:s24] =	ssyncset.done $0x0  }
.Ltmp0:
0x62: {  	s0 =	sadd.s32 $0x2980, s1;
	[sflag:s24] =	ssyncadd.s32 $0xFFFFE000;
	(pc) =	sbr.rel @p0 .LBB2_2-.Ltmp0, $4  }
0x63: {  	[spmem:s2] =	stream.indirect.scatter.add.f32 [tilespmem:s20], [sflag:$0x5], $0x40, s0, s14, $0xb8;
	[tilespmem:$0x16C80] =	vst v63  }
0x64: {  	_ =	swait.ge [sflag:s10], $0x2000  }
0x65: {  	[sflag:s10] =	ssyncset.done $0x0  }
0x66: {  	s1 =	sadd.s32 $0x380, s1;
	[sflag:s10] =	ssyncadd.s32 $0xFFFFE000  }
0x67: {  	[tilespmem:s20], [sflag:$0x4] =	stream.indirect.gather [hbm4b:s4+s14], $0x40, s1, s14, $0xb8;
	[tilespmem:$0x16C80] =	vst v63  }
0x68: {  	_ =	swait.ge [sflag:s21], $0x2000  }
0x69: {  	[sflag:s21] =	ssyncset.done $0x0  }
0x6a: {  	[sflag:s21] =	ssyncadd.s32 $0xFFFFE000  }
0x6b: {  	[spmem:s2] =	stream.indirect.scatter.add.f32 [tilespmem:s15], [sflag:$0x5], $0x40, s25, s14, $0xb8;
	[tilespmem:$0x16C80] =	vst v63  }
0x6c: {  	_ =	swait.ge [sflag:s10], $0x2000  }
0x6d: {  	[sflag:s10] =	ssyncset.done $0x0  }
0x6e: {  	[sflag:s10] =	ssyncadd.s32 $0xFFFFE000  }
0x6f: {  	_ =	swait.ge [sflag:s22], $0x2000  }
0x70: {  	[sflag:s22] =	ssyncset.done $0x0  }
0x71: {  	[sflag:s22] =	ssyncadd.s32 $0xFFFFE000  }
0x72: {  	[spmem:s2] =	stream.indirect.scatter.add.f32 [tilespmem:s16], [sflag:$0x5], $0x40, s26, s14, $0xb8;
	[tilespmem:$0x16C80] =	vst v63  }
0x73: {  	_ =	swait.ge [sflag:s10], $0x2000  }
0x74: {  	[sflag:s10] =	ssyncset.done $0x0  }
0x75: {  	[sflag:s10] =	ssyncadd.s32 $0xFFFFE000  }
0x76: {  	_ =	swait.ge [sflag:s23], $0x2000  }
0x77: {  	[sflag:s23] =	ssyncset.done $0x0  }
0x78: {  	[sflag:s23] =	ssyncadd.s32 $0xFFFFE000  }
0x79: {  	[spmem:s2] =	stream.indirect.scatter.add.f32 [tilespmem:s18], [sflag:$0x5], $0x40, s28, s14, $0xb8;
	[tilespmem:$0x16C80] =	vst v63  }
0x7a: {  	_ =	swait.ge [sflag:s10], $0x2000  }
0x7b: {  	[sflag:s10] =	ssyncset.done $0x0  }
0x7c: {  	[sflag:s10] =	ssyncadd.s32 $0xFFFFE000  }
0x7d: {  	_ =	swait.ge [sflag:s24], $0x2000  }
0x7e: {  	[sflag:s24] =	ssyncset.done $0x0  }
0x7f: {  	[sflag:s24] =	ssyncadd.s32 $0xFFFFE000  }
0x80: {  	[spmem:s2] =	stream.indirect.scatter.add.f32 [tilespmem:s20], [sflag:$0x5], $0x40, s29, s14, $0xb8;
	[tilespmem:$0x16C80] =	vst v63  }
0x81: {  	_ =	swait.ge [sflag:s10], $0x2000  }
0x82: {  	s30 =	sadd.s32 $0x1, s30;
	[sflag:s10] =	ssyncset.done $0x0  }
0x83: {  	p0 =	sne.s32 s30, s8;
	[sflag:s10] =	ssyncadd.s32 $0xFFFFE000  }
.Ltmp1:
0x84: {  	[bflag:$0x0] =	sbarrier.arrive $0xFFFF;
	(pc) =	sbr.rel @p0 .LBB2_1-.Ltmp1, $4  }
0x85: {  	[hbm:s7], [sflag:s12] =	dma.local [spmem:s13], $0x1390  }
0x86: {  	_ =	swait.ge [sflag:s10], $0x1390  }
0x87: {  	[sflag:s10] =	ssyncset.done $0x0  }
0x88: {  	[sflag:s10] =	ssyncadd.s32 $0xFFFFEC70  }
0x89: {  	_ =	sfence.sel $0x180000  }
0x8a: {  	[bflag:$0x0] =	sbarrier.arrive $0xFFFF  }
0x8b: {  	_ =	strace $0x9000004A  }
0x8c: {  	s0 =	stileid.u32;
	[bflag:$0x2] =	sbarrier.arrive $0xFFFF  }
0x8d: {  	p0 =	sne.s32 s0, $0x0;
	s0 =	rddreg [dreg:$0x2]  }
0x8e: {  	s0 =	sadd.s32 @!p0 $0x100000, s0  }
0x8f: {  	[sflag:s0] =	ssyncadd.tile.s32 @!p0 $0x1;
	_ =	shalt  }
.Lfunc_end2:
_tile_overlayer_lowered:
.L_overlay_start_2:
0x90: {  	(tag) =	ssettag $0x2  }
0x91: {  	s0 =	rddreg [dreg:$0x0];
	s2 =	stileid.u32  }
0x92: {  	s1 =	rddreg [dreg:$0x1];
	p0 =	sne.s32 s2, $0x0  }
0x93: {  	s3 =	rddreg [dreg:$0x2];
	[bflag:$0x3] =	sbarrier.arrive $0xFFFF;
	s2 =	simm.s32 @!p0 $0x1C05  }
0x94: {  	[timem:s3], [sflag:s2] =	dma.local @!p0 [hbm:s0], s1  }
0x95: {  	s0 =	simm.s32 @!p0 $0x5  }
0x96: {  	_ =	swait.ge @!p0 [sflag:s0], s1  }
0x97: {  	s1 =	ssub.s32 @!p0 $0x0, s1;
	[sflag:s0] =	ssyncset.done @!p0 $0x0  }
0x98: {  	[sflag:s0] =	ssyncadd.s32 @!p0 s1  }
0x99: {  	[bflag:$0x3] =	sbarrier.arrive $0xFFFF  }
0x9a: {  	_ =	shalt  }

// kernel: kernel.18.cloned.1.call-start
scs
__scs_entry_jumppad:
0x0: {  	(pc) =	sbr.rel $0x88, $3  }
0x1: {  	(tag) =	ssettag $0x0;
	lr =	simm.s32 $0x1  }
0x2: {  	[smem:$0x3F91] =	sst lr;
	_ =	strace $0xD0000000  }
0x3: {  	_ = 	snop  }
0x4: {  	_ = 	snop  }
0x5: {  	_ = 	snop  }
0x6: {  	_ = 	snop  }
0x7: {  	_ = 	snop  }
__scs_overlays_trampoline_lowered:
0x8: {  	[smem:$0x3FA0] =	sst s0  }
0x9: {  	[smem:$0x3FA1] =	sst s1  }
0xa: {  	[smem:$0x3FA2] =	sst s2  }
0xb: {  	[smem:$0x3FA3] =	sst s3  }
0xc: {  	[smem:$0x3FA4] =	sst s4  }
0xd: {  	[smem:$0x3FA5] =	sst s5  }
0xe: {  	[smem:$0x3FA6] =	sst s6  }
0xf: {  	[smem:$0x3FA7] =	sst s7  }
0x10: {  	[smem:$0x3FA8] =	sst s8  }
0x11: {  	[smem:$0x3FA9] =	sst s9;
	s0 =	simm.s32 @!p0 $0x0  }
0x12: {  	s1 =	sld [smem:$0x3F8F];
	s0 =	simm.s32 @p0 $0x1  }
0x13: {  	[smem:$0x3FAA] =	sst s0;
	s0 =	simm.s32 @!p1 $0x0  }
0x14: {  	s2 =	sld [smem:$0x3F8E];
	s0 =	simm.s32 @p1 $0x1  }
0x15: {  	[smem:$0x3FAB] =	sst s0;
	s0 =	simm.s32 @!p2 $0x0  }
0x16: {  	s3 =	sld [smem:$0x3FDB];
	s0 =	simm.s32 @p2 $0x1  }
0x17: {  	s4 =	simm.s32 $0x1BF5;
	[smem:$0x3FAD] =	sst s0  }
0x18: {  	s0 =	sld [smem:$0x3F90];
	_ =	swait.ge [sflag:s4], $0x0  }
0x19: {  	s7 =	sld [smem:$0x3F91]  }
0x1a: {  	s8 =	sadd.s32 $0xFFFFE003, lr  }
0x1b: {  	s9 =	sadd.s32 $0xFFFFFEF7, lr;
	s5 =	simm.s32 $0xFFFFFFFF;
	p2 =	slt.u32 s8, $0xFFFFF086  }
0x1c: {  	p1 =	slt.u32 s9, $0xF7A;
	s5 =	simm.s32 @!p2 $0x0  }
0x1d: {  	s5 =	simm.s32 @p1 $0x1;
	p0 =	seq.s32 s7, s2  }
0x1e: {  	s7 =	smul.u32 @!p0 $0xF7A, s2;
	p2 =	seq.s32 @!p0 s5, $0x0  }
0x1f: {  	s9 =	smul.u32 $0xF7A, s1;
	s8 =	simm.s32 @!p0 $0x1BF5;
	p2 =	por !p2, p0  }
0x20: {  	[sflag:s8] =	ssyncset.s32 @!p0 $0xFFFFF086;
	s6 =	sadd.s32 @!p0 s3, s7;
	s7 =	simm.s32 @!p0 $0x108  }
0x21: {  	s3 =	sadd.s32 s3, s9;
	s6 =	sadd.s32 @!p0 $0x88, s6;
	s7 =	simm.s32 @p2 $0x1082  }
0x22: {  	[simem:s7], [sflag:s8] =	dma.local @!p0 [hbm:s6], $0xF7A  }
0x23: {  	s9 =	sor.u32 $0xD0000000, s2;
	s6 =	simm.s32 $0x108;
	_ =	swait.ge @!p0 [sflag:s8], $0x0  }
0x24: {  	s3 =	sadd.s32 $0x88, s3;
	s6 =	simm.s32 @!p1 $0x1082;
	[sflag:s4] =	ssyncset.s32 $0xFFFFF086  }
0x25: {  	[simem:s6], [sflag:s4] =	dma.local [hbm:s3], $0xF7A  }
0x26: {  	[smem:$0x3F91] =	sst s1;
	(tag) =	ssettag s2;
	_ =	strace s9  }
0x27: {  	s1 =	sld [smem:$0x3FA1]  }
0x28: {  	s2 =	sld [smem:$0x3FA2]  }
0x29: {  	s4 =	sld [smem:$0x3FA4]  }
0x2a: {  	p0 =	seq.s32 s5, $0x0;
	s5 =	sld [smem:$0x3FA5]  }
0x2b: {  	s6 =	sld [smem:$0x3FA6]  }
0x2c: {  	s7 =	sld [smem:$0x3FA7]  }
0x2d: {  	s3 =	simm.s32 $0x108;
	s8 =	sld [smem:$0x3FA8]  }
0x2e: {  	s3 =	simm.s32 @!p0 $0x1082;
	s9 =	sld [smem:$0x3FA9]  }
0x2f: {  	lr =	sadd.s32 s0, s3;
	s0 =	sld [smem:$0x3FA0]  }
0x30: {  	s3 =	sld [smem:$0x3FA3]  }
0x31: {  	[smem:$0x3FAC] =	sst s10  }
0x32: {  	s10 =	sld [smem:$0x3FAA];
	_ =	sdelay $0x3  }
0x33: {  	p0 =	seq.s32 s10, $0x1;
	s10 =	sld [smem:$0x3FAC];
	_ =	sdelay $0x3  }
0x34: {  	[smem:$0x3FAC] =	sst s10  }
0x35: {  	s10 =	sld [smem:$0x3FAB];
	_ =	sdelay $0x3  }
0x36: {  	p1 =	seq.s32 s10, $0x1;
	s10 =	sld [smem:$0x3FAC];
	_ =	sdelay $0x3  }
0x37: {  	[smem:$0x3FAC] =	sst s10  }
0x38: {  	s10 =	sld [smem:$0x3FAD]  }
0x39: {  	_ = 	snop;
	(pc) =	sbr.ind lr, $3  }
0x3a: {  	_ = 	snop  }
0x3b: {  	_ = 	snop  }
0x3c: {  	p2 =	seq.s32 s10, $0x1;
	s10 =	sld [smem:$0x3FAC]  }
0x3d: {  	_ =	shalt  }
0x3e: {  	_ =	shalt  }
0x3f: {  	_ =	shalt  }
0x40: {  	_ =	shalt  }
0x41: {  	_ =	shalt  }
0x42: {  	_ =	shalt  }
0x43: {  	_ =	shalt  }
0x44: {  	_ =	shalt  }
0x45: {  	_ =	shalt  }
0x46: {  	_ =	shalt  }
0x47: {  	_ =	shalt  }
0x48: {  	_ =	shalt  }
0x49: {  	_ =	shalt  }
0x4a: {  	_ =	shalt  }
0x4b: {  	_ =	shalt  }
0x4c: {  	_ =	shalt  }
0x4d: {  	_ =	shalt  }
0x4e: {  	_ =	shalt  }
0x4f: {  	_ =	shalt  }
0x50: {  	_ =	shalt  }
0x51: {  	_ =	shalt  }
0x52: {  	_ =	shalt  }
0x53: {  	_ =	shalt  }
0x54: {  	_ =	shalt  }
0x55: {  	_ =	shalt  }
0x56: {  	_ =	shalt  }
0x57: {  	_ =	shalt  }
0x58: {  	_ =	shalt  }
0x59: {  	_ =	shalt  }
0x5a: {  	_ =	shalt  }
0x5b: {  	_ =	shalt  }
0x5c: {  	_ =	shalt  }
0x5d: {  	_ =	shalt  }
0x5e: {  	_ =	shalt  }
0x5f: {  	_ =	shalt  }
0x60: {  	_ =	shalt  }
0x61: {  	_ =	shalt  }
0x62: {  	_ =	shalt  }
0x63: {  	_ =	shalt  }
0x64: {  	_ =	shalt  }
0x65: {  	_ =	shalt  }
0x66: {  	_ =	shalt  }
0x67: {  	_ =	shalt  }
0x68: {  	_ =	shalt  }
0x69: {  	_ =	shalt  }
0x6a: {  	_ =	shalt  }
0x6b: {  	_ =	shalt  }
0x6c: {  	_ =	shalt  }
0x6d: {  	_ =	shalt  }
0x6e: {  	_ =	shalt  }
0x6f: {  	_ =	shalt  }
0x70: {  	_ =	shalt  }
0x71: {  	_ =	shalt  }
0x72: {  	_ =	shalt  }
0x73: {  	_ =	shalt  }
0x74: {  	_ =	shalt  }
0x75: {  	_ =	shalt  }
0x76: {  	_ =	shalt  }
0x77: {  	_ =	shalt  }
0x78: {  	_ =	shalt  }
0x79: {  	_ =	shalt  }
0x7a: {  	_ =	shalt  }
0x7b: {  	_ =	shalt  }
0x7c: {  	_ =	shalt  }
0x7d: {  	_ =	shalt  }
0x7e: {  	_ =	shalt  }
0x7f: {  	_ =	shalt  }
0x80: {  	_ =	shalt  }
0x81: {  	_ =	shalt  }
0x82: {  	_ =	shalt  }
0x83: {  	_ =	shalt  }
0x84: {  	_ =	shalt  }
0x85: {  	_ =	shalt  }
0x86: {  	_ =	shalt  }
0x87: {  	_ =	shalt  }
.Lfunc_end0:
.L_simem_size_0:
called_computation.2_lowered:
.L_overlay_start_0:
0x88: {  	s2 =	sld [smem:$0x3FD9]  }
0x89: {  	s3 =	sld [smem:$0x3FFE];
	_ =	sdelay $0x1  }
0x8a: {  	s1 =	srdreg.scid  }
0x8b: {  	s0 =	sand.u32 $0x1, s1  }
0x8c: {  	s16 =	sshll.u32 s0, $0xA;
	s2 =	sadd.s32 s3, s2  }
0x8d: {  	s2 =	sadd.s32 s2, s16  }
0x8e: {  	[smem:$0x3FB8] =	sst s2  }
0x8f: {  	_ = 	snop  }
0x90: {  	(tm) =	ssettm $0x1  }
0x91: {  	s17 =	sld [smem:$0x3FFB];
	_ =	sdelay $0x3  }
0x92: {  	_ =	strace s17  }
0x93: {  	s2 =	sld [smem:$0x3FFC];
	_ =	sdelay $0x3  }
0x94: {  	_ =	strace s2  }
0x95: {  	s2 =	sld [smem:$0x3FFD];
	_ =	sdelay $0x3  }
0x96: {  	_ =	strace s2  }
0x97: {  	_ =	strace $0x8FFFFFFF  }
0x98: {  	s18 =	sld [smem:$0x3FDB];
	_ =	sdelay $0x1  }
0x99: {  	s19 =	simm.s32 $_scs_section_size  }
0x9a: {  	s4 =	simm.s32 $_size__tile_overlayer_lowered;
	s5 =	simm.s32 $_tile_overlayer_lowered  }
0x9b: {  	s22 =	simm.s32 $0x1BFF;
	s21 =	sshll.u32 s5, $0x1;
	s2 =	sadd.s32 s19, s18  }
0x9c: {  	s6 =	simm.s32 $0x0;
	s20 =	sshll.u32 s4, $0x1;
	s4 =	sadd.s32 s21, s2  }
0x9d: {  	[timem:s6], [sflag:s22] =	dma.local [hbm:s4], s20  }
0x9e: {  	_ =	swait.ge [sflag:s22], s20  }
0x9f: {  	s3 =	ssub.s32 $0x0, s20;
	[sflag:s22] =	ssyncset.done $0x0  }
0xa0: {  	[sflag:s22] =	ssyncadd.s32 s3;
	_ =	sdelay $0x1  }
0xa1: {  	s23 =	simm.s32 $0x1B8B  }
0xa2: {  	_ =	swait.ge [sflag:s23], $0x1  }
0xa3: {  	[sflag:s23] =	ssyncset.done $0x0  }
0xa4: {  	s25 =	simm.s32 $0x1B8E;
	s24 =	sld [smem:$0x3FFE];
	[sflag:s23] =	ssyncadd.s32 $0xFFFFFFFF  }
0xa5: {  	s26 =	simm.s32 $execute0_lowered;
	[smem:$0x3FD2] =	sst s25  }
0xa6: {  	s4 =	sshll.u32 s26, $0x1;
	_ =	strace $0x8000004C;
	[dreg:$0x1] =	wrdreg $0xFFFFFFFF  }
0xa7: {  	s28 =	simm.s32 $_size_execute0_lowered;
	s2 =	sadd.s32 s2, s4;
	[dreg:$0x0] =	wrdreg $0x0  }
0xa8: {  	s4 =	sshll.u32 s28, $0x1;
	[dreg:$0x2] =	wrdreg s2  }
0xa9: {  	[dreg:$0x3] =	wrdreg s4  }
0xaa: {  	[dreg:$0x4] =	wrdreg $0xC0  }
0xab: {  	_ =	task [dreg:s6], $0x5FFFF  }
0xac: {  	[dreg:$0x1] =	wrdreg $0xFFFFFFFF  }
0xad: {  	[dreg:$0x0] =	wrdreg $0x60  }
0xae: {  	[dreg:$0x2] =	wrdreg s24  }
0xaf: {  	[dreg:$0x3] =	wrdreg $0xD0000  }
0xb0: {  	[dreg:$0x4] =	wrdreg $0x9  }
0xb1: {  	_ =	task.clear_ibuf [dreg:s6], $0x5FFFF;
	_ =	strace $0x9000004C  }
0xb2: {  	s29 =	simm.s32 $0x9;
	_ =	strace $0x8000004E  }
0xb3: {  	_ =	swait.ge [sflag:s29], $0x1  }
0xb4: {  	[sflag:s29] =	ssyncadd.s32 $0xFFFFFFFF  }
0xb5: {  	_ =	strace $0x9000004E  }
0xb6: {  	_ =	sfence  }
0xb7: {  	s30 =	sld [smem:$0x0];
	_ =	sdelay $0x2  }
0xb8: {  	s31 =	sshll.u32 s1, $0xD;
	s1 =	sshrl.u32 s1, $0x2  }
0xb9: {  	s3 =	sand.u32 $0x4000, s31;
	s1 =	sadd.s32 s1, s30  }
0xba: {  	s0 =	sor.u32 s3, s0;
	s1 =	sshll.u32 s1, $0x11  }
0xbb: {  	s0 =	sor.u32 s1, s0  }
0xbc: {  	s0 =	sadd.s32 $0x8F2B, s0  }
0xbd: {  	[sflag:s0] =	ssyncadd.remote.s32 $0x1  }
0xbe: {  	_ =	sfence.sel $0xFFFF  }
0xbf: {  	[dreg:$0x0] =	wrdreg $0xFFFFFFFF;
	(pc) =	sbr.abs _section_cstart, $3  }
0xc0: {  	[dreg:$0x1] =	wrdreg $0xFFFFFFFF  }
0xc1: {  	_ =	task.clear_ibuf [dreg:s6], $0x2FFFF;
	_ =	strace $0x9FFFFFFF  }
0xc2: {  	(tm) =	ssettm $0x7FFFFFFF  }
0xc3: {  	_ =	shalt  }
tec
execute0_lowered:
.L_overlay_start_1:
0x0: {  	(tag) =	ssettag $0x1  }
0x1: {  	s0 =	srdreg.scid;
	s25 =	stileid.u32  }
0x2: {  	s5 =	rddreg [dreg:$0x0];
	s14 =	simm.s32 $0x80;
	s15 =	simm.s32 $0x5000  }
0x3: {  	s16 =	simm.s32 $0x7000;
	s17 =	simm.s32 $0x100;
	s18 =	simm.s32 $0x9000  }
0x4: {  	s19 =	simm.s32 $0x180;
	s20 =	simm.s32 $0xB000;
	s21 =	simm.s32 $0x1  }
0x5: {  	s22 =	simm.s32 $0x2;
	s23 =	simm.s32 $0x3;
	s24 =	simm.s32 $0x4  }
0x6: {  	s28 =	simm.s32 $0x4F00;
	s29 =	simm.s32 $0x4F80;
	s30 =	simm.s32 $0x0  }
0x7: {  	s1 =	sand.u32 $0x1, s0;
	s7 =	smul.u32 $0x9C80, s25;
	s11 =	sadd.s32 $0x71200, s5  }
0x8: {  	s31 =	sshll.u32 s25, $0x6;
	s2 =	sshll.u32 s1, $0x4;
	s6 =	smul.u32 $0x9C800, s1  }
0x9: {  	s9 =	ssub.s32 $0x2, s1;
	p0 =	seq.s32 s1, $0x1;
	s3 =	sor.u32 s25, s2  }
0xa: {  	s2 =	rddreg [dreg:$0x1];
	s10 =	sshrl.u32 s9, $0x1;
	s26 =	sshrl.u32 s7, $0x3  }
0xb: {  	s25 =	simm.s32 $0x4E00;
	s4 =	smul.u32 $0x500, s3;
	s3 =	simm.s32 $0x0  }
0xc: {  	s6 =	sadd.s32 s7, s6;
	s9 =	ssub.s32 s9, s10;
	s13 =	sadd.s32 s7, s2  }
0xd: {  	s10 =	simm.s32 $0x5;
	[smem:$0x7FF] =	sst s3;
	s6 =	sshrl.u32 s6, $0x3  }
0xe: {  	s13 =	sshrl.u32 s13, $0x3;
	_ =	strace $0x8000004D;
	s8 =	sadd.s32 s4, s5  }
0xf: {  	s4 =	sadd.s32 $0x4200, s5;
	s12 =	sadd.s32 s6, s5;
	s5 =	sadd.s32 $0x1B000, s8  }
0x10: {  	s6 =	sadd.s32 $0x25000, s8;
	s1 =	smov.u32 s4;
	s7 =	sadd.s32 $0x84C00, s12  }
0x11: {  	s8 =	smax.u32 s9, $0x1;
	s12 =	sor.u32 $0x1C05, s31;
	s1 =	smov.u32 @p0 s11  }
0x12: {  	s11 =	simm.s32 $0x2800;
	s9 =	sadd.s32 s1, s26;
	s26 =	simm.s32 $0x4E80  }
.LBB2_1:
0x13: {  	[tilespmem:s3], [sflag:$0x5] =	stream.linear.gather [hbm4b:s5+s3], $0x2800, $0x38;
	[tilespmem:$0x16C80] =	vst v63  }
0x14: {  	_ =	swait.ge [sflag:s10], $0x2800  }
0x15: {  	[sflag:s10] =	ssyncset.done $0x0  }
0x16: {  	[sflag:s10] =	ssyncadd.s32 $0xFFFFD800  }
0x17: {  	[tilespmem:s11], [sflag:$0x5] =	stream.linear.gather [hbm4b:s6+s3], $0x2800, $0x38;
	[tilespmem:$0x16C80] =	vst v63  }
0x18: {  	_ =	swait.ge [sflag:s10], $0x2800  }
0x19: {  	[sflag:s10] =	ssyncset.done $0x0  }
0x1a: {  	[sflag:s10] =	ssyncadd.s32 $0xFFFFD800  }
0x1b: {  	[spmem:s13], [sflag:s12] =	dma.local [hbm:s9], $0x1390  }
0x1c: {  	_ =	swait.ge [sflag:s10], $0x1390  }
0x1d: {  	[sflag:s10] =	ssyncset.done $0x0  }
0x1e: {  	[sflag:s10] =	ssyncadd.s32 $0xFFFFEC70  }
0x1f: {  	[tilespmem:s15], [sflag:$0x1] =	stream.indirect.gather [hbm4b:s4+s14], $0x40, s3, s14, $0xb8;
	[tilespmem:$0x16C80] =	vst v63  }
0x20: {  	_ = 	snop  }
0x21: {  	[tilespmem:s16], [sflag:$0x2] =	stream.indirect.gather [hbm4b:s4+s14], $0x40, s14, s14, $0xb8;
	[tilespmem:$0x16C80] =	vst v63  }
0x22: {  	_ = 	snop  }
0x23: {  	[tilespmem:s18], [sflag:$0x3] =	stream.indirect.gather [hbm4b:s4+s14], $0x40, s17, s14, $0xb8;
	[tilespmem:$0x16C80] =	vst v63  }
0x24: {  	_ = 	snop  }
0x25: {  	[tilespmem:s20], [sflag:$0x4] =	stream.indirect.gather [hbm4b:s4+s14], $0x40, s19, s14, $0xb8;
	[tilespmem:$0x16C80] =	vst v63  }
0x26: {  	[bflag:$0x0] =	sbarrier.arrive $0xFFFF  }
0x27: {  	_ =	swait.ge [sflag:s21], $0x2000  }
0x28: {  	[sflag:s21] =	ssyncset.done $0x0  }
0x29: {  	s1 =	simm.s32 $0x2800;
	[sflag:s21] =	ssyncadd.s32 $0xFFFFE000  }
0x2a: {  	[spmem:s2] =	stream.indirect.scatter.add.f32 [tilespmem:s15], [sflag:$0x5], $0x40, s1, s14, $0xb8;
	[tilespmem:$0x16C80] =	vst v63  }
0x2b: {  	_ =	swait.ge [sflag:s10], $0x2000  }
0x2c: {  	[sflag:s10] =	ssyncset.done $0x0  }
0x2d: {  	s0 =	simm.s32 $0x200;
	[sflag:s10] =	ssyncadd.s32 $0xFFFFE000  }
0x2e: {  	[tilespmem:s15], [sflag:$0x1] =	stream.indirect.gather [hbm4b:s4+s14], $0x40, s0, s14, $0xb8;
	[tilespmem:$0x16C80] =	vst v63  }
0x2f: {  	_ =	swait.ge [sflag:s22], $0x2000  }
0x30: {  	[sflag:s22] =	ssyncset.done $0x0  }
0x31: {  	s0 =	simm.s32 $0x2880;
	[sflag:s22] =	ssyncadd.s32 $0xFFFFE000  }
0x32: {  	[spmem:s2] =	stream.indirect.scatter.add.f32 [tilespmem:s16], [sflag:$0x5], $0x40, s0, s14, $0xb8;
	[tilespmem:$0x16C80] =	vst v63  }
0x33: {  	_ =	swait.ge [sflag:s10], $0x2000  }
0x34: {  	[sflag:s10] =	ssyncset.done $0x0  }
0x35: {  	s0 =	simm.s32 $0x280;
	[sflag:s10] =	ssyncadd.s32 $0xFFFFE000  }
0x36: {  	[tilespmem:s16], [sflag:$0x2] =	stream.indirect.gather [hbm4b:s4+s14], $0x40, s0, s14, $0xb8;
	[tilespmem:$0x16C80] =	vst v63  }
0x37: {  	_ =	swait.ge [sflag:s23], $0x2000  }
0x38: {  	[sflag:s23] =	ssyncset.done $0x0  }
0x39: {  	s0 =	simm.s32 $0x2900;
	[sflag:s23] =	ssyncadd.s32 $0xFFFFE000  }
0x3a: {  	[spmem:s2] =	stream.indirect.scatter.add.f32 [tilespmem:s18], [sflag:$0x5], $0x40, s0, s14, $0xb8;
	[tilespmem:$0x16C80] =	vst v63  }
0x3b: {  	_ =	swait.ge [sflag:s10], $0x2000  }
0x3c: {  	[sflag:s10] =	ssyncset.done $0x0  }
0x3d: {  	s0 =	simm.s32 $0x300;
	[sflag:s10] =	ssyncadd.s32 $0xFFFFE000  }
0x3e: {  	[tilespmem:s18], [sflag:$0x3] =	stream.indirect.gather [hbm4b:s4+s14], $0x40, s0, s14, $0xb8;
	[tilespmem:$0x16C80] =	vst v63  }
0x3f: {  	_ =	swait.ge [sflag:s24], $0x2000  }
0x40: {  	[sflag:s24] =	ssyncset.done $0x0  }
0x41: {  	s0 =	simm.s32 $0x2980;
	[sflag:s24] =	ssyncadd.s32 $0xFFFFE000  }
0x42: {  	[spmem:s2] =	stream.indirect.scatter.add.f32 [tilespmem:s20], [sflag:$0x5], $0x40, s0, s14, $0xb8;
	[tilespmem:$0x16C80] =	vst v63  }
0x43: {  	_ =	swait.ge [sflag:s10], $0x2000  }
0x44: {  	[sflag:s10] =	ssyncset.done $0x0  }
0x45: {  	s31 =	simm.s32 $0x800;
	s1 =	simm.s32 $0x380;
	[sflag:s10] =	ssyncadd.s32 $0xFFFFE000  }
.LBB2_2:
0x46: {  	[tilespmem:s20], [sflag:$0x4] =	stream.indirect.gather [hbm4b:s4+s14], $0x40, s1, s14, $0xb8;
	[tilespmem:$0x16C80] =	vst v63  }
0x47: {  	s1 =	smov.u32 s31  }
0x48: {  	p0 =	sne.s32 s31, $0x9000;
	s31 =	sadd.s32 $0x800, s31;
	_ =	swait.ge [sflag:s21], $0x2000  }
0x49: {  	s1 =	sshra.s32 s1, $0x2;
	[sflag:s21] =	ssyncset.done $0x0  }
0x4a: {  	s0 =	sadd.s32 $0x2800, s1;
	[sflag:s21] =	ssyncadd.s32 $0xFFFFE000  }
0x4b: {  	[spmem:s2] =	stream.indirect.scatter.add.f32 [tilespmem:s15], [sflag:$0x5], $0x40, s0, s14, $0xb8;
	[tilespmem:$0x16C80] =	vst v63  }
0x4c: {  	_ =	swait.ge [sflag:s10], $0x2000  }
0x4d: {  	[sflag:s10] =	ssyncset.done $0x0  }
0x4e: {  	s0 =	sadd.s32 $0x200, s1;
	[sflag:s10] =	ssyncadd.s32 $0xFFFFE000  }
0x4f: {  	[tilespmem:s15], [sflag:$0x1] =	stream.indirect.gather [hbm4b:s4+s14], $0x40, s0, s14, $0xb8;
	[tilespmem:$0x16C80] =	vst v63  }
0x50: {  	_ =	swait.ge [sflag:s22], $0x2000  }
0x51: {  	[sflag:s22] =	ssyncset.done $0x0  }
0x52: {  	s0 =	sadd.s32 $0x2880, s1;
	[sflag:s22] =	ssyncadd.s32 $0xFFFFE000  }
0x53: {  	[spmem:s2] =	stream.indirect.scatter.add.f32 [tilespmem:s16], [sflag:$0x5], $0x40, s0, s14, $0xb8;
	[tilespmem:$0x16C80] =	vst v63  }
0x54: {  	_ =	swait.ge [sflag:s10], $0x2000  }
0x55: {  	[sflag:s10] =	ssyncset.done $0x0  }
0x56: {  	s0 =	sadd.s32 $0x280, s1;
	[sflag:s10] =	ssyncadd.s32 $0xFFFFE000  }
0x57: {  	[tilespmem:s16], [sflag:$0x2] =	stream.indirect.gather [hbm4b:s4+s14], $0x40, s0, s14, $0xb8;
	[tilespmem:$0x16C80] =	vst v63  }
0x58: {  	_ =	swait.ge [sflag:s23], $0x2000  }
0x59: {  	[sflag:s23] =	ssyncset.done $0x0  }
0x5a: {  	s0 =	sadd.s32 $0x2900, s1;
	[sflag:s23] =	ssyncadd.s32 $0xFFFFE000  }
0x5b: {  	[spmem:s2] =	stream.indirect.scatter.add.f32 [tilespmem:s18], [sflag:$0x5], $0x40, s0, s14, $0xb8;
	[tilespmem:$0x16C80] =	vst v63  }
0x5c: {  	_ =	swait.ge [sflag:s10], $0x2000  }
0x5d: {  	[sflag:s10] =	ssyncset.done $0x0  }
0x5e: {  	s0 =	sadd.s32 $0x300, s1;
	[sflag:s10] =	ssyncadd.s32 $0xFFFFE000  }
0x5f: {  	[tilespmem:s18], [sflag:$0x3] =	stream.indirect.gather [hbm4b:s4+s14], $0x40, s0, s14, $0xb8;
	[tilespmem:$0x16C80] =	vst v63  }
0x60: {  	_ =	swait.ge [sflag:s24], $0x2000  }
0x61: {  	[sflag:s24] =	ssyncset.done $0x0  }
.Ltmp0:
0x62: {  	s0 =	sadd.s32 $0x2980, s1;
	[sflag:s24] =	ssyncadd.s32 $0xFFFFE000;
	(pc) =	sbr.rel @p0 .LBB2_2-.Ltmp0, $4  }
0x63: {  	[spmem:s2] =	stream.indirect.scatter.add.f32 [tilespmem:s20], [sflag:$0x5], $0x40, s0, s14, $0xb8;
	[tilespmem:$0x16C80] =	vst v63  }
0x64: {  	_ =	swait.ge [sflag:s10], $0x2000  }
0x65: {  	[sflag:s10] =	ssyncset.done $0x0  }
0x66: {  	s1 =	sadd.s32 $0x380, s1;
	[sflag:s10] =	ssyncadd.s32 $0xFFFFE000  }
0x67: {  	[tilespmem:s20], [sflag:$0x4] =	stream.indirect.gather [hbm4b:s4+s14], $0x40, s1, s14, $0xb8;
	[tilespmem:$0x16C80] =	vst v63  }
0x68: {  	_ =	swait.ge [sflag:s21], $0x2000  }
0x69: {  	[sflag:s21] =	ssyncset.done $0x0  }
0x6a: {  	[sflag:s21] =	ssyncadd.s32 $0xFFFFE000  }
0x6b: {  	[spmem:s2] =	stream.indirect.scatter.add.f32 [tilespmem:s15], [sflag:$0x5], $0x40, s25, s14, $0xb8;
	[tilespmem:$0x16C80] =	vst v63  }
0x6c: {  	_ =	swait.ge [sflag:s10], $0x2000  }
0x6d: {  	[sflag:s10] =	ssyncset.done $0x0  }
0x6e: {  	[sflag:s10] =	ssyncadd.s32 $0xFFFFE000  }
0x6f: {  	_ =	swait.ge [sflag:s22], $0x2000  }
0x70: {  	[sflag:s22] =	ssyncset.done $0x0  }
0x71: {  	[sflag:s22] =	ssyncadd.s32 $0xFFFFE000  }
0x72: {  	[spmem:s2] =	stream.indirect.scatter.add.f32 [tilespmem:s16], [sflag:$0x5], $0x40, s26, s14, $0xb8;
	[tilespmem:$0x16C80] =	vst v63  }
0x73: {  	_ =	swait.ge [sflag:s10], $0x2000  }
0x74: {  	[sflag:s10] =	ssyncset.done $0x0  }
0x75: {  	[sflag:s10] =	ssyncadd.s32 $0xFFFFE000  }
0x76: {  	_ =	swait.ge [sflag:s23], $0x2000  }
0x77: {  	[sflag:s23] =	ssyncset.done $0x0  }
0x78: {  	[sflag:s23] =	ssyncadd.s32 $0xFFFFE000  }
0x79: {  	[spmem:s2] =	stream.indirect.scatter.add.f32 [tilespmem:s18], [sflag:$0x5], $0x40, s28, s14, $0xb8;
	[tilespmem:$0x16C80] =	vst v63  }
0x7a: {  	_ =	swait.ge [sflag:s10], $0x2000  }
0x7b: {  	[sflag:s10] =	ssyncset.done $0x0  }
0x7c: {  	[sflag:s10] =	ssyncadd.s32 $0xFFFFE000  }
0x7d: {  	_ =	swait.ge [sflag:s24], $0x2000  }
0x7e: {  	[sflag:s24] =	ssyncset.done $0x0  }
0x7f: {  	[sflag:s24] =	ssyncadd.s32 $0xFFFFE000  }
0x80: {  	[spmem:s2] =	stream.indirect.scatter.add.f32 [tilespmem:s20], [sflag:$0x5], $0x40, s29, s14, $0xb8;
	[tilespmem:$0x16C80] =	vst v63  }
0x81: {  	_ =	swait.ge [sflag:s10], $0x2000  }
0x82: {  	s30 =	sadd.s32 $0x1, s30;
	[sflag:s10] =	ssyncset.done $0x0  }
0x83: {  	p0 =	sne.s32 s30, s8;
	[sflag:s10] =	ssyncadd.s32 $0xFFFFE000  }
.Ltmp1:
0x84: {  	[bflag:$0x0] =	sbarrier.arrive $0xFFFF;
	(pc) =	sbr.rel @p0 .LBB2_1-.Ltmp1, $4  }
0x85: {  	[hbm:s7], [sflag:s12] =	dma.local [spmem:s13], $0x1390  }
0x86: {  	_ =	swait.ge [sflag:s10], $0x1390  }
0x87: {  	[sflag:s10] =	ssyncset.done $0x0  }
0x88: {  	[sflag:s10] =	ssyncadd.s32 $0xFFFFEC70  }
0x89: {  	_ =	sfence.sel $0x180000  }
0x8a: {  	[bflag:$0x0] =	sbarrier.arrive $0xFFFF  }
0x8b: {  	_ =	strace $0x9000004D  }
0x8c: {  	s0 =	stileid.u32;
	[bflag:$0x2] =	sbarrier.arrive $0xFFFF  }
0x8d: {  	p0 =	sne.s32 s0, $0x0;
	s0 =	rddreg [dreg:$0x2]  }
0x8e: {  	s0 =	sadd.s32 @!p0 $0x100000, s0  }
0x8f: {  	[sflag:s0] =	ssyncadd.tile.s32 @!p0 $0x1;
	_ =	shalt  }
.Lfunc_end2:
_tile_overlayer_lowered:
.L_overlay_start_2:
0x90: {  	(tag) =	ssettag $0x2  }
0x91: {  	s0 =	rddreg [dreg:$0x0];
	s2 =	stileid.u32  }
0x92: {  	s1 =	rddreg [dreg:$0x1];
	p0 =	sne.s32 s2, $0x0  }
0x93: {  	s3 =	rddreg [dreg:$0x2];
	[bflag:$0x3] =	sbarrier.arrive $0xFFFF;
	s2 =	simm.s32 @!p0 $0x1C05  }
0x94: {  	[timem:s3], [sflag:s2] =	dma.local @!p0 [hbm:s0], s1  }
0x95: {  	s0 =	simm.s32 @!p0 $0x5  }
0x96: {  	_ =	swait.ge @!p0 [sflag:s0], s1  }
0x97: {  	s1 =	ssub.s32 @!p0 $0x0, s1;
	[sflag:s0] =	ssyncset.done @!p0 $0x0  }
0x98: {  	[sflag:s0] =	ssyncadd.s32 @!p0 s1  }
0x99: {  	[bflag:$0x3] =	sbarrier.arrive $0xFFFF  }
0x9a: {  	_ =	shalt  }

// kernel: kernel.21.cloned.1.call-start
scs
__scs_entry_jumppad:
0x0: {  	(pc) =	sbr.rel $0x88, $3  }
0x1: {  	(tag) =	ssettag $0x0;
	lr =	simm.s32 $0x1  }
0x2: {  	[smem:$0x3F91] =	sst lr;
	_ =	strace $0xD0000000  }
0x3: {  	_ = 	snop  }
0x4: {  	_ = 	snop  }
0x5: {  	_ = 	snop  }
0x6: {  	_ = 	snop  }
0x7: {  	_ = 	snop  }
__scs_overlays_trampoline_lowered:
0x8: {  	[smem:$0x3FA0] =	sst s0  }
0x9: {  	[smem:$0x3FA1] =	sst s1  }
0xa: {  	[smem:$0x3FA2] =	sst s2  }
0xb: {  	[smem:$0x3FA3] =	sst s3  }
0xc: {  	[smem:$0x3FA4] =	sst s4  }
0xd: {  	[smem:$0x3FA5] =	sst s5  }
0xe: {  	[smem:$0x3FA6] =	sst s6  }
0xf: {  	[smem:$0x3FA7] =	sst s7  }
0x10: {  	[smem:$0x3FA8] =	sst s8  }
0x11: {  	[smem:$0x3FA9] =	sst s9;
	s0 =	simm.s32 @!p0 $0x0  }
0x12: {  	s1 =	sld [smem:$0x3F8F];
	s0 =	simm.s32 @p0 $0x1  }
0x13: {  	[smem:$0x3FAA] =	sst s0;
	s0 =	simm.s32 @!p1 $0x0  }
0x14: {  	s2 =	sld [smem:$0x3F8E];
	s0 =	simm.s32 @p1 $0x1  }
0x15: {  	[smem:$0x3FAB] =	sst s0;
	s0 =	simm.s32 @!p2 $0x0  }
0x16: {  	s3 =	sld [smem:$0x3FDB];
	s0 =	simm.s32 @p2 $0x1  }
0x17: {  	s4 =	simm.s32 $0x1BF5;
	[smem:$0x3FAD] =	sst s0  }
0x18: {  	s0 =	sld [smem:$0x3F90];
	_ =	swait.ge [sflag:s4], $0x0  }
0x19: {  	s7 =	sld [smem:$0x3F91]  }
0x1a: {  	s8 =	sadd.s32 $0xFFFFE003, lr  }
0x1b: {  	s9 =	sadd.s32 $0xFFFFFEF7, lr;
	s5 =	simm.s32 $0xFFFFFFFF;
	p2 =	slt.u32 s8, $0xFFFFF086  }
0x1c: {  	p1 =	slt.u32 s9, $0xF7A;
	s5 =	simm.s32 @!p2 $0x0  }
0x1d: {  	s5 =	simm.s32 @p1 $0x1;
	p0 =	seq.s32 s7, s2  }
0x1e: {  	s7 =	smul.u32 @!p0 $0xF7A, s2;
	p2 =	seq.s32 @!p0 s5, $0x0  }
0x1f: {  	s9 =	smul.u32 $0xF7A, s1;
	s8 =	simm.s32 @!p0 $0x1BF5;
	p2 =	por !p2, p0  }
0x20: {  	[sflag:s8] =	ssyncset.s32 @!p0 $0xFFFFF086;
	s6 =	sadd.s32 @!p0 s3, s7;
	s7 =	simm.s32 @!p0 $0x108  }
0x21: {  	s3 =	sadd.s32 s3, s9;
	s6 =	sadd.s32 @!p0 $0x88, s6;
	s7 =	simm.s32 @p2 $0x1082  }
0x22: {  	[simem:s7], [sflag:s8] =	dma.local @!p0 [hbm:s6], $0xF7A  }
0x23: {  	s9 =	sor.u32 $0xD0000000, s2;
	s6 =	simm.s32 $0x108;
	_ =	swait.ge @!p0 [sflag:s8], $0x0  }
0x24: {  	s3 =	sadd.s32 $0x88, s3;
	s6 =	simm.s32 @!p1 $0x1082;
	[sflag:s4] =	ssyncset.s32 $0xFFFFF086  }
0x25: {  	[simem:s6], [sflag:s4] =	dma.local [hbm:s3], $0xF7A  }
0x26: {  	[smem:$0x3F91] =	sst s1;
	(tag) =	ssettag s2;
	_ =	strace s9  }
0x27: {  	s1 =	sld [smem:$0x3FA1]  }
0x28: {  	s2 =	sld [smem:$0x3FA2]  }
0x29: {  	s4 =	sld [smem:$0x3FA4]  }
0x2a: {  	p0 =	seq.s32 s5, $0x0;
	s5 =	sld [smem:$0x3FA5]  }
0x2b: {  	s6 =	sld [smem:$0x3FA6]  }
0x2c: {  	s7 =	sld [smem:$0x3FA7]  }
0x2d: {  	s3 =	simm.s32 $0x108;
	s8 =	sld [smem:$0x3FA8]  }
0x2e: {  	s3 =	simm.s32 @!p0 $0x1082;
	s9 =	sld [smem:$0x3FA9]  }
0x2f: {  	lr =	sadd.s32 s0, s3;
	s0 =	sld [smem:$0x3FA0]  }
0x30: {  	s3 =	sld [smem:$0x3FA3]  }
0x31: {  	[smem:$0x3FAC] =	sst s10  }
0x32: {  	s10 =	sld [smem:$0x3FAA];
	_ =	sdelay $0x3  }
0x33: {  	p0 =	seq.s32 s10, $0x1;
	s10 =	sld [smem:$0x3FAC];
	_ =	sdelay $0x3  }
0x34: {  	[smem:$0x3FAC] =	sst s10  }
0x35: {  	s10 =	sld [smem:$0x3FAB];
	_ =	sdelay $0x3  }
0x36: {  	p1 =	seq.s32 s10, $0x1;
	s10 =	sld [smem:$0x3FAC];
	_ =	sdelay $0x3  }
0x37: {  	[smem:$0x3FAC] =	sst s10  }
0x38: {  	s10 =	sld [smem:$0x3FAD]  }
0x39: {  	_ = 	snop;
	(pc) =	sbr.ind lr, $3  }
0x3a: {  	_ = 	snop  }
0x3b: {  	_ = 	snop  }
0x3c: {  	p2 =	seq.s32 s10, $0x1;
	s10 =	sld [smem:$0x3FAC]  }
0x3d: {  	_ =	shalt  }
0x3e: {  	_ =	shalt  }
0x3f: {  	_ =	shalt  }
0x40: {  	_ =	shalt  }
0x41: {  	_ =	shalt  }
0x42: {  	_ =	shalt  }
0x43: {  	_ =	shalt  }
0x44: {  	_ =	shalt  }
0x45: {  	_ =	shalt  }
0x46: {  	_ =	shalt  }
0x47: {  	_ =	shalt  }
0x48: {  	_ =	shalt  }
0x49: {  	_ =	shalt  }
0x4a: {  	_ =	shalt  }
0x4b: {  	_ =	shalt  }
0x4c: {  	_ =	shalt  }
0x4d: {  	_ =	shalt  }
0x4e: {  	_ =	shalt  }
0x4f: {  	_ =	shalt  }
0x50: {  	_ =	shalt  }
0x51: {  	_ =	shalt  }
0x52: {  	_ =	shalt  }
0x53: {  	_ =	shalt  }
0x54: {  	_ =	shalt  }
0x55: {  	_ =	shalt  }
0x56: {  	_ =	shalt  }
0x57: {  	_ =	shalt  }
0x58: {  	_ =	shalt  }
0x59: {  	_ =	shalt  }
0x5a: {  	_ =	shalt  }
0x5b: {  	_ =	shalt  }
0x5c: {  	_ =	shalt  }
0x5d: {  	_ =	shalt  }
0x5e: {  	_ =	shalt  }
0x5f: {  	_ =	shalt  }
0x60: {  	_ =	shalt  }
0x61: {  	_ =	shalt  }
0x62: {  	_ =	shalt  }
0x63: {  	_ =	shalt  }
0x64: {  	_ =	shalt  }
0x65: {  	_ =	shalt  }
0x66: {  	_ =	shalt  }
0x67: {  	_ =	shalt  }
0x68: {  	_ =	shalt  }
0x69: {  	_ =	shalt  }
0x6a: {  	_ =	shalt  }
0x6b: {  	_ =	shalt  }
0x6c: {  	_ =	shalt  }
0x6d: {  	_ =	shalt  }
0x6e: {  	_ =	shalt  }
0x6f: {  	_ =	shalt  }
0x70: {  	_ =	shalt  }
0x71: {  	_ =	shalt  }
0x72: {  	_ =	shalt  }
0x73: {  	_ =	shalt  }
0x74: {  	_ =	shalt  }
0x75: {  	_ =	shalt  }
0x76: {  	_ =	shalt  }
0x77: {  	_ =	shalt  }
0x78: {  	_ =	shalt  }
0x79: {  	_ =	shalt  }
0x7a: {  	_ =	shalt  }
0x7b: {  	_ =	shalt  }
0x7c: {  	_ =	shalt  }
0x7d: {  	_ =	shalt  }
0x7e: {  	_ =	shalt  }
0x7f: {  	_ =	shalt  }
0x80: {  	_ =	shalt  }
0x81: {  	_ =	shalt  }
0x82: {  	_ =	shalt  }
0x83: {  	_ =	shalt  }
0x84: {  	_ =	shalt  }
0x85: {  	_ =	shalt  }
0x86: {  	_ =	shalt  }
0x87: {  	_ =	shalt  }
.Lfunc_end0:
.L_simem_size_0:
called_computation.3_lowered:
.L_overlay_start_0:
0x88: {  	s2 =	sld [smem:$0x3FD9]  }
0x89: {  	s3 =	sld [smem:$0x3FFE];
	_ =	sdelay $0x1  }
0x8a: {  	s1 =	srdreg.scid  }
0x8b: {  	s0 =	sand.u32 $0x1, s1  }
0x8c: {  	s16 =	sshll.u32 s0, $0xA;
	s2 =	sadd.s32 s3, s2  }
0x8d: {  	s2 =	sadd.s32 s2, s16  }
0x8e: {  	[smem:$0x3FB8] =	sst s2  }
0x8f: {  	_ = 	snop  }
0x90: {  	(tm) =	ssettm $0x1  }
0x91: {  	s17 =	sld [smem:$0x3FFB];
	_ =	sdelay $0x3  }
0x92: {  	_ =	strace s17  }
0x93: {  	s2 =	sld [smem:$0x3FFC];
	_ =	sdelay $0x3  }
0x94: {  	_ =	strace s2  }
0x95: {  	s2 =	sld [smem:$0x3FFD];
	_ =	sdelay $0x3  }
0x96: {  	_ =	strace s2  }
0x97: {  	_ =	strace $0x8FFFFFFF  }
0x98: {  	s18 =	sld [smem:$0x3FDB];
	_ =	sdelay $0x1  }
0x99: {  	s19 =	simm.s32 $_scs_section_size  }
0x9a: {  	s4 =	simm.s32 $_size__tile_overlayer_lowered;
	s5 =	simm.s32 $_tile_overlayer_lowered  }
0x9b: {  	s22 =	simm.s32 $0x1BFF;
	s21 =	sshll.u32 s5, $0x1;
	s2 =	sadd.s32 s19, s18  }
0x9c: {  	s6 =	simm.s32 $0x0;
	s20 =	sshll.u32 s4, $0x1;
	s4 =	sadd.s32 s21, s2  }
0x9d: {  	[timem:s6], [sflag:s22] =	dma.local [hbm:s4], s20  }
0x9e: {  	_ =	swait.ge [sflag:s22], s20  }
0x9f: {  	s3 =	ssub.s32 $0x0, s20;
	[sflag:s22] =	ssyncset.done $0x0  }
0xa0: {  	[sflag:s22] =	ssyncadd.s32 s3;
	_ =	sdelay $0x1  }
0xa1: {  	s23 =	simm.s32 $0x1B8B  }
0xa2: {  	_ =	swait.ge [sflag:s23], $0x1  }
0xa3: {  	[sflag:s23] =	ssyncset.done $0x0  }
0xa4: {  	s25 =	simm.s32 $0x1B8E;
	s24 =	sld [smem:$0x3FFE];
	[sflag:s23] =	ssyncadd.s32 $0xFFFFFFFF  }
0xa5: {  	s26 =	simm.s32 $execute0_lowered;
	[smem:$0x3FD2] =	sst s25  }
0xa6: {  	s4 =	sshll.u32 s26, $0x1;
	_ =	strace $0x8000004F;
	[dreg:$0x1] =	wrdreg $0xFFFFFFFF  }
0xa7: {  	s28 =	simm.s32 $_size_execute0_lowered;
	s2 =	sadd.s32 s2, s4;
	[dreg:$0x0] =	wrdreg $0x0  }
0xa8: {  	s4 =	sshll.u32 s28, $0x1;
	[dreg:$0x2] =	wrdreg s2  }
0xa9: {  	[dreg:$0x3] =	wrdreg s4  }
0xaa: {  	[dreg:$0x4] =	wrdreg $0xC0  }
0xab: {  	_ =	task [dreg:s6], $0x5FFFF  }
0xac: {  	[dreg:$0x1] =	wrdreg $0xFFFFFFFF  }
0xad: {  	[dreg:$0x0] =	wrdreg $0x60  }
0xae: {  	[dreg:$0x2] =	wrdreg s24  }
0xaf: {  	[dreg:$0x3] =	wrdreg $0xD0000  }
0xb0: {  	[dreg:$0x4] =	wrdreg $0x9  }
0xb1: {  	_ =	task.clear_ibuf [dreg:s6], $0x5FFFF;
	_ =	strace $0x9000004F  }
0xb2: {  	s29 =	simm.s32 $0x9;
	_ =	strace $0x80000051  }
0xb3: {  	_ =	swait.ge [sflag:s29], $0x1  }
0xb4: {  	[sflag:s29] =	ssyncadd.s32 $0xFFFFFFFF  }
0xb5: {  	_ =	strace $0x90000051  }
0xb6: {  	_ =	sfence  }
0xb7: {  	s30 =	sld [smem:$0x0];
	_ =	sdelay $0x2  }
0xb8: {  	s31 =	sshll.u32 s1, $0xD;
	s1 =	sshrl.u32 s1, $0x2  }
0xb9: {  	s3 =	sand.u32 $0x4000, s31;
	s1 =	sadd.s32 s1, s30  }
0xba: {  	s0 =	sor.u32 s3, s0;
	s1 =	sshll.u32 s1, $0x11  }
0xbb: {  	s0 =	sor.u32 s1, s0  }
0xbc: {  	s0 =	sadd.s32 $0x8F2B, s0  }
0xbd: {  	[sflag:s0] =	ssyncadd.remote.s32 $0x1  }
0xbe: {  	_ =	sfence.sel $0xFFFF  }
0xbf: {  	[dreg:$0x0] =	wrdreg $0xFFFFFFFF;
	(pc) =	sbr.abs _section_cstart, $3  }
0xc0: {  	[dreg:$0x1] =	wrdreg $0xFFFFFFFF  }
0xc1: {  	_ =	task.clear_ibuf [dreg:s6], $0x2FFFF;
	_ =	strace $0x9FFFFFFF  }
0xc2: {  	(tm) =	ssettm $0x7FFFFFFF  }
0xc3: {  	_ =	shalt  }
tec
execute0_lowered:
.L_overlay_start_1:
0x0: {  	(tag) =	ssettag $0x1  }
0x1: {  	s0 =	srdreg.scid;
	s25 =	stileid.u32  }
0x2: {  	s5 =	rddreg [dreg:$0x0];
	s14 =	simm.s32 $0x80;
	s15 =	simm.s32 $0x5000  }
0x3: {  	s16 =	simm.s32 $0x7000;
	s17 =	simm.s32 $0x100;
	s18 =	simm.s32 $0x9000  }
0x4: {  	s19 =	simm.s32 $0x180;
	s20 =	simm.s32 $0xB000;
	s21 =	simm.s32 $0x1  }
0x5: {  	s22 =	simm.s32 $0x2;
	s23 =	simm.s32 $0x3;
	s24 =	simm.s32 $0x4  }
0x6: {  	s28 =	simm.s32 $0x4F00;
	s29 =	simm.s32 $0x4F80;
	s30 =	simm.s32 $0x0  }
0x7: {  	s1 =	sand.u32 $0x1, s0;
	s7 =	smul.u32 $0x9C80, s25;
	s11 =	sadd.s32 $0x71200, s5  }
0x8: {  	s31 =	sshll.u32 s25, $0x6;
	s2 =	sshll.u32 s1, $0x4;
	s6 =	smul.u32 $0x9C800, s1  }
0x9: {  	s9 =	ssub.s32 $0x2, s1;
	p0 =	seq.s32 s1, $0x1;
	s3 =	sor.u32 s25, s2  }
0xa: {  	s2 =	rddreg [dreg:$0x1];
	s10 =	sshrl.u32 s9, $0x1;
	s26 =	sshrl.u32 s7, $0x3  }
0xb: {  	s25 =	simm.s32 $0x4E00;
	s4 =	smul.u32 $0x500, s3;
	s3 =	simm.s32 $0x0  }
0xc: {  	s6 =	sadd.s32 s7, s6;
	s9 =	ssub.s32 s9, s10;
	s13 =	sadd.s32 s7, s2  }
0xd: {  	s10 =	simm.s32 $0x5;
	[smem:$0x7FF] =	sst s3;
	s6 =	sshrl.u32 s6, $0x3  }
0xe: {  	s13 =	sshrl.u32 s13, $0x3;
	_ =	strace $0x80000050;
	s8 =	sadd.s32 s4, s5  }
0xf: {  	s4 =	sadd.s32 $0x4200, s5;
	s12 =	sadd.s32 s6, s5;
	s5 =	sadd.s32 $0x1B000, s8  }
0x10: {  	s6 =	sadd.s32 $0x25000, s8;
	s1 =	smov.u32 s4;
	s7 =	sadd.s32 $0x84C00, s12  }
0x11: {  	s8 =	smax.u32 s9, $0x1;
	s12 =	sor.u32 $0x1C05, s31;
	s1 =	smov.u32 @p0 s11  }
0x12: {  	s11 =	simm.s32 $0x2800;
	s9 =	sadd.s32 s1, s26;
	s26 =	simm.s32 $0x4E80  }
.LBB2_1:
0x13: {  	[tilespmem:s3], [sflag:$0x5] =	stream.linear.gather [hbm4b:s5+s3], $0x2800, $0x38;
	[tilespmem:$0x16C80] =	vst v63  }
0x14: {  	_ =	swait.ge [sflag:s10], $0x2800  }
0x15: {  	[sflag:s10] =	ssyncset.done $0x0  }
0x16: {  	[sflag:s10] =	ssyncadd.s32 $0xFFFFD800  }
0x17: {  	[tilespmem:s11], [sflag:$0x5] =	stream.linear.gather [hbm4b:s6+s3], $0x2800, $0x38;
	[tilespmem:$0x16C80] =	vst v63  }
0x18: {  	_ =	swait.ge [sflag:s10], $0x2800  }
0x19: {  	[sflag:s10] =	ssyncset.done $0x0  }
0x1a: {  	[sflag:s10] =	ssyncadd.s32 $0xFFFFD800  }
0x1b: {  	[spmem:s13], [sflag:s12] =	dma.local [hbm:s9], $0x1390  }
0x1c: {  	_ =	swait.ge [sflag:s10], $0x1390  }
0x1d: {  	[sflag:s10] =	ssyncset.done $0x0  }
0x1e: {  	[sflag:s10] =	ssyncadd.s32 $0xFFFFEC70  }
0x1f: {  	[tilespmem:s15], [sflag:$0x1] =	stream.indirect.gather [hbm4b:s4+s14], $0x40, s3, s14, $0xb8;
	[tilespmem:$0x16C80] =	vst v63  }
0x20: {  	_ = 	snop  }
0x21: {  	[tilespmem:s16], [sflag:$0x2] =	stream.indirect.gather [hbm4b:s4+s14], $0x40, s14, s14, $0xb8;
	[tilespmem:$0x16C80] =	vst v63  }
0x22: {  	_ = 	snop  }
0x23: {  	[tilespmem:s18], [sflag:$0x3] =	stream.indirect.gather [hbm4b:s4+s14], $0x40, s17, s14, $0xb8;
	[tilespmem:$0x16C80] =	vst v63  }
0x24: {  	_ = 	snop  }
0x25: {  	[tilespmem:s20], [sflag:$0x4] =	stream.indirect.gather [hbm4b:s4+s14], $0x40, s19, s14, $0xb8;
	[tilespmem:$0x16C80] =	vst v63  }
0x26: {  	[bflag:$0x0] =	sbarrier.arrive $0xFFFF  }
0x27: {  	_ =	swait.ge [sflag:s21], $0x2000  }
0x28: {  	[sflag:s21] =	ssyncset.done $0x0  }
0x29: {  	s1 =	simm.s32 $0x2800;
	[sflag:s21] =	ssyncadd.s32 $0xFFFFE000  }
0x2a: {  	[spmem:s2] =	stream.indirect.scatter.add.f32 [tilespmem:s15], [sflag:$0x5], $0x40, s1, s14, $0xb8;
	[tilespmem:$0x16C80] =	vst v63  }
0x2b: {  	_ =	swait.ge [sflag:s10], $0x2000  }
0x2c: {  	[sflag:s10] =	ssyncset.done $0x0  }
0x2d: {  	s0 =	simm.s32 $0x200;
	[sflag:s10] =	ssyncadd.s32 $0xFFFFE000  }
0x2e: {  	[tilespmem:s15], [sflag:$0x1] =	stream.indirect.gather [hbm4b:s4+s14], $0x40, s0, s14, $0xb8;
	[tilespmem:$0x16C80] =	vst v63  }
0x2f: {  	_ =	swait.ge [sflag:s22], $0x2000  }
0x30: {  	[sflag:s22] =	ssyncset.done $0x0  }
0x31: {  	s0 =	simm.s32 $0x2880;
	[sflag:s22] =	ssyncadd.s32 $0xFFFFE000  }
0x32: {  	[spmem:s2] =	stream.indirect.scatter.add.f32 [tilespmem:s16], [sflag:$0x5], $0x40, s0, s14, $0xb8;
	[tilespmem:$0x16C80] =	vst v63  }
0x33: {  	_ =	swait.ge [sflag:s10], $0x2000  }
0x34: {  	[sflag:s10] =	ssyncset.done $0x0  }
0x35: {  	s0 =	simm.s32 $0x280;
	[sflag:s10] =	ssyncadd.s32 $0xFFFFE000  }
0x36: {  	[tilespmem:s16], [sflag:$0x2] =	stream.indirect.gather [hbm4b:s4+s14], $0x40, s0, s14, $0xb8;
	[tilespmem:$0x16C80] =	vst v63  }
0x37: {  	_ =	swait.ge [sflag:s23], $0x2000  }
0x38: {  	[sflag:s23] =	ssyncset.done $0x0  }
0x39: {  	s0 =	simm.s32 $0x2900;
	[sflag:s23] =	ssyncadd.s32 $0xFFFFE000  }
0x3a: {  	[spmem:s2] =	stream.indirect.scatter.add.f32 [tilespmem:s18], [sflag:$0x5], $0x40, s0, s14, $0xb8;
	[tilespmem:$0x16C80] =	vst v63  }
0x3b: {  	_ =	swait.ge [sflag:s10], $0x2000  }
0x3c: {  	[sflag:s10] =	ssyncset.done $0x0  }
0x3d: {  	s0 =	simm.s32 $0x300;
	[sflag:s10] =	ssyncadd.s32 $0xFFFFE000  }
0x3e: {  	[tilespmem:s18], [sflag:$0x3] =	stream.indirect.gather [hbm4b:s4+s14], $0x40, s0, s14, $0xb8;
	[tilespmem:$0x16C80] =	vst v63  }
0x3f: {  	_ =	swait.ge [sflag:s24], $0x2000  }
0x40: {  	[sflag:s24] =	ssyncset.done $0x0  }
0x41: {  	s0 =	simm.s32 $0x2980;
	[sflag:s24] =	ssyncadd.s32 $0xFFFFE000  }
0x42: {  	[spmem:s2] =	stream.indirect.scatter.add.f32 [tilespmem:s20], [sflag:$0x5], $0x40, s0, s14, $0xb8;
	[tilespmem:$0x16C80] =	vst v63  }
0x43: {  	_ =	swait.ge [sflag:s10], $0x2000  }
0x44: {  	[sflag:s10] =	ssyncset.done $0x0  }
0x45: {  	s31 =	simm.s32 $0x800;
	s1 =	simm.s32 $0x380;
	[sflag:s10] =	ssyncadd.s32 $0xFFFFE000  }
.LBB2_2:
0x46: {  	[tilespmem:s20], [sflag:$0x4] =	stream.indirect.gather [hbm4b:s4+s14], $0x40, s1, s14, $0xb8;
	[tilespmem:$0x16C80] =	vst v63  }
0x47: {  	s1 =	smov.u32 s31  }
0x48: {  	p0 =	sne.s32 s31, $0x9000;
	s31 =	sadd.s32 $0x800, s31;
	_ =	swait.ge [sflag:s21], $0x2000  }
0x49: {  	s1 =	sshra.s32 s1, $0x2;
	[sflag:s21] =	ssyncset.done $0x0  }
0x4a: {  	s0 =	sadd.s32 $0x2800, s1;
	[sflag:s21] =	ssyncadd.s32 $0xFFFFE000  }
0x4b: {  	[spmem:s2] =	stream.indirect.scatter.add.f32 [tilespmem:s15], [sflag:$0x5], $0x40, s0, s14, $0xb8;
	[tilespmem:$0x16C80] =	vst v63  }
0x4c: {  	_ =	swait.ge [sflag:s10], $0x2000  }
0x4d: {  	[sflag:s10] =	ssyncset.done $0x0  }
0x4e: {  	s0 =	sadd.s32 $0x200, s1;
	[sflag:s10] =	ssyncadd.s32 $0xFFFFE000  }
0x4f: {  	[tilespmem:s15], [sflag:$0x1] =	stream.indirect.gather [hbm4b:s4+s14], $0x40, s0, s14, $0xb8;
	[tilespmem:$0x16C80] =	vst v63  }
0x50: {  	_ =	swait.ge [sflag:s22], $0x2000  }
0x51: {  	[sflag:s22] =	ssyncset.done $0x0  }
0x52: {  	s0 =	sadd.s32 $0x2880, s1;
	[sflag:s22] =	ssyncadd.s32 $0xFFFFE000  }
0x53: {  	[spmem:s2] =	stream.indirect.scatter.add.f32 [tilespmem:s16], [sflag:$0x5], $0x40, s0, s14, $0xb8;
	[tilespmem:$0x16C80] =	vst v63  }
0x54: {  	_ =	swait.ge [sflag:s10], $0x2000  }
0x55: {  	[sflag:s10] =	ssyncset.done $0x0  }
0x56: {  	s0 =	sadd.s32 $0x280, s1;
	[sflag:s10] =	ssyncadd.s32 $0xFFFFE000  }
0x57: {  	[tilespmem:s16], [sflag:$0x2] =	stream.indirect.gather [hbm4b:s4+s14], $0x40, s0, s14, $0xb8;
	[tilespmem:$0x16C80] =	vst v63  }
0x58: {  	_ =	swait.ge [sflag:s23], $0x2000  }
0x59: {  	[sflag:s23] =	ssyncset.done $0x0  }
0x5a: {  	s0 =	sadd.s32 $0x2900, s1;
	[sflag:s23] =	ssyncadd.s32 $0xFFFFE000  }
0x5b: {  	[spmem:s2] =	stream.indirect.scatter.add.f32 [tilespmem:s18], [sflag:$0x5], $0x40, s0, s14, $0xb8;
	[tilespmem:$0x16C80] =	vst v63  }
0x5c: {  	_ =	swait.ge [sflag:s10], $0x2000  }
0x5d: {  	[sflag:s10] =	ssyncset.done $0x0  }
0x5e: {  	s0 =	sadd.s32 $0x300, s1;
	[sflag:s10] =	ssyncadd.s32 $0xFFFFE000  }
0x5f: {  	[tilespmem:s18], [sflag:$0x3] =	stream.indirect.gather [hbm4b:s4+s14], $0x40, s0, s14, $0xb8;
	[tilespmem:$0x16C80] =	vst v63  }
0x60: {  	_ =	swait.ge [sflag:s24], $0x2000  }
0x61: {  	[sflag:s24] =	ssyncset.done $0x0  }
.Ltmp0:
0x62: {  	s0 =	sadd.s32 $0x2980, s1;
	[sflag:s24] =	ssyncadd.s32 $0xFFFFE000;
	(pc) =	sbr.rel @p0 .LBB2_2-.Ltmp0, $4  }
0x63: {  	[spmem:s2] =	stream.indirect.scatter.add.f32 [tilespmem:s20], [sflag:$0x5], $0x40, s0, s14, $0xb8;
	[tilespmem:$0x16C80] =	vst v63  }
0x64: {  	_ =	swait.ge [sflag:s10], $0x2000  }
0x65: {  	[sflag:s10] =	ssyncset.done $0x0  }
0x66: {  	s1 =	sadd.s32 $0x380, s1;
	[sflag:s10] =	ssyncadd.s32 $0xFFFFE000  }
0x67: {  	[tilespmem:s20], [sflag:$0x4] =	stream.indirect.gather [hbm4b:s4+s14], $0x40, s1, s14, $0xb8;
	[tilespmem:$0x16C80] =	vst v63  }
0x68: {  	_ =	swait.ge [sflag:s21], $0x2000  }
0x69: {  	[sflag:s21] =	ssyncset.done $0x0  }
0x6a: {  	[sflag:s21] =	ssyncadd.s32 $0xFFFFE000  }
0x6b: {  	[spmem:s2] =	stream.indirect.scatter.add.f32 [tilespmem:s15], [sflag:$0x5], $0x40, s25, s14, $0xb8;
	[tilespmem:$0x16C80] =	vst v63  }
0x6c: {  	_ =	swait.ge [sflag:s10], $0x2000  }
0x6d: {  	[sflag:s10] =	ssyncset.done $0x0  }
0x6e: {  	[sflag:s10] =	ssyncadd.s32 $0xFFFFE000  }
0x6f: {  	_ =	swait.ge [sflag:s22], $0x2000  }
0x70: {  	[sflag:s22] =	ssyncset.done $0x0  }
0x71: {  	[sflag:s22] =	ssyncadd.s32 $0xFFFFE000  }
0x72: {  	[spmem:s2] =	stream.indirect.scatter.add.f32 [tilespmem:s16], [sflag:$0x5], $0x40, s26, s14, $0xb8;
	[tilespmem:$0x16C80] =	vst v63  }
0x73: {  	_ =	swait.ge [sflag:s10], $0x2000  }
0x74: {  	[sflag:s10] =	ssyncset.done $0x0  }
0x75: {  	[sflag:s10] =	ssyncadd.s32 $0xFFFFE000  }
0x76: {  	_ =	swait.ge [sflag:s23], $0x2000  }
0x77: {  	[sflag:s23] =	ssyncset.done $0x0  }
0x78: {  	[sflag:s23] =	ssyncadd.s32 $0xFFFFE000  }
0x79: {  	[spmem:s2] =	stream.indirect.scatter.add.f32 [tilespmem:s18], [sflag:$0x5], $0x40, s28, s14, $0xb8;
	[tilespmem:$0x16C80] =	vst v63  }
0x7a: {  	_ =	swait.ge [sflag:s10], $0x2000  }
0x7b: {  	[sflag:s10] =	ssyncset.done $0x0  }
0x7c: {  	[sflag:s10] =	ssyncadd.s32 $0xFFFFE000  }
0x7d: {  	_ =	swait.ge [sflag:s24], $0x2000  }
0x7e: {  	[sflag:s24] =	ssyncset.done $0x0  }
0x7f: {  	[sflag:s24] =	ssyncadd.s32 $0xFFFFE000  }
0x80: {  	[spmem:s2] =	stream.indirect.scatter.add.f32 [tilespmem:s20], [sflag:$0x5], $0x40, s29, s14, $0xb8;
	[tilespmem:$0x16C80] =	vst v63  }
0x81: {  	_ =	swait.ge [sflag:s10], $0x2000  }
0x82: {  	s30 =	sadd.s32 $0x1, s30;
	[sflag:s10] =	ssyncset.done $0x0  }
0x83: {  	p0 =	sne.s32 s30, s8;
	[sflag:s10] =	ssyncadd.s32 $0xFFFFE000  }
.Ltmp1:
0x84: {  	[bflag:$0x0] =	sbarrier.arrive $0xFFFF;
	(pc) =	sbr.rel @p0 .LBB2_1-.Ltmp1, $4  }
0x85: {  	[hbm:s7], [sflag:s12] =	dma.local [spmem:s13], $0x1390  }
0x86: {  	_ =	swait.ge [sflag:s10], $0x1390  }
0x87: {  	[sflag:s10] =	ssyncset.done $0x0  }
0x88: {  	[sflag:s10] =	ssyncadd.s32 $0xFFFFEC70  }
0x89: {  	_ =	sfence.sel $0x180000  }
0x8a: {  	[bflag:$0x0] =	sbarrier.arrive $0xFFFF  }
0x8b: {  	_ =	strace $0x90000050  }
0x8c: {  	s0 =	stileid.u32;
	[bflag:$0x2] =	sbarrier.arrive $0xFFFF  }
0x8d: {  	p0 =	sne.s32 s0, $0x0;
	s0 =	rddreg [dreg:$0x2]  }
0x8e: {  	s0 =	sadd.s32 @!p0 $0x100000, s0  }
0x8f: {  	[sflag:s0] =	ssyncadd.tile.s32 @!p0 $0x1;
	_ =	shalt  }
.Lfunc_end2:
_tile_overlayer_lowered:
.L_overlay_start_2:
0x90: {  	(tag) =	ssettag $0x2  }
0x91: {  	s0 =	rddreg [dreg:$0x0];
	s2 =	stileid.u32  }
0x92: {  	s1 =	rddreg [dreg:$0x1];
	p0 =	sne.s32 s2, $0x0  }
0x93: {  	s3 =	rddreg [dreg:$0x2];
	[bflag:$0x3] =	sbarrier.arrive $0xFFFF;
	s2 =	simm.s32 @!p0 $0x1C05  }
0x94: {  	[timem:s3], [sflag:s2] =	dma.local @!p0 [hbm:s0], s1  }
0x95: {  	s0 =	simm.s32 @!p0 $0x5  }
0x96: {  	_ =	swait.ge @!p0 [sflag:s0], s1  }
0x97: {  	s1 =	ssub.s32 @!p0 $0x0, s1;
	[sflag:s0] =	ssyncset.done @!p0 $0x0  }
0x98: {  	[sflag:s0] =	ssyncadd.s32 @!p0 s1  }
0x99: {  	[bflag:$0x3] =	sbarrier.arrive $0xFFFF  }
0x9a: {  	_ =	shalt  }

// kernel: kernel.24.cloned.1.call-start
scs
__scs_entry_jumppad:
0x0: {  	(pc) =	sbr.rel $0x88, $3  }
0x1: {  	(tag) =	ssettag $0x0;
	lr =	simm.s32 $0x1  }
0x2: {  	[smem:$0x3F91] =	sst lr;
	_ =	strace $0xD0000000  }
0x3: {  	_ = 	snop  }
0x4: {  	_ = 	snop  }
0x5: {  	_ = 	snop  }
0x6: {  	_ = 	snop  }
0x7: {  	_ = 	snop  }
__scs_overlays_trampoline_lowered:
0x8: {  	[smem:$0x3FA0] =	sst s0  }
0x9: {  	[smem:$0x3FA1] =	sst s1  }
0xa: {  	[smem:$0x3FA2] =	sst s2  }
0xb: {  	[smem:$0x3FA3] =	sst s3  }
0xc: {  	[smem:$0x3FA4] =	sst s4  }
0xd: {  	[smem:$0x3FA5] =	sst s5  }
0xe: {  	[smem:$0x3FA6] =	sst s6  }
0xf: {  	[smem:$0x3FA7] =	sst s7  }
0x10: {  	[smem:$0x3FA8] =	sst s8  }
0x11: {  	[smem:$0x3FA9] =	sst s9;
	s0 =	simm.s32 @!p0 $0x0  }
0x12: {  	s1 =	sld [smem:$0x3F8F];
	s0 =	simm.s32 @p0 $0x1  }
0x13: {  	[smem:$0x3FAA] =	sst s0;
	s0 =	simm.s32 @!p1 $0x0  }
0x14: {  	s2 =	sld [smem:$0x3F8E];
	s0 =	simm.s32 @p1 $0x1  }
0x15: {  	[smem:$0x3FAB] =	sst s0;
	s0 =	simm.s32 @!p2 $0x0  }
0x16: {  	s3 =	sld [smem:$0x3FDB];
	s0 =	simm.s32 @p2 $0x1  }
0x17: {  	s4 =	simm.s32 $0x1BF5;
	[smem:$0x3FAD] =	sst s0  }
0x18: {  	s0 =	sld [smem:$0x3F90];
	_ =	swait.ge [sflag:s4], $0x0  }
0x19: {  	s7 =	sld [smem:$0x3F91]  }
0x1a: {  	s8 =	sadd.s32 $0xFFFFE003, lr  }
0x1b: {  	s9 =	sadd.s32 $0xFFFFFEF7, lr;
	s5 =	simm.s32 $0xFFFFFFFF;
	p2 =	slt.u32 s8, $0xFFFFF086  }
0x1c: {  	p1 =	slt.u32 s9, $0xF7A;
	s5 =	simm.s32 @!p2 $0x0  }
0x1d: {  	s5 =	simm.s32 @p1 $0x1;
	p0 =	seq.s32 s7, s2  }
0x1e: {  	s7 =	smul.u32 @!p0 $0xF7A, s2;
	p2 =	seq.s32 @!p0 s5, $0x0  }
0x1f: {  	s9 =	smul.u32 $0xF7A, s1;
	s8 =	simm.s32 @!p0 $0x1BF5;
	p2 =	por !p2, p0  }
0x20: {  	[sflag:s8] =	ssyncset.s32 @!p0 $0xFFFFF086;
	s6 =	sadd.s32 @!p0 s3, s7;
	s7 =	simm.s32 @!p0 $0x108  }
0x21: {  	s3 =	sadd.s32 s3, s9;
	s6 =	sadd.s32 @!p0 $0x88, s6;
	s7 =	simm.s32 @p2 $0x1082  }
0x22: {  	[simem:s7], [sflag:s8] =	dma.local @!p0 [hbm:s6], $0xF7A  }
0x23: {  	s9 =	sor.u32 $0xD0000000, s2;
	s6 =	simm.s32 $0x108;
	_ =	swait.ge @!p0 [sflag:s8], $0x0  }
0x24: {  	s3 =	sadd.s32 $0x88, s3;
	s6 =	simm.s32 @!p1 $0x1082;
	[sflag:s4] =	ssyncset.s32 $0xFFFFF086  }
0x25: {  	[simem:s6], [sflag:s4] =	dma.local [hbm:s3], $0xF7A  }
0x26: {  	[smem:$0x3F91] =	sst s1;
	(tag) =	ssettag s2;
	_ =	strace s9  }
0x27: {  	s1 =	sld [smem:$0x3FA1]  }
0x28: {  	s2 =	sld [smem:$0x3FA2]  }
0x29: {  	s4 =	sld [smem:$0x3FA4]  }
0x2a: {  	p0 =	seq.s32 s5, $0x0;
	s5 =	sld [smem:$0x3FA5]  }
0x2b: {  	s6 =	sld [smem:$0x3FA6]  }
0x2c: {  	s7 =	sld [smem:$0x3FA7]  }
0x2d: {  	s3 =	simm.s32 $0x108;
	s8 =	sld [smem:$0x3FA8]  }
0x2e: {  	s3 =	simm.s32 @!p0 $0x1082;
	s9 =	sld [smem:$0x3FA9]  }
0x2f: {  	lr =	sadd.s32 s0, s3;
	s0 =	sld [smem:$0x3FA0]  }
0x30: {  	s3 =	sld [smem:$0x3FA3]  }
0x31: {  	[smem:$0x3FAC] =	sst s10  }
0x32: {  	s10 =	sld [smem:$0x3FAA];
	_ =	sdelay $0x3  }
0x33: {  	p0 =	seq.s32 s10, $0x1;
	s10 =	sld [smem:$0x3FAC];
	_ =	sdelay $0x3  }
0x34: {  	[smem:$0x3FAC] =	sst s10  }
0x35: {  	s10 =	sld [smem:$0x3FAB];
	_ =	sdelay $0x3  }
0x36: {  	p1 =	seq.s32 s10, $0x1;
	s10 =	sld [smem:$0x3FAC];
	_ =	sdelay $0x3  }
0x37: {  	[smem:$0x3FAC] =	sst s10  }
0x38: {  	s10 =	sld [smem:$0x3FAD]  }
0x39: {  	_ = 	snop;
	(pc) =	sbr.ind lr, $3  }
0x3a: {  	_ = 	snop  }
0x3b: {  	_ = 	snop  }
0x3c: {  	p2 =	seq.s32 s10, $0x1;
	s10 =	sld [smem:$0x3FAC]  }
0x3d: {  	_ =	shalt  }
0x3e: {  	_ =	shalt  }
0x3f: {  	_ =	shalt  }
0x40: {  	_ =	shalt  }
0x41: {  	_ =	shalt  }
0x42: {  	_ =	shalt  }
0x43: {  	_ =	shalt  }
0x44: {  	_ =	shalt  }
0x45: {  	_ =	shalt  }
0x46: {  	_ =	shalt  }
0x47: {  	_ =	shalt  }
0x48: {  	_ =	shalt  }
0x49: {  	_ =	shalt  }
0x4a: {  	_ =	shalt  }
0x4b: {  	_ =	shalt  }
0x4c: {  	_ =	shalt  }
0x4d: {  	_ =	shalt  }
0x4e: {  	_ =	shalt  }
0x4f: {  	_ =	shalt  }
0x50: {  	_ =	shalt  }
0x51: {  	_ =	shalt  }
0x52: {  	_ =	shalt  }
0x53: {  	_ =	shalt  }
0x54: {  	_ =	shalt  }
0x55: {  	_ =	shalt  }
0x56: {  	_ =	shalt  }
0x57: {  	_ =	shalt  }
0x58: {  	_ =	shalt  }
0x59: {  	_ =	shalt  }
0x5a: {  	_ =	shalt  }
0x5b: {  	_ =	shalt  }
0x5c: {  	_ =	shalt  }
0x5d: {  	_ =	shalt  }
0x5e: {  	_ =	shalt  }
0x5f: {  	_ =	shalt  }
0x60: {  	_ =	shalt  }
0x61: {  	_ =	shalt  }
0x62: {  	_ =	shalt  }
0x63: {  	_ =	shalt  }
0x64: {  	_ =	shalt  }
0x65: {  	_ =	shalt  }
0x66: {  	_ =	shalt  }
0x67: {  	_ =	shalt  }
0x68: {  	_ =	shalt  }
0x69: {  	_ =	shalt  }
0x6a: {  	_ =	shalt  }
0x6b: {  	_ =	shalt  }
0x6c: {  	_ =	shalt  }
0x6d: {  	_ =	shalt  }
0x6e: {  	_ =	shalt  }
0x6f: {  	_ =	shalt  }
0x70: {  	_ =	shalt  }
0x71: {  	_ =	shalt  }
0x72: {  	_ =	shalt  }
0x73: {  	_ =	shalt  }
0x74: {  	_ =	shalt  }
0x75: {  	_ =	shalt  }
0x76: {  	_ =	shalt  }
0x77: {  	_ =	shalt  }
0x78: {  	_ =	shalt  }
0x79: {  	_ =	shalt  }
0x7a: {  	_ =	shalt  }
0x7b: {  	_ =	shalt  }
0x7c: {  	_ =	shalt  }
0x7d: {  	_ =	shalt  }
0x7e: {  	_ =	shalt  }
0x7f: {  	_ =	shalt  }
0x80: {  	_ =	shalt  }
0x81: {  	_ =	shalt  }
0x82: {  	_ =	shalt  }
0x83: {  	_ =	shalt  }
0x84: {  	_ =	shalt  }
0x85: {  	_ =	shalt  }
0x86: {  	_ =	shalt  }
0x87: {  	_ =	shalt  }
.Lfunc_end0:
.L_simem_size_0:
called_computation.4_lowered:
.L_overlay_start_0:
0x88: {  	s2 =	sld [smem:$0x3FD9]  }
0x89: {  	s3 =	sld [smem:$0x3FFE];
	_ =	sdelay $0x1  }
0x8a: {  	s1 =	srdreg.scid  }
0x8b: {  	s0 =	sand.u32 $0x1, s1  }
0x8c: {  	s16 =	sshll.u32 s0, $0xA;
	s2 =	sadd.s32 s3, s2  }
0x8d: {  	s2 =	sadd.s32 s2, s16  }
0x8e: {  	[smem:$0x3FB8] =	sst s2  }
0x8f: {  	_ = 	snop  }
0x90: {  	(tm) =	ssettm $0x1  }
0x91: {  	s17 =	sld [smem:$0x3FFB];
	_ =	sdelay $0x3  }
0x92: {  	_ =	strace s17  }
0x93: {  	s2 =	sld [smem:$0x3FFC];
	_ =	sdelay $0x3  }
0x94: {  	_ =	strace s2  }
0x95: {  	s2 =	sld [smem:$0x3FFD];
	_ =	sdelay $0x3  }
0x96: {  	_ =	strace s2  }
0x97: {  	_ =	strace $0x8FFFFFFF  }
0x98: {  	s18 =	sld [smem:$0x3FDB];
	_ =	sdelay $0x1  }
0x99: {  	s19 =	simm.s32 $_scs_section_size  }
0x9a: {  	s4 =	simm.s32 $_size__tile_overlayer_lowered;
	s5 =	simm.s32 $_tile_overlayer_lowered  }
0x9b: {  	s22 =	simm.s32 $0x1BFF;
	s21 =	sshll.u32 s5, $0x1;
	s2 =	sadd.s32 s19, s18  }
0x9c: {  	s6 =	simm.s32 $0x0;
	s20 =	sshll.u32 s4, $0x1;
	s4 =	sadd.s32 s21, s2  }
0x9d: {  	[timem:s6], [sflag:s22] =	dma.local [hbm:s4], s20  }
0x9e: {  	_ =	swait.ge [sflag:s22], s20  }
0x9f: {  	s3 =	ssub.s32 $0x0, s20;
	[sflag:s22] =	ssyncset.done $0x0  }
0xa0: {  	[sflag:s22] =	ssyncadd.s32 s3;
	_ =	sdelay $0x1  }
0xa1: {  	s23 =	simm.s32 $0x1B8B  }
0xa2: {  	_ =	swait.ge [sflag:s23], $0x1  }
0xa3: {  	[sflag:s23] =	ssyncset.done $0x0  }
0xa4: {  	s25 =	simm.s32 $0x1B8E;
	s24 =	sld [smem:$0x3FFE];
	[sflag:s23] =	ssyncadd.s32 $0xFFFFFFFF  }
0xa5: {  	s26 =	simm.s32 $execute0_lowered;
	[smem:$0x3FD2] =	sst s25  }
0xa6: {  	s4 =	sshll.u32 s26, $0x1;
	_ =	strace $0x80000052;
	[dreg:$0x1] =	wrdreg $0xFFFFFFFF  }
0xa7: {  	s28 =	simm.s32 $_size_execute0_lowered;
	s2 =	sadd.s32 s2, s4;
	[dreg:$0x0] =	wrdreg $0x0  }
0xa8: {  	s4 =	sshll.u32 s28, $0x1;
	[dreg:$0x2] =	wrdreg s2  }
0xa9: {  	[dreg:$0x3] =	wrdreg s4  }
0xaa: {  	[dreg:$0x4] =	wrdreg $0xC0  }
0xab: {  	_ =	task [dreg:s6], $0x5FFFF  }
0xac: {  	[dreg:$0x1] =	wrdreg $0xFFFFFFFF  }
0xad: {  	[dreg:$0x0] =	wrdreg $0x60  }
0xae: {  	[dreg:$0x2] =	wrdreg s24  }
0xaf: {  	[dreg:$0x3] =	wrdreg $0x9  }
0xb0: {  	_ =	task.clear_ibuf [dreg:s6], $0x4FFFF;
	_ =	strace $0x90000052  }
0xb1: {  	s29 =	simm.s32 $0x9;
	_ =	strace $0x80000054  }
0xb2: {  	_ =	swait.ge [sflag:s29], $0x1  }
0xb3: {  	[sflag:s29] =	ssyncadd.s32 $0xFFFFFFFF  }
0xb4: {  	_ =	strace $0x90000054  }
0xb5: {  	_ =	sfence  }
0xb6: {  	s30 =	sld [smem:$0x0];
	_ =	sdelay $0x2  }
0xb7: {  	s31 =	sshll.u32 s1, $0xD;
	s1 =	sshrl.u32 s1, $0x2  }
0xb8: {  	s3 =	sand.u32 $0x4000, s31;
	s1 =	sadd.s32 s1, s30  }
0xb9: {  	s0 =	sor.u32 s3, s0;
	s1 =	sshll.u32 s1, $0x11  }
0xba: {  	s0 =	sor.u32 s1, s0  }
0xbb: {  	s0 =	sadd.s32 $0x8F2B, s0  }
0xbc: {  	[sflag:s0] =	ssyncadd.remote.s32 $0x1  }
0xbd: {  	_ =	sfence.sel $0xFFFF  }
0xbe: {  	[dreg:$0x0] =	wrdreg $0xFFFFFFFF;
	(pc) =	sbr.abs _section_cstart, $3  }
0xbf: {  	[dreg:$0x1] =	wrdreg $0xFFFFFFFF  }
0xc0: {  	_ =	task.clear_ibuf [dreg:s6], $0x2FFFF;
	_ =	strace $0x9FFFFFFF  }
0xc1: {  	(tm) =	ssettm $0x7FFFFFFF  }
tec
execute0_lowered:
.L_overlay_start_1:
0x0: {  	(tag) =	ssettag $0x1  }
0x1: {  	s0 =	srdreg.scid;
	s12 =	stileid.u32  }
0x2: {  	s5 =	rddreg [dreg:$0x0];
	s2 =	simm.s32 $0x0;
	s18 =	simm.s32 $0x5  }
0x3: {  	s28 =	simm.s32 $0x9900;
	s30 =	simm.s32 $0xB900;
	s29 =	simm.s32 $0x2  }
0x4: {  	s31 =	simm.s32 $0x3;
	s0 =	sand.u32 $0x1, s0;
	s7 =	smul.u32 $0x64000, s12  }
0x5: {  	s1 =	sshll.u32 s12, $0x1;
	[smem:$0x7FF] =	sst s2;
	s12 =	smul.u32 $0x1900, s12  }
0x6: {  	s4 =	sadd.s32 $0x17C00, s5;
	s8 =	sadd.s32 $0x139200, s5;
	s10 =	smul.u32 $0x32000, s0  }
0x7: {  	s1 =	sor.u32 s0, s1;
	s9 =	ssub.s32 $0x2, s0;
	s0 =	smul.u32 $0xC80, s0  }
0x8: {  	_ =	strace $0x80000053;
	s3 =	smul.u32 $0x190, s1;
	s11 =	sshrl.u32 s9, $0x1  }
0x9: {  	s1 =	smul.u32 $0x32000, s1;
	s9 =	ssub.s32 s9, s11;
	s22 =	sadd.s32 s10, s7  }
0xa: {  	s0 =	sadd.s32 s0, s12;
	s6 =	sadd.s32 s3, s5;
	s3 =	sadd.s32 $0x4200, s5  }
0xb: {  	s5 =	sadd.s32 $0x71200, s5;
	s1 =	sshrl.u32 s1, $0x3;
	s23 =	sshrl.u32 s22, $0x3  }
0xc: {  	s0 =	sshll.u32 s0, $0x3;
	s24 =	smax.u32 s9, $0x1;
	s22 =	simm.s32 $0x3900  }
0xd: {  	s20 =	sadd.s32 $0x6AE00, s6;
	s6 =	sadd.s32 $0x6E000, s6;
	s1 =	sadd.s32 $0x6000, s1  }
0xe: {  	[dreg:$0x6] =	wrdreg s24;
	s10 =	sadd.s32 s23, s5;
	s25 =	sadd.s32 $0xC00, s0  }
0xf: {  	s11 =	sadd.s32 s23, s8;
	s26 =	sadd.s32 $0x800, s0;
	[dreg:$0x2] =	wrdreg s20  }
0x10: {  	s0 =	sadd.s32 $0x400, s0;
	s24 =	simm.s32 $0xF900;
	[dreg:$0x3] =	wrdreg s6  }
0x11: {  	s21 =	sadd.s32 s8, s1;
	s1 =	sadd.s32 s5, s1;
	s12 =	sadd.s32 s25, s8  }
.Ltmp0:
0x12: {  	s13 =	sadd.s32 s25, s5;
	s14 =	sadd.s32 s26, s8;
	(pc) =	sbr.rel .LBB2_1-.Ltmp0, $4  }
0x13: {  	s15 =	sadd.s32 s26, s5;
	s16 =	sadd.s32 s0, s8;
	s17 =	sadd.s32 s0, s5  }
0x14: {  	s20 =	simm.s32 $0x80;
	s25 =	simm.s32 $0x7900;
	s26 =	simm.s32 $0x1  }
0x15: {  	s0 =	simm.s32 $0x4;
	s6 =	simm.s32 $0x0;
	[dreg:$0x4] =	wrdreg s21  }
0x16: {  	[dreg:$0x5] =	wrdreg s1;
	s21 =	simm.s32 $0x1900;
	s1 =	simm.s32 $0xD900  }
.LBB2_4:
0x17: {  	_ =	swait.ge [sflag:s26], $0x2000  }
0x18: {  	[sflag:s26] =	ssyncset.done $0x0  }
0x19: {  	[sflag:s26] =	ssyncadd.s32 $0xFFFFE000  }
0x1a: {  	_ =	swait.ge [sflag:s26], $0x2000  }
0x1b: {  	[sflag:s26] =	ssyncset.done $0x0  }
0x1c: {  	s5 =	rddreg [dreg:$0x4];
	[sflag:s26] =	ssyncadd.s32 $0xFFFFE000  }
0x1d: {  	[hbm4b:s5+s2] =	stream.linear.scatter [tilespmem:s21], [sflag:$0x5], $0x2000, $0x38;
	[tilespmem:$0x11900] =	vst v63  }
0x1e: {  	_ =	swait.ge [sflag:s18], $0x2000  }
0x1f: {  	[sflag:s18] =	ssyncset.done $0x0  }
0x20: {  	s19 =	rddreg [dreg:$0x5];
	[sflag:s18] =	ssyncadd.s32 $0xFFFFE000  }
0x21: {  	[hbm4b:s19+s2] =	stream.linear.scatter [tilespmem:s22], [sflag:$0x5], $0x2000, $0x38;
	[tilespmem:$0x11900] =	vst v63  }
0x22: {  	_ =	swait.ge [sflag:s18], $0x2000  }
0x23: {  	s6 =	rddreg [dreg:$0x7]  }
0x24: {  	s23 =	rddreg [dreg:$0x6];
	s6 =	sadd.s32 $0x1, s6  }
0x25: {  	p0 =	sne.s32 s6, s23  }
.Ltmp1:
0x26: {  	_ = 	snop;
	(pc) =	sbr.rel @!p0 .LBB2_5-.Ltmp1, $3  }
0x27: {  	_ =	sdelay $0x1  }
0x28: {  	[sflag:s18] =	ssyncset.done $0x0  }
0x29: {  	[sflag:s18] =	ssyncadd.s32 $0xFFFFE000  }
.LBB2_1:
0x2a: {  	[dreg:$0x7] =	wrdreg s6  }
0x2b: {  	s5 =	rddreg [dreg:$0x2]  }
0x2c: {  	[tilespmem:s2], [sflag:$0x5] =	stream.linear.gather [hbm4b:s5+s2], $0xC80, $0x38;
	[tilespmem:$0x11900] =	vst v63  }
0x2d: {  	_ =	swait.ge [sflag:s18], $0xC80  }
0x2e: {  	[sflag:s18] =	ssyncset.done $0x0  }
0x2f: {  	s23 =	simm.s32 $0xC80;
	s19 =	rddreg [dreg:$0x3];
	[sflag:s18] =	ssyncadd.s32 $0xFFFFF380  }
0x30: {  	[tilespmem:s23], [sflag:$0x5] =	stream.linear.gather [hbm4b:s19+s2], $0xC80, $0x38;
	[tilespmem:$0x11900] =	vst v63  }
0x31: {  	_ =	swait.ge [sflag:s18], $0xC80  }
0x32: {  	[sflag:s18] =	ssyncset.done $0x0  }
0x33: {  	[sflag:s18] =	ssyncadd.s32 $0xFFFFF380  }
0x34: {  	[tilespmem:s21], [sflag:$0x1] =	stream.indirect.gather [hbm4b:s3+s20], $0x40, s2, s20, $0xb8;
	[tilespmem:$0x11900] =	vst v63  }
0x35: {  	_ = 	snop  }
0x36: {  	[tilespmem:s22], [sflag:$0x1] =	stream.indirect.gather [hbm4b:s4+s20], $0x40, s23, s20, $0xb8;
	[tilespmem:$0x11900] =	vst v63  }
0x37: {  	s6 =	simm.s32 $0x5900  }
0x38: {  	[tilespmem:s6], [sflag:$0x2] =	stream.indirect.gather [hbm4b:s3+s20], $0x40, s20, s20, $0xb8;
	[tilespmem:$0x11900] =	vst v63  }
0x39: {  	s7 =	simm.s32 $0xD00  }
0x3a: {  	[tilespmem:s25], [sflag:$0x2] =	stream.indirect.gather [hbm4b:s4+s20], $0x40, s7, s20, $0xb8;
	[tilespmem:$0x11900] =	vst v63  }
0x3b: {  	s8 =	simm.s32 $0x100  }
0x3c: {  	[tilespmem:s28], [sflag:$0x3] =	stream.indirect.gather [hbm4b:s3+s20], $0x40, s8, s20, $0xb8;
	[tilespmem:$0x11900] =	vst v63  }
0x3d: {  	s9 =	simm.s32 $0xD80  }
0x3e: {  	[tilespmem:s30], [sflag:$0x3] =	stream.indirect.gather [hbm4b:s4+s20], $0x40, s9, s20, $0xb8;
	[tilespmem:$0x11900] =	vst v63  }
0x3f: {  	s19 =	simm.s32 $0x180  }
0x40: {  	[tilespmem:s1], [sflag:$0x4] =	stream.indirect.gather [hbm4b:s3+s20], $0x40, s19, s20, $0xb8;
	[tilespmem:$0x11900] =	vst v63  }
0x41: {  	s23 =	simm.s32 $0xE00;
	s6 =	simm.s32 $0x0;
	s7 =	simm.s32 $0x0  }
0x42: {  	[tilespmem:s24], [sflag:$0x4] =	stream.indirect.gather [hbm4b:s4+s20], $0x40, s23, s20, $0xb8;
	[tilespmem:$0x11900] =	vst v63  }
.LBB2_2:
0x43: {  	_ =	swait.ge [sflag:s26], $0x2000  }
0x44: {  	[sflag:s26] =	ssyncset.done $0x0  }
0x45: {  	[sflag:s26] =	ssyncadd.s32 $0xFFFFE000  }
0x46: {  	_ =	swait.ge [sflag:s26], $0x2000  }
0x47: {  	[sflag:s26] =	ssyncset.done $0x0  }
0x48: {  	s8 =	sadd.s32 s7, s11;
	[sflag:s26] =	ssyncadd.s32 $0xFFFFE000  }
0x49: {  	[hbm4b:s8+s2] =	stream.linear.scatter [tilespmem:s21], [sflag:$0x5], $0x2000, $0x38;
	[tilespmem:$0x11900] =	vst v63  }
0x4a: {  	_ =	swait.ge [sflag:s18], $0x2000  }
0x4b: {  	[sflag:s18] =	ssyncset.done $0x0  }
0x4c: {  	s9 =	sadd.s32 s7, s10;
	[sflag:s18] =	ssyncadd.s32 $0xFFFFE000  }
0x4d: {  	[hbm4b:s9+s2] =	stream.linear.scatter [tilespmem:s22], [sflag:$0x5], $0x2000, $0x38;
	[tilespmem:$0x11900] =	vst v63  }
0x4e: {  	_ =	swait.ge [sflag:s18], $0x2000  }
0x4f: {  	s8 =	sshra.s32 s6, $0x2;
	[sflag:s18] =	ssyncset.done $0x0  }
0x50: {  	s9 =	sadd.s32 $0x200, s8;
	[sflag:s18] =	ssyncadd.s32 $0xFFFFE000  }
0x51: {  	[tilespmem:s21], [sflag:$0x1] =	stream.indirect.gather [hbm4b:s3+s20], $0x40, s9, s20, $0xb8;
	[tilespmem:$0x11900] =	vst v63  }
0x52: {  	s19 =	sadd.s32 $0xE80, s8  }
0x53: {  	[tilespmem:s22], [sflag:$0x1] =	stream.indirect.gather [hbm4b:s4+s20], $0x40, s19, s20, $0xb8;
	[tilespmem:$0x11900] =	vst v63  }
0x54: {  	_ =	swait.ge [sflag:s29], $0x2000  }
0x55: {  	[sflag:s29] =	ssyncset.done $0x0  }
0x56: {  	[sflag:s29] =	ssyncadd.s32 $0xFFFFE000  }
0x57: {  	_ =	swait.ge [sflag:s29], $0x2000  }
0x58: {  	[sflag:s29] =	ssyncset.done $0x0  }
0x59: {  	s23 =	sadd.s32 s7, s16;
	s5 =	simm.s32 $0x5900;
	[sflag:s29] =	ssyncadd.s32 $0xFFFFE000  }
0x5a: {  	[hbm4b:s23+s2] =	stream.linear.scatter [tilespmem:s5], [sflag:$0x5], $0x2000, $0x38;
	[tilespmem:$0x11900] =	vst v63  }
0x5b: {  	_ =	swait.ge [sflag:s18], $0x2000  }
0x5c: {  	[sflag:s18] =	ssyncset.done $0x0  }
0x5d: {  	s19 =	sadd.s32 s7, s17;
	[sflag:s18] =	ssyncadd.s32 $0xFFFFE000  }
0x5e: {  	[hbm4b:s19+s2] =	stream.linear.scatter [tilespmem:s25], [sflag:$0x5], $0x2000, $0x38;
	[tilespmem:$0x11900] =	vst v63  }
0x5f: {  	p0 =	seq.s32 s7, $0x5000;
	_ =	swait.ge [sflag:s18], $0x2000  }
0x60: {  	s9 =	sshra.s32 @!p0 s6, $0x2;
	s5 =	simm.s32 @!p0 $0x80;
	[sflag:s18] =	ssyncset.done $0x0  }
0x61: {  	s23 =	simm.s32 @!p0 $0x5900;
	s19 =	sadd.s32 @!p0 $0x280, s9;
	[sflag:s18] =	ssyncadd.s32 $0xFFFFE000  }
0x62: {  	[tilespmem:s23], [sflag:$0x2] =	stream.indirect.gather @!p0 [hbm4b:s3+s5], $0x40, s19, s5, $0xb8;
	[tilespmem:$0x11900] =	vst v63  }
0x63: {  	s19 =	sadd.s32 @!p0 $0xF00, s9;
	s23 =	simm.s32 @!p0 $0x7900  }
0x64: {  	[tilespmem:s23], [sflag:$0x2] =	stream.indirect.gather @!p0 [hbm4b:s4+s5], $0x40, s19, s5, $0xb8;
	[tilespmem:$0x11900] =	vst v63  }
0x65: {  	_ =	swait.ge [sflag:s31], $0x2000  }
0x66: {  	[sflag:s31] =	ssyncset.done $0x0  }
0x67: {  	[sflag:s31] =	ssyncadd.s32 $0xFFFFE000  }
0x68: {  	_ =	swait.ge [sflag:s31], $0x2000  }
0x69: {  	[sflag:s31] =	ssyncset.done $0x0  }
0x6a: {  	s23 =	sadd.s32 s7, s14;
	[sflag:s31] =	ssyncadd.s32 $0xFFFFE000  }
0x6b: {  	[hbm4b:s23+s2] =	stream.linear.scatter [tilespmem:s28], [sflag:$0x5], $0x2000, $0x38;
	[tilespmem:$0x11900] =	vst v63  }
0x6c: {  	_ =	swait.ge [sflag:s18], $0x2000  }
0x6d: {  	[sflag:s18] =	ssyncset.done $0x0  }
0x6e: {  	s23 =	sadd.s32 s7, s15;
	[sflag:s18] =	ssyncadd.s32 $0xFFFFE000  }
0x6f: {  	[hbm4b:s23+s2] =	stream.linear.scatter [tilespmem:s30], [sflag:$0x5], $0x2000, $0x38;
	[tilespmem:$0x11900] =	vst v63  }
0x70: {  	_ =	swait.ge [sflag:s18], $0x2000  }
0x71: {  	[sflag:s18] =	ssyncset.done $0x0  }
0x72: {  	s19 =	sadd.s32 @!p0 $0x300, s9;
	s23 =	simm.s32 @!p0 $0x9900;
	[sflag:s18] =	ssyncadd.s32 $0xFFFFE000  }
0x73: {  	[tilespmem:s23], [sflag:$0x3] =	stream.indirect.gather @!p0 [hbm4b:s3+s5], $0x40, s19, s5, $0xb8;
	[tilespmem:$0x11900] =	vst v63  }
0x74: {  	s9 =	sadd.s32 @!p0 $0xF80, s9;
	s19 =	simm.s32 @!p0 $0xB900  }
0x75: {  	[tilespmem:s19], [sflag:$0x3] =	stream.indirect.gather @!p0 [hbm4b:s4+s5], $0x40, s9, s5, $0xb8;
	[tilespmem:$0x11900] =	vst v63  }
0x76: {  	_ =	swait.ge [sflag:s0], $0x2000  }
0x77: {  	[sflag:s0] =	ssyncset.done $0x0  }
0x78: {  	[sflag:s0] =	ssyncadd.s32 $0xFFFFE000  }
0x79: {  	_ =	swait.ge [sflag:s0], $0x2000  }
0x7a: {  	[sflag:s0] =	ssyncset.done $0x0  }
0x7b: {  	s19 =	sadd.s32 s7, s12;
	[sflag:s0] =	ssyncadd.s32 $0xFFFFE000  }
0x7c: {  	[hbm4b:s19+s2] =	stream.linear.scatter [tilespmem:s1], [sflag:$0x5], $0x2000, $0x38;
	[tilespmem:$0x11900] =	vst v63  }
0x7d: {  	_ =	swait.ge [sflag:s18], $0x2000  }
0x7e: {  	[sflag:s18] =	ssyncset.done $0x0  }
.Ltmp2:
0x7f: {  	s23 =	sadd.s32 s7, s13;
	[sflag:s18] =	ssyncadd.s32 $0xFFFFE000;
	(pc) =	sbr.rel @p0 .LBB2_4-.Ltmp2, $4  }
0x80: {  	[hbm4b:s23+s2] =	stream.linear.scatter [tilespmem:s24], [sflag:$0x5], $0x2000, $0x38;
	[tilespmem:$0x11900] =	vst v63  }
0x81: {  	_ =	swait.ge [sflag:s18], $0x2000  }
0x82: {  	[sflag:s18] =	ssyncset.done $0x0  }
0x83: {  	[sflag:s18] =	ssyncadd.s32 $0xFFFFE000  }
.Ltmp3:
0x84: {  	(pc) =	sbr.rel .LBB2_2-.Ltmp3, $4  }
0x85: {  	s5 =	sadd.s32 $0x380, s8  }
0x86: {  	[tilespmem:s1], [sflag:$0x4] =	stream.indirect.gather [hbm4b:s3+s20], $0x40, s5, s20, $0xb8;
	[tilespmem:$0x11900] =	vst v63  }
0x87: {  	s23 =	sadd.s32 $0x1000, s8;
	s7 =	sadd.s32 $0x1000, s7;
	s6 =	sadd.s32 $0x800, s6  }
0x88: {  	[tilespmem:s24], [sflag:$0x4] =	stream.indirect.gather [hbm4b:s4+s20], $0x40, s23, s20, $0xb8;
	[tilespmem:$0x11900] =	vst v63  }
.LBB2_5:
0x89: {  	_ =	sfence.sel $0x180000  }
0x8a: {  	[bflag:$0x0] =	sbarrier.arrive $0xFFFF  }
0x8b: {  	_ =	strace $0x90000053  }
0x8c: {  	s0 =	stileid.u32;
	[bflag:$0x2] =	sbarrier.arrive $0xFFFF  }
0x8d: {  	p0 =	sne.s32 s0, $0x0;
	s0 =	rddreg [dreg:$0x1]  }
0x8e: {  	s0 =	sadd.s32 @!p0 $0x100000, s0  }
0x8f: {  	[sflag:s0] =	ssyncadd.tile.s32 @!p0 $0x1;
	_ =	shalt  }
.Lfunc_end2:
_tile_overlayer_lowered:
.L_overlay_start_2:
0x90: {  	(tag) =	ssettag $0x2  }
0x91: {  	s0 =	rddreg [dreg:$0x0];
	s2 =	stileid.u32  }
0x92: {  	s1 =	rddreg [dreg:$0x1];
	p0 =	sne.s32 s2, $0x0  }
0x93: {  	s3 =	rddreg [dreg:$0x2];
	[bflag:$0x3] =	sbarrier.arrive $0xFFFF;
	s2 =	simm.s32 @!p0 $0x1C05  }
0x94: {  	[timem:s3], [sflag:s2] =	dma.local @!p0 [hbm:s0], s1  }
0x95: {  	s0 =	simm.s32 @!p0 $0x5  }
0x96: {  	_ =	swait.ge @!p0 [sflag:s0], s1  }
0x97: {  	s1 =	ssub.s32 @!p0 $0x0, s1;
	[sflag:s0] =	ssyncset.done @!p0 $0x0  }
0x98: {  	[sflag:s0] =	ssyncadd.s32 @!p0 s1  }
0x99: {  	[bflag:$0x3] =	sbarrier.arrive $0xFFFF  }
0x9a: {  	_ =	shalt  }

</sc_bundles>
